<compile_context>
chip_gen: v7x
topology: tpu7x:2x2x1
jax: 0.10.2.dev20260603
libtpu: 0.0.44.dev20260713+nightly
codegen_flags: <defaults>
</compile_context>

<pallas_src>
import functools

import jax
import jax.numpy as jnp
from jax import lax
from jax.experimental import pallas as pl
from jax.experimental.pallas import tpu as pltpu
from jax.experimental.pallas import tpu_sc as plsc

G = 128
V = G * G * G
B, N, P = 4, 4096, 64
T = B * N * P
C = 1024
NCHUNK = T // C
NCORES = 2
NSUB = 16
NW = NCORES * NSUB
CPW = NCHUNK // NW
LANES = 16



def _softplus_body(x_ref, o_ref):
    o_ref[...] = jnp.logaddexp(x_ref[...], 0.0)


def _sigmoid_body(x_ref, o_ref):
    o_ref[...] = jax.nn.sigmoid(x_ref[...])


def _activate(x2d, body):
    rows, cols = x2d.shape
    blk = 512
    return pl.pallas_call(
        body,
        grid=(rows // blk,),
        in_specs=[pl.BlockSpec((blk, cols), lambda g: (g, 0))],
        out_specs=pl.BlockSpec((blk, cols), lambda g: (g, 0)),
        out_shape=jax.ShapeDtypeStruct((rows, cols), jnp.float32),
    )(x2d)



_ROWS_PER_STEP = 64


def _points_body(ox, oy, oz, dx, dy, dz, ln, idx_ref, w_ref):
    t = ln[...]
    x = ox[...] + dx[...] * t
    y = oy[...] + dy[...] * t
    z = oz[...] + dz[...] * t
    gf = jnp.float32(G)
    ix = ((x + 1.0) * gf - 1.0) * 0.5
    iy = ((y + 1.0) * gf - 1.0) * 0.5
    iz = ((z + 1.0) * gf - 1.0) * 0.5
    ix0 = jnp.floor(ix)
    iy0 = jnp.floor(iy)
    iz0 = jnp.floor(iz)
    fx = ix - ix0
    fy = iy - iy0
    fz = iz - iz0
    shape3 = (_ROWS_PER_STEP // 8, 8, G)
    x0 = jnp.clip(ix0, -1, G - 1).astype(jnp.int32)
    y0 = jnp.clip(iy0, -1, G - 1).astype(jnp.int32)
    for zh in (0, 1):
        zc = jnp.clip(iz0 + zh, 0, G - 1).astype(jnp.int32)
        j = (zc * G + y0) * G + x0 + BIAS
        idx_ref[:, zh] = j.reshape(shape3)
    for a in (0, 1):
        for b in (0, 1):
            for c in (0, 1):
                k = a * 4 + b * 2 + c
                zi = iz0 + a
                yi = iy0 + b
                xi = ix0 + c
                wz = fz if a else 1.0 - fz
                wy = fy if b else 1.0 - fy
                wx = fx if c else 1.0 - fx
                valid = ((xi >= 0) & (xi < gf) & (yi >= 0) & (yi < gf)
                         & (zi >= 0) & (zi < gf))
                w_ref[:, k] = jnp.where(valid, wx * wy * wz, 0.0).reshape(shape3)


def _point_math(ox, oy, oz, dx, dy, dz, ln):
    nrows = T // G
    nsteps = nrows // _ROWS_PER_STEP
    cps = _ROWS_PER_STEP // 8
    in_spec = pl.BlockSpec((_ROWS_PER_STEP, G), lambda g: (g, 0))
    return pl.pallas_call(
        _points_body,
        grid=(nsteps,),
        in_specs=[in_spec] * 7,
        out_specs=[
            pl.BlockSpec((cps, 2, 8, G), lambda g: (g, 0, 0, 0)),
            pl.BlockSpec((cps, 8, 8, G), lambda g: (g, 0, 0, 0)),
        ],
        out_shape=[
            jax.ShapeDtypeStruct((NCHUNK, 2, 8, G), jnp.int32),
            jax.ShapeDtypeStruct((NCHUNK, 8, 8, G), jnp.float32),
        ],
    )(ox, oy, oz, dx, dy, dz, ln)



RB = 2048
MP = NW * 33 * RB
RPW = MP // NW
CH = 2184
BIAS = 136


def _sc_table_body(p0_hbm, p1_hbm, p2_hbm, p3_hbm, tbl_hbm, stage_v, tbl_v,
                   sem):
    wid = lax.axis_index("s") * NCORES + lax.axis_index("c")
    lanes = lax.iota(jnp.int32, LANES)
    ch_l = lanes & 3
    off_l = (lanes >> 3) * G + ((lanes >> 2) & 1)
    cvec = ch_l * CH + off_l
    srcs = (p0_hbm, p1_hbm, p2_hbm, p3_hbm)
    r0w = wid * RPW

    @pl.loop(0, RPW + RB, step=2 * RB)
    def _blk2(rr0):
        for b in (0, 1):
            rr = rr0 + b * RB

            @pl.when(rr < RPW)
            def _():
                r0 = r0w + rr
                lo = r0 - BIAS

                @pl.when(rr0 > 0)
                def _():
                    pltpu.make_async_copy(
                        tbl_v.at[b], tbl_hbm.at[pl.ds(0, RB * LANES)],
                        sem).wait()

                @pl.when(r0 == 0)
                def _():
                    @plsc.parallel_loop(0, BIAS, step=LANES)
                    def _z(i):
                        for c4 in range(4):
                            stage_v[pl.ds(c4 * CH + i, LANES)] = (
                                jnp.zeros((LANES,), jnp.float32))
                    for c4 in range(4):
                        pltpu.sync_copy(
                            srcs[c4].at[pl.ds(0, CH - BIAS)],
                            stage_v.at[pl.ds(c4 * CH + BIAS, CH - BIAS)])

                @pl.when((r0 > 0) & (r0 + RB <= V))
                def _():
                    for c4 in range(4):
                        pltpu.sync_copy(srcs[c4].at[pl.ds(lo, CH)],
                                        stage_v.at[pl.ds(c4 * CH, CH)])

                @pl.when(r0 == V)
                def _():
                    @plsc.parallel_loop(0, CH, step=LANES)
                    def _z(i):
                        for c4 in range(4):
                            stage_v[pl.ds(c4 * CH + i, LANES)] = (
                                jnp.zeros((LANES,), jnp.float32))
                    for c4 in range(4):
                        pltpu.sync_copy(srcs[c4].at[pl.ds(V - BIAS, BIAS)],
                                        stage_v.at[pl.ds(c4 * CH, BIAS)])

                @plsc.parallel_loop(0, RB, step=1, unroll=8)
                def _row(j2):
                    row = plsc.load_gather(stage_v, [cvec + j2])
                    tbl_v[b, pl.ds(j2 * LANES, LANES)] = row

                pltpu.async_copy(tbl_v.at[b],
                                 tbl_hbm.at[pl.ds(r0 * LANES, RB * LANES)],
                                 sem)

    for _ in range(2):
        pltpu.make_async_copy(
            tbl_v.at[0], tbl_hbm.at[pl.ds(0, RB * LANES)], sem).wait()


@functools.lru_cache(maxsize=None)
def _sc_table():
    return pl.kernel(
        _sc_table_body,
        out_type=jax.ShapeDtypeStruct((MP * LANES,), jnp.float32),
        mesh=plsc.VectorSubcoreMesh(
            core_axis_name="c", subcore_axis_name="s",
            num_cores=NCORES, num_subcores=NSUB),
        compiler_params=pltpu.CompilerParams(
            needs_layout_passes=False, use_tc_tiling_on_sc=False),
        scratch_types=[
            pltpu.VMEM((4 * CH + LANES,), jnp.float32),
            pltpu.VMEM((2, RB * LANES), jnp.float32),
            pltpu.SemaphoreType.DMA,
        ],
    )



def _lane_perm(x, idx):
    return lax.gather(
        x, idx[:, None],
        lax.GatherDimensionNumbers(
            offset_dims=(), collapsed_slice_dims=(0,), start_index_map=(0,)),
        slice_sizes=(1,),
        mode=lax.GatherScatterMode.PROMISE_IN_BOUNDS)


def _sc_body(table_hbm, idx_hbm, w_hbm,
             out_d, out_r, out_g, out_b, idx_v, ws_v, w_v, g_v, o4_v, sem):
    wid = lax.axis_index("s") * NCORES + lax.axis_index("c")
    lanes = lax.iota(jnp.int32, LANES)
    perm4 = (lanes + 4) & 15
    perm8 = (lanes + 8) & 15
    permw = lanes >> 2
    pats = [((lanes & 3) << 2) + ch for ch in range(4)]
    l9 = lanes * 9
    m4 = lanes < 4
    m8 = lanes < 8
    m12 = lanes < 12
    outs = (out_d, out_r, out_g, out_b)

    def _fetch(jc, b):
        g = wid * CPW + jc
        pltpu.sync_copy(idx_hbm.at[pl.ds(g * 2 * C, 2 * C)], idx_v.at[b])
        pltpu.async_copy(table_hbm.at[idx_v.at[b]], g_v.at[b], sem)

    _fetch(0, 0)

    @pl.loop(0, CPW, step=2)
    def _chunk2(jc0):
        for b in (0, 1):
            jc = jc0 + b
            g = wid * CPW + jc
            g_b = g_v.at[b]
            pltpu.make_async_copy(table_hbm.at[idx_v.at[b]], g_b, sem).wait()

            @pl.when(jc + 1 < CPW)
            def _():
                _fetch(jc + 1, 1 - b)

            pltpu.sync_copy(w_hbm.at[pl.ds(g * 8 * C, 8 * C)], ws_v)
            _compute_chunk(g, g_b, ws_v, w_v, o4_v, outs,
                           perm4, perm8, permw, pats, l9, m4, m8, m12)


def _compute_chunk(g, g_b, ws_v, w_v, o4_v, outs,
                   perm4, perm8, permw, pats, l9, m4, m8, m12):
    if True:
        @plsc.parallel_loop(0, C, step=LANES)
        def _tr(p0):
            for k in range(8):
                v = ws_v[pl.ds(k * C + p0, LANES)]
                plsc.store_scatter(w_v, [l9 + (9 * p0 + k)], v)

        @plsc.parallel_loop(0, C, step=16, unroll=2)
        def _pts(p):
            combs = []
            for q4 in range(4):
                t2 = []
                for q in range(4):
                    pq = p + q4 * 4 + q
                    a = g_b[pq, :]
                    b = g_b[C + pq, :]
                    wv = w_v[pl.ds(9 * pq, LANES)]
                    wa = _lane_perm(wv, permw)
                    wb = _lane_perm(wv, permw + 4)
                    s = a * wa + b * wb
                    t1 = s + _lane_perm(s, perm8)
                    t2.append(t1 + _lane_perm(t1, perm4))
                combs.append(jnp.where(m4, t2[0],
                                       jnp.where(m8, t2[1],
                                                 jnp.where(m12, t2[2], t2[3]))))
            for ch in range(4):
                e = [_lane_perm(cb, pats[ch]) for cb in combs]
                v16 = jnp.where(m4, e[0],
                                jnp.where(m8, e[1],
                                          jnp.where(m12, e[2], e[3])))
                o4_v[ch, pl.ds(p, LANES)] = v16

        for ch in range(4):
            pltpu.sync_copy(o4_v.at[ch], outs[ch].at[pl.ds(g * C, C)])


@functools.lru_cache(maxsize=None)
def _sc_gather():
    return pl.kernel(
        _sc_body,
        out_type=[jax.ShapeDtypeStruct((T,), jnp.float32)] * 4,
        mesh=plsc.VectorSubcoreMesh(
            core_axis_name="c", subcore_axis_name="s",
            num_cores=NCORES, num_subcores=NSUB),
        compiler_params=pltpu.CompilerParams(
            needs_layout_passes=False, use_tc_tiling_on_sc=False),
        scratch_types=[
            pltpu.VMEM((2, 2 * C), jnp.int32),
            pltpu.VMEM((8 * C,), jnp.float32),
            pltpu.VMEM((9 * C + LANES,), jnp.float32),
            pltpu.VMEM((2, 2 * C, LANES), jnp.float32),
            pltpu.VMEM((4, C), jnp.float32),
            pltpu.SemaphoreType.DMA,
        ],
    )



def kernel(density, color, origins, directions, lengths):
    d_act = _activate(density.reshape(V // G, G), _softplus_body)
    c_act = _activate(color.reshape(3 * V // G, G),
                      _sigmoid_body).reshape(3, V // G, G)

    chans = (d_act.reshape(V), c_act[0].reshape(V),
             c_act[1].reshape(V), c_act[2].reshape(V))
    table = _sc_table()(*chans).reshape(MP, LANES)

    ob = jnp.broadcast_to(origins[:, :, None, :], (B, N, P, 3))
    db = jnp.broadcast_to(directions[:, :, None, :], (B, N, P, 3))
    ox, oy, oz = (ob[..., i].reshape(T // G, G) for i in range(3))
    dx, dy, dz = (db[..., i].reshape(T // G, G) for i in range(3))
    ln = lengths.reshape(T // G, G)

    idx_all, w_all = _point_math(ox, oy, oz, dx, dy, dz, ln)
    idx1 = idx_all.reshape(NCHUNK * 2 * C)
    w1 = w_all.reshape(NCHUNK * 8 * C)

    d, r, gg, b = _sc_gather()(table, idx1, w1)

    d_s = d.reshape(B, N, P, 1)
    f_s = jnp.stack([r, gg, b], axis=-1).reshape(B, N, P, 3)
    return (d_s, f_s)

# --- scband reference (transcript-rebuilt; emitter-appended) ---
"""Pipeline reference for scband-my-volumes-35510789603517 (READ-ONLY COPY).

The authoritative reference and input builder live on the scoring server;
editing this copy changes nothing except your own understanding.
"""

import jax, jax.numpy as jnp
import numpy as np

GRID = 128
EXTENT = 1.0


def softplus(x):
    return jnp.logaddexp(x, 0.0)


def trilinear_sample(vol, pts):
    # vol: [C, D, H, W]; pts: [N, 3] in normalized coords [-1, 1], order (x, y, z)
    # emulates F.grid_sample(mode='bilinear', padding_mode='zeros', align_corners=False)
    C, D, H, W = vol.shape
    x, y, z = pts[:, 0], pts[:, 1], pts[:, 2]
    ix = ((x + 1.0) * W - 1.0) / 2.0
    iy = ((y + 1.0) * H - 1.0) / 2.0
    iz = ((z + 1.0) * D - 1.0) / 2.0
    ix0 = jnp.floor(ix)
    iy0 = jnp.floor(iy)
    iz0 = jnp.floor(iz)
    fx = ix - ix0
    fy = iy - iy0
    fz = iz - iz0
    out = jnp.zeros((C, pts.shape[0]), dtype=vol.dtype)
    for a in (0, 1):
        for b in (0, 1):
            for c in (0, 1):
                xi = ix0 + a
                yi = iy0 + b
                zi = iz0 + c
                wx = fx if a == 1 else (1.0 - fx)
                wy = fy if b == 1 else (1.0 - fy)
                wz = fz if c == 1 else (1.0 - fz)
                w = wx * wy * wz
                valid = ((xi >= 0) & (xi < W) & (yi >= 0) & (yi < H) & (zi >= 0) & (zi < D)).astype(vol.dtype)
                xic = jnp.clip(xi, 0, W - 1).astype(jnp.int32)
                yic = jnp.clip(yi, 0, H - 1).astype(jnp.int32)
                zic = jnp.clip(zi, 0, D - 1).astype(jnp.int32)
                vals = vol[:, zic, yic, xic]  # gather -> [C, N]
                out = out + (w * valid)[None, :] * vals
    return out


def setup_inputs(seed: int = 0) -> dict:
    key = jax.random.key(seed)
    k1, k2, k3 = jax.random.split(key, 3)
    B, N, P = 4, 4096, 64
    origins = jax.random.uniform(k1, (B, N, 3), minval=-0.5, maxval=0.5, dtype=jnp.float32)
    d = jax.random.normal(k2, (B, N, 3), dtype=jnp.float32)
    directions = d / (jnp.linalg.norm(d, axis=-1, keepdims=True) + 1e-8)
    lengths = jnp.sort(jax.random.uniform(k3, (B, N, P), dtype=jnp.float32) * 2.0, axis=-1)
    density = jnp.full((GRID, GRID, GRID), -2.0, dtype=jnp.float32)
    color = jnp.zeros((3, GRID, GRID, GRID), dtype=jnp.float32)
    return {"density": density, "color": color, "origins": origins, "directions": directions, "lengths": lengths}


def reference(density, color, origins, directions, lengths):
    # densities = softplus(density)[None, None]; features = sigmoid(color)[None]
    dens_vol = softplus(density)[None]       # [1, D, H, W]
    feat_vol = jax.nn.sigmoid(color)          # [3, D, H, W]
    # ray points in world coords: origins + directions * lengths
    pts = origins[:, :, None, :] + directions[:, :, None, :] * lengths[..., None]  # [B, N, P, 3]
    loc = pts / EXTENT                         # grid spans [-extent, extent]
    B, N, P, _ = loc.shape
    flat = loc.reshape(-1, 3)
    d_s = trilinear_sample(dens_vol, flat).T.reshape(B, N, P, 1)
    f_s = trilinear_sample(feat_vol, flat).T.reshape(B, N, P, 3)
    return (d_s, f_s)

if __name__ == "__main__":
    import jax
    _d = setup_inputs()
    print(jax.jit(kernel)(*tuple(_d.values())))

</pallas_src>

<mosaic_0001>
#map = affine_map<(d0, d1) -> (0)>
module attributes {stable_mosaic.version = 14 : i64} {
  func.func @_sc_table_body(%arg0: i32, %arg1: i32, %arg2: memref<2097152xf32, #tpu.memory_space<hbm>>, %arg3: memref<2097152xf32, #tpu.memory_space<hbm>>, %arg4: memref<2097152xf32, #tpu.memory_space<hbm>>, %arg5: memref<2097152xf32, #tpu.memory_space<hbm>>, %arg6: memref<34603008xf32, #tpu.memory_space<hbm>>, %arg7: memref<8752xf32, #tpu.memory_space<vmem>>, %arg8: memref<2x32768xf32, #tpu.memory_space<vmem>>, %arg9: memref<!tpu.dma_semaphore, #tpu.memory_space<semaphore_mem>>) attributes {dimension_semantics = [#tpu.dimension_semantics<core_parallel>, #tpu.dimension_semantics<subcore_parallel>], iteration_bounds = array<i64: 2, 16>, scalar_prefetch = 0 : i64, scratch_operands = 3 : i64, tpu.core_type = #tpu.core_type<sc_vector_subcore>, window_params = [{transform_indices = #map}, {transform_indices = #map}, {transform_indices = #map}, {transform_indices = #map}, {transform_indices = #map}]} {
    %mul3A = arith.constant 2 : i32
    %mul3A_0 = arith.muli %arg1, %mul3A : i32
    %add3A = arith.addi %mul3A_0, %arg0 : i32
    %iota3A = tpu.iota {dimensions = array<i32: 0>} : vector<16xi32>
    %and3A = arith.constant 3 : i32
    %and3A_1 = vector.broadcast %and3A : i32 to vector<16xi32>
    %and3A_2 = arith.andi %iota3A, %and3A_1 : vector<16xi32>
    %shift_right_arithmetic3A = arith.constant 3 : i32
    %shift_right_arithmetic3A_3 = vector.broadcast %shift_right_arithmetic3A : i32 to vector<16xi32>
    %shift_right_arithmetic3A_4 = arith.shrsi %iota3A, %shift_right_arithmetic3A_3 : vector<16xi32>
    %mul3A_5 = arith.constant 128 : i32
    %mul3A_6 = vector.broadcast %mul3A_5 : i32 to vector<16xi32>
    %mul3A_7 = arith.muli %shift_right_arithmetic3A_4, %mul3A_6 : vector<16xi32>
    %shift_right_arithmetic3A_8 = arith.constant 2 : i32
    %shift_right_arithmetic3A_9 = vector.broadcast %shift_right_arithmetic3A_8 : i32 to vector<16xi32>
    %shift_right_arithmetic3A_10 = arith.shrsi %iota3A, %shift_right_arithmetic3A_9 : vector<16xi32>
    %and3A_11 = arith.constant 1 : i32
    %and3A_12 = vector.broadcast %and3A_11 : i32 to vector<16xi32>
    %and3A_13 = arith.andi %shift_right_arithmetic3A_10, %and3A_12 : vector<16xi32>
    %add3A_14 = arith.addi %mul3A_7, %and3A_13 : vector<16xi32>
    %mul3A_15 = arith.constant 2184 : i32
    %mul3A_16 = vector.broadcast %mul3A_15 : i32 to vector<16xi32>
    %mul3A_17 = arith.muli %and3A_2, %mul3A_16 : vector<16xi32>
    %add3A_18 = arith.addi %mul3A_17, %add3A_14 : vector<16xi32>
    %mul3A_19 = arith.constant 67584 : i32
    %mul3A_20 = arith.muli %add3A, %mul3A_19 : i32
    %scan3A = arith.constant 0 : i32
    %scan3A_21 = arith.constant 17 : i32
    %scan3A_22 = arith.addi %scan3A, %scan3A_21 : i32
    %scan3A_23 = arith.constant 1 : i32
    scf.for %scan3A_46 = %scan3A to %scan3A_22 step %scan3A_23  : i32 {
      %mul3A_47 = arith.constant 4096 : i32
      %mul3A_48 = arith.muli %scan3A_46, %mul3A_47 : i32
      %add3A_49 = arith.constant 0 : i32
      %add3A_50 = arith.addi %add3A_49, %mul3A_48 : i32
      %add3A_51 = arith.constant 0 : i32
      %add3A_52 = arith.addi %add3A_50, %add3A_51 : i32
      %lt3A = arith.constant 67584 : i32
      %lt3A_53 = arith.cmpi slt, %add3A_52, %lt3A : i32
      %convert_element_type3A = arith.extui %lt3A_53 : i1 to i32
      %cond3A = arith.constant 0 : i32
      %cond3A_54 = arith.cmpi ne, %convert_element_type3A, %cond3A : i32
      scf.if %cond3A_54 {
        %add3A_62 = arith.addi %mul3A_20, %add3A_52 : i32
        %sub3A = arith.constant 136 : i32
        %sub3A_63 = arith.subi %add3A_62, %sub3A : i32
        %gt3A = arith.constant 0 : i32
        %gt3A_64 = arith.cmpi sgt, %add3A_50, %gt3A : i32
        %convert_element_type3A_65 = arith.extui %gt3A_64 : i1 to i32
        %cond3A_66 = arith.constant 0 : i32
        %cond3A_67 = arith.cmpi ne, %convert_element_type3A_65, %cond3A_66 : i32
        scf.if %cond3A_67 {
          %dma_wait3A_98 = arith.constant 0 : i32
          %dma_wait3A_99 = arith.constant 0 : i32
          %dma_wait3A_100 = tpu.memref_slice %arg8[%dma_wait3A_98, %dma_wait3A_99] : memref<2x32768xf32, #tpu.memory_space<vmem>> -> memref<1x32768xf32, #tpu.memory_space<vmem>>
          %dma_wait3A_101 = tpu.memref_squeeze %dma_wait3A_100 : memref<1x32768xf32, #tpu.memory_space<vmem>> -> memref<32768xf32, #tpu.memory_space<vmem>>
          %dma_wait3A_102 = arith.constant 0 : i32
          %dma_wait3A_103 = tpu.memref_slice %arg6[%dma_wait3A_102] : memref<34603008xf32, #tpu.memory_space<hbm>> -> memref<32768xf32, #tpu.memory_space<hbm>>
          %dma_wait3A_104 = arith.constant 0 : i32
          %dma_wait3A_105 = tpu.memref_slice %arg6[%dma_wait3A_104] : memref<34603008xf32, #tpu.memory_space<hbm>> -> memref<32768xf32, #tpu.memory_space<hbm>>
          %dma_wait3A_106 = arith.constant 0 : i32
          %dma_wait3A_107 = tpu.memref_slice %arg8[%dma_wait3A_98, %dma_wait3A_106] : memref<2x32768xf32, #tpu.memory_space<vmem>> -> memref<1x32768xf32, #tpu.memory_space<vmem>>
          %dma_wait3A_108 = tpu.memref_squeeze %dma_wait3A_107 : memref<1x32768xf32, #tpu.memory_space<vmem>> -> memref<32768xf32, #tpu.memory_space<vmem>>
          tpu.wait_dma2 semaphore(%arg9 : memref<!tpu.dma_semaphore, #tpu.memory_space<semaphore_mem>>) src(%dma_wait3A_108 : memref<32768xf32, #tpu.memory_space<vmem>>) dst(%dma_wait3A_105 : memref<32768xf32, #tpu.memory_space<hbm>>)
        } else {
        }
        %eq3A = arith.constant 0 : i32
        %eq3A_68 = arith.cmpi eq, %add3A_62, %eq3A : i32
        %convert_element_type3A_69 = arith.extui %eq3A_68 : i1 to i32
        %cond3A_70 = arith.constant 0 : i32
        %cond3A_71 = arith.cmpi ne, %convert_element_type3A_69, %cond3A_70 : i32
        scf.if %cond3A_71 {
          %parallel_loop3A_98 = arith.constant 0 : i32
          %parallel_loop3A_99 = arith.constant 136 : i32
          %parallel_loop3A_100 = arith.constant 16 : i32
          scf.for %parallel_loop3A_101 = %parallel_loop3A_98 to %parallel_loop3A_99 step %parallel_loop3A_100  : i32 {
            %parallel_loop3A_102 = arith.constant 0.000000e+00 : f32
            %parallel_loop3A_103 = vector.broadcast %parallel_loop3A_102 : f32 to vector<16xf32>
            %parallel_loop3A_104 = arith.constant 0 : i32
            %parallel_loop3A_105 = arith.addi %parallel_loop3A_104, %parallel_loop3A_101 : i32
            %parallel_loop3A_106 = arith.index_cast %parallel_loop3A_105 : i32 to index
            %parallel_loop3A_107 = tpu.vector_load %arg7[%parallel_loop3A_106] {strides = array<i32>} : memref<8752xf32, #tpu.memory_space<vmem>>, vector<16xf32>,
            tpu.vector_store %arg7[%parallel_loop3A_106], %parallel_loop3A_103 {strides = array<i32>} : memref<8752xf32, #tpu.memory_space<vmem>>, vector<16xf32>,
            %parallel_loop3A_108 = arith.constant 0.000000e+00 : f32
            %parallel_loop3A_109 = vector.broadcast %parallel_loop3A_108 : f32 to vector<16xf32>
            %parallel_loop3A_110 = arith.constant 2184 : i32
            %parallel_loop3A_111 = arith.addi %parallel_loop3A_110, %parallel_loop3A_101 : i32
            %parallel_loop3A_112 = arith.index_cast %parallel_loop3A_111 : i32 to index
            %parallel_loop3A_113 = tpu.vector_load %arg7[%parallel_loop3A_112] {strides = array<i32>} : memref<8752xf32, #tpu.memory_space<vmem>>, vector<16xf32>,
            tpu.vector_store %arg7[%parallel_loop3A_112], %parallel_loop3A_109 {strides = array<i32>} : memref<8752xf32, #tpu.memory_space<vmem>>, vector<16xf32>,
            %parallel_loop3A_114 = arith.constant 0.000000e+00 : f32
            %parallel_loop3A_115 = vector.broadcast %parallel_loop3A_114 : f32 to vector<16xf32>
            %parallel_loop3A_116 = arith.constant 4368 : i32
            %parallel_loop3A_117 = arith.addi %parallel_loop3A_116, %parallel_loop3A_101 : i32
            %parallel_loop3A_118 = arith.index_cast %parallel_loop3A_117 : i32 to index
            %parallel_loop3A_119 = tpu.vector_load %arg7[%parallel_loop3A_118] {strides = array<i32>} : memref<8752xf32, #tpu.memory_space<vmem>>, vector<16xf32>,
            tpu.vector_store %arg7[%parallel_loop3A_118], %parallel_loop3A_115 {strides = array<i32>} : memref<8752xf32, #tpu.memory_space<vmem>>, vector<16xf32>,
            %parallel_loop3A_120 = arith.constant 0.000000e+00 : f32
            %parallel_loop3A_121 = vector.broadcast %parallel_loop3A_120 : f32 to vector<16xf32>
            %parallel_loop3A_122 = arith.constant 6552 : i32
            %parallel_loop3A_123 = arith.addi %parallel_loop3A_122, %parallel_loop3A_101 : i32
            %parallel_loop3A_124 = arith.index_cast %parallel_loop3A_123 : i32 to index
            %parallel_loop3A_125 = tpu.vector_load %arg7[%parallel_loop3A_124] {strides = array<i32>} : memref<8752xf32, #tpu.memory_space<vmem>>, vector<16xf32>,
            tpu.vector_store %arg7[%parallel_loop3A_124], %parallel_loop3A_121 {strides = array<i32>} : memref<8752xf32, #tpu.memory_space<vmem>>, vector<16xf32>,
          } {sc.loop_unroll_factor = 1 : i64, sc.parallel_access}
          "tpu.region"() ({
            %run_scoped3A = tpu.sem_alloc : memref<!tpu.dma_semaphore, #tpu.memory_space<semaphore_mem>>
            %dma_start3A_101 = arith.constant 136 : i32
            %dma_start3A_102 = tpu.memref_slice %arg7[%dma_start3A_101] : memref<8752xf32, #tpu.memory_space<vmem>> -> memref<2048xf32, #tpu.memory_space<vmem>>
            %dma_start3A_103 = arith.constant 0 : i32
            %dma_start3A_104 = tpu.memref_slice %arg2[%dma_start3A_103] : memref<2097152xf32, #tpu.memory_space<hbm>> -> memref<2048xf32, #tpu.memory_space<hbm>>
            %dma_start3A_105 = arith.constant 136 : i32
            %dma_start3A_106 = tpu.memref_slice %arg7[%dma_start3A_105] : memref<8752xf32, #tpu.memory_space<vmem>> -> memref<2048xf32, #tpu.memory_space<vmem>>
            %dma_start3A_107 = arith.constant 0 : i32
            %dma_start3A_108 = tpu.memref_slice %arg2[%dma_start3A_107] : memref<2097152xf32, #tpu.memory_space<hbm>> -> memref<2048xf32, #tpu.memory_space<hbm>>
            tpu.enqueue_dma source(%dma_start3A_108 : memref<2048xf32, #tpu.memory_space<hbm>>) target(%dma_start3A_106 : memref<2048xf32, #tpu.memory_space<vmem>>) target_semaphore(%run_scoped3A : memref<!tpu.dma_semaphore, #tpu.memory_space<semaphore_mem>>)
            %dma_wait3A_109 = arith.constant 136 : i32
            %dma_wait3A_110 = tpu.memref_slice %arg7[%dma_wait3A_109] : memref<8752xf32, #tpu.memory_space<vmem>> -> memref<2048xf32, #tpu.memory_space<vmem>>
            %dma_wait3A_111 = arith.constant 0 : i32
            %dma_wait3A_112 = tpu.memref_slice %arg2[%dma_wait3A_111] : memref<2097152xf32, #tpu.memory_space<hbm>> -> memref<2048xf32, #tpu.memory_space<hbm>>
            %dma_wait3A_113 = arith.constant 136 : i32
            %dma_wait3A_114 = tpu.memref_slice %arg7[%dma_wait3A_113] : memref<8752xf32, #tpu.memory_space<vmem>> -> memref<2048xf32, #tpu.memory_space<vmem>>
            %dma_wait3A_115 = arith.constant 0 : i32
            %dma_wait3A_116 = tpu.memref_slice %arg2[%dma_wait3A_115] : memref<2097152xf32, #tpu.memory_space<hbm>> -> memref<2048xf32, #tpu.memory_space<hbm>>
            tpu.wait_dma2 semaphore(%run_scoped3A : memref<!tpu.dma_semaphore, #tpu.memory_space<semaphore_mem>>) src(%dma_wait3A_116 : memref<2048xf32, #tpu.memory_space<hbm>>) dst(%dma_wait3A_114 : memref<2048xf32, #tpu.memory_space<vmem>>)
            tpu.yield
          }) : () -> ()
          "tpu.region"() ({
            %run_scoped3A = tpu.sem_alloc : memref<!tpu.dma_semaphore, #tpu.memory_space<semaphore_mem>>
            %dma_start3A_101 = arith.constant 2320 : i32
            %dma_start3A_102 = tpu.memref_slice %arg7[%dma_start3A_101] : memref<8752xf32, #tpu.memory_space<vmem>> -> memref<2048xf32, #tpu.memory_space<vmem>>
            %dma_start3A_103 = arith.constant 0 : i32
            %dma_start3A_104 = tpu.memref_slice %arg3[%dma_start3A_103] : memref<2097152xf32, #tpu.memory_space<hbm>> -> memref<2048xf32, #tpu.memory_space<hbm>>
            %dma_start3A_105 = arith.constant 2320 : i32
            %dma_start3A_106 = tpu.memref_slice %arg7[%dma_start3A_105] : memref<8752xf32, #tpu.memory_space<vmem>> -> memref<2048xf32, #tpu.memory_space<vmem>>
            %dma_start3A_107 = arith.constant 0 : i32
            %dma_start3A_108 = tpu.memref_slice %arg3[%dma_start3A_107] : memref<2097152xf32, #tpu.memory_space<hbm>> -> memref<2048xf32, #tpu.memory_space<hbm>>
            tpu.enqueue_dma source(%dma_start3A_108 : memref<2048xf32, #tpu.memory_space<hbm>>) target(%dma_start3A_106 : memref<2048xf32, #tpu.memory_space<vmem>>) target_semaphore(%run_scoped3A : memref<!tpu.dma_semaphore, #tpu.memory_space<semaphore_mem>>)
            %dma_wait3A_109 = arith.constant 2320 : i32
            %dma_wait3A_110 = tpu.memref_slice %arg7[%dma_wait3A_109] : memref<8752xf32, #tpu.memory_space<vmem>> -> memref<2048xf32, #tpu.memory_space<vmem>>
            %dma_wait3A_111 = arith.constant 0 : i32
            %dma_wait3A_112 = tpu.memref_slice %arg3[%dma_wait3A_111] : memref<2097152xf32, #tpu.memory_space<hbm>> -> memref<2048xf32, #tpu.memory_space<hbm>>
            %dma_wait3A_113 = arith.constant 2320 : i32
            %dma_wait3A_114 = tpu.memref_slice %arg7[%dma_wait3A_113] : memref<8752xf32, #tpu.memory_space<vmem>> -> memref<2048xf32, #tpu.memory_space<vmem>>
            %dma_wait3A_115 = arith.constant 0 : i32
            %dma_wait3A_116 = tpu.memref_slice %arg3[%dma_wait3A_115] : memref<2097152xf32, #tpu.memory_space<hbm>> -> memref<2048xf32, #tpu.memory_space<hbm>>
            tpu.wait_dma2 semaphore(%run_scoped3A : memref<!tpu.dma_semaphore, #tpu.memory_space<semaphore_mem>>) src(%dma_wait3A_116 : memref<2048xf32, #tpu.memory_space<hbm>>) dst(%dma_wait3A_114 : memref<2048xf32, #tpu.memory_space<vmem>>)
            tpu.yield
          }) : () -> ()
          "tpu.region"() ({
            %run_scoped3A = tpu.sem_alloc : memref<!tpu.dma_semaphore, #tpu.memory_space<semaphore_mem>>
            %dma_start3A_101 = arith.constant 4504 : i32
            %dma_start3A_102 = tpu.memref_slice %arg7[%dma_start3A_101] : memref<8752xf32, #tpu.memory_space<vmem>> -> memref<2048xf32, #tpu.memory_space<vmem>>
            %dma_start3A_103 = arith.constant 0 : i32
            %dma_start3A_104 = tpu.memref_slice %arg4[%dma_start3A_103] : memref<2097152xf32, #tpu.memory_space<hbm>> -> memref<2048xf32, #tpu.memory_space<hbm>>
            %dma_start3A_105 = arith.constant 4504 : i32
            %dma_start3A_106 = tpu.memref_slice %arg7[%dma_start3A_105] : memref<8752xf32, #tpu.memory_space<vmem>> -> memref<2048xf32, #tpu.memory_space<vmem>>
            %dma_start3A_107 = arith.constant 0 : i32
            %dma_start3A_108 = tpu.memref_slice %arg4[%dma_start3A_107] : memref<2097152xf32, #tpu.memory_space<hbm>> -> memref<2048xf32, #tpu.memory_space<hbm>>
            tpu.enqueue_dma source(%dma_start3A_108 : memref<2048xf32, #tpu.memory_space<hbm>>) target(%dma_start3A_106 : memref<2048xf32, #tpu.memory_space<vmem>>) target_semaphore(%run_scoped3A : memref<!tpu.dma_semaphore, #tpu.memory_space<semaphore_mem>>)
            %dma_wait3A_109 = arith.constant 4504 : i32
            %dma_wait3A_110 = tpu.memref_slice %arg7[%dma_wait3A_109] : memref<8752xf32, #tpu.memory_space<vmem>> -> memref<2048xf32, #tpu.memory_space<vmem>>
            %dma_wait3A_111 = arith.constant 0 : i32
            %dma_wait3A_112 = tpu.memref_slice %arg4[%dma_wait3A_111] : memref<2097152xf32, #tpu.memory_space<hbm>> -> memref<2048xf32, #tpu.memory_space<hbm>>
            %dma_wait3A_113 = arith.constant 4504 : i32
            %dma_wait3A_114 = tpu.memref_slice %arg7[%dma_wait3A_113] : memref<8752xf32, #tpu.memory_space<vmem>> -> memref<2048xf32, #tpu.memory_space<vmem>>
            %dma_wait3A_115 = arith.constant 0 : i32
            %dma_wait3A_116 = tpu.memref_slice %arg4[%dma_wait3A_115] : memref<2097152xf32, #tpu.memory_space<hbm>> -> memref<2048xf32, #tpu.memory_space<hbm>>
            tpu.wait_dma2 semaphore(%run_scoped3A : memref<!tpu.dma_semaphore, #tpu.memory_space<semaphore_mem>>) src(%dma_wait3A_116 : memref<2048xf32, #tpu.memory_space<hbm>>) dst(%dma_wait3A_114 : memref<2048xf32, #tpu.memory_space<vmem>>)
            tpu.yield
          }) : () -> ()
          "tpu.region"() ({
            %run_scoped3A = tpu.sem_alloc : memref<!tpu.dma_semaphore, #tpu.memory_space<semaphore_mem>>
            %dma_start3A_101 = arith.constant 6688 : i32
            %dma_start3A_102 = tpu.memref_slice %arg7[%dma_start3A_101] : memref<8752xf32, #tpu.memory_space<vmem>> -> memref<2048xf32, #tpu.memory_space<vmem>>
            %dma_start3A_103 = arith.constant 0 : i32
            %dma_start3A_104 = tpu.memref_slice %arg5[%dma_start3A_103] : memref<2097152xf32, #tpu.memory_space<hbm>> -> memref<2048xf32, #tpu.memory_space<hbm>>
            %dma_start3A_105 = arith.constant 6688 : i32
            %dma_start3A_106 = tpu.memref_slice %arg7[%dma_start3A_105] : memref<8752xf32, #tpu.memory_space<vmem>> -> memref<2048xf32, #tpu.memory_space<vmem>>
            %dma_start3A_107 = arith.constant 0 : i32
            %dma_start3A_108 = tpu.memref_slice %arg5[%dma_start3A_107] : memref<2097152xf32, #tpu.memory_space<hbm>> -> memref<2048xf32, #tpu.memory_space<hbm>>
            tpu.enqueue_dma source(%dma_start3A_108 : memref<2048xf32, #tpu.memory_space<hbm>>) target(%dma_start3A_106 : memref<2048xf32, #tpu.memory_space<vmem>>) target_semaphore(%run_scoped3A : memref<!tpu.dma_semaphore, #tpu.memory_space<semaphore_mem>>)
            %dma_wait3A_109 = arith.constant 6688 : i32
            %dma_wait3A_110 = tpu.memref_slice %arg7[%dma_wait3A_109] : memref<8752xf32, #tpu.memory_space<vmem>> -> memref<2048xf32, #tpu.memory_space<vmem>>
            %dma_wait3A_111 = arith.constant 0 : i32
            %dma_wait3A_112 = tpu.memref_slice %arg5[%dma_wait3A_111] : memref<2097152xf32, #tpu.memory_space<hbm>> -> memref<2048xf32, #tpu.memory_space<hbm>>
            %dma_wait3A_113 = arith.constant 6688 : i32
            %dma_wait3A_114 = tpu.memref_slice %arg7[%dma_wait3A_113] : memref<8752xf32, #tpu.memory_space<vmem>> -> memref<2048xf32, #tpu.memory_space<vmem>>
            %dma_wait3A_115 = arith.constant 0 : i32
            %dma_wait3A_116 = tpu.memref_slice %arg5[%dma_wait3A_115] : memref<2097152xf32, #tpu.memory_space<hbm>> -> memref<2048xf32, #tpu.memory_space<hbm>>
            tpu.wait_dma2 semaphore(%run_scoped3A : memref<!tpu.dma_semaphore, #tpu.memory_space<semaphore_mem>>) src(%dma_wait3A_116 : memref<2048xf32, #tpu.memory_space<hbm>>) dst(%dma_wait3A_114 : memref<2048xf32, #tpu.memory_space<vmem>>)
            tpu.yield
          }) : () -> ()
        } else {
        }
        %gt3A_72 = arith.constant 0 : i32
        %gt3A_73 = arith.cmpi sgt, %add3A_62, %gt3A_72 : i32
        %add3A_74 = arith.constant 2048 : i32
        %add3A_75 = arith.addi %add3A_62, %add3A_74 : i32
        %le3A = arith.constant 2097152 : i32
        %le3A_76 = arith.cmpi sle, %add3A_75, %le3A : i32
        %and3A_77 = arith.andi %gt3A_73, %le3A_76 : i1
        %convert_element_type3A_78 = arith.extui %and3A_77 : i1 to i32
        %cond3A_79 = arith.constant 0 : i32
        %cond3A_80 = arith.cmpi ne, %convert_element_type3A_78, %cond3A_79 : i32
        scf.if %cond3A_80 {
          "tpu.region"() ({
            %run_scoped3A = tpu.sem_alloc : memref<!tpu.dma_semaphore, #tpu.memory_space<semaphore_mem>>
            %dma_start3A_98 = arith.constant 0 : i32
            %dma_start3A_99 = tpu.memref_slice %arg7[%dma_start3A_98] : memref<8752xf32, #tpu.memory_space<vmem>> -> memref<2184xf32, #tpu.memory_space<vmem>>
            %dma_start3A_100 = tpu.memref_slice %arg2[%sub3A_63] : memref<2097152xf32, #tpu.memory_space<hbm>> -> memref<2184xf32, #tpu.memory_space<hbm>>
            %dma_start3A_101 = arith.constant 0 : i32
            %dma_start3A_102 = tpu.memref_slice %arg7[%dma_start3A_101] : memref<8752xf32, #tpu.memory_space<vmem>> -> memref<2184xf32, #tpu.memory_space<vmem>>
            %dma_start3A_103 = tpu.memref_slice %arg2[%sub3A_63] : memref<2097152xf32, #tpu.memory_space<hbm>> -> memref<2184xf32, #tpu.memory_space<hbm>>
            tpu.enqueue_dma source(%dma_start3A_103 : memref<2184xf32, #tpu.memory_space<hbm>>) target(%dma_start3A_102 : memref<2184xf32, #tpu.memory_space<vmem>>) target_semaphore(%run_scoped3A : memref<!tpu.dma_semaphore, #tpu.memory_space<semaphore_mem>>)
            %dma_wait3A_104 = arith.constant 0 : i32
            %dma_wait3A_105 = tpu.memref_slice %arg7[%dma_wait3A_104] : memref<8752xf32, #tpu.memory_space<vmem>> -> memref<2184xf32, #tpu.memory_space<vmem>>
            %dma_wait3A_106 = tpu.memref_slice %arg2[%sub3A_63] : memref<2097152xf32, #tpu.memory_space<hbm>> -> memref<2184xf32, #tpu.memory_space<hbm>>
            %dma_wait3A_107 = arith.constant 0 : i32
            %dma_wait3A_108 = tpu.memref_slice %arg7[%dma_wait3A_107] : memref<8752xf32, #tpu.memory_space<vmem>> -> memref<2184xf32, #tpu.memory_space<vmem>>
            %dma_wait3A_109 = tpu.memref_slice %arg2[%sub3A_63] : memref<2097152xf32, #tpu.memory_space<hbm>> -> memref<2184xf32, #tpu.memory_space<hbm>>
            tpu.wait_dma2 semaphore(%run_scoped3A : memref<!tpu.dma_semaphore, #tpu.memory_space<semaphore_mem>>) src(%dma_wait3A_109 : memref<2184xf32, #tpu.memory_space<hbm>>) dst(%dma_wait3A_108 : memref<2184xf32, #tpu.memory_space<vmem>>)
            tpu.yield
          }) : () -> ()
          "tpu.region"() ({
            %run_scoped3A = tpu.sem_alloc : memref<!tpu.dma_semaphore, #tpu.memory_space<semaphore_mem>>
            %dma_start3A_98 = arith.constant 2184 : i32
            %dma_start3A_99 = tpu.memref_slice %arg7[%dma_start3A_98] : memref<8752xf32, #tpu.memory_space<vmem>> -> memref<2184xf32, #tpu.memory_space<vmem>>
            %dma_start3A_100 = tpu.memref_slice %arg3[%sub3A_63] : memref<2097152xf32, #tpu.memory_space<hbm>> -> memref<2184xf32, #tpu.memory_space<hbm>>
            %dma_start3A_101 = arith.constant 2184 : i32
            %dma_start3A_102 = tpu.memref_slice %arg7[%dma_start3A_101] : memref<8752xf32, #tpu.memory_space<vmem>> -> memref<2184xf32, #tpu.memory_space<vmem>>
            %dma_start3A_103 = tpu.memref_slice %arg3[%sub3A_63] : memref<2097152xf32, #tpu.memory_space<hbm>> -> memref<2184xf32, #tpu.memory_space<hbm>>
            tpu.enqueue_dma source(%dma_start3A_103 : memref<2184xf32, #tpu.memory_space<hbm>>) target(%dma_start3A_102 : memref<2184xf32, #tpu.memory_space<vmem>>) target_semaphore(%run_scoped3A : memref<!tpu.dma_semaphore, #tpu.memory_space<semaphore_mem>>)
            %dma_wait3A_104 = arith.constant 2184 : i32
            %dma_wait3A_105 = tpu.memref_slice %arg7[%dma_wait3A_104] : memref<8752xf32, #tpu.memory_space<vmem>> -> memref<2184xf32, #tpu.memory_space<vmem>>
            %dma_wait3A_106 = tpu.memref_slice %arg3[%sub3A_63] : memref<2097152xf32, #tpu.memory_space<hbm>> -> memref<2184xf32, #tpu.memory_space<hbm>>
            %dma_wait3A_107 = arith.constant 2184 : i32
            %dma_wait3A_108 = tpu.memref_slice %arg7[%dma_wait3A_107] : memref<8752xf32, #tpu.memory_space<vmem>> -> memref<2184xf32, #tpu.memory_space<vmem>>
            %dma_wait3A_109 = tpu.memref_slice %arg3[%sub3A_63] : memref<2097152xf32, #tpu.memory_space<hbm>> -> memref<2184xf32, #tpu.memory_space<hbm>>
            tpu.wait_dma2 semaphore(%run_scoped3A : memref<!tpu.dma_semaphore, #tpu.memory_space<semaphore_mem>>) src(%dma_wait3A_109 : memref<2184xf32, #tpu.memory_space<hbm>>) dst(%dma_wait3A_108 : memref<2184xf32, #tpu.memory_space<vmem>>)
            tpu.yield
          }) : () -> ()
          "tpu.region"() ({
            %run_scoped3A = tpu.sem_alloc : memref<!tpu.dma_semaphore, #tpu.memory_space<semaphore_mem>>
            %dma_start3A_98 = arith.constant 4368 : i32
            %dma_start3A_99 = tpu.memref_slice %arg7[%dma_start3A_98] : memref<8752xf32, #tpu.memory_space<vmem>> -> memref<2184xf32, #tpu.memory_space<vmem>>
            %dma_start3A_100 = tpu.memref_slice %arg4[%sub3A_63] : memref<2097152xf32, #tpu.memory_space<hbm>> -> memref<2184xf32, #tpu.memory_space<hbm>>
            %dma_start3A_101 = arith.constant 4368 : i32
            %dma_start3A_102 = tpu.memref_slice %arg7[%dma_start3A_101] : memref<8752xf32, #tpu.memory_space<vmem>> -> memref<2184xf32, #tpu.memory_space<vmem>>
            %dma_start3A_103 = tpu.memref_slice %arg4[%sub3A_63] : memref<2097152xf32, #tpu.memory_space<hbm>> -> memref<2184xf32, #tpu.memory_space<hbm>>
            tpu.enqueue_dma source(%dma_start3A_103 : memref<2184xf32, #tpu.memory_space<hbm>>) target(%dma_start3A_102 : memref<2184xf32, #tpu.memory_space<vmem>>) target_semaphore(%run_scoped3A : memref<!tpu.dma_semaphore, #tpu.memory_space<semaphore_mem>>)
            %dma_wait3A_104 = arith.constant 4368 : i32
            %dma_wait3A_105 = tpu.memref_slice %arg7[%dma_wait3A_104] : memref<8752xf32, #tpu.memory_space<vmem>> -> memref<2184xf32, #tpu.memory_space<vmem>>
            %dma_wait3A_106 = tpu.memref_slice %arg4[%sub3A_63] : memref<2097152xf32, #tpu.memory_space<hbm>> -> memref<2184xf32, #tpu.memory_space<hbm>>
            %dma_wait3A_107 = arith.constant 4368 : i32
            %dma_wait3A_108 = tpu.memref_slice %arg7[%dma_wait3A_107] : memref<8752xf32, #tpu.memory_space<vmem>> -> memref<2184xf32, #tpu.memory_space<vmem>>
            %dma_wait3A_109 = tpu.memref_slice %arg4[%sub3A_63] : memref<2097152xf32, #tpu.memory_space<hbm>> -> memref<2184xf32, #tpu.memory_space<hbm>>
            tpu.wait_dma2 semaphore(%run_scoped3A : memref<!tpu.dma_semaphore, #tpu.memory_space<semaphore_mem>>) src(%dma_wait3A_109 : memref<2184xf32, #tpu.memory_space<hbm>>) dst(%dma_wait3A_108 : memref<2184xf32, #tpu.memory_space<vmem>>)
            tpu.yield
          }) : () -> ()
          "tpu.region"() ({
            %run_scoped3A = tpu.sem_alloc : memref<!tpu.dma_semaphore, #tpu.memory_space<semaphore_mem>>
            %dma_start3A_98 = arith.constant 6552 : i32
            %dma_start3A_99 = tpu.memref_slice %arg7[%dma_start3A_98] : memref<8752xf32, #tpu.memory_space<vmem>> -> memref<2184xf32, #tpu.memory_space<vmem>>
            %dma_start3A_100 = tpu.memref_slice %arg5[%sub3A_63] : memref<2097152xf32, #tpu.memory_space<hbm>> -> memref<2184xf32, #tpu.memory_space<hbm>>
            %dma_start3A_101 = arith.constant 6552 : i32
            %dma_start3A_102 = tpu.memref_slice %arg7[%dma_start3A_101] : memref<8752xf32, #tpu.memory_space<vmem>> -> memref<2184xf32, #tpu.memory_space<vmem>>
            %dma_start3A_103 = tpu.memref_slice %arg5[%sub3A_63] : memref<2097152xf32, #tpu.memory_space<hbm>> -> memref<2184xf32, #tpu.memory_space<hbm>>
            tpu.enqueue_dma source(%dma_start3A_103 : memref<2184xf32, #tpu.memory_space<hbm>>) target(%dma_start3A_102 : memref<2184xf32, #tpu.memory_space<vmem>>) target_semaphore(%run_scoped3A : memref<!tpu.dma_semaphore, #tpu.memory_space<semaphore_mem>>)
            %dma_wait3A_104 = arith.constant 6552 : i32
            %dma_wait3A_105 = tpu.memref_slice %arg7[%dma_wait3A_104] : memref<8752xf32, #tpu.memory_space<vmem>> -> memref<2184xf32, #tpu.memory_space<vmem>>
            %dma_wait3A_106 = tpu.memref_slice %arg5[%sub3A_63] : memref<2097152xf32, #tpu.memory_space<hbm>> -> memref<2184xf32, #tpu.memory_space<hbm>>
            %dma_wait3A_107 = arith.constant 6552 : i32
            %dma_wait3A_108 = tpu.memref_slice %arg7[%dma_wait3A_107] : memref<8752xf32, #tpu.memory_space<vmem>> -> memref<2184xf32, #tpu.memory_space<vmem>>
            %dma_wait3A_109 = tpu.memref_slice %arg5[%sub3A_63] : memref<2097152xf32, #tpu.memory_space<hbm>> -> memref<2184xf32, #tpu.memory_space<hbm>>
            tpu.wait_dma2 semaphore(%run_scoped3A : memref<!tpu.dma_semaphore, #tpu.memory_space<semaphore_mem>>) src(%dma_wait3A_109 : memref<2184xf32, #tpu.memory_space<hbm>>) dst(%dma_wait3A_108 : memref<2184xf32, #tpu.memory_space<vmem>>)
            tpu.yield
          }) : () -> ()
        } else {
        }
        %eq3A_81 = arith.constant 2097152 : i32
        %eq3A_82 = arith.cmpi eq, %add3A_62, %eq3A_81 : i32
        %convert_element_type3A_83 = arith.extui %eq3A_82 : i1 to i32
        %cond3A_84 = arith.constant 0 : i32
        %cond3A_85 = arith.cmpi ne, %convert_element_type3A_83, %cond3A_84 : i32
        scf.if %cond3A_85 {
          %parallel_loop3A_98 = arith.constant 0 : i32
          %parallel_loop3A_99 = arith.constant 2184 : i32
          %parallel_loop3A_100 = arith.constant 16 : i32
          scf.for %parallel_loop3A_101 = %parallel_loop3A_98 to %parallel_loop3A_99 step %parallel_loop3A_100  : i32 {
            %parallel_loop3A_102 = arith.constant 0.000000e+00 : f32
            %parallel_loop3A_103 = vector.broadcast %parallel_loop3A_102 : f32 to vector<16xf32>
            %parallel_loop3A_104 = arith.constant 0 : i32
            %parallel_loop3A_105 = arith.addi %parallel_loop3A_104, %parallel_loop3A_101 : i32
            %parallel_loop3A_106 = arith.index_cast %parallel_loop3A_105 : i32 to index
            %parallel_loop3A_107 = tpu.vector_load %arg7[%parallel_loop3A_106] {strides = array<i32>} : memref<8752xf32, #tpu.memory_space<vmem>>, vector<16xf32>,
            tpu.vector_store %arg7[%parallel_loop3A_106], %parallel_loop3A_103 {strides = array<i32>} : memref<8752xf32, #tpu.memory_space<vmem>>, vector<16xf32>,
            %parallel_loop3A_108 = arith.constant 0.000000e+00 : f32
            %parallel_loop3A_109 = vector.broadcast %parallel_loop3A_108 : f32 to vector<16xf32>
            %parallel_loop3A_110 = arith.constant 2184 : i32
            %parallel_loop3A_111 = arith.addi %parallel_loop3A_110, %parallel_loop3A_101 : i32
            %parallel_loop3A_112 = arith.index_cast %parallel_loop3A_111 : i32 to index
            %parallel_loop3A_113 = tpu.vector_load %arg7[%parallel_loop3A_112] {strides = array<i32>} : memref<8752xf32, #tpu.memory_space<vmem>>, vector<16xf32>,
            tpu.vector_store %arg7[%parallel_loop3A_112], %parallel_loop3A_109 {strides = array<i32>} : memref<8752xf32, #tpu.memory_space<vmem>>, vector<16xf32>,
            %parallel_loop3A_114 = arith.constant 0.000000e+00 : f32
            %parallel_loop3A_115 = vector.broadcast %parallel_loop3A_114 : f32 to vector<16xf32>
            %parallel_loop3A_116 = arith.constant 4368 : i32
            %parallel_loop3A_117 = arith.addi %parallel_loop3A_116, %parallel_loop3A_101 : i32
            %parallel_loop3A_118 = arith.index_cast %parallel_loop3A_117 : i32 to index
            %parallel_loop3A_119 = tpu.vector_load %arg7[%parallel_loop3A_118] {strides = array<i32>} : memref<8752xf32, #tpu.memory_space<vmem>>, vector<16xf32>,
            tpu.vector_store %arg7[%parallel_loop3A_118], %parallel_loop3A_115 {strides = array<i32>} : memref<8752xf32, #tpu.memory_space<vmem>>, vector<16xf32>,
            %parallel_loop3A_120 = arith.constant 0.000000e+00 : f32
            %parallel_loop3A_121 = vector.broadcast %parallel_loop3A_120 : f32 to vector<16xf32>
            %parallel_loop3A_122 = arith.constant 6552 : i32
            %parallel_loop3A_123 = arith.addi %parallel_loop3A_122, %parallel_loop3A_101 : i32
            %parallel_loop3A_124 = arith.index_cast %parallel_loop3A_123 : i32 to index
            %parallel_loop3A_125 = tpu.vector_load %arg7[%parallel_loop3A_124] {strides = array<i32>} : memref<8752xf32, #tpu.memory_space<vmem>>, vector<16xf32>,
            tpu.vector_store %arg7[%parallel_loop3A_124], %parallel_loop3A_121 {strides = array<i32>} : memref<8752xf32, #tpu.memory_space<vmem>>, vector<16xf32>,
          } {sc.loop_unroll_factor = 1 : i64, sc.parallel_access}
          "tpu.region"() ({
            %run_scoped3A = tpu.sem_alloc : memref<!tpu.dma_semaphore, #tpu.memory_space<semaphore_mem>>
            %dma_start3A_101 = arith.constant 0 : i32
            %dma_start3A_102 = tpu.memref_slice %arg7[%dma_start3A_101] : memref<8752xf32, #tpu.memory_space<vmem>> -> memref<136xf32, #tpu.memory_space<vmem>>
            %dma_start3A_103 = arith.constant 2097016 : i32
            %dma_start3A_104 = tpu.memref_slice %arg2[%dma_start3A_103] : memref<2097152xf32, #tpu.memory_space<hbm>> -> memref<136xf32, #tpu.memory_space<hbm>>
            %dma_start3A_105 = arith.constant 0 : i32
            %dma_start3A_106 = tpu.memref_slice %arg7[%dma_start3A_105] : memref<8752xf32, #tpu.memory_space<vmem>> -> memref<136xf32, #tpu.memory_space<vmem>>
            %dma_start3A_107 = arith.constant 2097016 : i32
            %dma_start3A_108 = tpu.memref_slice %arg2[%dma_start3A_107] : memref<2097152xf32, #tpu.memory_space<hbm>> -> memref<136xf32, #tpu.memory_space<hbm>>
            tpu.enqueue_dma source(%dma_start3A_108 : memref<136xf32, #tpu.memory_space<hbm>>) target(%dma_start3A_106 : memref<136xf32, #tpu.memory_space<vmem>>) target_semaphore(%run_scoped3A : memref<!tpu.dma_semaphore, #tpu.memory_space<semaphore_mem>>)
            %dma_wait3A_109 = arith.constant 0 : i32
            %dma_wait3A_110 = tpu.memref_slice %arg7[%dma_wait3A_109] : memref<8752xf32, #tpu.memory_space<vmem>> -> memref<136xf32, #tpu.memory_space<vmem>>
            %dma_wait3A_111 = arith.constant 2097016 : i32
            %dma_wait3A_112 = tpu.memref_slice %arg2[%dma_wait3A_111] : memref<2097152xf32, #tpu.memory_space<hbm>> -> memref<136xf32, #tpu.memory_space<hbm>>
            %dma_wait3A_113 = arith.constant 0 : i32
            %dma_wait3A_114 = tpu.memref_slice %arg7[%dma_wait3A_113] : memref<8752xf32, #tpu.memory_space<vmem>> -> memref<136xf32, #tpu.memory_space<vmem>>
            %dma_wait3A_115 = arith.constant 2097016 : i32
            %dma_wait3A_116 = tpu.memref_slice %arg2[%dma_wait3A_115] : memref<2097152xf32, #tpu.memory_space<hbm>> -> memref<136xf32, #tpu.memory_space<hbm>>
            tpu.wait_dma2 semaphore(%run_scoped3A : memref<!tpu.dma_semaphore, #tpu.memory_space<semaphore_mem>>) src(%dma_wait3A_116 : memref<136xf32, #tpu.memory_space<hbm>>) dst(%dma_wait3A_114 : memref<136xf32, #tpu.memory_space<vmem>>)
            tpu.yield
          }) : () -> ()
          "tpu.region"() ({
            %run_scoped3A = tpu.sem_alloc : memref<!tpu.dma_semaphore, #tpu.memory_space<semaphore_mem>>
            %dma_start3A_101 = arith.constant 2184 : i32
            %dma_start3A_102 = tpu.memref_slice %arg7[%dma_start3A_101] : memref<8752xf32, #tpu.memory_space<vmem>> -> memref<136xf32, #tpu.memory_space<vmem>>
            %dma_start3A_103 = arith.constant 2097016 : i32
            %dma_start3A_104 = tpu.memref_slice %arg3[%dma_start3A_103] : memref<2097152xf32, #tpu.memory_space<hbm>> -> memref<136xf32, #tpu.memory_space<hbm>>
            %dma_start3A_105 = arith.constant 2184 : i32
            %dma_start3A_106 = tpu.memref_slice %arg7[%dma_start3A_105] : memref<8752xf32, #tpu.memory_space<vmem>> -> memref<136xf32, #tpu.memory_space<vmem>>
            %dma_start3A_107 = arith.constant 2097016 : i32
            %dma_start3A_108 = tpu.memref_slice %arg3[%dma_start3A_107] : memref<2097152xf32, #tpu.memory_space<hbm>> -> memref<136xf32, #tpu.memory_space<hbm>>
            tpu.enqueue_dma source(%dma_start3A_108 : memref<136xf32, #tpu.memory_space<hbm>>) target(%dma_start3A_106 : memref<136xf32, #tpu.memory_space<vmem>>) target_semaphore(%run_scoped3A : memref<!tpu.dma_semaphore, #tpu.memory_space<semaphore_mem>>)
            %dma_wait3A_109 = arith.constant 2184 : i32
            %dma_wait3A_110 = tpu.memref_slice %arg7[%dma_wait3A_109] : memref<8752xf32, #tpu.memory_space<vmem>> -> memref<136xf32, #tpu.memory_space<vmem>>
            %dma_wait3A_111 = arith.constant 2097016 : i32
            %dma_wait3A_112 = tpu.memref_slice %arg3[%dma_wait3A_111] : memref<2097152xf32, #tpu.memory_space<hbm>> -> memref<136xf32, #tpu.memory_space<hbm>>
            %dma_wait3A_113 = arith.constant 2184 : i32
            %dma_wait3A_114 = tpu.memref_slice %arg7[%dma_wait3A_113] : memref<8752xf32, #tpu.memory_space<vmem>> -> memref<136xf32, #tpu.memory_space<vmem>>
            %dma_wait3A_115 = arith.constant 2097016 : i32
            %dma_wait3A_116 = tpu.memref_slice %arg3[%dma_wait3A_115] : memref<2097152xf32, #tpu.memory_space<hbm>> -> memref<136xf32, #tpu.memory_space<hbm>>
            tpu.wait_dma2 semaphore(%run_scoped3A : memref<!tpu.dma_semaphore, #tpu.memory_space<semaphore_mem>>) src(%dma_wait3A_116 : memref<136xf32, #tpu.memory_space<hbm>>) dst(%dma_wait3A_114 : memref<136xf32, #tpu.memory_space<vmem>>)
            tpu.yield
          }) : () -> ()
          "tpu.region"() ({
            %run_scoped3A = tpu.sem_alloc : memref<!tpu.dma_semaphore, #tpu.memory_space<semaphore_mem>>
            %dma_start3A_101 = arith.constant 4368 : i32
            %dma_start3A_102 = tpu.memref_slice %arg7[%dma_start3A_101] : memref<8752xf32, #tpu.memory_space<vmem>> -> memref<136xf32, #tpu.memory_space<vmem>>
            %dma_start3A_103 = arith.constant 2097016 : i32
            %dma_start3A_104 = tpu.memref_slice %arg4[%dma_start3A_103] : memref<2097152xf32, #tpu.memory_space<hbm>> -> memref<136xf32, #tpu.memory_space<hbm>>
            %dma_start3A_105 = arith.constant 4368 : i32
            %dma_start3A_106 = tpu.memref_slice %arg7[%dma_start3A_105] : memref<8752xf32, #tpu.memory_space<vmem>> -> memref<136xf32, #tpu.memory_space<vmem>>
            %dma_start3A_107 = arith.constant 2097016 : i32
            %dma_start3A_108 = tpu.memref_slice %arg4[%dma_start3A_107] : memref<2097152xf32, #tpu.memory_space<hbm>> -> memref<136xf32, #tpu.memory_space<hbm>>
            tpu.enqueue_dma source(%dma_start3A_108 : memref<136xf32, #tpu.memory_space<hbm>>) target(%dma_start3A_106 : memref<136xf32, #tpu.memory_space<vmem>>) target_semaphore(%run_scoped3A : memref<!tpu.dma_semaphore, #tpu.memory_space<semaphore_mem>>)
            %dma_wait3A_109 = arith.constant 4368 : i32
            %dma_wait3A_110 = tpu.memref_slice %arg7[%dma_wait3A_109] : memref<8752xf32, #tpu.memory_space<vmem>> -> memref<136xf32, #tpu.memory_space<vmem>>
            %dma_wait3A_111 = arith.constant 2097016 : i32
            %dma_wait3A_112 = tpu.memref_slice %arg4[%dma_wait3A_111] : memref<2097152xf32, #tpu.memory_space<hbm>> -> memref<136xf32, #tpu.memory_space<hbm>>
            %dma_wait3A_113 = arith.constant 4368 : i32
            %dma_wait3A_114 = tpu.memref_slice %arg7[%dma_wait3A_113] : memref<8752xf32, #tpu.memory_space<vmem>> -> memref<136xf32, #tpu.memory_space<vmem>>
            %dma_wait3A_115 = arith.constant 2097016 : i32
            %dma_wait3A_116 = tpu.memref_slice %arg4[%dma_wait3A_115] : memref<2097152xf32, #tpu.memory_space<hbm>> -> memref<136xf32, #tpu.memory_space<hbm>>
            tpu.wait_dma2 semaphore(%run_scoped3A : memref<!tpu.dma_semaphore, #tpu.memory_space<semaphore_mem>>) src(%dma_wait3A_116 : memref<136xf32, #tpu.memory_space<hbm>>) dst(%dma_wait3A_114 : memref<136xf32, #tpu.memory_space<vmem>>)
            tpu.yield
          }) : () -> ()
          "tpu.region"() ({
            %run_scoped3A = tpu.sem_alloc : memref<!tpu.dma_semaphore, #tpu.memory_space<semaphore_mem>>
            %dma_start3A_101 = arith.constant 6552 : i32
            %dma_start3A_102 = tpu.memref_slice %arg7[%dma_start3A_101] : memref<8752xf32, #tpu.memory_space<vmem>> -> memref<136xf32, #tpu.memory_space<vmem>>
            %dma_start3A_103 = arith.constant 2097016 : i32
            %dma_start3A_104 = tpu.memref_slice %arg5[%dma_start3A_103] : memref<2097152xf32, #tpu.memory_space<hbm>> -> memref<136xf32, #tpu.memory_space<hbm>>
            %dma_start3A_105 = arith.constant 6552 : i32
            %dma_start3A_106 = tpu.memref_slice %arg7[%dma_start3A_105] : memref<8752xf32, #tpu.memory_space<vmem>> -> memref<136xf32, #tpu.memory_space<vmem>>
            %dma_start3A_107 = arith.constant 2097016 : i32
            %dma_start3A_108 = tpu.memref_slice %arg5[%dma_start3A_107] : memref<2097152xf32, #tpu.memory_space<hbm>> -> memref<136xf32, #tpu.memory_space<hbm>>
            tpu.enqueue_dma source(%dma_start3A_108 : memref<136xf32, #tpu.memory_space<hbm>>) target(%dma_start3A_106 : memref<136xf32, #tpu.memory_space<vmem>>) target_semaphore(%run_scoped3A : memref<!tpu.dma_semaphore, #tpu.memory_space<semaphore_mem>>)
            %dma_wait3A_109 = arith.constant 6552 : i32
            %dma_wait3A_110 = tpu.memref_slice %arg7[%dma_wait3A_109] : memref<8752xf32, #tpu.memory_space<vmem>> -> memref<136xf32, #tpu.memory_space<vmem>>
            %dma_wait3A_111 = arith.constant 2097016 : i32
            %dma_wait3A_112 = tpu.memref_slice %arg5[%dma_wait3A_111] : memref<2097152xf32, #tpu.memory_space<hbm>> -> memref<136xf32, #tpu.memory_space<hbm>>
            %dma_wait3A_113 = arith.constant 6552 : i32
            %dma_wait3A_114 = tpu.memref_slice %arg7[%dma_wait3A_113] : memref<8752xf32, #tpu.memory_space<vmem>> -> memref<136xf32, #tpu.memory_space<vmem>>
            %dma_wait3A_115 = arith.constant 2097016 : i32
            %dma_wait3A_116 = tpu.memref_slice %arg5[%dma_wait3A_115] : memref<2097152xf32, #tpu.memory_space<hbm>> -> memref<136xf32, #tpu.memory_space<hbm>>
            tpu.wait_dma2 semaphore(%run_scoped3A : memref<!tpu.dma_semaphore, #tpu.memory_space<semaphore_mem>>) src(%dma_wait3A_116 : memref<136xf32, #tpu.memory_space<hbm>>) dst(%dma_wait3A_114 : memref<136xf32, #tpu.memory_space<vmem>>)
            tpu.yield
          }) : () -> ()
        } else {
        }
        %parallel_loop3A = arith.constant 0 : i32
        %parallel_loop3A_86 = arith.constant 2048 : i32
        %parallel_loop3A_87 = arith.constant 1 : i32
        scf.for %parallel_loop3A_98 = %parallel_loop3A to %parallel_loop3A_86 step %parallel_loop3A_87  : i32 {
          %parallel_loop3A_99 = vector.broadcast %parallel_loop3A_98 : i32 to vector<16xi32>
          %parallel_loop3A_100 = arith.addi %add3A_18, %parallel_loop3A_99 : vector<16xi32>
          %parallel_loop3A_101 = tpu.vector_load_idx %arg7[%parallel_loop3A_100] : memref<8752xf32, #tpu.memory_space<vmem>>[vector<16xi32>], vector<16xf32>,
          %parallel_loop3A_102 = arith.constant 16 : i32
          %parallel_loop3A_103 = arith.muli %parallel_loop3A_98, %parallel_loop3A_102 : i32
          %parallel_loop3A_104 = arith.constant 0 : i32
          %parallel_loop3A_105 = arith.index_cast %parallel_loop3A_104 : i32 to index
          %parallel_loop3A_106 = arith.index_cast %parallel_loop3A_103 : i32 to index
          %parallel_loop3A_107 = tpu.vector_load %arg8[%parallel_loop3A_105, %parallel_loop3A_106] {strides = array<i32>} : memref<2x32768xf32, #tpu.memory_space<vmem>>, vector<16xf32>,
          tpu.vector_store %arg8[%parallel_loop3A_105, %parallel_loop3A_106], %parallel_loop3A_101 {strides = array<i32>} : memref<2x32768xf32, #tpu.memory_space<vmem>>, vector<16xf32>,
        } {sc.loop_unroll_factor = 8 : i64, sc.parallel_access}
        %mul3A_88 = arith.constant 16 : i32
        %mul3A_89 = arith.muli %add3A_62, %mul3A_88 : i32
        %dma_start3A = arith.constant 0 : i32
        %dma_start3A_90 = arith.constant 0 : i32
        %dma_start3A_91 = tpu.memref_slice %arg8[%dma_start3A, %dma_start3A_90] : memref<2x32768xf32, #tpu.memory_space<vmem>> -> memref<1x32768xf32, #tpu.memory_space<vmem>>
        %dma_start3A_92 = tpu.memref_squeeze %dma_start3A_91 : memref<1x32768xf32, #tpu.memory_space<vmem>> -> memref<32768xf32, #tpu.memory_space<vmem>>
        %dma_start3A_93 = tpu.memref_slice %arg6[%mul3A_89] : memref<34603008xf32, #tpu.memory_space<hbm>> -> memref<32768xf32, #tpu.memory_space<hbm>>
        %dma_start3A_94 = tpu.memref_slice %arg6[%mul3A_89] : memref<34603008xf32, #tpu.memory_space<hbm>> -> memref<32768xf32, #tpu.memory_space<hbm>>
        %dma_start3A_95 = arith.constant 0 : i32
        %dma_start3A_96 = tpu.memref_slice %arg8[%dma_start3A, %dma_start3A_95] : memref<2x32768xf32, #tpu.memory_space<vmem>> -> memref<1x32768xf32, #tpu.memory_space<vmem>>
        %dma_start3A_97 = tpu.memref_squeeze %dma_start3A_96 : memref<1x32768xf32, #tpu.memory_space<vmem>> -> memref<32768xf32, #tpu.memory_space<vmem>>
        tpu.enqueue_dma source(%dma_start3A_97 : memref<32768xf32, #tpu.memory_space<vmem>>) target(%dma_start3A_94 : memref<32768xf32, #tpu.memory_space<hbm>>) target_semaphore(%arg9 : memref<!tpu.dma_semaphore, #tpu.memory_space<semaphore_mem>>)
      } else {
      }
      %add3A_55 = arith.constant 2048 : i32
      %add3A_56 = arith.addi %add3A_50, %add3A_55 : i32
      %lt3A_57 = arith.constant 67584 : i32
      %lt3A_58 = arith.cmpi slt, %add3A_56, %lt3A_57 : i32
      %convert_element_type3A_59 = arith.extui %lt3A_58 : i1 to i32
      %cond3A_60 = arith.constant 0 : i32
      %cond3A_61 = arith.cmpi ne, %convert_element_type3A_59, %cond3A_60 : i32
      scf.if %cond3A_61 {
        %add3A_62 = arith.addi %mul3A_20, %add3A_56 : i32
        %sub3A = arith.constant 136 : i32
        %sub3A_63 = arith.subi %add3A_62, %sub3A : i32
        %gt3A = arith.constant 0 : i32
        %gt3A_64 = arith.cmpi sgt, %add3A_50, %gt3A : i32
        %convert_element_type3A_65 = arith.extui %gt3A_64 : i1 to i32
        %cond3A_66 = arith.constant 0 : i32
        %cond3A_67 = arith.cmpi ne, %convert_element_type3A_65, %cond3A_66 : i32
        scf.if %cond3A_67 {
          %dma_wait3A_98 = arith.constant 1 : i32
          %dma_wait3A_99 = arith.constant 0 : i32
          %dma_wait3A_100 = tpu.memref_slice %arg8[%dma_wait3A_98, %dma_wait3A_99] : memref<2x32768xf32, #tpu.memory_space<vmem>> -> memref<1x32768xf32, #tpu.memory_space<vmem>>
          %dma_wait3A_101 = tpu.memref_squeeze %dma_wait3A_100 : memref<1x32768xf32, #tpu.memory_space<vmem>> -> memref<32768xf32, #tpu.memory_space<vmem>>
          %dma_wait3A_102 = arith.constant 0 : i32
          %dma_wait3A_103 = tpu.memref_slice %arg6[%dma_wait3A_102] : memref<34603008xf32, #tpu.memory_space<hbm>> -> memref<32768xf32, #tpu.memory_space<hbm>>
          %dma_wait3A_104 = arith.constant 0 : i32
          %dma_wait3A_105 = tpu.memref_slice %arg6[%dma_wait3A_104] : memref<34603008xf32, #tpu.memory_space<hbm>> -> memref<32768xf32, #tpu.memory_space<hbm>>
          %dma_wait3A_106 = arith.constant 0 : i32
          %dma_wait3A_107 = tpu.memref_slice %arg8[%dma_wait3A_98, %dma_wait3A_106] : memref<2x32768xf32, #tpu.memory_space<vmem>> -> memref<1x32768xf32, #tpu.memory_space<vmem>>
          %dma_wait3A_108 = tpu.memref_squeeze %dma_wait3A_107 : memref<1x32768xf32, #tpu.memory_space<vmem>> -> memref<32768xf32, #tpu.memory_space<vmem>>
          tpu.wait_dma2 semaphore(%arg9 : memref<!tpu.dma_semaphore, #tpu.memory_space<semaphore_mem>>) src(%dma_wait3A_108 : memref<32768xf32, #tpu.memory_space<vmem>>) dst(%dma_wait3A_105 : memref<32768xf32, #tpu.memory_space<hbm>>)
        } else {
        }
        %eq3A = arith.constant 0 : i32
        %eq3A_68 = arith.cmpi eq, %add3A_62, %eq3A : i32
        %convert_element_type3A_69 = arith.extui %eq3A_68 : i1 to i32
        %cond3A_70 = arith.constant 0 : i32
        %cond3A_71 = arith.cmpi ne, %convert_element_type3A_69, %cond3A_70 : i32
        scf.if %cond3A_71 {
          %parallel_loop3A_98 = arith.constant 0 : i32
          %parallel_loop3A_99 = arith.constant 136 : i32
          %parallel_loop3A_100 = arith.constant 16 : i32
          scf.for %parallel_loop3A_101 = %parallel_loop3A_98 to %parallel_loop3A_99 step %parallel_loop3A_100  : i32 {
            %parallel_loop3A_102 = arith.constant 0.000000e+00 : f32
            %parallel_loop3A_103 = vector.broadcast %parallel_loop3A_102 : f32 to vector<16xf32>
            %parallel_loop3A_104 = arith.constant 0 : i32
            %parallel_loop3A_105 = arith.addi %parallel_loop3A_104, %parallel_loop3A_101 : i32
            %parallel_loop3A_106 = arith.index_cast %parallel_loop3A_105 : i32 to index
            %parallel_loop3A_107 = tpu.vector_load %arg7[%parallel_loop3A_106] {strides = array<i32>} : memref<8752xf32, #tpu.memory_space<vmem>>, vector<16xf32>,
            tpu.vector_store %arg7[%parallel_loop3A_106], %parallel_loop3A_103 {strides = array<i32>} : memref<8752xf32, #tpu.memory_space<vmem>>, vector<16xf32>,
            %parallel_loop3A_108 = arith.constant 0.000000e+00 : f32
            %parallel_loop3A_109 = vector.broadcast %parallel_loop3A_108 : f32 to vector<16xf32>
            %parallel_loop3A_110 = arith.constant 2184 : i32
            %parallel_loop3A_111 = arith.addi %parallel_loop3A_110, %parallel_loop3A_101 : i32
            %parallel_loop3A_112 = arith.index_cast %parallel_loop3A_111 : i32 to index
            %parallel_loop3A_113 = tpu.vector_load %arg7[%parallel_loop3A_112] {strides = array<i32>} : memref<8752xf32, #tpu.memory_space<vmem>>, vector<16xf32>,
            tpu.vector_store %arg7[%parallel_loop3A_112], %parallel_loop3A_109 {strides = array<i32>} : memref<8752xf32, #tpu.memory_space<vmem>>, vector<16xf32>,
            %parallel_loop3A_114 = arith.constant 0.000000e+00 : f32
            %parallel_loop3A_115 = vector.broadcast %parallel_loop3A_114 : f32 to vector<16xf32>
            %parallel_loop3A_116 = arith.constant 4368 : i32
            %parallel_loop3A_117 = arith.addi %parallel_loop3A_116, %parallel_loop3A_101 : i32
            %parallel_loop3A_118 = arith.index_cast %parallel_loop3A_117 : i32 to index
            %parallel_loop3A_119 = tpu.vector_load %arg7[%parallel_loop3A_118] {strides = array<i32>} : memref<8752xf32, #tpu.memory_space<vmem>>, vector<16xf32>,
            tpu.vector_store %arg7[%parallel_loop3A_118], %parallel_loop3A_115 {strides = array<i32>} : memref<8752xf32, #tpu.memory_space<vmem>>, vector<16xf32>,
            %parallel_loop3A_120 = arith.constant 0.000000e+00 : f32
            %parallel_loop3A_121 = vector.broadcast %parallel_loop3A_120 : f32 to vector<16xf32>
            %parallel_loop3A_122 = arith.constant 6552 : i32
            %parallel_loop3A_123 = arith.addi %parallel_loop3A_122, %parallel_loop3A_101 : i32
            %parallel_loop3A_124 = arith.index_cast %parallel_loop3A_123 : i32 to index
            %parallel_loop3A_125 = tpu.vector_load %arg7[%parallel_loop3A_124] {strides = array<i32>} : memref<8752xf32, #tpu.memory_space<vmem>>, vector<16xf32>,
            tpu.vector_store %arg7[%parallel_loop3A_124], %parallel_loop3A_121 {strides = array<i32>} : memref<8752xf32, #tpu.memory_space<vmem>>, vector<16xf32>,
          } {sc.loop_unroll_factor = 1 : i64, sc.parallel_access}
          "tpu.region"() ({
            %run_scoped3A = tpu.sem_alloc : memref<!tpu.dma_semaphore, #tpu.memory_space<semaphore_mem>>
            %dma_start3A_101 = arith.constant 136 : i32
            %dma_start3A_102 = tpu.memref_slice %arg7[%dma_start3A_101] : memref<8752xf32, #tpu.memory_space<vmem>> -> memref<2048xf32, #tpu.memory_space<vmem>>
            %dma_start3A_103 = arith.constant 0 : i32
            %dma_start3A_104 = tpu.memref_slice %arg2[%dma_start3A_103] : memref<2097152xf32, #tpu.memory_space<hbm>> -> memref<2048xf32, #tpu.memory_space<hbm>>
            %dma_start3A_105 = arith.constant 136 : i32
            %dma_start3A_106 = tpu.memref_slice %arg7[%dma_start3A_105] : memref<8752xf32, #tpu.memory_space<vmem>> -> memref<2048xf32, #tpu.memory_space<vmem>>
            %dma_start3A_107 = arith.constant 0 : i32
            %dma_start3A_108 = tpu.memref_slice %arg2[%dma_start3A_107] : memref<2097152xf32, #tpu.memory_space<hbm>> -> memref<2048xf32, #tpu.memory_space<hbm>>
            tpu.enqueue_dma source(%dma_start3A_108 : memref<2048xf32, #tpu.memory_space<hbm>>) target(%dma_start3A_106 : memref<2048xf32, #tpu.memory_space<vmem>>) target_semaphore(%run_scoped3A : memref<!tpu.dma_semaphore, #tpu.memory_space<semaphore_mem>>)
            %dma_wait3A_109 = arith.constant 136 : i32
            %dma_wait3A_110 = tpu.memref_slice %arg7[%dma_wait3A_109] : memref<8752xf32, #tpu.memory_space<vmem>> -> memref<2048xf32, #tpu.memory_space<vmem>>
            %dma_wait3A_111 = arith.constant 0 : i32
            %dma_wait3A_112 = tpu.memref_slice %arg2[%dma_wait3A_111] : memref<2097152xf32, #tpu.memory_space<hbm>> -> memref<2048xf32, #tpu.memory_space<hbm>>
            %dma_wait3A_113 = arith.constant 136 : i32
            %dma_wait3A_114 = tpu.memref_slice %arg7[%dma_wait3A_113] : memref<8752xf32, #tpu.memory_space<vmem>> -> memref<2048xf32, #tpu.memory_space<vmem>>
            %dma_wait3A_115 = arith.constant 0 : i32
            %dma_wait3A_116 = tpu.memref_slice %arg2[%dma_wait3A_115] : memref<2097152xf32, #tpu.memory_space<hbm>> -> memref<2048xf32, #tpu.memory_space<hbm>>
            tpu.wait_dma2 semaphore(%run_scoped3A : memref<!tpu.dma_semaphore, #tpu.memory_space<semaphore_mem>>) src(%dma_wait3A_116 : memref<2048xf32, #tpu.memory_space<hbm>>) dst(%dma_wait3A_114 : memref<2048xf32, #tpu.memory_space<vmem>>)
            tpu.yield
          }) : () -> ()
          "tpu.region"() ({
            %run_scoped3A = tpu.sem_alloc : memref<!tpu.dma_semaphore, #tpu.memory_space<semaphore_mem>>
            %dma_start3A_101 = arith.constant 2320 : i32
            %dma_start3A_102 = tpu.memref_slice %arg7[%dma_start3A_101] : memref<8752xf32, #tpu.memory_space<vmem>> -> memref<2048xf32, #tpu.memory_space<vmem>>
            %dma_start3A_103 = arith.constant 0 : i32
            %dma_start3A_104 = tpu.memref_slice %arg3[%dma_start3A_103] : memref<2097152xf32, #tpu.memory_space<hbm>> -> memref<2048xf32, #tpu.memory_space<hbm>>
            %dma_start3A_105 = arith.constant 2320 : i32
            %dma_start3A_106 = tpu.memref_slice %arg7[%dma_start3A_105] : memref<8752xf32, #tpu.memory_space<vmem>> -> memref<2048xf32, #tpu.memory_space<vmem>>
            %dma_start3A_107 = arith.constant 0 : i32
            %dma_start3A_108 = tpu.memref_slice %arg3[%dma_start3A_107] : memref<2097152xf32, #tpu.memory_space<hbm>> -> memref<2048xf32, #tpu.memory_space<hbm>>
            tpu.enqueue_dma source(%dma_start3A_108 : memref<2048xf32, #tpu.memory_space<hbm>>) target(%dma_start3A_106 : memref<2048xf32, #tpu.memory_space<vmem>>) target_semaphore(%run_scoped3A : memref<!tpu.dma_semaphore, #tpu.memory_space<semaphore_mem>>)
            %dma_wait3A_109 = arith.constant 2320 : i32
            %dma_wait3A_110 = tpu.memref_slice %arg7[%dma_wait3A_109] : memref<8752xf32, #tpu.memory_space<vmem>> -> memref<2048xf32, #tpu.memory_space<vmem>>
            %dma_wait3A_111 = arith.constant 0 : i32
            %dma_wait3A_112 = tpu.memref_slice %arg3[%dma_wait3A_111] : memref<2097152xf32, #tpu.memory_space<hbm>> -> memref<2048xf32, #tpu.memory_space<hbm>>
            %dma_wait3A_113 = arith.constant 2320 : i32
            %dma_wait3A_114 = tpu.memref_slice %arg7[%dma_wait3A_113] : memref<8752xf32, #tpu.memory_space<vmem>> -> memref<2048xf32, #tpu.memory_space<vmem>>
            %dma_wait3A_115 = arith.constant 0 : i32
            %dma_wait3A_116 = tpu.memref_slice %arg3[%dma_wait3A_115] : memref<2097152xf32, #tpu.memory_space<hbm>> -> memref<2048xf32, #tpu.memory_space<hbm>>
            tpu.wait_dma2 semaphore(%run_scoped3A : memref<!tpu.dma_semaphore, #tpu.memory_space<semaphore_mem>>) src(%dma_wait3A_116 : memref<2048xf32, #tpu.memory_space<hbm>>) dst(%dma_wait3A_114 : memref<2048xf32, #tpu.memory_space<vmem>>)
            tpu.yield
          }) : () -> ()
          "tpu.region"() ({
            %run_scoped3A = tpu.sem_alloc : memref<!tpu.dma_semaphore, #tpu.memory_space<semaphore_mem>>
            %dma_start3A_101 = arith.constant 4504 : i32
            %dma_start3A_102 = tpu.memref_slice %arg7[%dma_start3A_101] : memref<8752xf32, #tpu.memory_space<vmem>> -> memref<2048xf32, #tpu.memory_space<vmem>>
            %dma_start3A_103 = arith.constant 0 : i32
            %dma_start3A_104 = tpu.memref_slice %arg4[%dma_start3A_103] : memref<2097152xf32, #tpu.memory_space<hbm>> -> memref<2048xf32, #tpu.memory_space<hbm>>
            %dma_start3A_105 = arith.constant 4504 : i32
            %dma_start3A_106 = tpu.memref_slice %arg7[%dma_start3A_105] : memref<8752xf32, #tpu.memory_space<vmem>> -> memref<2048xf32, #tpu.memory_space<vmem>>
            %dma_start3A_107 = arith.constant 0 : i32
            %dma_start3A_108 = tpu.memref_slice %arg4[%dma_start3A_107] : memref<2097152xf32, #tpu.memory_space<hbm>> -> memref<2048xf32, #tpu.memory_space<hbm>>
            tpu.enqueue_dma source(%dma_start3A_108 : memref<2048xf32, #tpu.memory_space<hbm>>) target(%dma_start3A_106 : memref<2048xf32, #tpu.memory_space<vmem>>) target_semaphore(%run_scoped3A : memref<!tpu.dma_semaphore, #tpu.memory_space<semaphore_mem>>)
            %dma_wait3A_109 = arith.constant 4504 : i32
            %dma_wait3A_110 = tpu.memref_slice %arg7[%dma_wait3A_109] : memref<8752xf32, #tpu.memory_space<vmem>> -> memref<2048xf32, #tpu.memory_space<vmem>>
            %dma_wait3A_111 = arith.constant 0 : i32
            %dma_wait3A_112 = tpu.memref_slice %arg4[%dma_wait3A_111] : memref<2097152xf32, #tpu.memory_space<hbm>> -> memref<2048xf32, #tpu.memory_space<hbm>>
            %dma_wait3A_113 = arith.constant 4504 : i32
            %dma_wait3A_114 = tpu.memref_slice %arg7[%dma_wait3A_113] : memref<8752xf32, #tpu.memory_space<vmem>> -> memref<2048xf32, #tpu.memory_space<vmem>>
            %dma_wait3A_115 = arith.constant 0 : i32
            %dma_wait3A_116 = tpu.memref_slice %arg4[%dma_wait3A_115] : memref<2097152xf32, #tpu.memory_space<hbm>> -> memref<2048xf32, #tpu.memory_space<hbm>>
            tpu.wait_dma2 semaphore(%run_scoped3A : memref<!tpu.dma_semaphore, #tpu.memory_space<semaphore_mem>>) src(%dma_wait3A_116 : memref<2048xf32, #tpu.memory_space<hbm>>) dst(%dma_wait3A_114 : memref<2048xf32, #tpu.memory_space<vmem>>)
            tpu.yield
          }) : () -> ()
          "tpu.region"() ({
            %run_scoped3A = tpu.sem_alloc : memref<!tpu.dma_semaphore, #tpu.memory_space<semaphore_mem>>
            %dma_start3A_101 = arith.constant 6688 : i32
            %dma_start3A_102 = tpu.memref_slice %arg7[%dma_start3A_101] : memref<8752xf32, #tpu.memory_space<vmem>> -> memref<2048xf32, #tpu.memory_space<vmem>>
            %dma_start3A_103 = arith.constant 0 : i32
            %dma_start3A_104 = tpu.memref_slice %arg5[%dma_start3A_103] : memref<2097152xf32, #tpu.memory_space<hbm>> -> memref<2048xf32, #tpu.memory_space<hbm>>
            %dma_start3A_105 = arith.constant 6688 : i32
            %dma_start3A_106 = tpu.memref_slice %arg7[%dma_start3A_105] : memref<8752xf32, #tpu.memory_space<vmem>> -> memref<2048xf32, #tpu.memory_space<vmem>>
            %dma_start3A_107 = arith.constant 0 : i32
            %dma_start3A_108 = tpu.memref_slice %arg5[%dma_start3A_107] : memref<2097152xf32, #tpu.memory_space<hbm>> -> memref<2048xf32, #tpu.memory_space<hbm>>
            tpu.enqueue_dma source(%dma_start3A_108 : memref<2048xf32, #tpu.memory_space<hbm>>) target(%dma_start3A_106 : memref<2048xf32, #tpu.memory_space<vmem>>) target_semaphore(%run_scoped3A : memref<!tpu.dma_semaphore, #tpu.memory_space<semaphore_mem>>)
            %dma_wait3A_109 = arith.constant 6688 : i32
            %dma_wait3A_110 = tpu.memref_slice %arg7[%dma_wait3A_109] : memref<8752xf32, #tpu.memory_space<vmem>> -> memref<2048xf32, #tpu.memory_space<vmem>>
            %dma_wait3A_111 = arith.constant 0 : i32
            %dma_wait3A_112 = tpu.memref_slice %arg5[%dma_wait3A_111] : memref<2097152xf32, #tpu.memory_space<hbm>> -> memref<2048xf32, #tpu.memory_space<hbm>>
            %dma_wait3A_113 = arith.constant 6688 : i32
            %dma_wait3A_114 = tpu.memref_slice %arg7[%dma_wait3A_113] : memref<8752xf32, #tpu.memory_space<vmem>> -> memref<2048xf32, #tpu.memory_space<vmem>>
            %dma_wait3A_115 = arith.constant 0 : i32
            %dma_wait3A_116 = tpu.memref_slice %arg5[%dma_wait3A_115] : memref<2097152xf32, #tpu.memory_space<hbm>> -> memref<2048xf32, #tpu.memory_space<hbm>>
            tpu.wait_dma2 semaphore(%run_scoped3A : memref<!tpu.dma_semaphore, #tpu.memory_space<semaphore_mem>>) src(%dma_wait3A_116 : memref<2048xf32, #tpu.memory_space<hbm>>) dst(%dma_wait3A_114 : memref<2048xf32, #tpu.memory_space<vmem>>)
            tpu.yield
          }) : () -> ()
        } else {
        }
        %gt3A_72 = arith.constant 0 : i32
        %gt3A_73 = arith.cmpi sgt, %add3A_62, %gt3A_72 : i32
        %add3A_74 = arith.constant 2048 : i32
        %add3A_75 = arith.addi %add3A_62, %add3A_74 : i32
        %le3A = arith.constant 2097152 : i32
        %le3A_76 = arith.cmpi sle, %add3A_75, %le3A : i32
        %and3A_77 = arith.andi %gt3A_73, %le3A_76 : i1
        %convert_element_type3A_78 = arith.extui %and3A_77 : i1 to i32
        %cond3A_79 = arith.constant 0 : i32
        %cond3A_80 = arith.cmpi ne, %convert_element_type3A_78, %cond3A_79 : i32
        scf.if %cond3A_80 {
          "tpu.region"() ({
            %run_scoped3A = tpu.sem_alloc : memref<!tpu.dma_semaphore, #tpu.memory_space<semaphore_mem>>
            %dma_start3A_98 = arith.constant 0 : i32
            %dma_start3A_99 = tpu.memref_slice %arg7[%dma_start3A_98] : memref<8752xf32, #tpu.memory_space<vmem>> -> memref<2184xf32, #tpu.memory_space<vmem>>
            %dma_start3A_100 = tpu.memref_slice %arg2[%sub3A_63] : memref<2097152xf32, #tpu.memory_space<hbm>> -> memref<2184xf32, #tpu.memory_space<hbm>>
            %dma_start3A_101 = arith.constant 0 : i32
            %dma_start3A_102 = tpu.memref_slice %arg7[%dma_start3A_101] : memref<8752xf32, #tpu.memory_space<vmem>> -> memref<2184xf32, #tpu.memory_space<vmem>>
            %dma_start3A_103 = tpu.memref_slice %arg2[%sub3A_63] : memref<2097152xf32, #tpu.memory_space<hbm>> -> memref<2184xf32, #tpu.memory_space<hbm>>
            tpu.enqueue_dma source(%dma_start3A_103 : memref<2184xf32, #tpu.memory_space<hbm>>) target(%dma_start3A_102 : memref<2184xf32, #tpu.memory_space<vmem>>) target_semaphore(%run_scoped3A : memref<!tpu.dma_semaphore, #tpu.memory_space<semaphore_mem>>)
            %dma_wait3A_104 = arith.constant 0 : i32
            %dma_wait3A_105 = tpu.memref_slice %arg7[%dma_wait3A_104] : memref<8752xf32, #tpu.memory_space<vmem>> -> memref<2184xf32, #tpu.memory_space<vmem>>
            %dma_wait3A_106 = tpu.memref_slice %arg2[%sub3A_63] : memref<2097152xf32, #tpu.memory_space<hbm>> -> memref<2184xf32, #tpu.memory_space<hbm>>
            %dma_wait3A_107 = arith.constant 0 : i32
            %dma_wait3A_108 = tpu.memref_slice %arg7[%dma_wait3A_107] : memref<8752xf32, #tpu.memory_space<vmem>> -> memref<2184xf32, #tpu.memory_space<vmem>>
            %dma_wait3A_109 = tpu.memref_slice %arg2[%sub3A_63] : memref<2097152xf32, #tpu.memory_space<hbm>> -> memref<2184xf32, #tpu.memory_space<hbm>>
            tpu.wait_dma2 semaphore(%run_scoped3A : memref<!tpu.dma_semaphore, #tpu.memory_space<semaphore_mem>>) src(%dma_wait3A_109 : memref<2184xf32, #tpu.memory_space<hbm>>) dst(%dma_wait3A_108 : memref<2184xf32, #tpu.memory_space<vmem>>)
            tpu.yield
          }) : () -> ()
          "tpu.region"() ({
            %run_scoped3A = tpu.sem_alloc : memref<!tpu.dma_semaphore, #tpu.memory_space<semaphore_mem>>
            %dma_start3A_98 = arith.constant 2184 : i32
            %dma_start3A_99 = tpu.memref_slice %arg7[%dma_start3A_98] : memref<8752xf32, #tpu.memory_space<vmem>> -> memref<2184xf32, #tpu.memory_space<vmem>>
            %dma_start3A_100 = tpu.memref_slice %arg3[%sub3A_63] : memref<2097152xf32, #tpu.memory_space<hbm>> -> memref<2184xf32, #tpu.memory_space<hbm>>
            %dma_start3A_101 = arith.constant 2184 : i32
            %dma_start3A_102 = tpu.memref_slice %arg7[%dma_start3A_101] : memref<8752xf32, #tpu.memory_space<vmem>> -> memref<2184xf32, #tpu.memory_space<vmem>>
            %dma_start3A_103 = tpu.memref_slice %arg3[%sub3A_63] : memref<2097152xf32, #tpu.memory_space<hbm>> -> memref<2184xf32, #tpu.memory_space<hbm>>
            tpu.enqueue_dma source(%dma_start3A_103 : memref<2184xf32, #tpu.memory_space<hbm>>) target(%dma_start3A_102 : memref<2184xf32, #tpu.memory_space<vmem>>) target_semaphore(%run_scoped3A : memref<!tpu.dma_semaphore, #tpu.memory_space<semaphore_mem>>)
            %dma_wait3A_104 = arith.constant 2184 : i32
            %dma_wait3A_105 = tpu.memref_slice %arg7[%dma_wait3A_104] : memref<8752xf32, #tpu.memory_space<vmem>> -> memref<2184xf32, #tpu.memory_space<vmem>>
            %dma_wait3A_106 = tpu.memref_slice %arg3[%sub3A_63] : memref<2097152xf32, #tpu.memory_space<hbm>> -> memref<2184xf32, #tpu.memory_space<hbm>>
            %dma_wait3A_107 = arith.constant 2184 : i32
            %dma_wait3A_108 = tpu.memref_slice %arg7[%dma_wait3A_107] : memref<8752xf32, #tpu.memory_space<vmem>> -> memref<2184xf32, #tpu.memory_space<vmem>>
            %dma_wait3A_109 = tpu.memref_slice %arg3[%sub3A_63] : memref<2097152xf32, #tpu.memory_space<hbm>> -> memref<2184xf32, #tpu.memory_space<hbm>>
            tpu.wait_dma2 semaphore(%run_scoped3A : memref<!tpu.dma_semaphore, #tpu.memory_space<semaphore_mem>>) src(%dma_wait3A_109 : memref<2184xf32, #tpu.memory_space<hbm>>) dst(%dma_wait3A_108 : memref<2184xf32, #tpu.memory_space<vmem>>)
            tpu.yield
          }) : () -> ()
          "tpu.region"() ({
            %run_scoped3A = tpu.sem_alloc : memref<!tpu.dma_semaphore, #tpu.memory_space<semaphore_mem>>
            %dma_start3A_98 = arith.constant 4368 : i32
            %dma_start3A_99 = tpu.memref_slice %arg7[%dma_start3A_98] : memref<8752xf32, #tpu.memory_space<vmem>> -> memref<2184xf32, #tpu.memory_space<vmem>>
            %dma_start3A_100 = tpu.memref_slice %arg4[%sub3A_63] : memref<2097152xf32, #tpu.memory_space<hbm>> -> memref<2184xf32, #tpu.memory_space<hbm>>
            %dma_start3A_101 = arith.constant 4368 : i32
            %dma_start3A_102 = tpu.memref_slice %arg7[%dma_start3A_101] : memref<8752xf32, #tpu.memory_space<vmem>> -> memref<2184xf32, #tpu.memory_space<vmem>>
            %dma_start3A_103 = tpu.memref_slice %arg4[%sub3A_63] : memref<2097152xf32, #tpu.memory_space<hbm>> -> memref<2184xf32, #tpu.memory_space<hbm>>
            tpu.enqueue_dma source(%dma_start3A_103 : memref<2184xf32, #tpu.memory_space<hbm>>) target(%dma_start3A_102 : memref<2184xf32, #tpu.memory_space<vmem>>) target_semaphore(%run_scoped3A : memref<!tpu.dma_semaphore, #tpu.memory_space<semaphore_mem>>)
            %dma_wait3A_104 = arith.constant 4368 : i32
            %dma_wait3A_105 = tpu.memref_slice %arg7[%dma_wait3A_104] : memref<8752xf32, #tpu.memory_space<vmem>> -> memref<2184xf32, #tpu.memory_space<vmem>>
            %dma_wait3A_106 = tpu.memref_slice %arg4[%sub3A_63] : memref<2097152xf32, #tpu.memory_space<hbm>> -> memref<2184xf32, #tpu.memory_space<hbm>>
            %dma_wait3A_107 = arith.constant 4368 : i32
            %dma_wait3A_108 = tpu.memref_slice %arg7[%dma_wait3A_107] : memref<8752xf32, #tpu.memory_space<vmem>> -> memref<2184xf32, #tpu.memory_space<vmem>>
            %dma_wait3A_109 = tpu.memref_slice %arg4[%sub3A_63] : memref<2097152xf32, #tpu.memory_space<hbm>> -> memref<2184xf32, #tpu.memory_space<hbm>>
            tpu.wait_dma2 semaphore(%run_scoped3A : memref<!tpu.dma_semaphore, #tpu.memory_space<semaphore_mem>>) src(%dma_wait3A_109 : memref<2184xf32, #tpu.memory_space<hbm>>) dst(%dma_wait3A_108 : memref<2184xf32, #tpu.memory_space<vmem>>)
            tpu.yield
          }) : () -> ()
          "tpu.region"() ({
            %run_scoped3A = tpu.sem_alloc : memref<!tpu.dma_semaphore, #tpu.memory_space<semaphore_mem>>
            %dma_start3A_98 = arith.constant 6552 : i32
            %dma_start3A_99 = tpu.memref_slice %arg7[%dma_start3A_98] : memref<8752xf32, #tpu.memory_space<vmem>> -> memref<2184xf32, #tpu.memory_space<vmem>>
            %dma_start3A_100 = tpu.memref_slice %arg5[%sub3A_63] : memref<2097152xf32, #tpu.memory_space<hbm>> -> memref<2184xf32, #tpu.memory_space<hbm>>
            %dma_start3A_101 = arith.constant 6552 : i32
            %dma_start3A_102 = tpu.memref_slice %arg7[%dma_start3A_101] : memref<8752xf32, #tpu.memory_space<vmem>> -> memref<2184xf32, #tpu.memory_space<vmem>>
            %dma_start3A_103 = tpu.memref_slice %arg5[%sub3A_63] : memref<2097152xf32, #tpu.memory_space<hbm>> -> memref<2184xf32, #tpu.memory_space<hbm>>
            tpu.enqueue_dma source(%dma_start3A_103 : memref<2184xf32, #tpu.memory_space<hbm>>) target(%dma_start3A_102 : memref<2184xf32, #tpu.memory_space<vmem>>) target_semaphore(%run_scoped3A : memref<!tpu.dma_semaphore, #tpu.memory_space<semaphore_mem>>)
            %dma_wait3A_104 = arith.constant 6552 : i32
            %dma_wait3A_105 = tpu.memref_slice %arg7[%dma_wait3A_104] : memref<8752xf32, #tpu.memory_space<vmem>> -> memref<2184xf32, #tpu.memory_space<vmem>>
            %dma_wait3A_106 = tpu.memref_slice %arg5[%sub3A_63] : memref<2097152xf32, #tpu.memory_space<hbm>> -> memref<2184xf32, #tpu.memory_space<hbm>>
            %dma_wait3A_107 = arith.constant 6552 : i32
            %dma_wait3A_108 = tpu.memref_slice %arg7[%dma_wait3A_107] : memref<8752xf32, #tpu.memory_space<vmem>> -> memref<2184xf32, #tpu.memory_space<vmem>>
            %dma_wait3A_109 = tpu.memref_slice %arg5[%sub3A_63] : memref<2097152xf32, #tpu.memory_space<hbm>> -> memref<2184xf32, #tpu.memory_space<hbm>>
            tpu.wait_dma2 semaphore(%run_scoped3A : memref<!tpu.dma_semaphore, #tpu.memory_space<semaphore_mem>>) src(%dma_wait3A_109 : memref<2184xf32, #tpu.memory_space<hbm>>) dst(%dma_wait3A_108 : memref<2184xf32, #tpu.memory_space<vmem>>)
            tpu.yield
          }) : () -> ()
        } else {
        }
        %eq3A_81 = arith.constant 2097152 : i32
        %eq3A_82 = arith.cmpi eq, %add3A_62, %eq3A_81 : i32
        %convert_element_type3A_83 = arith.extui %eq3A_82 : i1 to i32
        %cond3A_84 = arith.constant 0 : i32
        %cond3A_85 = arith.cmpi ne, %convert_element_type3A_83, %cond3A_84 : i32
        scf.if %cond3A_85 {
          %parallel_loop3A_98 = arith.constant 0 : i32
          %parallel_loop3A_99 = arith.constant 2184 : i32
          %parallel_loop3A_100 = arith.constant 16 : i32
          scf.for %parallel_loop3A_101 = %parallel_loop3A_98 to %parallel_loop3A_99 step %parallel_loop3A_100  : i32 {
            %parallel_loop3A_102 = arith.constant 0.000000e+00 : f32
            %parallel_loop3A_103 = vector.broadcast %parallel_loop3A_102 : f32 to vector<16xf32>
            %parallel_loop3A_104 = arith.constant 0 : i32
            %parallel_loop3A_105 = arith.addi %parallel_loop3A_104, %parallel_loop3A_101 : i32
            %parallel_loop3A_106 = arith.index_cast %parallel_loop3A_105 : i32 to index
            %parallel_loop3A_107 = tpu.vector_load %arg7[%parallel_loop3A_106] {strides = array<i32>} : memref<8752xf32, #tpu.memory_space<vmem>>, vector<16xf32>,
            tpu.vector_store %arg7[%parallel_loop3A_106], %parallel_loop3A_103 {strides = array<i32>} : memref<8752xf32, #tpu.memory_space<vmem>>, vector<16xf32>,
            %parallel_loop3A_108 = arith.constant 0.000000e+00 : f32
            %parallel_loop3A_109 = vector.broadcast %parallel_loop3A_108 : f32 to vector<16xf32>
            %parallel_loop3A_110 = arith.constant 2184 : i32
            %parallel_loop3A_111 = arith.addi %parallel_loop3A_110, %parallel_loop3A_101 : i32
            %parallel_loop3A_112 = arith.index_cast %parallel_loop3A_111 : i32 to index
            %parallel_loop3A_113 = tpu.vector_load %arg7[%parallel_loop3A_112] {strides = array<i32>} : memref<8752xf32, #tpu.memory_space<vmem>>, vector<16xf32>,
            tpu.vector_store %arg7[%parallel_loop3A_112], %parallel_loop3A_109 {strides = array<i32>} : memref<8752xf32, #tpu.memory_space<vmem>>, vector<16xf32>,
            %parallel_loop3A_114 = arith.constant 0.000000e+00 : f32
            %parallel_loop3A_115 = vector.broadcast %parallel_loop3A_114 : f32 to vector<16xf32>
            %parallel_loop3A_116 = arith.constant 4368 : i32
            %parallel_loop3A_117 = arith.addi %parallel_loop3A_116, %parallel_loop3A_101 : i32
            %parallel_loop3A_118 = arith.index_cast %parallel_loop3A_117 : i32 to index
            %parallel_loop3A_119 = tpu.vector_load %arg7[%parallel_loop3A_118] {strides = array<i32>} : memref<8752xf32, #tpu.memory_space<vmem>>, vector<16xf32>,
            tpu.vector_store %arg7[%parallel_loop3A_118], %parallel_loop3A_115 {strides = array<i32>} : memref<8752xf32, #tpu.memory_space<vmem>>, vector<16xf32>,
            %parallel_loop3A_120 = arith.constant 0.000000e+00 : f32
            %parallel_loop3A_121 = vector.broadcast %parallel_loop3A_120 : f32 to vector<16xf32>
            %parallel_loop3A_122 = arith.constant 6552 : i32
            %parallel_loop3A_123 = arith.addi %parallel_loop3A_122, %parallel_loop3A_101 : i32
            %parallel_loop3A_124 = arith.index_cast %parallel_loop3A_123 : i32 to index
            %parallel_loop3A_125 = tpu.vector_load %arg7[%parallel_loop3A_124] {strides = array<i32>} : memref<8752xf32, #tpu.memory_space<vmem>>, vector<16xf32>,
            tpu.vector_store %arg7[%parallel_loop3A_124], %parallel_loop3A_121 {strides = array<i32>} : memref<8752xf32, #tpu.memory_space<vmem>>, vector<16xf32>,
          } {sc.loop_unroll_factor = 1 : i64, sc.parallel_access}
          "tpu.region"() ({
            %run_scoped3A = tpu.sem_alloc : memref<!tpu.dma_semaphore, #tpu.memory_space<semaphore_mem>>
            %dma_start3A_101 = arith.constant 0 : i32
            %dma_start3A_102 = tpu.memref_slice %arg7[%dma_start3A_101] : memref<8752xf32, #tpu.memory_space<vmem>> -> memref<136xf32, #tpu.memory_space<vmem>>
            %dma_start3A_103 = arith.constant 2097016 : i32
            %dma_start3A_104 = tpu.memref_slice %arg2[%dma_start3A_103] : memref<2097152xf32, #tpu.memory_space<hbm>> -> memref<136xf32, #tpu.memory_space<hbm>>
            %dma_start3A_105 = arith.constant 0 : i32
            %dma_start3A_106 = tpu.memref_slice %arg7[%dma_start3A_105] : memref<8752xf32, #tpu.memory_space<vmem>> -> memref<136xf32, #tpu.memory_space<vmem>>
            %dma_start3A_107 = arith.constant 2097016 : i32
            %dma_start3A_108 = tpu.memref_slice %arg2[%dma_start3A_107] : memref<2097152xf32, #tpu.memory_space<hbm>> -> memref<136xf32, #tpu.memory_space<hbm>>
            tpu.enqueue_dma source(%dma_start3A_108 : memref<136xf32, #tpu.memory_space<hbm>>) target(%dma_start3A_106 : memref<136xf32, #tpu.memory_space<vmem>>) target_semaphore(%run_scoped3A : memref<!tpu.dma_semaphore, #tpu.memory_space<semaphore_mem>>)
            %dma_wait3A_109 = arith.constant 0 : i32
            %dma_wait3A_110 = tpu.memref_slice %arg7[%dma_wait3A_109] : memref<8752xf32, #tpu.memory_space<vmem>> -> memref<136xf32, #tpu.memory_space<vmem>>
            %dma_wait3A_111 = arith.constant 2097016 : i32
            %dma_wait3A_112 = tpu.memref_slice %arg2[%dma_wait3A_111] : memref<2097152xf32, #tpu.memory_space<hbm>> -> memref<136xf32, #tpu.memory_space<hbm>>
            %dma_wait3A_113 = arith.constant 0 : i32
            %dma_wait3A_114 = tpu.memref_slice %arg7[%dma_wait3A_113] : memref<8752xf32, #tpu.memory_space<vmem>> -> memref<136xf32, #tpu.memory_space<vmem>>
            %dma_wait3A_115 = arith.constant 2097016 : i32
            %dma_wait3A_116 = tpu.memref_slice %arg2[%dma_wait3A_115] : memref<2097152xf32, #tpu.memory_space<hbm>> -> memref<136xf32, #tpu.memory_space<hbm>>
            tpu.wait_dma2 semaphore(%run_scoped3A : memref<!tpu.dma_semaphore, #tpu.memory_space<semaphore_mem>>) src(%dma_wait3A_116 : memref<136xf32, #tpu.memory_space<hbm>>) dst(%dma_wait3A_114 : memref<136xf32, #tpu.memory_space<vmem>>)
            tpu.yield
          }) : () -> ()
          "tpu.region"() ({
            %run_scoped3A = tpu.sem_alloc : memref<!tpu.dma_semaphore, #tpu.memory_space<semaphore_mem>>
            %dma_start3A_101 = arith.constant 2184 : i32
            %dma_start3A_102 = tpu.memref_slice %arg7[%dma_start3A_101] : memref<8752xf32, #tpu.memory_space<vmem>> -> memref<136xf32, #tpu.memory_space<vmem>>
            %dma_start3A_103 = arith.constant 2097016 : i32
            %dma_start3A_104 = tpu.memref_slice %arg3[%dma_start3A_103] : memref<2097152xf32, #tpu.memory_space<hbm>> -> memref<136xf32, #tpu.memory_space<hbm>>
            %dma_start3A_105 = arith.constant 2184 : i32
            %dma_start3A_106 = tpu.memref_slice %arg7[%dma_start3A_105] : memref<8752xf32, #tpu.memory_space<vmem>> -> memref<136xf32, #tpu.memory_space<vmem>>
            %dma_start3A_107 = arith.constant 2097016 : i32
            %dma_start3A_108 = tpu.memref_slice %arg3[%dma_start3A_107] : memref<2097152xf32, #tpu.memory_space<hbm>> -> memref<136xf32, #tpu.memory_space<hbm>>
            tpu.enqueue_dma source(%dma_start3A_108 : memref<136xf32, #tpu.memory_space<hbm>>) target(%dma_start3A_106 : memref<136xf32, #tpu.memory_space<vmem>>) target_semaphore(%run_scoped3A : memref<!tpu.dma_semaphore, #tpu.memory_space<semaphore_mem>>)
            %dma_wait3A_109 = arith.constant 2184 : i32
            %dma_wait3A_110 = tpu.memref_slice %arg7[%dma_wait3A_109] : memref<8752xf32, #tpu.memory_space<vmem>> -> memref<136xf32, #tpu.memory_space<vmem>>
            %dma_wait3A_111 = arith.constant 2097016 : i32
            %dma_wait3A_112 = tpu.memref_slice %arg3[%dma_wait3A_111] : memref<2097152xf32, #tpu.memory_space<hbm>> -> memref<136xf32, #tpu.memory_space<hbm>>
            %dma_wait3A_113 = arith.constant 2184 : i32
            %dma_wait3A_114 = tpu.memref_slice %arg7[%dma_wait3A_113] : memref<8752xf32, #tpu.memory_space<vmem>> -> memref<136xf32, #tpu.memory_space<vmem>>
            %dma_wait3A_115 = arith.constant 2097016 : i32
            %dma_wait3A_116 = tpu.memref_slice %arg3[%dma_wait3A_115] : memref<2097152xf32, #tpu.memory_space<hbm>> -> memref<136xf32, #tpu.memory_space<hbm>>
            tpu.wait_dma2 semaphore(%run_scoped3A : memref<!tpu.dma_semaphore, #tpu.memory_space<semaphore_mem>>) src(%dma_wait3A_116 : memref<136xf32, #tpu.memory_space<hbm>>) dst(%dma_wait3A_114 : memref<136xf32, #tpu.memory_space<vmem>>)
            tpu.yield
          }) : () -> ()
          "tpu.region"() ({
            %run_scoped3A = tpu.sem_alloc : memref<!tpu.dma_semaphore, #tpu.memory_space<semaphore_mem>>
            %dma_start3A_101 = arith.constant 4368 : i32
            %dma_start3A_102 = tpu.memref_slice %arg7[%dma_start3A_101] : memref<8752xf32, #tpu.memory_space<vmem>> -> memref<136xf32, #tpu.memory_space<vmem>>
            %dma_start3A_103 = arith.constant 2097016 : i32
            %dma_start3A_104 = tpu.memref_slice %arg4[%dma_start3A_103] : memref<2097152xf32, #tpu.memory_space<hbm>> -> memref<136xf32, #tpu.memory_space<hbm>>
            %dma_start3A_105 = arith.constant 4368 : i32
            %dma_start3A_106 = tpu.memref_slice %arg7[%dma_start3A_105] : memref<8752xf32, #tpu.memory_space<vmem>> -> memref<136xf32, #tpu.memory_space<vmem>>
            %dma_start3A_107 = arith.constant 2097016 : i32
            %dma_start3A_108 = tpu.memref_slice %arg4[%dma_start3A_107] : memref<2097152xf32, #tpu.memory_space<hbm>> -> memref<136xf32, #tpu.memory_space<hbm>>
            tpu.enqueue_dma source(%dma_start3A_108 : memref<136xf32, #tpu.memory_space<hbm>>) target(%dma_start3A_106 : memref<136xf32, #tpu.memory_space<vmem>>) target_semaphore(%run_scoped3A : memref<!tpu.dma_semaphore, #tpu.memory_space<semaphore_mem>>)
            %dma_wait3A_109 = arith.constant 4368 : i32
            %dma_wait3A_110 = tpu.memref_slice %arg7[%dma_wait3A_109] : memref<8752xf32, #tpu.memory_space<vmem>> -> memref<136xf32, #tpu.memory_space<vmem>>
            %dma_wait3A_111 = arith.constant 2097016 : i32
            %dma_wait3A_112 = tpu.memref_slice %arg4[%dma_wait3A_111] : memref<2097152xf32, #tpu.memory_space<hbm>> -> memref<136xf32, #tpu.memory_space<hbm>>
            %dma_wait3A_113 = arith.constant 4368 : i32
            %dma_wait3A_114 = tpu.memref_slice %arg7[%dma_wait3A_113] : memref<8752xf32, #tpu.memory_space<vmem>> -> memref<136xf32, #tpu.memory_space<vmem>>
            %dma_wait3A_115 = arith.constant 2097016 : i32
            %dma_wait3A_116 = tpu.memref_slice %arg4[%dma_wait3A_115] : memref<2097152xf32, #tpu.memory_space<hbm>> -> memref<136xf32, #tpu.memory_space<hbm>>
            tpu.wait_dma2 semaphore(%run_scoped3A : memref<!tpu.dma_semaphore, #tpu.memory_space<semaphore_mem>>) src(%dma_wait3A_116 : memref<136xf32, #tpu.memory_space<hbm>>) dst(%dma_wait3A_114 : memref<136xf32, #tpu.memory_space<vmem>>)
            tpu.yield
          }) : () -> ()
          "tpu.region"() ({
            %run_scoped3A = tpu.sem_alloc : memref<!tpu.dma_semaphore, #tpu.memory_space<semaphore_mem>>
            %dma_start3A_101 = arith.constant 6552 : i32
            %dma_start3A_102 = tpu.memref_slice %arg7[%dma_start3A_101] : memref<8752xf32, #tpu.memory_space<vmem>> -> memref<136xf32, #tpu.memory_space<vmem>>
            %dma_start3A_103 = arith.constant 2097016 : i32
            %dma_start3A_104 = tpu.memref_slice %arg5[%dma_start3A_103] : memref<2097152xf32, #tpu.memory_space<hbm>> -> memref<136xf32, #tpu.memory_space<hbm>>
            %dma_start3A_105 = arith.constant 6552 : i32
            %dma_start3A_106 = tpu.memref_slice %arg7[%dma_start3A_105] : memref<8752xf32, #tpu.memory_space<vmem>> -> memref<136xf32, #tpu.memory_space<vmem>>
            %dma_start3A_107 = arith.constant 2097016 : i32
            %dma_start3A_108 = tpu.memref_slice %arg5[%dma_start3A_107] : memref<2097152xf32, #tpu.memory_space<hbm>> -> memref<136xf32, #tpu.memory_space<hbm>>
            tpu.enqueue_dma source(%dma_start3A_108 : memref<136xf32, #tpu.memory_space<hbm>>) target(%dma_start3A_106 : memref<136xf32, #tpu.memory_space<vmem>>) target_semaphore(%run_scoped3A : memref<!tpu.dma_semaphore, #tpu.memory_space<semaphore_mem>>)
            %dma_wait3A_109 = arith.constant 6552 : i32
            %dma_wait3A_110 = tpu.memref_slice %arg7[%dma_wait3A_109] : memref<8752xf32, #tpu.memory_space<vmem>> -> memref<136xf32, #tpu.memory_space<vmem>>
            %dma_wait3A_111 = arith.constant 2097016 : i32
            %dma_wait3A_112 = tpu.memref_slice %arg5[%dma_wait3A_111] : memref<2097152xf32, #tpu.memory_space<hbm>> -> memref<136xf32, #tpu.memory_space<hbm>>
            %dma_wait3A_113 = arith.constant 6552 : i32
            %dma_wait3A_114 = tpu.memref_slice %arg7[%dma_wait3A_113] : memref<8752xf32, #tpu.memory_space<vmem>> -> memref<136xf32, #tpu.memory_space<vmem>>
            %dma_wait3A_115 = arith.constant 2097016 : i32
            %dma_wait3A_116 = tpu.memref_slice %arg5[%dma_wait3A_115] : memref<2097152xf32, #tpu.memory_space<hbm>> -> memref<136xf32, #tpu.memory_space<hbm>>
            tpu.wait_dma2 semaphore(%run_scoped3A : memref<!tpu.dma_semaphore, #tpu.memory_space<semaphore_mem>>) src(%dma_wait3A_116 : memref<136xf32, #tpu.memory_space<hbm>>) dst(%dma_wait3A_114 : memref<136xf32, #tpu.memory_space<vmem>>)
            tpu.yield
          }) : () -> ()
        } else {
        }
        %parallel_loop3A = arith.constant 0 : i32
        %parallel_loop3A_86 = arith.constant 2048 : i32
        %parallel_loop3A_87 = arith.constant 1 : i32
        scf.for %parallel_loop3A_98 = %parallel_loop3A to %parallel_loop3A_86 step %parallel_loop3A_87  : i32 {
          %parallel_loop3A_99 = vector.broadcast %parallel_loop3A_98 : i32 to vector<16xi32>
          %parallel_loop3A_100 = arith.addi %add3A_18, %parallel_loop3A_99 : vector<16xi32>
          %parallel_loop3A_101 = tpu.vector_load_idx %arg7[%parallel_loop3A_100] : memref<8752xf32, #tpu.memory_space<vmem>>[vector<16xi32>], vector<16xf32>,
          %parallel_loop3A_102 = arith.constant 16 : i32
          %parallel_loop3A_103 = arith.muli %parallel_loop3A_98, %parallel_loop3A_102 : i32
          %parallel_loop3A_104 = arith.constant 1 : i32
          %parallel_loop3A_105 = arith.index_cast %parallel_loop3A_104 : i32 to index
          %parallel_loop3A_106 = arith.index_cast %parallel_loop3A_103 : i32 to index
          %parallel_loop3A_107 = tpu.vector_load %arg8[%parallel_loop3A_105, %parallel_loop3A_106] {strides = array<i32>} : memref<2x32768xf32, #tpu.memory_space<vmem>>, vector<16xf32>,
          tpu.vector_store %arg8[%parallel_loop3A_105, %parallel_loop3A_106], %parallel_loop3A_101 {strides = array<i32>} : memref<2x32768xf32, #tpu.memory_space<vmem>>, vector<16xf32>,
        } {sc.loop_unroll_factor = 8 : i64, sc.parallel_access}
        %mul3A_88 = arith.constant 16 : i32
        %mul3A_89 = arith.muli %add3A_62, %mul3A_88 : i32
        %dma_start3A = arith.constant 1 : i32
        %dma_start3A_90 = arith.constant 0 : i32
        %dma_start3A_91 = tpu.memref_slice %arg8[%dma_start3A, %dma_start3A_90] : memref<2x32768xf32, #tpu.memory_space<vmem>> -> memref<1x32768xf32, #tpu.memory_space<vmem>>
        %dma_start3A_92 = tpu.memref_squeeze %dma_start3A_91 : memref<1x32768xf32, #tpu.memory_space<vmem>> -> memref<32768xf32, #tpu.memory_space<vmem>>
        %dma_start3A_93 = tpu.memref_slice %arg6[%mul3A_89] : memref<34603008xf32, #tpu.memory_space<hbm>> -> memref<32768xf32, #tpu.memory_space<hbm>>
        %dma_start3A_94 = tpu.memref_slice %arg6[%mul3A_89] : memref<34603008xf32, #tpu.memory_space<hbm>> -> memref<32768xf32, #tpu.memory_space<hbm>>
        %dma_start3A_95 = arith.constant 0 : i32
        %dma_start3A_96 = tpu.memref_slice %arg8[%dma_start3A, %dma_start3A_95] : memref<2x32768xf32, #tpu.memory_space<vmem>> -> memref<1x32768xf32, #tpu.memory_space<vmem>>
        %dma_start3A_97 = tpu.memref_squeeze %dma_start3A_96 : memref<1x32768xf32, #tpu.memory_space<vmem>> -> memref<32768xf32, #tpu.memory_space<vmem>>
        tpu.enqueue_dma source(%dma_start3A_97 : memref<32768xf32, #tpu.memory_space<vmem>>) target(%dma_start3A_94 : memref<32768xf32, #tpu.memory_space<hbm>>) target_semaphore(%arg9 : memref<!tpu.dma_semaphore, #tpu.memory_space<semaphore_mem>>)
      } else {
      }
    }
    %scan3A_24 = arith.constant 17 : i32
    %dma_wait3A = arith.constant 0 : i32
    %dma_wait3A_25 = arith.constant 0 : i32
    %dma_wait3A_26 = tpu.memref_slice %arg8[%dma_wait3A, %dma_wait3A_25] : memref<2x32768xf32, #tpu.memory_space<vmem>> -> memref<1x32768xf32, #tpu.memory_space<vmem>>
    %dma_wait3A_27 = tpu.memref_squeeze %dma_wait3A_26 : memref<1x32768xf32, #tpu.memory_space<vmem>> -> memref<32768xf32, #tpu.memory_space<vmem>>
    %dma_wait3A_28 = arith.constant 0 : i32
    %dma_wait3A_29 = tpu.memref_slice %arg6[%dma_wait3A_28] : memref<34603008xf32, #tpu.memory_space<hbm>> -> memref<32768xf32, #tpu.memory_space<hbm>>
    %dma_wait3A_30 = arith.constant 0 : i32
    %dma_wait3A_31 = tpu.memref_slice %arg6[%dma_wait3A_30] : memref<34603008xf32, #tpu.memory_space<hbm>> -> memref<32768xf32, #tpu.memory_space<hbm>>
    %dma_wait3A_32 = arith.constant 0 : i32
    %dma_wait3A_33 = tpu.memref_slice %arg8[%dma_wait3A, %dma_wait3A_32] : memref<2x32768xf32, #tpu.memory_space<vmem>> -> memref<1x32768xf32, #tpu.memory_space<vmem>>
    %dma_wait3A_34 = tpu.memref_squeeze %dma_wait3A_33 : memref<1x32768xf32, #tpu.memory_space<vmem>> -> memref<32768xf32, #tpu.memory_space<vmem>>
    tpu.wait_dma2 semaphore(%arg9 : memref<!tpu.dma_semaphore, #tpu.memory_space<semaphore_mem>>) src(%dma_wait3A_34 : memref<32768xf32, #tpu.memory_space<vmem>>) dst(%dma_wait3A_31 : memref<32768xf32, #tpu.memory_space<hbm>>)
    %dma_wait3A_35 = arith.constant 0 : i32
    %dma_wait3A_36 = arith.constant 0 : i32
    %dma_wait3A_37 = tpu.memref_slice %arg8[%dma_wait3A_35, %dma_wait3A_36] : memref<2x32768xf32, #tpu.memory_space<vmem>> -> memref<1x32768xf32, #tpu.memory_space<vmem>>
    %dma_wait3A_38 = tpu.memref_squeeze %dma_wait3A_37 : memref<1x32768xf32, #tpu.memory_space<vmem>> -> memref<32768xf32, #tpu.memory_space<vmem>>
    %dma_wait3A_39 = arith.constant 0 : i32
    %dma_wait3A_40 = tpu.memref_slice %arg6[%dma_wait3A_39] : memref<34603008xf32, #tpu.memory_space<hbm>> -> memref<32768xf32, #tpu.memory_space<hbm>>
    %dma_wait3A_41 = arith.constant 0 : i32
    %dma_wait3A_42 = tpu.memref_slice %arg6[%dma_wait3A_41] : memref<34603008xf32, #tpu.memory_space<hbm>> -> memref<32768xf32, #tpu.memory_space<hbm>>
    %dma_wait3A_43 = arith.constant 0 : i32
    %dma_wait3A_44 = tpu.memref_slice %arg8[%dma_wait3A_35, %dma_wait3A_43] : memref<2x32768xf32, #tpu.memory_space<vmem>> -> memref<1x32768xf32, #tpu.memory_space<vmem>>
    %dma_wait3A_45 = tpu.memref_squeeze %dma_wait3A_44 : memref<1x32768xf32, #tpu.memory_space<vmem>> -> memref<32768xf32, #tpu.memory_space<vmem>>
    tpu.wait_dma2 semaphore(%arg9 : memref<!tpu.dma_semaphore, #tpu.memory_space<semaphore_mem>>) src(%dma_wait3A_45 : memref<32768xf32, #tpu.memory_space<vmem>>) dst(%dma_wait3A_42 : memref<32768xf32, #tpu.memory_space<hbm>>)
    return
  }
}

#map = affine_map<(d0, d1) -> (0, 0)>
#map1 = affine_map<(d0, d1) -> (0)>
module attributes {stable_mosaic.version = 14 : i64} {
  func.func @_sc_body(%arg0: i32, %arg1: i32, %arg2: memref<2162688x16xf32, #tpu.memory_space<hbm>>, %arg3: memref<2097152xi32, #tpu.memory_space<hbm>>, %arg4: memref<8388608xf32, #tpu.memory_space<hbm>>, %arg5: memref<1048576xf32, #tpu.memory_space<hbm>>, %arg6: memref<1048576xf32, #tpu.memory_space<hbm>>, %arg7: memref<1048576xf32, #tpu.memory_space<hbm>>, %arg8: memref<1048576xf32, #tpu.memory_space<hbm>>, %arg9: memref<2x2048xi32, #tpu.memory_space<vmem>>, %arg10: memref<8192xf32, #tpu.memory_space<vmem>>, %arg11: memref<9232xf32, #tpu.memory_space<vmem>>, %arg12: memref<2x2048x16xf32, #tpu.memory_space<vmem>>, %arg13: memref<4x1024xf32, #tpu.memory_space<vmem>>, %arg14: memref<!tpu.dma_semaphore, #tpu.memory_space<semaphore_mem>>) attributes {dimension_semantics = [#tpu.dimension_semantics<core_parallel>, #tpu.dimension_semantics<subcore_parallel>], iteration_bounds = array<i64: 2, 16>, scalar_prefetch = 0 : i64, scratch_operands = 6 : i64, tpu.core_type = #tpu.core_type<sc_vector_subcore>, window_params = [{transform_indices = #map}, {transform_indices = #map1}, {transform_indices = #map1}, {transform_indices = #map1}, {transform_indices = #map1}, {transform_indices = #map1}, {transform_indices = #map1}]} {
    %mul3A = arith.constant 2 : i32
    %mul3A_0 = arith.muli %arg1, %mul3A : i32
    %add3A = arith.addi %mul3A_0, %arg0 : i32
    %iota3A = tpu.iota {dimensions = array<i32: 0>} : vector<16xi32>
    %add3A_1 = arith.constant 4 : i32
    %add3A_2 = vector.broadcast %add3A_1 : i32 to vector<16xi32>
    %add3A_3 = arith.addi %iota3A, %add3A_2 : vector<16xi32>
    %and3A = arith.constant 15 : i32
    %and3A_4 = vector.broadcast %and3A : i32 to vector<16xi32>
    %and3A_5 = arith.andi %add3A_3, %and3A_4 : vector<16xi32>
    %add3A_6 = arith.constant 8 : i32
    %add3A_7 = vector.broadcast %add3A_6 : i32 to vector<16xi32>
    %add3A_8 = arith.addi %iota3A, %add3A_7 : vector<16xi32>
    %and3A_9 = arith.constant 15 : i32
    %and3A_10 = vector.broadcast %and3A_9 : i32 to vector<16xi32>
    %and3A_11 = arith.andi %add3A_8, %and3A_10 : vector<16xi32>
    %shift_right_arithmetic3A = arith.constant 2 : i32
    %shift_right_arithmetic3A_12 = vector.broadcast %shift_right_arithmetic3A : i32 to vector<16xi32>
    %shift_right_arithmetic3A_13 = arith.shrsi %iota3A, %shift_right_arithmetic3A_12 : vector<16xi32>
    %and3A_14 = arith.constant 3 : i32
    %and3A_15 = vector.broadcast %and3A_14 : i32 to vector<16xi32>
    %and3A_16 = arith.andi %iota3A, %and3A_15 : vector<16xi32>
    %shift_left3A = arith.constant 2 : i32
    %shift_left3A_17 = vector.broadcast %shift_left3A : i32 to vector<16xi32>
    %shift_left3A_18 = arith.shli %and3A_16, %shift_left3A_17 : vector<16xi32>
    %add3A_19 = arith.constant 0 : i32
    %add3A_20 = vector.broadcast %add3A_19 : i32 to vector<16xi32>
    %add3A_21 = arith.addi %shift_left3A_18, %add3A_20 : vector<16xi32>
    %and3A_22 = arith.constant 3 : i32
    %and3A_23 = vector.broadcast %and3A_22 : i32 to vector<16xi32>
    %and3A_24 = arith.andi %iota3A, %and3A_23 : vector<16xi32>
    %shift_left3A_25 = arith.constant 2 : i32
    %shift_left3A_26 = vector.broadcast %shift_left3A_25 : i32 to vector<16xi32>
    %shift_left3A_27 = arith.shli %and3A_24, %shift_left3A_26 : vector<16xi32>
    %add3A_28 = arith.constant 1 : i32
    %add3A_29 = vector.broadcast %add3A_28 : i32 to vector<16xi32>
    %add3A_30 = arith.addi %shift_left3A_27, %add3A_29 : vector<16xi32>
    %and3A_31 = arith.constant 3 : i32
    %and3A_32 = vector.broadcast %and3A_31 : i32 to vector<16xi32>
    %and3A_33 = arith.andi %iota3A, %and3A_32 : vector<16xi32>
    %shift_left3A_34 = arith.constant 2 : i32
    %shift_left3A_35 = vector.broadcast %shift_left3A_34 : i32 to vector<16xi32>
    %shift_left3A_36 = arith.shli %and3A_33, %shift_left3A_35 : vector<16xi32>
    %add3A_37 = arith.constant 2 : i32
    %add3A_38 = vector.broadcast %add3A_37 : i32 to vector<16xi32>
    %add3A_39 = arith.addi %shift_left3A_36, %add3A_38 : vector<16xi32>
    %and3A_40 = arith.constant 3 : i32
    %and3A_41 = vector.broadcast %and3A_40 : i32 to vector<16xi32>
    %and3A_42 = arith.andi %iota3A, %and3A_41 : vector<16xi32>
    %shift_left3A_43 = arith.constant 2 : i32
    %shift_left3A_44 = vector.broadcast %shift_left3A_43 : i32 to vector<16xi32>
    %shift_left3A_45 = arith.shli %and3A_42, %shift_left3A_44 : vector<16xi32>
    %add3A_46 = arith.constant 3 : i32
    %add3A_47 = vector.broadcast %add3A_46 : i32 to vector<16xi32>
    %add3A_48 = arith.addi %shift_left3A_45, %add3A_47 : vector<16xi32>
    %mul3A_49 = arith.constant 9 : i32
    %mul3A_50 = vector.broadcast %mul3A_49 : i32 to vector<16xi32>
    %mul3A_51 = arith.muli %iota3A, %mul3A_50 : vector<16xi32>
    %lt3A = arith.constant 4 : i32
    %lt3A_52 = vector.broadcast %lt3A : i32 to vector<16xi32>
    %lt3A_53 = arith.cmpi slt, %iota3A, %lt3A_52 : vector<16xi32>
    %lt3A_54 = arith.constant 8 : i32
    %lt3A_55 = vector.broadcast %lt3A_54 : i32 to vector<16xi32>
    %lt3A_56 = arith.cmpi slt, %iota3A, %lt3A_55 : vector<16xi32>
    %lt3A_57 = arith.constant 12 : i32
    %lt3A_58 = vector.broadcast %lt3A_57 : i32 to vector<16xi32>
    %lt3A_59 = arith.cmpi slt, %iota3A, %lt3A_58 : vector<16xi32>
    %mul3A_60 = arith.constant 32 : i32
    %mul3A_61 = arith.muli %add3A, %mul3A_60 : i32
    %add3A_62 = arith.constant 0 : i32
    %add3A_63 = arith.addi %mul3A_61, %add3A_62 : i32
    %mul3A_64 = arith.constant 2 : i32
    %mul3A_65 = arith.muli %add3A_63, %mul3A_64 : i32
    %mul3A_66 = arith.constant 1024 : i32
    %mul3A_67 = arith.muli %mul3A_65, %mul3A_66 : i32
    %run_scoped3A = arith.constant 0 : i32
    "tpu.region"() ({
      %run_scoped3A_83 = tpu.sem_alloc : memref<!tpu.dma_semaphore, #tpu.memory_space<semaphore_mem>>
      %dma_start3A_84 = arith.constant 0 : i32
      %dma_start3A_85 = tpu.memref_slice %arg9[%run_scoped3A, %dma_start3A_84] : memref<2x2048xi32, #tpu.memory_space<vmem>> -> memref<1x2048xi32, #tpu.memory_space<vmem>>
      %dma_start3A_86 = tpu.memref_squeeze %dma_start3A_85 : memref<1x2048xi32, #tpu.memory_space<vmem>> -> memref<2048xi32, #tpu.memory_space<vmem>>
      %dma_start3A_87 = tpu.memref_slice %arg3[%mul3A_67] : memref<2097152xi32, #tpu.memory_space<hbm>> -> memref<2048xi32, #tpu.memory_space<hbm>>
      %dma_start3A_88 = arith.constant 0 : i32
      %dma_start3A_89 = tpu.memref_slice %arg9[%run_scoped3A, %dma_start3A_88] : memref<2x2048xi32, #tpu.memory_space<vmem>> -> memref<1x2048xi32, #tpu.memory_space<vmem>>
      %dma_start3A_90 = tpu.memref_squeeze %dma_start3A_89 : memref<1x2048xi32, #tpu.memory_space<vmem>> -> memref<2048xi32, #tpu.memory_space<vmem>>
      %dma_start3A_91 = tpu.memref_slice %arg3[%mul3A_67] : memref<2097152xi32, #tpu.memory_space<hbm>> -> memref<2048xi32, #tpu.memory_space<hbm>>
      tpu.enqueue_dma source(%dma_start3A_91 : memref<2048xi32, #tpu.memory_space<hbm>>) target(%dma_start3A_90 : memref<2048xi32, #tpu.memory_space<vmem>>) target_semaphore(%run_scoped3A_83 : memref<!tpu.dma_semaphore, #tpu.memory_space<semaphore_mem>>)
      %dma_wait3A = arith.constant 0 : i32
      %dma_wait3A_92 = tpu.memref_slice %arg9[%run_scoped3A, %dma_wait3A] : memref<2x2048xi32, #tpu.memory_space<vmem>> -> memref<1x2048xi32, #tpu.memory_space<vmem>>
      %dma_wait3A_93 = tpu.memref_squeeze %dma_wait3A_92 : memref<1x2048xi32, #tpu.memory_space<vmem>> -> memref<2048xi32, #tpu.memory_space<vmem>>
      %dma_wait3A_94 = tpu.memref_slice %arg3[%mul3A_67] : memref<2097152xi32, #tpu.memory_space<hbm>> -> memref<2048xi32, #tpu.memory_space<hbm>>
      %dma_wait3A_95 = arith.constant 0 : i32
      %dma_wait3A_96 = tpu.memref_slice %arg9[%run_scoped3A, %dma_wait3A_95] : memref<2x2048xi32, #tpu.memory_space<vmem>> -> memref<1x2048xi32, #tpu.memory_space<vmem>>
      %dma_wait3A_97 = tpu.memref_squeeze %dma_wait3A_96 : memref<1x2048xi32, #tpu.memory_space<vmem>> -> memref<2048xi32, #tpu.memory_space<vmem>>
      %dma_wait3A_98 = tpu.memref_slice %arg3[%mul3A_67] : memref<2097152xi32, #tpu.memory_space<hbm>> -> memref<2048xi32, #tpu.memory_space<hbm>>
      tpu.wait_dma2 semaphore(%run_scoped3A_83 : memref<!tpu.dma_semaphore, #tpu.memory_space<semaphore_mem>>) src(%dma_wait3A_98 : memref<2048xi32, #tpu.memory_space<hbm>>) dst(%dma_wait3A_97 : memref<2048xi32, #tpu.memory_space<vmem>>)
      tpu.yield
    }) : () -> ()
    %dma_start3A = arith.constant 0 : i32
    %dma_start3A_68 = arith.constant 0 : i32
    %dma_start3A_69 = arith.constant 0 : i32
    %dma_start3A_70 = arith.constant 0 : i32
    %dma_start3A_71 = tpu.memref_slice %arg12[%dma_start3A_68, %dma_start3A_69, %dma_start3A_70] : memref<2x2048x16xf32, #tpu.memory_space<vmem>> -> memref<1x2048x16xf32, #tpu.memory_space<vmem>>
    %dma_start3A_72 = tpu.memref_squeeze %dma_start3A_71 : memref<1x2048x16xf32, #tpu.memory_space<vmem>> -> memref<2048x16xf32, #tpu.memory_space<vmem>>
    %dma_start3A_73 = arith.constant 0 : i32
    %dma_start3A_74 = tpu.memref_slice %arg9[%dma_start3A, %dma_start3A_73] : memref<2x2048xi32, #tpu.memory_space<vmem>> -> memref<1x2048xi32, #tpu.memory_space<vmem>>
    %dma_start3A_75 = tpu.memref_squeeze %dma_start3A_74 : memref<1x2048xi32, #tpu.memory_space<vmem>> -> memref<2048xi32, #tpu.memory_space<vmem>>
    %dma_start3A_76 = arith.constant 0 : i32
    %dma_start3A_77 = arith.constant 0 : i32
    %dma_start3A_78 = tpu.memref_slice %arg2[%dma_start3A_76, %dma_start3A_77] : memref<2162688x16xf32, #tpu.memory_space<hbm>> -> memref<2162688x16xf32, #tpu.memory_space<hbm>>
    tpu.enqueue_indirect_dma source(%dma_start3A_78 : memref<2162688x16xf32, #tpu.memory_space<hbm>>) target(%dma_start3A_72 : memref<2048x16xf32, #tpu.memory_space<vmem>>) offsets(%dma_start3A_75 : memref<2048xi32, #tpu.memory_space<vmem>>) semaphore(%arg14 : memref<!tpu.dma_semaphore, #tpu.memory_space<semaphore_mem>>)
    %scan3A = arith.constant 0 : i32
    %scan3A_79 = arith.constant 16 : i32
    %scan3A_80 = arith.addi %scan3A, %scan3A_79 : i32
    %scan3A_81 = arith.constant 1 : i32
    scf.for %scan3A_83 = %scan3A to %scan3A_80 step %scan3A_81  : i32 {
      %mul3A_84 = arith.constant 2 : i32
      %mul3A_85 = arith.muli %scan3A_83, %mul3A_84 : i32
      %add3A_86 = arith.constant 0 : i32
      %add3A_87 = arith.addi %add3A_86, %mul3A_85 : i32
      %add3A_88 = arith.constant 0 : i32
      %add3A_89 = arith.addi %add3A_87, %add3A_88 : i32
      %mul3A_90 = arith.constant 32 : i32
      %mul3A_91 = arith.muli %add3A, %mul3A_90 : i32
      %add3A_92 = arith.addi %mul3A_91, %add3A_89 : i32
      %dma_wait3A = arith.constant 0 : i32
      %dma_wait3A_93 = arith.constant 0 : i32
      %dma_wait3A_94 = arith.constant 0 : i32
      %dma_wait3A_95 = arith.constant 0 : i32
      %dma_wait3A_96 = tpu.memref_slice %arg12[%dma_wait3A_93, %dma_wait3A_94, %dma_wait3A_95] : memref<2x2048x16xf32, #tpu.memory_space<vmem>> -> memref<1x2048x16xf32, #tpu.memory_space<vmem>>
      %dma_wait3A_97 = tpu.memref_squeeze %dma_wait3A_96 : memref<1x2048x16xf32, #tpu.memory_space<vmem>> -> memref<2048x16xf32, #tpu.memory_space<vmem>>
      %dma_wait3A_98 = arith.constant 0 : i32
      %dma_wait3A_99 = tpu.memref_slice %arg9[%dma_wait3A, %dma_wait3A_98] : memref<2x2048xi32, #tpu.memory_space<vmem>> -> memref<1x2048xi32, #tpu.memory_space<vmem>>
      %dma_wait3A_100 = tpu.memref_squeeze %dma_wait3A_99 : memref<1x2048xi32, #tpu.memory_space<vmem>> -> memref<2048xi32, #tpu.memory_space<vmem>>
      %dma_wait3A_101 = arith.constant 0 : i32
      %dma_wait3A_102 = arith.constant 0 : i32
      %dma_wait3A_103 = tpu.memref_slice %arg2[%dma_wait3A_101, %dma_wait3A_102] : memref<2162688x16xf32, #tpu.memory_space<hbm>> -> memref<2162688x16xf32, #tpu.memory_space<hbm>>
      tpu.wait_indirect_dma semaphore(%arg14 : memref<!tpu.dma_semaphore, #tpu.memory_space<semaphore_mem>>) src(%dma_wait3A_103 : memref<2162688x16xf32, #tpu.memory_space<hbm>>) dst(%dma_wait3A_97 : memref<2048x16xf32, #tpu.memory_space<vmem>>)
      %add3A_104 = arith.constant 1 : i32
      %add3A_105 = arith.addi %add3A_89, %add3A_104 : i32
      %lt3A_106 = arith.constant 32 : i32
      %lt3A_107 = arith.cmpi slt, %add3A_105, %lt3A_106 : i32
      %convert_element_type3A = arith.extui %lt3A_107 : i1 to i32
      %cond3A = arith.constant 0 : i32
      %cond3A_108 = arith.cmpi ne, %convert_element_type3A, %cond3A : i32
      scf.if %cond3A_108 {
        %add3A_178 = arith.constant 1 : i32
        %add3A_179 = arith.addi %add3A_89, %add3A_178 : i32
        %mul3A_180 = arith.constant 32 : i32
        %mul3A_181 = arith.muli %add3A, %mul3A_180 : i32
        %add3A_182 = arith.addi %mul3A_181, %add3A_179 : i32
        %mul3A_183 = arith.constant 2 : i32
        %mul3A_184 = arith.muli %add3A_182, %mul3A_183 : i32
        %mul3A_185 = arith.constant 1024 : i32
        %mul3A_186 = arith.muli %mul3A_184, %mul3A_185 : i32
        %run_scoped3A_187 = arith.constant 1 : i32
        "tpu.region"() ({
          %run_scoped3A_200 = tpu.sem_alloc : memref<!tpu.dma_semaphore, #tpu.memory_space<semaphore_mem>>
          %dma_start3A_201 = arith.constant 0 : i32
          %dma_start3A_202 = tpu.memref_slice %arg9[%run_scoped3A_187, %dma_start3A_201] : memref<2x2048xi32, #tpu.memory_space<vmem>> -> memref<1x2048xi32, #tpu.memory_space<vmem>>
          %dma_start3A_203 = tpu.memref_squeeze %dma_start3A_202 : memref<1x2048xi32, #tpu.memory_space<vmem>> -> memref<2048xi32, #tpu.memory_space<vmem>>
          %dma_start3A_204 = tpu.memref_slice %arg3[%mul3A_186] : memref<2097152xi32, #tpu.memory_space<hbm>> -> memref<2048xi32, #tpu.memory_space<hbm>>
          %dma_start3A_205 = arith.constant 0 : i32
          %dma_start3A_206 = tpu.memref_slice %arg9[%run_scoped3A_187, %dma_start3A_205] : memref<2x2048xi32, #tpu.memory_space<vmem>> -> memref<1x2048xi32, #tpu.memory_space<vmem>>
          %dma_start3A_207 = tpu.memref_squeeze %dma_start3A_206 : memref<1x2048xi32, #tpu.memory_space<vmem>> -> memref<2048xi32, #tpu.memory_space<vmem>>
          %dma_start3A_208 = tpu.memref_slice %arg3[%mul3A_186] : memref<2097152xi32, #tpu.memory_space<hbm>> -> memref<2048xi32, #tpu.memory_space<hbm>>
          tpu.enqueue_dma source(%dma_start3A_208 : memref<2048xi32, #tpu.memory_space<hbm>>) target(%dma_start3A_207 : memref<2048xi32, #tpu.memory_space<vmem>>) target_semaphore(%run_scoped3A_200 : memref<!tpu.dma_semaphore, #tpu.memory_space<semaphore_mem>>)
          %dma_wait3A_209 = arith.constant 0 : i32
          %dma_wait3A_210 = tpu.memref_slice %arg9[%run_scoped3A_187, %dma_wait3A_209] : memref<2x2048xi32, #tpu.memory_space<vmem>> -> memref<1x2048xi32, #tpu.memory_space<vmem>>
          %dma_wait3A_211 = tpu.memref_squeeze %dma_wait3A_210 : memref<1x2048xi32, #tpu.memory_space<vmem>> -> memref<2048xi32, #tpu.memory_space<vmem>>
          %dma_wait3A_212 = tpu.memref_slice %arg3[%mul3A_186] : memref<2097152xi32, #tpu.memory_space<hbm>> -> memref<2048xi32, #tpu.memory_space<hbm>>
          %dma_wait3A_213 = arith.constant 0 : i32
          %dma_wait3A_214 = tpu.memref_slice %arg9[%run_scoped3A_187, %dma_wait3A_213] : memref<2x2048xi32, #tpu.memory_space<vmem>> -> memref<1x2048xi32, #tpu.memory_space<vmem>>
          %dma_wait3A_215 = tpu.memref_squeeze %dma_wait3A_214 : memref<1x2048xi32, #tpu.memory_space<vmem>> -> memref<2048xi32, #tpu.memory_space<vmem>>
          %dma_wait3A_216 = tpu.memref_slice %arg3[%mul3A_186] : memref<2097152xi32, #tpu.memory_space<hbm>> -> memref<2048xi32, #tpu.memory_space<hbm>>
          tpu.wait_dma2 semaphore(%run_scoped3A_200 : memref<!tpu.dma_semaphore, #tpu.memory_space<semaphore_mem>>) src(%dma_wait3A_216 : memref<2048xi32, #tpu.memory_space<hbm>>) dst(%dma_wait3A_215 : memref<2048xi32, #tpu.memory_space<vmem>>)
          tpu.yield
        }) : () -> ()
        %dma_start3A_188 = arith.constant 1 : i32
        %dma_start3A_189 = arith.constant 1 : i32
        %dma_start3A_190 = arith.constant 0 : i32
        %dma_start3A_191 = arith.constant 0 : i32
        %dma_start3A_192 = tpu.memref_slice %arg12[%dma_start3A_189, %dma_start3A_190, %dma_start3A_191] : memref<2x2048x16xf32, #tpu.memory_space<vmem>> -> memref<1x2048x16xf32, #tpu.memory_space<vmem>>
        %dma_start3A_193 = tpu.memref_squeeze %dma_start3A_192 : memref<1x2048x16xf32, #tpu.memory_space<vmem>> -> memref<2048x16xf32, #tpu.memory_space<vmem>>
        %dma_start3A_194 = arith.constant 0 : i32
        %dma_start3A_195 = tpu.memref_slice %arg9[%dma_start3A_188, %dma_start3A_194] : memref<2x2048xi32, #tpu.memory_space<vmem>> -> memref<1x2048xi32, #tpu.memory_space<vmem>>
        %dma_start3A_196 = tpu.memref_squeeze %dma_start3A_195 : memref<1x2048xi32, #tpu.memory_space<vmem>> -> memref<2048xi32, #tpu.memory_space<vmem>>
        %dma_start3A_197 = arith.constant 0 : i32
        %dma_start3A_198 = arith.constant 0 : i32
        %dma_start3A_199 = tpu.memref_slice %arg2[%dma_start3A_197, %dma_start3A_198] : memref<2162688x16xf32, #tpu.memory_space<hbm>> -> memref<2162688x16xf32, #tpu.memory_space<hbm>>
        tpu.enqueue_indirect_dma source(%dma_start3A_199 : memref<2162688x16xf32, #tpu.memory_space<hbm>>) target(%dma_start3A_193 : memref<2048x16xf32, #tpu.memory_space<vmem>>) offsets(%dma_start3A_196 : memref<2048xi32, #tpu.memory_space<vmem>>) semaphore(%arg14 : memref<!tpu.dma_semaphore, #tpu.memory_space<semaphore_mem>>)
      } else {
      }
      %mul3A_109 = arith.constant 8 : i32
      %mul3A_110 = arith.muli %add3A_92, %mul3A_109 : i32
      %mul3A_111 = arith.constant 1024 : i32
      %mul3A_112 = arith.muli %mul3A_110, %mul3A_111 : i32
      "tpu.region"() ({
        %run_scoped3A_178 = tpu.sem_alloc : memref<!tpu.dma_semaphore, #tpu.memory_space<semaphore_mem>>
        %dma_start3A_179 = tpu.memref_slice %arg4[%mul3A_112] : memref<8388608xf32, #tpu.memory_space<hbm>> -> memref<8192xf32, #tpu.memory_space<hbm>>
        %dma_start3A_180 = tpu.memref_slice %arg4[%mul3A_112] : memref<8388608xf32, #tpu.memory_space<hbm>> -> memref<8192xf32, #tpu.memory_space<hbm>>
        tpu.enqueue_dma source(%dma_start3A_180 : memref<8192xf32, #tpu.memory_space<hbm>>) target(%arg10 : memref<8192xf32, #tpu.memory_space<vmem>>) target_semaphore(%run_scoped3A_178 : memref<!tpu.dma_semaphore, #tpu.memory_space<semaphore_mem>>)
        %dma_wait3A_181 = tpu.memref_slice %arg4[%mul3A_112] : memref<8388608xf32, #tpu.memory_space<hbm>> -> memref<8192xf32, #tpu.memory_space<hbm>>
        %dma_wait3A_182 = tpu.memref_slice %arg4[%mul3A_112] : memref<8388608xf32, #tpu.memory_space<hbm>> -> memref<8192xf32, #tpu.memory_space<hbm>>
        tpu.wait_dma2 semaphore(%run_scoped3A_178 : memref<!tpu.dma_semaphore, #tpu.memory_space<semaphore_mem>>) src(%dma_wait3A_182 : memref<8192xf32, #tpu.memory_space<hbm>>) dst(%arg10 : memref<8192xf32, #tpu.memory_space<vmem>>)
        tpu.yield
      }) : () -> ()
      %parallel_loop3A = arith.constant 0 : i32
      %parallel_loop3A_113 = arith.constant 1024 : i32
      %parallel_loop3A_114 = arith.constant 16 : i32
      scf.for %parallel_loop3A_178 = %parallel_loop3A to %parallel_loop3A_113 step %parallel_loop3A_114  : i32 {
        %parallel_loop3A_179 = arith.constant 0 : i32
        %parallel_loop3A_180 = arith.addi %parallel_loop3A_179, %parallel_loop3A_178 : i32
        %parallel_loop3A_181 = arith.index_cast %parallel_loop3A_180 : i32 to index
        %parallel_loop3A_182 = tpu.vector_load %arg10[%parallel_loop3A_181] {strides = array<i32>} : memref<8192xf32, #tpu.memory_space<vmem>>, vector<16xf32>,
        %parallel_loop3A_183 = arith.constant 9 : i32
        %parallel_loop3A_184 = arith.muli %parallel_loop3A_183, %parallel_loop3A_178 : i32
        %parallel_loop3A_185 = arith.constant 0 : i32
        %parallel_loop3A_186 = arith.addi %parallel_loop3A_184, %parallel_loop3A_185 : i32
        %parallel_loop3A_187 = vector.broadcast %parallel_loop3A_186 : i32 to vector<16xi32>
        %parallel_loop3A_188 = arith.addi %mul3A_51, %parallel_loop3A_187 : vector<16xi32>
        tpu.vector_store_idx %arg11[%parallel_loop3A_188], %parallel_loop3A_182 : memref<9232xf32, #tpu.memory_space<vmem>>[vector<16xi32>], vector<16xf32>,
        %parallel_loop3A_189 = arith.constant 1024 : i32
        %parallel_loop3A_190 = arith.addi %parallel_loop3A_189, %parallel_loop3A_178 : i32
        %parallel_loop3A_191 = arith.index_cast %parallel_loop3A_190 : i32 to index
        %parallel_loop3A_192 = tpu.vector_load %arg10[%parallel_loop3A_191] {strides = array<i32>} : memref<8192xf32, #tpu.memory_space<vmem>>, vector<16xf32>,
        %parallel_loop3A_193 = arith.constant 9 : i32
        %parallel_loop3A_194 = arith.muli %parallel_loop3A_193, %parallel_loop3A_178 : i32
        %parallel_loop3A_195 = arith.constant 1 : i32
        %parallel_loop3A_196 = arith.addi %parallel_loop3A_194, %parallel_loop3A_195 : i32
        %parallel_loop3A_197 = vector.broadcast %parallel_loop3A_196 : i32 to vector<16xi32>
        %parallel_loop3A_198 = arith.addi %mul3A_51, %parallel_loop3A_197 : vector<16xi32>
        tpu.vector_store_idx %arg11[%parallel_loop3A_198], %parallel_loop3A_192 : memref<9232xf32, #tpu.memory_space<vmem>>[vector<16xi32>], vector<16xf32>,
        %parallel_loop3A_199 = arith.constant 2048 : i32
        %parallel_loop3A_200 = arith.addi %parallel_loop3A_199, %parallel_loop3A_178 : i32
        %parallel_loop3A_201 = arith.index_cast %parallel_loop3A_200 : i32 to index
        %parallel_loop3A_202 = tpu.vector_load %arg10[%parallel_loop3A_201] {strides = array<i32>} : memref<8192xf32, #tpu.memory_space<vmem>>, vector<16xf32>,
        %parallel_loop3A_203 = arith.constant 9 : i32
        %parallel_loop3A_204 = arith.muli %parallel_loop3A_203, %parallel_loop3A_178 : i32
        %parallel_loop3A_205 = arith.constant 2 : i32
        %parallel_loop3A_206 = arith.addi %parallel_loop3A_204, %parallel_loop3A_205 : i32
        %parallel_loop3A_207 = vector.broadcast %parallel_loop3A_206 : i32 to vector<16xi32>
        %parallel_loop3A_208 = arith.addi %mul3A_51, %parallel_loop3A_207 : vector<16xi32>
        tpu.vector_store_idx %arg11[%parallel_loop3A_208], %parallel_loop3A_202 : memref<9232xf32, #tpu.memory_space<vmem>>[vector<16xi32>], vector<16xf32>,
        %parallel_loop3A_209 = arith.constant 3072 : i32
        %parallel_loop3A_210 = arith.addi %parallel_loop3A_209, %parallel_loop3A_178 : i32
        %parallel_loop3A_211 = arith.index_cast %parallel_loop3A_210 : i32 to index
        %parallel_loop3A_212 = tpu.vector_load %arg10[%parallel_loop3A_211] {strides = array<i32>} : memref<8192xf32, #tpu.memory_space<vmem>>, vector<16xf32>,
        %parallel_loop3A_213 = arith.constant 9 : i32
        %parallel_loop3A_214 = arith.muli %parallel_loop3A_213, %parallel_loop3A_178 : i32
        %parallel_loop3A_215 = arith.constant 3 : i32
        %parallel_loop3A_216 = arith.addi %parallel_loop3A_214, %parallel_loop3A_215 : i32
        %parallel_loop3A_217 = vector.broadcast %parallel_loop3A_216 : i32 to vector<16xi32>
        %parallel_loop3A_218 = arith.addi %mul3A_51, %parallel_loop3A_217 : vector<16xi32>
        tpu.vector_store_idx %arg11[%parallel_loop3A_218], %parallel_loop3A_212 : memref<9232xf32, #tpu.memory_space<vmem>>[vector<16xi32>], vector<16xf32>,
        %parallel_loop3A_219 = arith.constant 4096 : i32
        %parallel_loop3A_220 = arith.addi %parallel_loop3A_219, %parallel_loop3A_178 : i32
        %parallel_loop3A_221 = arith.index_cast %parallel_loop3A_220 : i32 to index
        %parallel_loop3A_222 = tpu.vector_load %arg10[%parallel_loop3A_221] {strides = array<i32>} : memref<8192xf32, #tpu.memory_space<vmem>>, vector<16xf32>,
        %parallel_loop3A_223 = arith.constant 9 : i32
        %parallel_loop3A_224 = arith.muli %parallel_loop3A_223, %parallel_loop3A_178 : i32
        %parallel_loop3A_225 = arith.constant 4 : i32
        %parallel_loop3A_226 = arith.addi %parallel_loop3A_224, %parallel_loop3A_225 : i32
        %parallel_loop3A_227 = vector.broadcast %parallel_loop3A_226 : i32 to vector<16xi32>
        %parallel_loop3A_228 = arith.addi %mul3A_51, %parallel_loop3A_227 : vector<16xi32>
        tpu.vector_store_idx %arg11[%parallel_loop3A_228], %parallel_loop3A_222 : memref<9232xf32, #tpu.memory_space<vmem>>[vector<16xi32>], vector<16xf32>,
        %parallel_loop3A_229 = arith.constant 5120 : i32
        %parallel_loop3A_230 = arith.addi %parallel_loop3A_229, %parallel_loop3A_178 : i32
        %parallel_loop3A_231 = arith.index_cast %parallel_loop3A_230 : i32 to index
        %parallel_loop3A_232 = tpu.vector_load %arg10[%parallel_loop3A_231] {strides = array<i32>} : memref<8192xf32, #tpu.memory_space<vmem>>, vector<16xf32>,
        %parallel_loop3A_233 = arith.constant 9 : i32
        %parallel_loop3A_234 = arith.muli %parallel_loop3A_233, %parallel_loop3A_178 : i32
        %parallel_loop3A_235 = arith.constant 5 : i32
        %parallel_loop3A_236 = arith.addi %parallel_loop3A_234, %parallel_loop3A_235 : i32
        %parallel_loop3A_237 = vector.broadcast %parallel_loop3A_236 : i32 to vector<16xi32>
        %parallel_loop3A_238 = arith.addi %mul3A_51, %parallel_loop3A_237 : vector<16xi32>
        tpu.vector_store_idx %arg11[%parallel_loop3A_238], %parallel_loop3A_232 : memref<9232xf32, #tpu.memory_space<vmem>>[vector<16xi32>], vector<16xf32>,
        %parallel_loop3A_239 = arith.constant 6144 : i32
        %parallel_loop3A_240 = arith.addi %parallel_loop3A_239, %parallel_loop3A_178 : i32
        %parallel_loop3A_241 = arith.index_cast %parallel_loop3A_240 : i32 to index
        %parallel_loop3A_242 = tpu.vector_load %arg10[%parallel_loop3A_241] {strides = array<i32>} : memref<8192xf32, #tpu.memory_space<vmem>>, vector<16xf32>,
        %parallel_loop3A_243 = arith.constant 9 : i32
        %parallel_loop3A_244 = arith.muli %parallel_loop3A_243, %parallel_loop3A_178 : i32
        %parallel_loop3A_245 = arith.constant 6 : i32
        %parallel_loop3A_246 = arith.addi %parallel_loop3A_244, %parallel_loop3A_245 : i32
        %parallel_loop3A_247 = vector.broadcast %parallel_loop3A_246 : i32 to vector<16xi32>
        %parallel_loop3A_248 = arith.addi %mul3A_51, %parallel_loop3A_247 : vector<16xi32>
        tpu.vector_store_idx %arg11[%parallel_loop3A_248], %parallel_loop3A_242 : memref<9232xf32, #tpu.memory_space<vmem>>[vector<16xi32>], vector<16xf32>,
        %parallel_loop3A_249 = arith.constant 7168 : i32
        %parallel_loop3A_250 = arith.addi %parallel_loop3A_249, %parallel_loop3A_178 : i32
        %parallel_loop3A_251 = arith.index_cast %parallel_loop3A_250 : i32 to index
        %parallel_loop3A_252 = tpu.vector_load %arg10[%parallel_loop3A_251] {strides = array<i32>} : memref<8192xf32, #tpu.memory_space<vmem>>, vector<16xf32>,
        %parallel_loop3A_253 = arith.constant 9 : i32
        %parallel_loop3A_254 = arith.muli %parallel_loop3A_253, %parallel_loop3A_178 : i32
        %parallel_loop3A_255 = arith.constant 7 : i32
        %parallel_loop3A_256 = arith.addi %parallel_loop3A_254, %parallel_loop3A_255 : i32
        %parallel_loop3A_257 = vector.broadcast %parallel_loop3A_256 : i32 to vector<16xi32>
        %parallel_loop3A_258 = arith.addi %mul3A_51, %parallel_loop3A_257 : vector<16xi32>
        tpu.vector_store_idx %arg11[%parallel_loop3A_258], %parallel_loop3A_252 : memref<9232xf32, #tpu.memory_space<vmem>>[vector<16xi32>], vector<16xf32>,
      } {sc.loop_unroll_factor = 1 : i64, sc.parallel_access}
      %parallel_loop3A_115 = arith.constant 0 : i32
      %parallel_loop3A_116 = arith.constant 1024 : i32
      %parallel_loop3A_117 = arith.constant 16 : i32
      %parallel_loop3A_118 = arith.constant 0 : i32
      scf.for %parallel_loop3A_178 = %parallel_loop3A_115 to %parallel_loop3A_116 step %parallel_loop3A_117  : i32 {
        %parallel_loop3A_179 = arith.constant 0 : i32
        %parallel_loop3A_180 = arith.addi %parallel_loop3A_178, %parallel_loop3A_179 : i32
        %parallel_loop3A_181 = arith.constant 0 : i32
        %parallel_loop3A_182 = arith.addi %parallel_loop3A_180, %parallel_loop3A_181 : i32
        %parallel_loop3A_183 = arith.constant 0 : i32
        %parallel_loop3A_184 = arith.constant 0 : i32
        %parallel_loop3A_185 = tpu.memref_slice %arg12[%parallel_loop3A_118, %parallel_loop3A_183, %parallel_loop3A_184] : memref<2x2048x16xf32, #tpu.memory_space<vmem>> -> memref<1x2048x16xf32, #tpu.memory_space<vmem>>
        %parallel_loop3A_186 = tpu.memref_squeeze %parallel_loop3A_185 : memref<1x2048x16xf32, #tpu.memory_space<vmem>> -> memref<2048x16xf32, #tpu.memory_space<vmem>>
        %parallel_loop3A_187 = arith.index_cast %parallel_loop3A_182 : i32 to index
        %parallel_loop3A_188 = arith.constant 0 : index
        %parallel_loop3A_189 = tpu.vector_load %parallel_loop3A_186[%parallel_loop3A_187, %parallel_loop3A_188] {strides = array<i32>} : memref<2048x16xf32, #tpu.memory_space<vmem>>, vector<16xf32>,
        %parallel_loop3A_190 = arith.constant 1024 : i32
        %parallel_loop3A_191 = arith.addi %parallel_loop3A_190, %parallel_loop3A_182 : i32
        %parallel_loop3A_192 = arith.constant 0 : i32
        %parallel_loop3A_193 = arith.constant 0 : i32
        %parallel_loop3A_194 = tpu.memref_slice %arg12[%parallel_loop3A_118, %parallel_loop3A_192, %parallel_loop3A_193] : memref<2x2048x16xf32, #tpu.memory_space<vmem>> -> memref<1x2048x16xf32, #tpu.memory_space<vmem>>
        %parallel_loop3A_195 = tpu.memref_squeeze %parallel_loop3A_194 : memref<1x2048x16xf32, #tpu.memory_space<vmem>> -> memref<2048x16xf32, #tpu.memory_space<vmem>>
        %parallel_loop3A_196 = arith.index_cast %parallel_loop3A_191 : i32 to index
        %parallel_loop3A_197 = arith.constant 0 : index
        %parallel_loop3A_198 = tpu.vector_load %parallel_loop3A_195[%parallel_loop3A_196, %parallel_loop3A_197] {strides = array<i32>} : memref<2048x16xf32, #tpu.memory_space<vmem>>, vector<16xf32>,
        %parallel_loop3A_199 = arith.constant 9 : i32
        %parallel_loop3A_200 = arith.muli %parallel_loop3A_199, %parallel_loop3A_182 : i32
        %parallel_loop3A_201 = arith.index_cast %parallel_loop3A_200 : i32 to index
        %parallel_loop3A_202 = tpu.vector_load %arg11[%parallel_loop3A_201] {strides = array<i32>} : memref<9232xf32, #tpu.memory_space<vmem>>, vector<16xf32>,
        %parallel_loop3A_203 = vector.shape_cast %shift_right_arithmetic3A_13 : vector<16xi32> to vector<16x1xi32>
        %parallel_loop3A_204 = vector.shape_cast %parallel_loop3A_203 : vector<16x1xi32> to vector<16xi32>
        %parallel_loop3A_205 = tpu.dynamic_gather %parallel_loop3A_202[%parallel_loop3A_204] in [0] : vector<16xf32>, vector<16xi32> -> vector<16xf32>
        %parallel_loop3A_206 = arith.constant 4 : i32
        %parallel_loop3A_207 = vector.broadcast %parallel_loop3A_206 : i32 to vector<16xi32>
        %parallel_loop3A_208 = arith.addi %shift_right_arithmetic3A_13, %parallel_loop3A_207 : vector<16xi32>
        %parallel_loop3A_209 = vector.shape_cast %parallel_loop3A_208 : vector<16xi32> to vector<16x1xi32>
        %parallel_loop3A_210 = vector.shape_cast %parallel_loop3A_209 : vector<16x1xi32> to vector<16xi32>
        %parallel_loop3A_211 = tpu.dynamic_gather %parallel_loop3A_202[%parallel_loop3A_210] in [0] : vector<16xf32>, vector<16xi32> -> vector<16xf32>
        %parallel_loop3A_212 = arith.mulf %parallel_loop3A_189, %parallel_loop3A_205 : vector<16xf32>
        %parallel_loop3A_213 = arith.mulf %parallel_loop3A_198, %parallel_loop3A_211 : vector<16xf32>
        %parallel_loop3A_214 = arith.addf %parallel_loop3A_212, %parallel_loop3A_213 : vector<16xf32>
        %parallel_loop3A_215 = vector.shape_cast %and3A_11 : vector<16xi32> to vector<16x1xi32>
        %parallel_loop3A_216 = vector.shape_cast %parallel_loop3A_215 : vector<16x1xi32> to vector<16xi32>
        %parallel_loop3A_217 = tpu.dynamic_gather %parallel_loop3A_214[%parallel_loop3A_216] in [0] : vector<16xf32>, vector<16xi32> -> vector<16xf32>
        %parallel_loop3A_218 = arith.addf %parallel_loop3A_214, %parallel_loop3A_217 : vector<16xf32>
        %parallel_loop3A_219 = vector.shape_cast %and3A_5 : vector<16xi32> to vector<16x1xi32>
        %parallel_loop3A_220 = vector.shape_cast %parallel_loop3A_219 : vector<16x1xi32> to vector<16xi32>
        %parallel_loop3A_221 = tpu.dynamic_gather %parallel_loop3A_218[%parallel_loop3A_220] in [0] : vector<16xf32>, vector<16xi32> -> vector<16xf32>
        %parallel_loop3A_222 = arith.addf %parallel_loop3A_218, %parallel_loop3A_221 : vector<16xf32>
        %parallel_loop3A_223 = arith.constant 0 : i32
        %parallel_loop3A_224 = arith.addi %parallel_loop3A_178, %parallel_loop3A_223 : i32
        %parallel_loop3A_225 = arith.constant 1 : i32
        %parallel_loop3A_226 = arith.addi %parallel_loop3A_224, %parallel_loop3A_225 : i32
        %parallel_loop3A_227 = arith.constant 0 : i32
        %parallel_loop3A_228 = arith.constant 0 : i32
        %parallel_loop3A_229 = tpu.memref_slice %arg12[%parallel_loop3A_118, %parallel_loop3A_227, %parallel_loop3A_228] : memref<2x2048x16xf32, #tpu.memory_space<vmem>> -> memref<1x2048x16xf32, #tpu.memory_space<vmem>>
        %parallel_loop3A_230 = tpu.memref_squeeze %parallel_loop3A_229 : memref<1x2048x16xf32, #tpu.memory_space<vmem>> -> memref<2048x16xf32, #tpu.memory_space<vmem>>
        %parallel_loop3A_231 = arith.index_cast %parallel_loop3A_226 : i32 to index
        %parallel_loop3A_232 = arith.constant 0 : index
        %parallel_loop3A_233 = tpu.vector_load %parallel_loop3A_230[%parallel_loop3A_231, %parallel_loop3A_232] {strides = array<i32>} : memref<2048x16xf32, #tpu.memory_space<vmem>>, vector<16xf32>,
        %parallel_loop3A_234 = arith.constant 1024 : i32
        %parallel_loop3A_235 = arith.addi %parallel_loop3A_234, %parallel_loop3A_226 : i32
        %parallel_loop3A_236 = arith.constant 0 : i32
        %parallel_loop3A_237 = arith.constant 0 : i32
        %parallel_loop3A_238 = tpu.memref_slice %arg12[%parallel_loop3A_118, %parallel_loop3A_236, %parallel_loop3A_237] : memref<2x2048x16xf32, #tpu.memory_space<vmem>> -> memref<1x2048x16xf32, #tpu.memory_space<vmem>>
        %parallel_loop3A_239 = tpu.memref_squeeze %parallel_loop3A_238 : memref<1x2048x16xf32, #tpu.memory_space<vmem>> -> memref<2048x16xf32, #tpu.memory_space<vmem>>
        %parallel_loop3A_240 = arith.index_cast %parallel_loop3A_235 : i32 to index
        %parallel_loop3A_241 = arith.constant 0 : index
        %parallel_loop3A_242 = tpu.vector_load %parallel_loop3A_239[%parallel_loop3A_240, %parallel_loop3A_241] {strides = array<i32>} : memref<2048x16xf32, #tpu.memory_space<vmem>>, vector<16xf32>,
        %parallel_loop3A_243 = arith.constant 9 : i32
        %parallel_loop3A_244 = arith.muli %parallel_loop3A_243, %parallel_loop3A_226 : i32
        %parallel_loop3A_245 = arith.index_cast %parallel_loop3A_244 : i32 to index
        %parallel_loop3A_246 = tpu.vector_load %arg11[%parallel_loop3A_245] {strides = array<i32>} : memref<9232xf32, #tpu.memory_space<vmem>>, vector<16xf32>,
        %parallel_loop3A_247 = vector.shape_cast %shift_right_arithmetic3A_13 : vector<16xi32> to vector<16x1xi32>
        %parallel_loop3A_248 = vector.shape_cast %parallel_loop3A_247 : vector<16x1xi32> to vector<16xi32>
        %parallel_loop3A_249 = tpu.dynamic_gather %parallel_loop3A_246[%parallel_loop3A_248] in [0] : vector<16xf32>, vector<16xi32> -> vector<16xf32>
        %parallel_loop3A_250 = arith.constant 4 : i32
        %parallel_loop3A_251 = vector.broadcast %parallel_loop3A_250 : i32 to vector<16xi32>
        %parallel_loop3A_252 = arith.addi %shift_right_arithmetic3A_13, %parallel_loop3A_251 : vector<16xi32>
        %parallel_loop3A_253 = vector.shape_cast %parallel_loop3A_252 : vector<16xi32> to vector<16x1xi32>
        %parallel_loop3A_254 = vector.shape_cast %parallel_loop3A_253 : vector<16x1xi32> to vector<16xi32>
        %parallel_loop3A_255 = tpu.dynamic_gather %parallel_loop3A_246[%parallel_loop3A_254] in [0] : vector<16xf32>, vector<16xi32> -> vector<16xf32>
        %parallel_loop3A_256 = arith.mulf %parallel_loop3A_233, %parallel_loop3A_249 : vector<16xf32>
        %parallel_loop3A_257 = arith.mulf %parallel_loop3A_242, %parallel_loop3A_255 : vector<16xf32>
        %parallel_loop3A_258 = arith.addf %parallel_loop3A_256, %parallel_loop3A_257 : vector<16xf32>
        %parallel_loop3A_259 = vector.shape_cast %and3A_11 : vector<16xi32> to vector<16x1xi32>
        %parallel_loop3A_260 = vector.shape_cast %parallel_loop3A_259 : vector<16x1xi32> to vector<16xi32>
        %parallel_loop3A_261 = tpu.dynamic_gather %parallel_loop3A_258[%parallel_loop3A_260] in [0] : vector<16xf32>, vector<16xi32> -> vector<16xf32>
        %parallel_loop3A_262 = arith.addf %parallel_loop3A_258, %parallel_loop3A_261 : vector<16xf32>
        %parallel_loop3A_263 = vector.shape_cast %and3A_5 : vector<16xi32> to vector<16x1xi32>
        %parallel_loop3A_264 = vector.shape_cast %parallel_loop3A_263 : vector<16x1xi32> to vector<16xi32>
        %parallel_loop3A_265 = tpu.dynamic_gather %parallel_loop3A_262[%parallel_loop3A_264] in [0] : vector<16xf32>, vector<16xi32> -> vector<16xf32>
        %parallel_loop3A_266 = arith.addf %parallel_loop3A_262, %parallel_loop3A_265 : vector<16xf32>
        %parallel_loop3A_267 = arith.constant 0 : i32
        %parallel_loop3A_268 = arith.addi %parallel_loop3A_178, %parallel_loop3A_267 : i32
        %parallel_loop3A_269 = arith.constant 2 : i32
        %parallel_loop3A_270 = arith.addi %parallel_loop3A_268, %parallel_loop3A_269 : i32
        %parallel_loop3A_271 = arith.constant 0 : i32
        %parallel_loop3A_272 = arith.constant 0 : i32
        %parallel_loop3A_273 = tpu.memref_slice %arg12[%parallel_loop3A_118, %parallel_loop3A_271, %parallel_loop3A_272] : memref<2x2048x16xf32, #tpu.memory_space<vmem>> -> memref<1x2048x16xf32, #tpu.memory_space<vmem>>
        %parallel_loop3A_274 = tpu.memref_squeeze %parallel_loop3A_273 : memref<1x2048x16xf32, #tpu.memory_space<vmem>> -> memref<2048x16xf32, #tpu.memory_space<vmem>>
        %parallel_loop3A_275 = arith.index_cast %parallel_loop3A_270 : i32 to index
        %parallel_loop3A_276 = arith.constant 0 : index
        %parallel_loop3A_277 = tpu.vector_load %parallel_loop3A_274[%parallel_loop3A_275, %parallel_loop3A_276] {strides = array<i32>} : memref<2048x16xf32, #tpu.memory_space<vmem>>, vector<16xf32>,
        %parallel_loop3A_278 = arith.constant 1024 : i32
        %parallel_loop3A_279 = arith.addi %parallel_loop3A_278, %parallel_loop3A_270 : i32
        %parallel_loop3A_280 = arith.constant 0 : i32
        %parallel_loop3A_281 = arith.constant 0 : i32
        %parallel_loop3A_282 = tpu.memref_slice %arg12[%parallel_loop3A_118, %parallel_loop3A_280, %parallel_loop3A_281] : memref<2x2048x16xf32, #tpu.memory_space<vmem>> -> memref<1x2048x16xf32, #tpu.memory_space<vmem>>
        %parallel_loop3A_283 = tpu.memref_squeeze %parallel_loop3A_282 : memref<1x2048x16xf32, #tpu.memory_space<vmem>> -> memref<2048x16xf32, #tpu.memory_space<vmem>>
        %parallel_loop3A_284 = arith.index_cast %parallel_loop3A_279 : i32 to index
        %parallel_loop3A_285 = arith.constant 0 : index
        %parallel_loop3A_286 = tpu.vector_load %parallel_loop3A_283[%parallel_loop3A_284, %parallel_loop3A_285] {strides = array<i32>} : memref<2048x16xf32, #tpu.memory_space<vmem>>, vector<16xf32>,
        %parallel_loop3A_287 = arith.constant 9 : i32
        %parallel_loop3A_288 = arith.muli %parallel_loop3A_287, %parallel_loop3A_270 : i32
        %parallel_loop3A_289 = arith.index_cast %parallel_loop3A_288 : i32 to index
        %parallel_loop3A_290 = tpu.vector_load %arg11[%parallel_loop3A_289] {strides = array<i32>} : memref<9232xf32, #tpu.memory_space<vmem>>, vector<16xf32>,
        %parallel_loop3A_291 = vector.shape_cast %shift_right_arithmetic3A_13 : vector<16xi32> to vector<16x1xi32>
        %parallel_loop3A_292 = vector.shape_cast %parallel_loop3A_291 : vector<16x1xi32> to vector<16xi32>
        %parallel_loop3A_293 = tpu.dynamic_gather %parallel_loop3A_290[%parallel_loop3A_292] in [0] : vector<16xf32>, vector<16xi32> -> vector<16xf32>
        %parallel_loop3A_294 = arith.constant 4 : i32
        %parallel_loop3A_295 = vector.broadcast %parallel_loop3A_294 : i32 to vector<16xi32>
        %parallel_loop3A_296 = arith.addi %shift_right_arithmetic3A_13, %parallel_loop3A_295 : vector<16xi32>
        %parallel_loop3A_297 = vector.shape_cast %parallel_loop3A_296 : vector<16xi32> to vector<16x1xi32>
        %parallel_loop3A_298 = vector.shape_cast %parallel_loop3A_297 : vector<16x1xi32> to vector<16xi32>
        %parallel_loop3A_299 = tpu.dynamic_gather %parallel_loop3A_290[%parallel_loop3A_298] in [0] : vector<16xf32>, vector<16xi32> -> vector<16xf32>
        %parallel_loop3A_300 = arith.mulf %parallel_loop3A_277, %parallel_loop3A_293 : vector<16xf32>
        %parallel_loop3A_301 = arith.mulf %parallel_loop3A_286, %parallel_loop3A_299 : vector<16xf32>
        %parallel_loop3A_302 = arith.addf %parallel_loop3A_300, %parallel_loop3A_301 : vector<16xf32>
        %parallel_loop3A_303 = vector.shape_cast %and3A_11 : vector<16xi32> to vector<16x1xi32>
        %parallel_loop3A_304 = vector.shape_cast %parallel_loop3A_303 : vector<16x1xi32> to vector<16xi32>
        %parallel_loop3A_305 = tpu.dynamic_gather %parallel_loop3A_302[%parallel_loop3A_304] in [0] : vector<16xf32>, vector<16xi32> -> vector<16xf32>
        %parallel_loop3A_306 = arith.addf %parallel_loop3A_302, %parallel_loop3A_305 : vector<16xf32>
        %parallel_loop3A_307 = vector.shape_cast %and3A_5 : vector<16xi32> to vector<16x1xi32>
        %parallel_loop3A_308 = vector.shape_cast %parallel_loop3A_307 : vector<16x1xi32> to vector<16xi32>
        %parallel_loop3A_309 = tpu.dynamic_gather %parallel_loop3A_306[%parallel_loop3A_308] in [0] : vector<16xf32>, vector<16xi32> -> vector<16xf32>
        %parallel_loop3A_310 = arith.addf %parallel_loop3A_306, %parallel_loop3A_309 : vector<16xf32>
        %parallel_loop3A_311 = arith.constant 0 : i32
        %parallel_loop3A_312 = arith.addi %parallel_loop3A_178, %parallel_loop3A_311 : i32
        %parallel_loop3A_313 = arith.constant 3 : i32
        %parallel_loop3A_314 = arith.addi %parallel_loop3A_312, %parallel_loop3A_313 : i32
        %parallel_loop3A_315 = arith.constant 0 : i32
        %parallel_loop3A_316 = arith.constant 0 : i32
        %parallel_loop3A_317 = tpu.memref_slice %arg12[%parallel_loop3A_118, %parallel_loop3A_315, %parallel_loop3A_316] : memref<2x2048x16xf32, #tpu.memory_space<vmem>> -> memref<1x2048x16xf32, #tpu.memory_space<vmem>>
        %parallel_loop3A_318 = tpu.memref_squeeze %parallel_loop3A_317 : memref<1x2048x16xf32, #tpu.memory_space<vmem>> -> memref<2048x16xf32, #tpu.memory_space<vmem>>
        %parallel_loop3A_319 = arith.index_cast %parallel_loop3A_314 : i32 to index
        %parallel_loop3A_320 = arith.constant 0 : index
        %parallel_loop3A_321 = tpu.vector_load %parallel_loop3A_318[%parallel_loop3A_319, %parallel_loop3A_320] {strides = array<i32>} : memref<2048x16xf32, #tpu.memory_space<vmem>>, vector<16xf32>,
        %parallel_loop3A_322 = arith.constant 1024 : i32
        %parallel_loop3A_323 = arith.addi %parallel_loop3A_322, %parallel_loop3A_314 : i32
        %parallel_loop3A_324 = arith.constant 0 : i32
        %parallel_loop3A_325 = arith.constant 0 : i32
        %parallel_loop3A_326 = tpu.memref_slice %arg12[%parallel_loop3A_118, %parallel_loop3A_324, %parallel_loop3A_325] : memref<2x2048x16xf32, #tpu.memory_space<vmem>> -> memref<1x2048x16xf32, #tpu.memory_space<vmem>>
        %parallel_loop3A_327 = tpu.memref_squeeze %parallel_loop3A_326 : memref<1x2048x16xf32, #tpu.memory_space<vmem>> -> memref<2048x16xf32, #tpu.memory_space<vmem>>
        %parallel_loop3A_328 = arith.index_cast %parallel_loop3A_323 : i32 to index
        %parallel_loop3A_329 = arith.constant 0 : index
        %parallel_loop3A_330 = tpu.vector_load %parallel_loop3A_327[%parallel_loop3A_328, %parallel_loop3A_329] {strides = array<i32>} : memref<2048x16xf32, #tpu.memory_space<vmem>>, vector<16xf32>,
        %parallel_loop3A_331 = arith.constant 9 : i32
        %parallel_loop3A_332 = arith.muli %parallel_loop3A_331, %parallel_loop3A_314 : i32
        %parallel_loop3A_333 = arith.index_cast %parallel_loop3A_332 : i32 to index
        %parallel_loop3A_334 = tpu.vector_load %arg11[%parallel_loop3A_333] {strides = array<i32>} : memref<9232xf32, #tpu.memory_space<vmem>>, vector<16xf32>,
        %parallel_loop3A_335 = vector.shape_cast %shift_right_arithmetic3A_13 : vector<16xi32> to vector<16x1xi32>
        %parallel_loop3A_336 = vector.shape_cast %parallel_loop3A_335 : vector<16x1xi32> to vector<16xi32>
        %parallel_loop3A_337 = tpu.dynamic_gather %parallel_loop3A_334[%parallel_loop3A_336] in [0] : vector<16xf32>, vector<16xi32> -> vector<16xf32>
        %parallel_loop3A_338 = arith.constant 4 : i32
        %parallel_loop3A_339 = vector.broadcast %parallel_loop3A_338 : i32 to vector<16xi32>
        %parallel_loop3A_340 = arith.addi %shift_right_arithmetic3A_13, %parallel_loop3A_339 : vector<16xi32>
        %parallel_loop3A_341 = vector.shape_cast %parallel_loop3A_340 : vector<16xi32> to vector<16x1xi32>
        %parallel_loop3A_342 = vector.shape_cast %parallel_loop3A_341 : vector<16x1xi32> to vector<16xi32>
        %parallel_loop3A_343 = tpu.dynamic_gather %parallel_loop3A_334[%parallel_loop3A_342] in [0] : vector<16xf32>, vector<16xi32> -> vector<16xf32>
        %parallel_loop3A_344 = arith.mulf %parallel_loop3A_321, %parallel_loop3A_337 : vector<16xf32>
        %parallel_loop3A_345 = arith.mulf %parallel_loop3A_330, %parallel_loop3A_343 : vector<16xf32>
        %parallel_loop3A_346 = arith.addf %parallel_loop3A_344, %parallel_loop3A_345 : vector<16xf32>
        %parallel_loop3A_347 = vector.shape_cast %and3A_11 : vector<16xi32> to vector<16x1xi32>
        %parallel_loop3A_348 = vector.shape_cast %parallel_loop3A_347 : vector<16x1xi32> to vector<16xi32>
        %parallel_loop3A_349 = tpu.dynamic_gather %parallel_loop3A_346[%parallel_loop3A_348] in [0] : vector<16xf32>, vector<16xi32> -> vector<16xf32>
        %parallel_loop3A_350 = arith.addf %parallel_loop3A_346, %parallel_loop3A_349 : vector<16xf32>
        %parallel_loop3A_351 = vector.shape_cast %and3A_5 : vector<16xi32> to vector<16x1xi32>
        %parallel_loop3A_352 = vector.shape_cast %parallel_loop3A_351 : vector<16x1xi32> to vector<16xi32>
        %parallel_loop3A_353 = tpu.dynamic_gather %parallel_loop3A_350[%parallel_loop3A_352] in [0] : vector<16xf32>, vector<16xi32> -> vector<16xf32>
        %parallel_loop3A_354 = arith.addf %parallel_loop3A_350, %parallel_loop3A_353 : vector<16xf32>
        %parallel_loop3A_355 = arith.select %lt3A_59, %parallel_loop3A_310, %parallel_loop3A_354 : vector<16xi1>, vector<16xf32>
        %parallel_loop3A_356 = arith.select %lt3A_56, %parallel_loop3A_266, %parallel_loop3A_355 : vector<16xi1>, vector<16xf32>
        %parallel_loop3A_357 = arith.select %lt3A_53, %parallel_loop3A_222, %parallel_loop3A_356 : vector<16xi1>, vector<16xf32>
        %parallel_loop3A_358 = arith.constant 4 : i32
        %parallel_loop3A_359 = arith.addi %parallel_loop3A_178, %parallel_loop3A_358 : i32
        %parallel_loop3A_360 = arith.constant 0 : i32
        %parallel_loop3A_361 = arith.addi %parallel_loop3A_359, %parallel_loop3A_360 : i32
        %parallel_loop3A_362 = arith.constant 0 : i32
        %parallel_loop3A_363 = arith.constant 0 : i32
        %parallel_loop3A_364 = tpu.memref_slice %arg12[%parallel_loop3A_118, %parallel_loop3A_362, %parallel_loop3A_363] : memref<2x2048x16xf32, #tpu.memory_space<vmem>> -> memref<1x2048x16xf32, #tpu.memory_space<vmem>>
        %parallel_loop3A_365 = tpu.memref_squeeze %parallel_loop3A_364 : memref<1x2048x16xf32, #tpu.memory_space<vmem>> -> memref<2048x16xf32, #tpu.memory_space<vmem>>
        %parallel_loop3A_366 = arith.index_cast %parallel_loop3A_361 : i32 to index
        %parallel_loop3A_367 = arith.constant 0 : index
        %parallel_loop3A_368 = tpu.vector_load %parallel_loop3A_365[%parallel_loop3A_366, %parallel_loop3A_367] {strides = array<i32>} : memref<2048x16xf32, #tpu.memory_space<vmem>>, vector<16xf32>,
        %parallel_loop3A_369 = arith.constant 1024 : i32
        %parallel_loop3A_370 = arith.addi %parallel_loop3A_369, %parallel_loop3A_361 : i32
        %parallel_loop3A_371 = arith.constant 0 : i32
        %parallel_loop3A_372 = arith.constant 0 : i32
        %parallel_loop3A_373 = tpu.memref_slice %arg12[%parallel_loop3A_118, %parallel_loop3A_371, %parallel_loop3A_372] : memref<2x2048x16xf32, #tpu.memory_space<vmem>> -> memref<1x2048x16xf32, #tpu.memory_space<vmem>>
        %parallel_loop3A_374 = tpu.memref_squeeze %parallel_loop3A_373 : memref<1x2048x16xf32, #tpu.memory_space<vmem>> -> memref<2048x16xf32, #tpu.memory_space<vmem>>
        %parallel_loop3A_375 = arith.index_cast %parallel_loop3A_370 : i32 to index
        %parallel_loop3A_376 = arith.constant 0 : index
        %parallel_loop3A_377 = tpu.vector_load %parallel_loop3A_374[%parallel_loop3A_375, %parallel_loop3A_376] {strides = array<i32>} : memref<2048x16xf32, #tpu.memory_space<vmem>>, vector<16xf32>,
        %parallel_loop3A_378 = arith.constant 9 : i32
        %parallel_loop3A_379 = arith.muli %parallel_loop3A_378, %parallel_loop3A_361 : i32
        %parallel_loop3A_380 = arith.index_cast %parallel_loop3A_379 : i32 to index
        %parallel_loop3A_381 = tpu.vector_load %arg11[%parallel_loop3A_380] {strides = array<i32>} : memref<9232xf32, #tpu.memory_space<vmem>>, vector<16xf32>,
        %parallel_loop3A_382 = vector.shape_cast %shift_right_arithmetic3A_13 : vector<16xi32> to vector<16x1xi32>
        %parallel_loop3A_383 = vector.shape_cast %parallel_loop3A_382 : vector<16x1xi32> to vector<16xi32>
        %parallel_loop3A_384 = tpu.dynamic_gather %parallel_loop3A_381[%parallel_loop3A_383] in [0] : vector<16xf32>, vector<16xi32> -> vector<16xf32>
        %parallel_loop3A_385 = arith.constant 4 : i32
        %parallel_loop3A_386 = vector.broadcast %parallel_loop3A_385 : i32 to vector<16xi32>
        %parallel_loop3A_387 = arith.addi %shift_right_arithmetic3A_13, %parallel_loop3A_386 : vector<16xi32>
        %parallel_loop3A_388 = vector.shape_cast %parallel_loop3A_387 : vector<16xi32> to vector<16x1xi32>
        %parallel_loop3A_389 = vector.shape_cast %parallel_loop3A_388 : vector<16x1xi32> to vector<16xi32>
        %parallel_loop3A_390 = tpu.dynamic_gather %parallel_loop3A_381[%parallel_loop3A_389] in [0] : vector<16xf32>, vector<16xi32> -> vector<16xf32>
        %parallel_loop3A_391 = arith.mulf %parallel_loop3A_368, %parallel_loop3A_384 : vector<16xf32>
        %parallel_loop3A_392 = arith.mulf %parallel_loop3A_377, %parallel_loop3A_390 : vector<16xf32>
        %parallel_loop3A_393 = arith.addf %parallel_loop3A_391, %parallel_loop3A_392 : vector<16xf32>
        %parallel_loop3A_394 = vector.shape_cast %and3A_11 : vector<16xi32> to vector<16x1xi32>
        %parallel_loop3A_395 = vector.shape_cast %parallel_loop3A_394 : vector<16x1xi32> to vector<16xi32>
        %parallel_loop3A_396 = tpu.dynamic_gather %parallel_loop3A_393[%parallel_loop3A_395] in [0] : vector<16xf32>, vector<16xi32> -> vector<16xf32>
        %parallel_loop3A_397 = arith.addf %parallel_loop3A_393, %parallel_loop3A_396 : vector<16xf32>
        %parallel_loop3A_398 = vector.shape_cast %and3A_5 : vector<16xi32> to vector<16x1xi32>
        %parallel_loop3A_399 = vector.shape_cast %parallel_loop3A_398 : vector<16x1xi32> to vector<16xi32>
        %parallel_loop3A_400 = tpu.dynamic_gather %parallel_loop3A_397[%parallel_loop3A_399] in [0] : vector<16xf32>, vector<16xi32> -> vector<16xf32>
        %parallel_loop3A_401 = arith.addf %parallel_loop3A_397, %parallel_loop3A_400 : vector<16xf32>
        %parallel_loop3A_402 = arith.constant 4 : i32
        %parallel_loop3A_403 = arith.addi %parallel_loop3A_178, %parallel_loop3A_402 : i32
        %parallel_loop3A_404 = arith.constant 1 : i32
        %parallel_loop3A_405 = arith.addi %parallel_loop3A_403, %parallel_loop3A_404 : i32
        %parallel_loop3A_406 = arith.constant 0 : i32
        %parallel_loop3A_407 = arith.constant 0 : i32
        %parallel_loop3A_408 = tpu.memref_slice %arg12[%parallel_loop3A_118, %parallel_loop3A_406, %parallel_loop3A_407] : memref<2x2048x16xf32, #tpu.memory_space<vmem>> -> memref<1x2048x16xf32, #tpu.memory_space<vmem>>
        %parallel_loop3A_409 = tpu.memref_squeeze %parallel_loop3A_408 : memref<1x2048x16xf32, #tpu.memory_space<vmem>> -> memref<2048x16xf32, #tpu.memory_space<vmem>>
        %parallel_loop3A_410 = arith.index_cast %parallel_loop3A_405 : i32 to index
        %parallel_loop3A_411 = arith.constant 0 : index
        %parallel_loop3A_412 = tpu.vector_load %parallel_loop3A_409[%parallel_loop3A_410, %parallel_loop3A_411] {strides = array<i32>} : memref<2048x16xf32, #tpu.memory_space<vmem>>, vector<16xf32>,
        %parallel_loop3A_413 = arith.constant 1024 : i32
        %parallel_loop3A_414 = arith.addi %parallel_loop3A_413, %parallel_loop3A_405 : i32
        %parallel_loop3A_415 = arith.constant 0 : i32
        %parallel_loop3A_416 = arith.constant 0 : i32
        %parallel_loop3A_417 = tpu.memref_slice %arg12[%parallel_loop3A_118, %parallel_loop3A_415, %parallel_loop3A_416] : memref<2x2048x16xf32, #tpu.memory_space<vmem>> -> memref<1x2048x16xf32, #tpu.memory_space<vmem>>
        %parallel_loop3A_418 = tpu.memref_squeeze %parallel_loop3A_417 : memref<1x2048x16xf32, #tpu.memory_space<vmem>> -> memref<2048x16xf32, #tpu.memory_space<vmem>>
        %parallel_loop3A_419 = arith.index_cast %parallel_loop3A_414 : i32 to index
        %parallel_loop3A_420 = arith.constant 0 : index
        %parallel_loop3A_421 = tpu.vector_load %parallel_loop3A_418[%parallel_loop3A_419, %parallel_loop3A_420] {strides = array<i32>} : memref<2048x16xf32, #tpu.memory_space<vmem>>, vector<16xf32>,
        %parallel_loop3A_422 = arith.constant 9 : i32
        %parallel_loop3A_423 = arith.muli %parallel_loop3A_422, %parallel_loop3A_405 : i32
        %parallel_loop3A_424 = arith.index_cast %parallel_loop3A_423 : i32 to index
        %parallel_loop3A_425 = tpu.vector_load %arg11[%parallel_loop3A_424] {strides = array<i32>} : memref<9232xf32, #tpu.memory_space<vmem>>, vector<16xf32>,
        %parallel_loop3A_426 = vector.shape_cast %shift_right_arithmetic3A_13 : vector<16xi32> to vector<16x1xi32>
        %parallel_loop3A_427 = vector.shape_cast %parallel_loop3A_426 : vector<16x1xi32> to vector<16xi32>
        %parallel_loop3A_428 = tpu.dynamic_gather %parallel_loop3A_425[%parallel_loop3A_427] in [0] : vector<16xf32>, vector<16xi32> -> vector<16xf32>
        %parallel_loop3A_429 = arith.constant 4 : i32
        %parallel_loop3A_430 = vector.broadcast %parallel_loop3A_429 : i32 to vector<16xi32>
        %parallel_loop3A_431 = arith.addi %shift_right_arithmetic3A_13, %parallel_loop3A_430 : vector<16xi32>
        %parallel_loop3A_432 = vector.shape_cast %parallel_loop3A_431 : vector<16xi32> to vector<16x1xi32>
        %parallel_loop3A_433 = vector.shape_cast %parallel_loop3A_432 : vector<16x1xi32> to vector<16xi32>
        %parallel_loop3A_434 = tpu.dynamic_gather %parallel_loop3A_425[%parallel_loop3A_433] in [0] : vector<16xf32>, vector<16xi32> -> vector<16xf32>
        %parallel_loop3A_435 = arith.mulf %parallel_loop3A_412, %parallel_loop3A_428 : vector<16xf32>
        %parallel_loop3A_436 = arith.mulf %parallel_loop3A_421, %parallel_loop3A_434 : vector<16xf32>
        %parallel_loop3A_437 = arith.addf %parallel_loop3A_435, %parallel_loop3A_436 : vector<16xf32>
        %parallel_loop3A_438 = vector.shape_cast %and3A_11 : vector<16xi32> to vector<16x1xi32>
        %parallel_loop3A_439 = vector.shape_cast %parallel_loop3A_438 : vector<16x1xi32> to vector<16xi32>
        %parallel_loop3A_440 = tpu.dynamic_gather %parallel_loop3A_437[%parallel_loop3A_439] in [0] : vector<16xf32>, vector<16xi32> -> vector<16xf32>
        %parallel_loop3A_441 = arith.addf %parallel_loop3A_437, %parallel_loop3A_440 : vector<16xf32>
        %parallel_loop3A_442 = vector.shape_cast %and3A_5 : vector<16xi32> to vector<16x1xi32>
        %parallel_loop3A_443 = vector.shape_cast %parallel_loop3A_442 : vector<16x1xi32> to vector<16xi32>
        %parallel_loop3A_444 = tpu.dynamic_gather %parallel_loop3A_441[%parallel_loop3A_443] in [0] : vector<16xf32>, vector<16xi32> -> vector<16xf32>
        %parallel_loop3A_445 = arith.addf %parallel_loop3A_441, %parallel_loop3A_444 : vector<16xf32>
        %parallel_loop3A_446 = arith.constant 4 : i32
        %parallel_loop3A_447 = arith.addi %parallel_loop3A_178, %parallel_loop3A_446 : i32
        %parallel_loop3A_448 = arith.constant 2 : i32
        %parallel_loop3A_449 = arith.addi %parallel_loop3A_447, %parallel_loop3A_448 : i32
        %parallel_loop3A_450 = arith.constant 0 : i32
        %parallel_loop3A_451 = arith.constant 0 : i32
        %parallel_loop3A_452 = tpu.memref_slice %arg12[%parallel_loop3A_118, %parallel_loop3A_450, %parallel_loop3A_451] : memref<2x2048x16xf32, #tpu.memory_space<vmem>> -> memref<1x2048x16xf32, #tpu.memory_space<vmem>>
        %parallel_loop3A_453 = tpu.memref_squeeze %parallel_loop3A_452 : memref<1x2048x16xf32, #tpu.memory_space<vmem>> -> memref<2048x16xf32, #tpu.memory_space<vmem>>
        %parallel_loop3A_454 = arith.index_cast %parallel_loop3A_449 : i32 to index
        %parallel_loop3A_455 = arith.constant 0 : index
        %parallel_loop3A_456 = tpu.vector_load %parallel_loop3A_453[%parallel_loop3A_454, %parallel_loop3A_455] {strides = array<i32>} : memref<2048x16xf32, #tpu.memory_space<vmem>>, vector<16xf32>,
        %parallel_loop3A_457 = arith.constant 1024 : i32
        %parallel_loop3A_458 = arith.addi %parallel_loop3A_457, %parallel_loop3A_449 : i32
        %parallel_loop3A_459 = arith.constant 0 : i32
        %parallel_loop3A_460 = arith.constant 0 : i32
        %parallel_loop3A_461 = tpu.memref_slice %arg12[%parallel_loop3A_118, %parallel_loop3A_459, %parallel_loop3A_460] : memref<2x2048x16xf32, #tpu.memory_space<vmem>> -> memref<1x2048x16xf32, #tpu.memory_space<vmem>>
        %parallel_loop3A_462 = tpu.memref_squeeze %parallel_loop3A_461 : memref<1x2048x16xf32, #tpu.memory_space<vmem>> -> memref<2048x16xf32, #tpu.memory_space<vmem>>
        %parallel_loop3A_463 = arith.index_cast %parallel_loop3A_458 : i32 to index
        %parallel_loop3A_464 = arith.constant 0 : index
        %parallel_loop3A_465 = tpu.vector_load %parallel_loop3A_462[%parallel_loop3A_463, %parallel_loop3A_464] {strides = array<i32>} : memref<2048x16xf32, #tpu.memory_space<vmem>>, vector<16xf32>,
        %parallel_loop3A_466 = arith.constant 9 : i32
        %parallel_loop3A_467 = arith.muli %parallel_loop3A_466, %parallel_loop3A_449 : i32
        %parallel_loop3A_468 = arith.index_cast %parallel_loop3A_467 : i32 to index
        %parallel_loop3A_469 = tpu.vector_load %arg11[%parallel_loop3A_468] {strides = array<i32>} : memref<9232xf32, #tpu.memory_space<vmem>>, vector<16xf32>,
        %parallel_loop3A_470 = vector.shape_cast %shift_right_arithmetic3A_13 : vector<16xi32> to vector<16x1xi32>
        %parallel_loop3A_471 = vector.shape_cast %parallel_loop3A_470 : vector<16x1xi32> to vector<16xi32>
        %parallel_loop3A_472 = tpu.dynamic_gather %parallel_loop3A_469[%parallel_loop3A_471] in [0] : vector<16xf32>, vector<16xi32> -> vector<16xf32>
        %parallel_loop3A_473 = arith.constant 4 : i32
        %parallel_loop3A_474 = vector.broadcast %parallel_loop3A_473 : i32 to vector<16xi32>
        %parallel_loop3A_475 = arith.addi %shift_right_arithmetic3A_13, %parallel_loop3A_474 : vector<16xi32>
        %parallel_loop3A_476 = vector.shape_cast %parallel_loop3A_475 : vector<16xi32> to vector<16x1xi32>
        %parallel_loop3A_477 = vector.shape_cast %parallel_loop3A_476 : vector<16x1xi32> to vector<16xi32>
        %parallel_loop3A_478 = tpu.dynamic_gather %parallel_loop3A_469[%parallel_loop3A_477] in [0] : vector<16xf32>, vector<16xi32> -> vector<16xf32>
        %parallel_loop3A_479 = arith.mulf %parallel_loop3A_456, %parallel_loop3A_472 : vector<16xf32>
        %parallel_loop3A_480 = arith.mulf %parallel_loop3A_465, %parallel_loop3A_478 : vector<16xf32>
        %parallel_loop3A_481 = arith.addf %parallel_loop3A_479, %parallel_loop3A_480 : vector<16xf32>
        %parallel_loop3A_482 = vector.shape_cast %and3A_11 : vector<16xi32> to vector<16x1xi32>
        %parallel_loop3A_483 = vector.shape_cast %parallel_loop3A_482 : vector<16x1xi32> to vector<16xi32>
        %parallel_loop3A_484 = tpu.dynamic_gather %parallel_loop3A_481[%parallel_loop3A_483] in [0] : vector<16xf32>, vector<16xi32> -> vector<16xf32>
        %parallel_loop3A_485 = arith.addf %parallel_loop3A_481, %parallel_loop3A_484 : vector<16xf32>
        %parallel_loop3A_486 = vector.shape_cast %and3A_5 : vector<16xi32> to vector<16x1xi32>
        %parallel_loop3A_487 = vector.shape_cast %parallel_loop3A_486 : vector<16x1xi32> to vector<16xi32>
        %parallel_loop3A_488 = tpu.dynamic_gather %parallel_loop3A_485[%parallel_loop3A_487] in [0] : vector<16xf32>, vector<16xi32> -> vector<16xf32>
        %parallel_loop3A_489 = arith.addf %parallel_loop3A_485, %parallel_loop3A_488 : vector<16xf32>
        %parallel_loop3A_490 = arith.constant 4 : i32
        %parallel_loop3A_491 = arith.addi %parallel_loop3A_178, %parallel_loop3A_490 : i32
        %parallel_loop3A_492 = arith.constant 3 : i32
        %parallel_loop3A_493 = arith.addi %parallel_loop3A_491, %parallel_loop3A_492 : i32
        %parallel_loop3A_494 = arith.constant 0 : i32
        %parallel_loop3A_495 = arith.constant 0 : i32
        %parallel_loop3A_496 = tpu.memref_slice %arg12[%parallel_loop3A_118, %parallel_loop3A_494, %parallel_loop3A_495] : memref<2x2048x16xf32, #tpu.memory_space<vmem>> -> memref<1x2048x16xf32, #tpu.memory_space<vmem>>
        %parallel_loop3A_497 = tpu.memref_squeeze %parallel_loop3A_496 : memref<1x2048x16xf32, #tpu.memory_space<vmem>> -> memref<2048x16xf32, #tpu.memory_space<vmem>>
        %parallel_loop3A_498 = arith.index_cast %parallel_loop3A_493 : i32 to index
        %parallel_loop3A_499 = arith.constant 0 : index
        %parallel_loop3A_500 = tpu.vector_load %parallel_loop3A_497[%parallel_loop3A_498, %parallel_loop3A_499] {strides = array<i32>} : memref<2048x16xf32, #tpu.memory_space<vmem>>, vector<16xf32>,
        %parallel_loop3A_501 = arith.constant 1024 : i32
        %parallel_loop3A_502 = arith.addi %parallel_loop3A_501, %parallel_loop3A_493 : i32
        %parallel_loop3A_503 = arith.constant 0 : i32
        %parallel_loop3A_504 = arith.constant 0 : i32
        %parallel_loop3A_505 = tpu.memref_slice %arg12[%parallel_loop3A_118, %parallel_loop3A_503, %parallel_loop3A_504] : memref<2x2048x16xf32, #tpu.memory_space<vmem>> -> memref<1x2048x16xf32, #tpu.memory_space<vmem>>
        %parallel_loop3A_506 = tpu.memref_squeeze %parallel_loop3A_505 : memref<1x2048x16xf32, #tpu.memory_space<vmem>> -> memref<2048x16xf32, #tpu.memory_space<vmem>>
        %parallel_loop3A_507 = arith.index_cast %parallel_loop3A_502 : i32 to index
        %parallel_loop3A_508 = arith.constant 0 : index
        %parallel_loop3A_509 = tpu.vector_load %parallel_loop3A_506[%parallel_loop3A_507, %parallel_loop3A_508] {strides = array<i32>} : memref<2048x16xf32, #tpu.memory_space<vmem>>, vector<16xf32>,
        %parallel_loop3A_510 = arith.constant 9 : i32
        %parallel_loop3A_511 = arith.muli %parallel_loop3A_510, %parallel_loop3A_493 : i32
        %parallel_loop3A_512 = arith.index_cast %parallel_loop3A_511 : i32 to index
        %parallel_loop3A_513 = tpu.vector_load %arg11[%parallel_loop3A_512] {strides = array<i32>} : memref<9232xf32, #tpu.memory_space<vmem>>, vector<16xf32>,
        %parallel_loop3A_514 = vector.shape_cast %shift_right_arithmetic3A_13 : vector<16xi32> to vector<16x1xi32>
        %parallel_loop3A_515 = vector.shape_cast %parallel_loop3A_514 : vector<16x1xi32> to vector<16xi32>
        %parallel_loop3A_516 = tpu.dynamic_gather %parallel_loop3A_513[%parallel_loop3A_515] in [0] : vector<16xf32>, vector<16xi32> -> vector<16xf32>
        %parallel_loop3A_517 = arith.constant 4 : i32
        %parallel_loop3A_518 = vector.broadcast %parallel_loop3A_517 : i32 to vector<16xi32>
        %parallel_loop3A_519 = arith.addi %shift_right_arithmetic3A_13, %parallel_loop3A_518 : vector<16xi32>
        %parallel_loop3A_520 = vector.shape_cast %parallel_loop3A_519 : vector<16xi32> to vector<16x1xi32>
        %parallel_loop3A_521 = vector.shape_cast %parallel_loop3A_520 : vector<16x1xi32> to vector<16xi32>
        %parallel_loop3A_522 = tpu.dynamic_gather %parallel_loop3A_513[%parallel_loop3A_521] in [0] : vector<16xf32>, vector<16xi32> -> vector<16xf32>
        %parallel_loop3A_523 = arith.mulf %parallel_loop3A_500, %parallel_loop3A_516 : vector<16xf32>
        %parallel_loop3A_524 = arith.mulf %parallel_loop3A_509, %parallel_loop3A_522 : vector<16xf32>
        %parallel_loop3A_525 = arith.addf %parallel_loop3A_523, %parallel_loop3A_524 : vector<16xf32>
        %parallel_loop3A_526 = vector.shape_cast %and3A_11 : vector<16xi32> to vector<16x1xi32>
        %parallel_loop3A_527 = vector.shape_cast %parallel_loop3A_526 : vector<16x1xi32> to vector<16xi32>
        %parallel_loop3A_528 = tpu.dynamic_gather %parallel_loop3A_525[%parallel_loop3A_527] in [0] : vector<16xf32>, vector<16xi32> -> vector<16xf32>
        %parallel_loop3A_529 = arith.addf %parallel_loop3A_525, %parallel_loop3A_528 : vector<16xf32>
        %parallel_loop3A_530 = vector.shape_cast %and3A_5 : vector<16xi32> to vector<16x1xi32>
        %parallel_loop3A_531 = vector.shape_cast %parallel_loop3A_530 : vector<16x1xi32> to vector<16xi32>
        %parallel_loop3A_532 = tpu.dynamic_gather %parallel_loop3A_529[%parallel_loop3A_531] in [0] : vector<16xf32>, vector<16xi32> -> vector<16xf32>
        %parallel_loop3A_533 = arith.addf %parallel_loop3A_529, %parallel_loop3A_532 : vector<16xf32>
        %parallel_loop3A_534 = arith.select %lt3A_59, %parallel_loop3A_489, %parallel_loop3A_533 : vector<16xi1>, vector<16xf32>
        %parallel_loop3A_535 = arith.select %lt3A_56, %parallel_loop3A_445, %parallel_loop3A_534 : vector<16xi1>, vector<16xf32>
        %parallel_loop3A_536 = arith.select %lt3A_53, %parallel_loop3A_401, %parallel_loop3A_535 : vector<16xi1>, vector<16xf32>
        %parallel_loop3A_537 = arith.constant 8 : i32
        %parallel_loop3A_538 = arith.addi %parallel_loop3A_178, %parallel_loop3A_537 : i32
        %parallel_loop3A_539 = arith.constant 0 : i32
        %parallel_loop3A_540 = arith.addi %parallel_loop3A_538, %parallel_loop3A_539 : i32
        %parallel_loop3A_541 = arith.constant 0 : i32
        %parallel_loop3A_542 = arith.constant 0 : i32
        %parallel_loop3A_543 = tpu.memref_slice %arg12[%parallel_loop3A_118, %parallel_loop3A_541, %parallel_loop3A_542] : memref<2x2048x16xf32, #tpu.memory_space<vmem>> -> memref<1x2048x16xf32, #tpu.memory_space<vmem>>
        %parallel_loop3A_544 = tpu.memref_squeeze %parallel_loop3A_543 : memref<1x2048x16xf32, #tpu.memory_space<vmem>> -> memref<2048x16xf32, #tpu.memory_space<vmem>>
        %parallel_loop3A_545 = arith.index_cast %parallel_loop3A_540 : i32 to index
        %parallel_loop3A_546 = arith.constant 0 : index
        %parallel_loop3A_547 = tpu.vector_load %parallel_loop3A_544[%parallel_loop3A_545, %parallel_loop3A_546] {strides = array<i32>} : memref<2048x16xf32, #tpu.memory_space<vmem>>, vector<16xf32>,
        %parallel_loop3A_548 = arith.constant 1024 : i32
        %parallel_loop3A_549 = arith.addi %parallel_loop3A_548, %parallel_loop3A_540 : i32
        %parallel_loop3A_550 = arith.constant 0 : i32
        %parallel_loop3A_551 = arith.constant 0 : i32
        %parallel_loop3A_552 = tpu.memref_slice %arg12[%parallel_loop3A_118, %parallel_loop3A_550, %parallel_loop3A_551] : memref<2x2048x16xf32, #tpu.memory_space<vmem>> -> memref<1x2048x16xf32, #tpu.memory_space<vmem>>
        %parallel_loop3A_553 = tpu.memref_squeeze %parallel_loop3A_552 : memref<1x2048x16xf32, #tpu.memory_space<vmem>> -> memref<2048x16xf32, #tpu.memory_space<vmem>>
        %parallel_loop3A_554 = arith.index_cast %parallel_loop3A_549 : i32 to index
        %parallel_loop3A_555 = arith.constant 0 : index
        %parallel_loop3A_556 = tpu.vector_load %parallel_loop3A_553[%parallel_loop3A_554, %parallel_loop3A_555] {strides = array<i32>} : memref<2048x16xf32, #tpu.memory_space<vmem>>, vector<16xf32>,
        %parallel_loop3A_557 = arith.constant 9 : i32
        %parallel_loop3A_558 = arith.muli %parallel_loop3A_557, %parallel_loop3A_540 : i32
        %parallel_loop3A_559 = arith.index_cast %parallel_loop3A_558 : i32 to index
        %parallel_loop3A_560 = tpu.vector_load %arg11[%parallel_loop3A_559] {strides = array<i32>} : memref<9232xf32, #tpu.memory_space<vmem>>, vector<16xf32>,
        %parallel_loop3A_561 = vector.shape_cast %shift_right_arithmetic3A_13 : vector<16xi32> to vector<16x1xi32>
        %parallel_loop3A_562 = vector.shape_cast %parallel_loop3A_561 : vector<16x1xi32> to vector<16xi32>
        %parallel_loop3A_563 = tpu.dynamic_gather %parallel_loop3A_560[%parallel_loop3A_562] in [0] : vector<16xf32>, vector<16xi32> -> vector<16xf32>
        %parallel_loop3A_564 = arith.constant 4 : i32
        %parallel_loop3A_565 = vector.broadcast %parallel_loop3A_564 : i32 to vector<16xi32>
        %parallel_loop3A_566 = arith.addi %shift_right_arithmetic3A_13, %parallel_loop3A_565 : vector<16xi32>
        %parallel_loop3A_567 = vector.shape_cast %parallel_loop3A_566 : vector<16xi32> to vector<16x1xi32>
        %parallel_loop3A_568 = vector.shape_cast %parallel_loop3A_567 : vector<16x1xi32> to vector<16xi32>
        %parallel_loop3A_569 = tpu.dynamic_gather %parallel_loop3A_560[%parallel_loop3A_568] in [0] : vector<16xf32>, vector<16xi32> -> vector<16xf32>
        %parallel_loop3A_570 = arith.mulf %parallel_loop3A_547, %parallel_loop3A_563 : vector<16xf32>
        %parallel_loop3A_571 = arith.mulf %parallel_loop3A_556, %parallel_loop3A_569 : vector<16xf32>
        %parallel_loop3A_572 = arith.addf %parallel_loop3A_570, %parallel_loop3A_571 : vector<16xf32>
        %parallel_loop3A_573 = vector.shape_cast %and3A_11 : vector<16xi32> to vector<16x1xi32>
        %parallel_loop3A_574 = vector.shape_cast %parallel_loop3A_573 : vector<16x1xi32> to vector<16xi32>
        %parallel_loop3A_575 = tpu.dynamic_gather %parallel_loop3A_572[%parallel_loop3A_574] in [0] : vector<16xf32>, vector<16xi32> -> vector<16xf32>
        %parallel_loop3A_576 = arith.addf %parallel_loop3A_572, %parallel_loop3A_575 : vector<16xf32>
        %parallel_loop3A_577 = vector.shape_cast %and3A_5 : vector<16xi32> to vector<16x1xi32>
        %parallel_loop3A_578 = vector.shape_cast %parallel_loop3A_577 : vector<16x1xi32> to vector<16xi32>
        %parallel_loop3A_579 = tpu.dynamic_gather %parallel_loop3A_576[%parallel_loop3A_578] in [0] : vector<16xf32>, vector<16xi32> -> vector<16xf32>
        %parallel_loop3A_580 = arith.addf %parallel_loop3A_576, %parallel_loop3A_579 : vector<16xf32>
        %parallel_loop3A_581 = arith.constant 8 : i32
        %parallel_loop3A_582 = arith.addi %parallel_loop3A_178, %parallel_loop3A_581 : i32
        %parallel_loop3A_583 = arith.constant 1 : i32
        %parallel_loop3A_584 = arith.addi %parallel_loop3A_582, %parallel_loop3A_583 : i32
        %parallel_loop3A_585 = arith.constant 0 : i32
        %parallel_loop3A_586 = arith.constant 0 : i32
        %parallel_loop3A_587 = tpu.memref_slice %arg12[%parallel_loop3A_118, %parallel_loop3A_585, %parallel_loop3A_586] : memref<2x2048x16xf32, #tpu.memory_space<vmem>> -> memref<1x2048x16xf32, #tpu.memory_space<vmem>>
        %parallel_loop3A_588 = tpu.memref_squeeze %parallel_loop3A_587 : memref<1x2048x16xf32, #tpu.memory_space<vmem>> -> memref<2048x16xf32, #tpu.memory_space<vmem>>
        %parallel_loop3A_589 = arith.index_cast %parallel_loop3A_584 : i32 to index
        %parallel_loop3A_590 = arith.constant 0 : index
        %parallel_loop3A_591 = tpu.vector_load %parallel_loop3A_588[%parallel_loop3A_589, %parallel_loop3A_590] {strides = array<i32>} : memref<2048x16xf32, #tpu.memory_space<vmem>>, vector<16xf32>,
        %parallel_loop3A_592 = arith.constant 1024 : i32
        %parallel_loop3A_593 = arith.addi %parallel_loop3A_592, %parallel_loop3A_584 : i32
        %parallel_loop3A_594 = arith.constant 0 : i32
        %parallel_loop3A_595 = arith.constant 0 : i32
        %parallel_loop3A_596 = tpu.memref_slice %arg12[%parallel_loop3A_118, %parallel_loop3A_594, %parallel_loop3A_595] : memref<2x2048x16xf32, #tpu.memory_space<vmem>> -> memref<1x2048x16xf32, #tpu.memory_space<vmem>>
        %parallel_loop3A_597 = tpu.memref_squeeze %parallel_loop3A_596 : memref<1x2048x16xf32, #tpu.memory_space<vmem>> -> memref<2048x16xf32, #tpu.memory_space<vmem>>
        %parallel_loop3A_598 = arith.index_cast %parallel_loop3A_593 : i32 to index
        %parallel_loop3A_599 = arith.constant 0 : index
        %parallel_loop3A_600 = tpu.vector_load %parallel_loop3A_597[%parallel_loop3A_598, %parallel_loop3A_599] {strides = array<i32>} : memref<2048x16xf32, #tpu.memory_space<vmem>>, vector<16xf32>,
        %parallel_loop3A_601 = arith.constant 9 : i32
        %parallel_loop3A_602 = arith.muli %parallel_loop3A_601, %parallel_loop3A_584 : i32
        %parallel_loop3A_603 = arith.index_cast %parallel_loop3A_602 : i32 to index
        %parallel_loop3A_604 = tpu.vector_load %arg11[%parallel_loop3A_603] {strides = array<i32>} : memref<9232xf32, #tpu.memory_space<vmem>>, vector<16xf32>,
        %parallel_loop3A_605 = vector.shape_cast %shift_right_arithmetic3A_13 : vector<16xi32> to vector<16x1xi32>
        %parallel_loop3A_606 = vector.shape_cast %parallel_loop3A_605 : vector<16x1xi32> to vector<16xi32>
        %parallel_loop3A_607 = tpu.dynamic_gather %parallel_loop3A_604[%parallel_loop3A_606] in [0] : vector<16xf32>, vector<16xi32> -> vector<16xf32>
        %parallel_loop3A_608 = arith.constant 4 : i32
        %parallel_loop3A_609 = vector.broadcast %parallel_loop3A_608 : i32 to vector<16xi32>
        %parallel_loop3A_610 = arith.addi %shift_right_arithmetic3A_13, %parallel_loop3A_609 : vector<16xi32>
        %parallel_loop3A_611 = vector.shape_cast %parallel_loop3A_610 : vector<16xi32> to vector<16x1xi32>
        %parallel_loop3A_612 = vector.shape_cast %parallel_loop3A_611 : vector<16x1xi32> to vector<16xi32>
        %parallel_loop3A_613 = tpu.dynamic_gather %parallel_loop3A_604[%parallel_loop3A_612] in [0] : vector<16xf32>, vector<16xi32> -> vector<16xf32>
        %parallel_loop3A_614 = arith.mulf %parallel_loop3A_591, %parallel_loop3A_607 : vector<16xf32>
        %parallel_loop3A_615 = arith.mulf %parallel_loop3A_600, %parallel_loop3A_613 : vector<16xf32>
        %parallel_loop3A_616 = arith.addf %parallel_loop3A_614, %parallel_loop3A_615 : vector<16xf32>
        %parallel_loop3A_617 = vector.shape_cast %and3A_11 : vector<16xi32> to vector<16x1xi32>
        %parallel_loop3A_618 = vector.shape_cast %parallel_loop3A_617 : vector<16x1xi32> to vector<16xi32>
        %parallel_loop3A_619 = tpu.dynamic_gather %parallel_loop3A_616[%parallel_loop3A_618] in [0] : vector<16xf32>, vector<16xi32> -> vector<16xf32>
        %parallel_loop3A_620 = arith.addf %parallel_loop3A_616, %parallel_loop3A_619 : vector<16xf32>
        %parallel_loop3A_621 = vector.shape_cast %and3A_5 : vector<16xi32> to vector<16x1xi32>
        %parallel_loop3A_622 = vector.shape_cast %parallel_loop3A_621 : vector<16x1xi32> to vector<16xi32>
        %parallel_loop3A_623 = tpu.dynamic_gather %parallel_loop3A_620[%parallel_loop3A_622] in [0] : vector<16xf32>, vector<16xi32> -> vector<16xf32>
        %parallel_loop3A_624 = arith.addf %parallel_loop3A_620, %parallel_loop3A_623 : vector<16xf32>
        %parallel_loop3A_625 = arith.constant 8 : i32
        %parallel_loop3A_626 = arith.addi %parallel_loop3A_178, %parallel_loop3A_625 : i32
        %parallel_loop3A_627 = arith.constant 2 : i32
        %parallel_loop3A_628 = arith.addi %parallel_loop3A_626, %parallel_loop3A_627 : i32
        %parallel_loop3A_629 = arith.constant 0 : i32
        %parallel_loop3A_630 = arith.constant 0 : i32
        %parallel_loop3A_631 = tpu.memref_slice %arg12[%parallel_loop3A_118, %parallel_loop3A_629, %parallel_loop3A_630] : memref<2x2048x16xf32, #tpu.memory_space<vmem>> -> memref<1x2048x16xf32, #tpu.memory_space<vmem>>
        %parallel_loop3A_632 = tpu.memref_squeeze %parallel_loop3A_631 : memref<1x2048x16xf32, #tpu.memory_space<vmem>> -> memref<2048x16xf32, #tpu.memory_space<vmem>>
        %parallel_loop3A_633 = arith.index_cast %parallel_loop3A_628 : i32 to index
        %parallel_loop3A_634 = arith.constant 0 : index
        %parallel_loop3A_635 = tpu.vector_load %parallel_loop3A_632[%parallel_loop3A_633, %parallel_loop3A_634] {strides = array<i32>} : memref<2048x16xf32, #tpu.memory_space<vmem>>, vector<16xf32>,
        %parallel_loop3A_636 = arith.constant 1024 : i32
        %parallel_loop3A_637 = arith.addi %parallel_loop3A_636, %parallel_loop3A_628 : i32
        %parallel_loop3A_638 = arith.constant 0 : i32
        %parallel_loop3A_639 = arith.constant 0 : i32
        %parallel_loop3A_640 = tpu.memref_slice %arg12[%parallel_loop3A_118, %parallel_loop3A_638, %parallel_loop3A_639] : memref<2x2048x16xf32, #tpu.memory_space<vmem>> -> memref<1x2048x16xf32, #tpu.memory_space<vmem>>
        %parallel_loop3A_641 = tpu.memref_squeeze %parallel_loop3A_640 : memref<1x2048x16xf32, #tpu.memory_space<vmem>> -> memref<2048x16xf32, #tpu.memory_space<vmem>>
        %parallel_loop3A_642 = arith.index_cast %parallel_loop3A_637 : i32 to index
        %parallel_loop3A_643 = arith.constant 0 : index
        %parallel_loop3A_644 = tpu.vector_load %parallel_loop3A_641[%parallel_loop3A_642, %parallel_loop3A_643] {strides = array<i32>} : memref<2048x16xf32, #tpu.memory_space<vmem>>, vector<16xf32>,
        %parallel_loop3A_645 = arith.constant 9 : i32
        %parallel_loop3A_646 = arith.muli %parallel_loop3A_645, %parallel_loop3A_628 : i32
        %parallel_loop3A_647 = arith.index_cast %parallel_loop3A_646 : i32 to index
        %parallel_loop3A_648 = tpu.vector_load %arg11[%parallel_loop3A_647] {strides = array<i32>} : memref<9232xf32, #tpu.memory_space<vmem>>, vector<16xf32>,
        %parallel_loop3A_649 = vector.shape_cast %shift_right_arithmetic3A_13 : vector<16xi32> to vector<16x1xi32>
        %parallel_loop3A_650 = vector.shape_cast %parallel_loop3A_649 : vector<16x1xi32> to vector<16xi32>
        %parallel_loop3A_651 = tpu.dynamic_gather %parallel_loop3A_648[%parallel_loop3A_650] in [0] : vector<16xf32>, vector<16xi32> -> vector<16xf32>
        %parallel_loop3A_652 = arith.constant 4 : i32
        %parallel_loop3A_653 = vector.broadcast %parallel_loop3A_652 : i32 to vector<16xi32>
        %parallel_loop3A_654 = arith.addi %shift_right_arithmetic3A_13, %parallel_loop3A_653 : vector<16xi32>
        %parallel_loop3A_655 = vector.shape_cast %parallel_loop3A_654 : vector<16xi32> to vector<16x1xi32>
        %parallel_loop3A_656 = vector.shape_cast %parallel_loop3A_655 : vector<16x1xi32> to vector<16xi32>
        %parallel_loop3A_657 = tpu.dynamic_gather %parallel_loop3A_648[%parallel_loop3A_656] in [0] : vector<16xf32>, vector<16xi32> -> vector<16xf32>
        %parallel_loop3A_658 = arith.mulf %parallel_loop3A_635, %parallel_loop3A_651 : vector<16xf32>
        %parallel_loop3A_659 = arith.mulf %parallel_loop3A_644, %parallel_loop3A_657 : vector<16xf32>
        %parallel_loop3A_660 = arith.addf %parallel_loop3A_658, %parallel_loop3A_659 : vector<16xf32>
        %parallel_loop3A_661 = vector.shape_cast %and3A_11 : vector<16xi32> to vector<16x1xi32>
        %parallel_loop3A_662 = vector.shape_cast %parallel_loop3A_661 : vector<16x1xi32> to vector<16xi32>
        %parallel_loop3A_663 = tpu.dynamic_gather %parallel_loop3A_660[%parallel_loop3A_662] in [0] : vector<16xf32>, vector<16xi32> -> vector<16xf32>
        %parallel_loop3A_664 = arith.addf %parallel_loop3A_660, %parallel_loop3A_663 : vector<16xf32>
        %parallel_loop3A_665 = vector.shape_cast %and3A_5 : vector<16xi32> to vector<16x1xi32>
        %parallel_loop3A_666 = vector.shape_cast %parallel_loop3A_665 : vector<16x1xi32> to vector<16xi32>
        %parallel_loop3A_667 = tpu.dynamic_gather %parallel_loop3A_664[%parallel_loop3A_666] in [0] : vector<16xf32>, vector<16xi32> -> vector<16xf32>
        %parallel_loop3A_668 = arith.addf %parallel_loop3A_664, %parallel_loop3A_667 : vector<16xf32>
        %parallel_loop3A_669 = arith.constant 8 : i32
        %parallel_loop3A_670 = arith.addi %parallel_loop3A_178, %parallel_loop3A_669 : i32
        %parallel_loop3A_671 = arith.constant 3 : i32
        %parallel_loop3A_672 = arith.addi %parallel_loop3A_670, %parallel_loop3A_671 : i32
        %parallel_loop3A_673 = arith.constant 0 : i32
        %parallel_loop3A_674 = arith.constant 0 : i32
        %parallel_loop3A_675 = tpu.memref_slice %arg12[%parallel_loop3A_118, %parallel_loop3A_673, %parallel_loop3A_674] : memref<2x2048x16xf32, #tpu.memory_space<vmem>> -> memref<1x2048x16xf32, #tpu.memory_space<vmem>>
        %parallel_loop3A_676 = tpu.memref_squeeze %parallel_loop3A_675 : memref<1x2048x16xf32, #tpu.memory_space<vmem>> -> memref<2048x16xf32, #tpu.memory_space<vmem>>
        %parallel_loop3A_677 = arith.index_cast %parallel_loop3A_672 : i32 to index
        %parallel_loop3A_678 = arith.constant 0 : index
        %parallel_loop3A_679 = tpu.vector_load %parallel_loop3A_676[%parallel_loop3A_677, %parallel_loop3A_678] {strides = array<i32>} : memref<2048x16xf32, #tpu.memory_space<vmem>>, vector<16xf32>,
        %parallel_loop3A_680 = arith.constant 1024 : i32
        %parallel_loop3A_681 = arith.addi %parallel_loop3A_680, %parallel_loop3A_672 : i32
        %parallel_loop3A_682 = arith.constant 0 : i32
        %parallel_loop3A_683 = arith.constant 0 : i32
        %parallel_loop3A_684 = tpu.memref_slice %arg12[%parallel_loop3A_118, %parallel_loop3A_682, %parallel_loop3A_683] : memref<2x2048x16xf32, #tpu.memory_space<vmem>> -> memref<1x2048x16xf32, #tpu.memory_space<vmem>>
        %parallel_loop3A_685 = tpu.memref_squeeze %parallel_loop3A_684 : memref<1x2048x16xf32, #tpu.memory_space<vmem>> -> memref<2048x16xf32, #tpu.memory_space<vmem>>
        %parallel_loop3A_686 = arith.index_cast %parallel_loop3A_681 : i32 to index
        %parallel_loop3A_687 = arith.constant 0 : index
        %parallel_loop3A_688 = tpu.vector_load %parallel_loop3A_685[%parallel_loop3A_686, %parallel_loop3A_687] {strides = array<i32>} : memref<2048x16xf32, #tpu.memory_space<vmem>>, vector<16xf32>,
        %parallel_loop3A_689 = arith.constant 9 : i32
        %parallel_loop3A_690 = arith.muli %parallel_loop3A_689, %parallel_loop3A_672 : i32
        %parallel_loop3A_691 = arith.index_cast %parallel_loop3A_690 : i32 to index
        %parallel_loop3A_692 = tpu.vector_load %arg11[%parallel_loop3A_691] {strides = array<i32>} : memref<9232xf32, #tpu.memory_space<vmem>>, vector<16xf32>,
        %parallel_loop3A_693 = vector.shape_cast %shift_right_arithmetic3A_13 : vector<16xi32> to vector<16x1xi32>
        %parallel_loop3A_694 = vector.shape_cast %parallel_loop3A_693 : vector<16x1xi32> to vector<16xi32>
        %parallel_loop3A_695 = tpu.dynamic_gather %parallel_loop3A_692[%parallel_loop3A_694] in [0] : vector<16xf32>, vector<16xi32> -> vector<16xf32>
        %parallel_loop3A_696 = arith.constant 4 : i32
        %parallel_loop3A_697 = vector.broadcast %parallel_loop3A_696 : i32 to vector<16xi32>
        %parallel_loop3A_698 = arith.addi %shift_right_arithmetic3A_13, %parallel_loop3A_697 : vector<16xi32>
        %parallel_loop3A_699 = vector.shape_cast %parallel_loop3A_698 : vector<16xi32> to vector<16x1xi32>
        %parallel_loop3A_700 = vector.shape_cast %parallel_loop3A_699 : vector<16x1xi32> to vector<16xi32>
        %parallel_loop3A_701 = tpu.dynamic_gather %parallel_loop3A_692[%parallel_loop3A_700] in [0] : vector<16xf32>, vector<16xi32> -> vector<16xf32>
        %parallel_loop3A_702 = arith.mulf %parallel_loop3A_679, %parallel_loop3A_695 : vector<16xf32>
        %parallel_loop3A_703 = arith.mulf %parallel_loop3A_688, %parallel_loop3A_701 : vector<16xf32>
        %parallel_loop3A_704 = arith.addf %parallel_loop3A_702, %parallel_loop3A_703 : vector<16xf32>
        %parallel_loop3A_705 = vector.shape_cast %and3A_11 : vector<16xi32> to vector<16x1xi32>
        %parallel_loop3A_706 = vector.shape_cast %parallel_loop3A_705 : vector<16x1xi32> to vector<16xi32>
        %parallel_loop3A_707 = tpu.dynamic_gather %parallel_loop3A_704[%parallel_loop3A_706] in [0] : vector<16xf32>, vector<16xi32> -> vector<16xf32>
        %parallel_loop3A_708 = arith.addf %parallel_loop3A_704, %parallel_loop3A_707 : vector<16xf32>
        %parallel_loop3A_709 = vector.shape_cast %and3A_5 : vector<16xi32> to vector<16x1xi32>
        %parallel_loop3A_710 = vector.shape_cast %parallel_loop3A_709 : vector<16x1xi32> to vector<16xi32>
        %parallel_loop3A_711 = tpu.dynamic_gather %parallel_loop3A_708[%parallel_loop3A_710] in [0] : vector<16xf32>, vector<16xi32> -> vector<16xf32>
        %parallel_loop3A_712 = arith.addf %parallel_loop3A_708, %parallel_loop3A_711 : vector<16xf32>
        %parallel_loop3A_713 = arith.select %lt3A_59, %parallel_loop3A_668, %parallel_loop3A_712 : vector<16xi1>, vector<16xf32>
        %parallel_loop3A_714 = arith.select %lt3A_56, %parallel_loop3A_624, %parallel_loop3A_713 : vector<16xi1>, vector<16xf32>
        %parallel_loop3A_715 = arith.select %lt3A_53, %parallel_loop3A_580, %parallel_loop3A_714 : vector<16xi1>, vector<16xf32>
        %parallel_loop3A_716 = arith.constant 12 : i32
        %parallel_loop3A_717 = arith.addi %parallel_loop3A_178, %parallel_loop3A_716 : i32
        %parallel_loop3A_718 = arith.constant 0 : i32
        %parallel_loop3A_719 = arith.addi %parallel_loop3A_717, %parallel_loop3A_718 : i32
        %parallel_loop3A_720 = arith.constant 0 : i32
        %parallel_loop3A_721 = arith.constant 0 : i32
        %parallel_loop3A_722 = tpu.memref_slice %arg12[%parallel_loop3A_118, %parallel_loop3A_720, %parallel_loop3A_721] : memref<2x2048x16xf32, #tpu.memory_space<vmem>> -> memref<1x2048x16xf32, #tpu.memory_space<vmem>>
        %parallel_loop3A_723 = tpu.memref_squeeze %parallel_loop3A_722 : memref<1x2048x16xf32, #tpu.memory_space<vmem>> -> memref<2048x16xf32, #tpu.memory_space<vmem>>
        %parallel_loop3A_724 = arith.index_cast %parallel_loop3A_719 : i32 to index
        %parallel_loop3A_725 = arith.constant 0 : index
        %parallel_loop3A_726 = tpu.vector_load %parallel_loop3A_723[%parallel_loop3A_724, %parallel_loop3A_725] {strides = array<i32>} : memref<2048x16xf32, #tpu.memory_space<vmem>>, vector<16xf32>,
        %parallel_loop3A_727 = arith.constant 1024 : i32
        %parallel_loop3A_728 = arith.addi %parallel_loop3A_727, %parallel_loop3A_719 : i32
        %parallel_loop3A_729 = arith.constant 0 : i32
        %parallel_loop3A_730 = arith.constant 0 : i32
        %parallel_loop3A_731 = tpu.memref_slice %arg12[%parallel_loop3A_118, %parallel_loop3A_729, %parallel_loop3A_730] : memref<2x2048x16xf32, #tpu.memory_space<vmem>> -> memref<1x2048x16xf32, #tpu.memory_space<vmem>>
        %parallel_loop3A_732 = tpu.memref_squeeze %parallel_loop3A_731 : memref<1x2048x16xf32, #tpu.memory_space<vmem>> -> memref<2048x16xf32, #tpu.memory_space<vmem>>
        %parallel_loop3A_733 = arith.index_cast %parallel_loop3A_728 : i32 to index
        %parallel_loop3A_734 = arith.constant 0 : index
        %parallel_loop3A_735 = tpu.vector_load %parallel_loop3A_732[%parallel_loop3A_733, %parallel_loop3A_734] {strides = array<i32>} : memref<2048x16xf32, #tpu.memory_space<vmem>>, vector<16xf32>,
        %parallel_loop3A_736 = arith.constant 9 : i32
        %parallel_loop3A_737 = arith.muli %parallel_loop3A_736, %parallel_loop3A_719 : i32
        %parallel_loop3A_738 = arith.index_cast %parallel_loop3A_737 : i32 to index
        %parallel_loop3A_739 = tpu.vector_load %arg11[%parallel_loop3A_738] {strides = array<i32>} : memref<9232xf32, #tpu.memory_space<vmem>>, vector<16xf32>,
        %parallel_loop3A_740 = vector.shape_cast %shift_right_arithmetic3A_13 : vector<16xi32> to vector<16x1xi32>
        %parallel_loop3A_741 = vector.shape_cast %parallel_loop3A_740 : vector<16x1xi32> to vector<16xi32>
        %parallel_loop3A_742 = tpu.dynamic_gather %parallel_loop3A_739[%parallel_loop3A_741] in [0] : vector<16xf32>, vector<16xi32> -> vector<16xf32>
        %parallel_loop3A_743 = arith.constant 4 : i32
        %parallel_loop3A_744 = vector.broadcast %parallel_loop3A_743 : i32 to vector<16xi32>
        %parallel_loop3A_745 = arith.addi %shift_right_arithmetic3A_13, %parallel_loop3A_744 : vector<16xi32>
        %parallel_loop3A_746 = vector.shape_cast %parallel_loop3A_745 : vector<16xi32> to vector<16x1xi32>
        %parallel_loop3A_747 = vector.shape_cast %parallel_loop3A_746 : vector<16x1xi32> to vector<16xi32>
        %parallel_loop3A_748 = tpu.dynamic_gather %parallel_loop3A_739[%parallel_loop3A_747] in [0] : vector<16xf32>, vector<16xi32> -> vector<16xf32>
        %parallel_loop3A_749 = arith.mulf %parallel_loop3A_726, %parallel_loop3A_742 : vector<16xf32>
        %parallel_loop3A_750 = arith.mulf %parallel_loop3A_735, %parallel_loop3A_748 : vector<16xf32>
        %parallel_loop3A_751 = arith.addf %parallel_loop3A_749, %parallel_loop3A_750 : vector<16xf32>
        %parallel_loop3A_752 = vector.shape_cast %and3A_11 : vector<16xi32> to vector<16x1xi32>
        %parallel_loop3A_753 = vector.shape_cast %parallel_loop3A_752 : vector<16x1xi32> to vector<16xi32>
        %parallel_loop3A_754 = tpu.dynamic_gather %parallel_loop3A_751[%parallel_loop3A_753] in [0] : vector<16xf32>, vector<16xi32> -> vector<16xf32>
        %parallel_loop3A_755 = arith.addf %parallel_loop3A_751, %parallel_loop3A_754 : vector<16xf32>
        %parallel_loop3A_756 = vector.shape_cast %and3A_5 : vector<16xi32> to vector<16x1xi32>
        %parallel_loop3A_757 = vector.shape_cast %parallel_loop3A_756 : vector<16x1xi32> to vector<16xi32>
        %parallel_loop3A_758 = tpu.dynamic_gather %parallel_loop3A_755[%parallel_loop3A_757] in [0] : vector<16xf32>, vector<16xi32> -> vector<16xf32>
        %parallel_loop3A_759 = arith.addf %parallel_loop3A_755, %parallel_loop3A_758 : vector<16xf32>
        %parallel_loop3A_760 = arith.constant 12 : i32
        %parallel_loop3A_761 = arith.addi %parallel_loop3A_178, %parallel_loop3A_760 : i32
        %parallel_loop3A_762 = arith.constant 1 : i32
        %parallel_loop3A_763 = arith.addi %parallel_loop3A_761, %parallel_loop3A_762 : i32
        %parallel_loop3A_764 = arith.constant 0 : i32
        %parallel_loop3A_765 = arith.constant 0 : i32
        %parallel_loop3A_766 = tpu.memref_slice %arg12[%parallel_loop3A_118, %parallel_loop3A_764, %parallel_loop3A_765] : memref<2x2048x16xf32, #tpu.memory_space<vmem>> -> memref<1x2048x16xf32, #tpu.memory_space<vmem>>
        %parallel_loop3A_767 = tpu.memref_squeeze %parallel_loop3A_766 : memref<1x2048x16xf32, #tpu.memory_space<vmem>> -> memref<2048x16xf32, #tpu.memory_space<vmem>>
        %parallel_loop3A_768 = arith.index_cast %parallel_loop3A_763 : i32 to index
        %parallel_loop3A_769 = arith.constant 0 : index
        %parallel_loop3A_770 = tpu.vector_load %parallel_loop3A_767[%parallel_loop3A_768, %parallel_loop3A_769] {strides = array<i32>} : memref<2048x16xf32, #tpu.memory_space<vmem>>, vector<16xf32>,
        %parallel_loop3A_771 = arith.constant 1024 : i32
        %parallel_loop3A_772 = arith.addi %parallel_loop3A_771, %parallel_loop3A_763 : i32
        %parallel_loop3A_773 = arith.constant 0 : i32
        %parallel_loop3A_774 = arith.constant 0 : i32
        %parallel_loop3A_775 = tpu.memref_slice %arg12[%parallel_loop3A_118, %parallel_loop3A_773, %parallel_loop3A_774] : memref<2x2048x16xf32, #tpu.memory_space<vmem>> -> memref<1x2048x16xf32, #tpu.memory_space<vmem>>
        %parallel_loop3A_776 = tpu.memref_squeeze %parallel_loop3A_775 : memref<1x2048x16xf32, #tpu.memory_space<vmem>> -> memref<2048x16xf32, #tpu.memory_space<vmem>>
        %parallel_loop3A_777 = arith.index_cast %parallel_loop3A_772 : i32 to index
        %parallel_loop3A_778 = arith.constant 0 : index
        %parallel_loop3A_779 = tpu.vector_load %parallel_loop3A_776[%parallel_loop3A_777, %parallel_loop3A_778] {strides = array<i32>} : memref<2048x16xf32, #tpu.memory_space<vmem>>, vector<16xf32>,
        %parallel_loop3A_780 = arith.constant 9 : i32
        %parallel_loop3A_781 = arith.muli %parallel_loop3A_780, %parallel_loop3A_763 : i32
        %parallel_loop3A_782 = arith.index_cast %parallel_loop3A_781 : i32 to index
        %parallel_loop3A_783 = tpu.vector_load %arg11[%parallel_loop3A_782] {strides = array<i32>} : memref<9232xf32, #tpu.memory_space<vmem>>, vector<16xf32>,
        %parallel_loop3A_784 = vector.shape_cast %shift_right_arithmetic3A_13 : vector<16xi32> to vector<16x1xi32>
        %parallel_loop3A_785 = vector.shape_cast %parallel_loop3A_784 : vector<16x1xi32> to vector<16xi32>
        %parallel_loop3A_786 = tpu.dynamic_gather %parallel_loop3A_783[%parallel_loop3A_785] in [0] : vector<16xf32>, vector<16xi32> -> vector<16xf32>
        %parallel_loop3A_787 = arith.constant 4 : i32
        %parallel_loop3A_788 = vector.broadcast %parallel_loop3A_787 : i32 to vector<16xi32>
        %parallel_loop3A_789 = arith.addi %shift_right_arithmetic3A_13, %parallel_loop3A_788 : vector<16xi32>
        %parallel_loop3A_790 = vector.shape_cast %parallel_loop3A_789 : vector<16xi32> to vector<16x1xi32>
        %parallel_loop3A_791 = vector.shape_cast %parallel_loop3A_790 : vector<16x1xi32> to vector<16xi32>
        %parallel_loop3A_792 = tpu.dynamic_gather %parallel_loop3A_783[%parallel_loop3A_791] in [0] : vector<16xf32>, vector<16xi32> -> vector<16xf32>
        %parallel_loop3A_793 = arith.mulf %parallel_loop3A_770, %parallel_loop3A_786 : vector<16xf32>
        %parallel_loop3A_794 = arith.mulf %parallel_loop3A_779, %parallel_loop3A_792 : vector<16xf32>
        %parallel_loop3A_795 = arith.addf %parallel_loop3A_793, %parallel_loop3A_794 : vector<16xf32>
        %parallel_loop3A_796 = vector.shape_cast %and3A_11 : vector<16xi32> to vector<16x1xi32>
        %parallel_loop3A_797 = vector.shape_cast %parallel_loop3A_796 : vector<16x1xi32> to vector<16xi32>
        %parallel_loop3A_798 = tpu.dynamic_gather %parallel_loop3A_795[%parallel_loop3A_797] in [0] : vector<16xf32>, vector<16xi32> -> vector<16xf32>
        %parallel_loop3A_799 = arith.addf %parallel_loop3A_795, %parallel_loop3A_798 : vector<16xf32>
        %parallel_loop3A_800 = vector.shape_cast %and3A_5 : vector<16xi32> to vector<16x1xi32>
        %parallel_loop3A_801 = vector.shape_cast %parallel_loop3A_800 : vector<16x1xi32> to vector<16xi32>
        %parallel_loop3A_802 = tpu.dynamic_gather %parallel_loop3A_799[%parallel_loop3A_801] in [0] : vector<16xf32>, vector<16xi32> -> vector<16xf32>
        %parallel_loop3A_803 = arith.addf %parallel_loop3A_799, %parallel_loop3A_802 : vector<16xf32>
        %parallel_loop3A_804 = arith.constant 12 : i32
        %parallel_loop3A_805 = arith.addi %parallel_loop3A_178, %parallel_loop3A_804 : i32
        %parallel_loop3A_806 = arith.constant 2 : i32
        %parallel_loop3A_807 = arith.addi %parallel_loop3A_805, %parallel_loop3A_806 : i32
        %parallel_loop3A_808 = arith.constant 0 : i32
        %parallel_loop3A_809 = arith.constant 0 : i32
        %parallel_loop3A_810 = tpu.memref_slice %arg12[%parallel_loop3A_118, %parallel_loop3A_808, %parallel_loop3A_809] : memref<2x2048x16xf32, #tpu.memory_space<vmem>> -> memref<1x2048x16xf32, #tpu.memory_space<vmem>>
        %parallel_loop3A_811 = tpu.memref_squeeze %parallel_loop3A_810 : memref<1x2048x16xf32, #tpu.memory_space<vmem>> -> memref<2048x16xf32, #tpu.memory_space<vmem>>
        %parallel_loop3A_812 = arith.index_cast %parallel_loop3A_807 : i32 to index
        %parallel_loop3A_813 = arith.constant 0 : index
        %parallel_loop3A_814 = tpu.vector_load %parallel_loop3A_811[%parallel_loop3A_812, %parallel_loop3A_813] {strides = array<i32>} : memref<2048x16xf32, #tpu.memory_space<vmem>>, vector<16xf32>,
        %parallel_loop3A_815 = arith.constant 1024 : i32
        %parallel_loop3A_816 = arith.addi %parallel_loop3A_815, %parallel_loop3A_807 : i32
        %parallel_loop3A_817 = arith.constant 0 : i32
        %parallel_loop3A_818 = arith.constant 0 : i32
        %parallel_loop3A_819 = tpu.memref_slice %arg12[%parallel_loop3A_118, %parallel_loop3A_817, %parallel_loop3A_818] : memref<2x2048x16xf32, #tpu.memory_space<vmem>> -> memref<1x2048x16xf32, #tpu.memory_space<vmem>>
        %parallel_loop3A_820 = tpu.memref_squeeze %parallel_loop3A_819 : memref<1x2048x16xf32, #tpu.memory_space<vmem>> -> memref<2048x16xf32, #tpu.memory_space<vmem>>
        %parallel_loop3A_821 = arith.index_cast %parallel_loop3A_816 : i32 to index
        %parallel_loop3A_822 = arith.constant 0 : index
        %parallel_loop3A_823 = tpu.vector_load %parallel_loop3A_820[%parallel_loop3A_821, %parallel_loop3A_822] {strides = array<i32>} : memref<2048x16xf32, #tpu.memory_space<vmem>>, vector<16xf32>,
        %parallel_loop3A_824 = arith.constant 9 : i32
        %parallel_loop3A_825 = arith.muli %parallel_loop3A_824, %parallel_loop3A_807 : i32
        %parallel_loop3A_826 = arith.index_cast %parallel_loop3A_825 : i32 to index
        %parallel_loop3A_827 = tpu.vector_load %arg11[%parallel_loop3A_826] {strides = array<i32>} : memref<9232xf32, #tpu.memory_space<vmem>>, vector<16xf32>,
        %parallel_loop3A_828 = vector.shape_cast %shift_right_arithmetic3A_13 : vector<16xi32> to vector<16x1xi32>
        %parallel_loop3A_829 = vector.shape_cast %parallel_loop3A_828 : vector<16x1xi32> to vector<16xi32>
        %parallel_loop3A_830 = tpu.dynamic_gather %parallel_loop3A_827[%parallel_loop3A_829] in [0] : vector<16xf32>, vector<16xi32> -> vector<16xf32>
        %parallel_loop3A_831 = arith.constant 4 : i32
        %parallel_loop3A_832 = vector.broadcast %parallel_loop3A_831 : i32 to vector<16xi32>
        %parallel_loop3A_833 = arith.addi %shift_right_arithmetic3A_13, %parallel_loop3A_832 : vector<16xi32>
        %parallel_loop3A_834 = vector.shape_cast %parallel_loop3A_833 : vector<16xi32> to vector<16x1xi32>
        %parallel_loop3A_835 = vector.shape_cast %parallel_loop3A_834 : vector<16x1xi32> to vector<16xi32>
        %parallel_loop3A_836 = tpu.dynamic_gather %parallel_loop3A_827[%parallel_loop3A_835] in [0] : vector<16xf32>, vector<16xi32> -> vector<16xf32>
        %parallel_loop3A_837 = arith.mulf %parallel_loop3A_814, %parallel_loop3A_830 : vector<16xf32>
        %parallel_loop3A_838 = arith.mulf %parallel_loop3A_823, %parallel_loop3A_836 : vector<16xf32>
        %parallel_loop3A_839 = arith.addf %parallel_loop3A_837, %parallel_loop3A_838 : vector<16xf32>
        %parallel_loop3A_840 = vector.shape_cast %and3A_11 : vector<16xi32> to vector<16x1xi32>
        %parallel_loop3A_841 = vector.shape_cast %parallel_loop3A_840 : vector<16x1xi32> to vector<16xi32>
        %parallel_loop3A_842 = tpu.dynamic_gather %parallel_loop3A_839[%parallel_loop3A_841] in [0] : vector<16xf32>, vector<16xi32> -> vector<16xf32>
        %parallel_loop3A_843 = arith.addf %parallel_loop3A_839, %parallel_loop3A_842 : vector<16xf32>
        %parallel_loop3A_844 = vector.shape_cast %and3A_5 : vector<16xi32> to vector<16x1xi32>
        %parallel_loop3A_845 = vector.shape_cast %parallel_loop3A_844 : vector<16x1xi32> to vector<16xi32>
        %parallel_loop3A_846 = tpu.dynamic_gather %parallel_loop3A_843[%parallel_loop3A_845] in [0] : vector<16xf32>, vector<16xi32> -> vector<16xf32>
        %parallel_loop3A_847 = arith.addf %parallel_loop3A_843, %parallel_loop3A_846 : vector<16xf32>
        %parallel_loop3A_848 = arith.constant 12 : i32
        %parallel_loop3A_849 = arith.addi %parallel_loop3A_178, %parallel_loop3A_848 : i32
        %parallel_loop3A_850 = arith.constant 3 : i32
        %parallel_loop3A_851 = arith.addi %parallel_loop3A_849, %parallel_loop3A_850 : i32
        %parallel_loop3A_852 = arith.constant 0 : i32
        %parallel_loop3A_853 = arith.constant 0 : i32
        %parallel_loop3A_854 = tpu.memref_slice %arg12[%parallel_loop3A_118, %parallel_loop3A_852, %parallel_loop3A_853] : memref<2x2048x16xf32, #tpu.memory_space<vmem>> -> memref<1x2048x16xf32, #tpu.memory_space<vmem>>
        %parallel_loop3A_855 = tpu.memref_squeeze %parallel_loop3A_854 : memref<1x2048x16xf32, #tpu.memory_space<vmem>> -> memref<2048x16xf32, #tpu.memory_space<vmem>>
        %parallel_loop3A_856 = arith.index_cast %parallel_loop3A_851 : i32 to index
        %parallel_loop3A_857 = arith.constant 0 : index
        %parallel_loop3A_858 = tpu.vector_load %parallel_loop3A_855[%parallel_loop3A_856, %parallel_loop3A_857] {strides = array<i32>} : memref<2048x16xf32, #tpu.memory_space<vmem>>, vector<16xf32>,
        %parallel_loop3A_859 = arith.constant 1024 : i32
        %parallel_loop3A_860 = arith.addi %parallel_loop3A_859, %parallel_loop3A_851 : i32
        %parallel_loop3A_861 = arith.constant 0 : i32
        %parallel_loop3A_862 = arith.constant 0 : i32
        %parallel_loop3A_863 = tpu.memref_slice %arg12[%parallel_loop3A_118, %parallel_loop3A_861, %parallel_loop3A_862] : memref<2x2048x16xf32, #tpu.memory_space<vmem>> -> memref<1x2048x16xf32, #tpu.memory_space<vmem>>
        %parallel_loop3A_864 = tpu.memref_squeeze %parallel_loop3A_863 : memref<1x2048x16xf32, #tpu.memory_space<vmem>> -> memref<2048x16xf32, #tpu.memory_space<vmem>>
        %parallel_loop3A_865 = arith.index_cast %parallel_loop3A_860 : i32 to index
        %parallel_loop3A_866 = arith.constant 0 : index
        %parallel_loop3A_867 = tpu.vector_load %parallel_loop3A_864[%parallel_loop3A_865, %parallel_loop3A_866] {strides = array<i32>} : memref<2048x16xf32, #tpu.memory_space<vmem>>, vector<16xf32>,
        %parallel_loop3A_868 = arith.constant 9 : i32
        %parallel_loop3A_869 = arith.muli %parallel_loop3A_868, %parallel_loop3A_851 : i32
        %parallel_loop3A_870 = arith.index_cast %parallel_loop3A_869 : i32 to index
        %parallel_loop3A_871 = tpu.vector_load %arg11[%parallel_loop3A_870] {strides = array<i32>} : memref<9232xf32, #tpu.memory_space<vmem>>, vector<16xf32>,
        %parallel_loop3A_872 = vector.shape_cast %shift_right_arithmetic3A_13 : vector<16xi32> to vector<16x1xi32>
        %parallel_loop3A_873 = vector.shape_cast %parallel_loop3A_872 : vector<16x1xi32> to vector<16xi32>
        %parallel_loop3A_874 = tpu.dynamic_gather %parallel_loop3A_871[%parallel_loop3A_873] in [0] : vector<16xf32>, vector<16xi32> -> vector<16xf32>
        %parallel_loop3A_875 = arith.constant 4 : i32
        %parallel_loop3A_876 = vector.broadcast %parallel_loop3A_875 : i32 to vector<16xi32>
        %parallel_loop3A_877 = arith.addi %shift_right_arithmetic3A_13, %parallel_loop3A_876 : vector<16xi32>
        %parallel_loop3A_878 = vector.shape_cast %parallel_loop3A_877 : vector<16xi32> to vector<16x1xi32>
        %parallel_loop3A_879 = vector.shape_cast %parallel_loop3A_878 : vector<16x1xi32> to vector<16xi32>
        %parallel_loop3A_880 = tpu.dynamic_gather %parallel_loop3A_871[%parallel_loop3A_879] in [0] : vector<16xf32>, vector<16xi32> -> vector<16xf32>
        %parallel_loop3A_881 = arith.mulf %parallel_loop3A_858, %parallel_loop3A_874 : vector<16xf32>
        %parallel_loop3A_882 = arith.mulf %parallel_loop3A_867, %parallel_loop3A_880 : vector<16xf32>
        %parallel_loop3A_883 = arith.addf %parallel_loop3A_881, %parallel_loop3A_882 : vector<16xf32>
        %parallel_loop3A_884 = vector.shape_cast %and3A_11 : vector<16xi32> to vector<16x1xi32>
        %parallel_loop3A_885 = vector.shape_cast %parallel_loop3A_884 : vector<16x1xi32> to vector<16xi32>
        %parallel_loop3A_886 = tpu.dynamic_gather %parallel_loop3A_883[%parallel_loop3A_885] in [0] : vector<16xf32>, vector<16xi32> -> vector<16xf32>
        %parallel_loop3A_887 = arith.addf %parallel_loop3A_883, %parallel_loop3A_886 : vector<16xf32>
        %parallel_loop3A_888 = vector.shape_cast %and3A_5 : vector<16xi32> to vector<16x1xi32>
        %parallel_loop3A_889 = vector.shape_cast %parallel_loop3A_888 : vector<16x1xi32> to vector<16xi32>
        %parallel_loop3A_890 = tpu.dynamic_gather %parallel_loop3A_887[%parallel_loop3A_889] in [0] : vector<16xf32>, vector<16xi32> -> vector<16xf32>
        %parallel_loop3A_891 = arith.addf %parallel_loop3A_887, %parallel_loop3A_890 : vector<16xf32>
        %parallel_loop3A_892 = arith.select %lt3A_59, %parallel_loop3A_847, %parallel_loop3A_891 : vector<16xi1>, vector<16xf32>
        %parallel_loop3A_893 = arith.select %lt3A_56, %parallel_loop3A_803, %parallel_loop3A_892 : vector<16xi1>, vector<16xf32>
        %parallel_loop3A_894 = arith.select %lt3A_53, %parallel_loop3A_759, %parallel_loop3A_893 : vector<16xi1>, vector<16xf32>
        %parallel_loop3A_895 = vector.shape_cast %add3A_21 : vector<16xi32> to vector<16x1xi32>
        %parallel_loop3A_896 = vector.shape_cast %parallel_loop3A_895 : vector<16x1xi32> to vector<16xi32>
        %parallel_loop3A_897 = tpu.dynamic_gather %parallel_loop3A_357[%parallel_loop3A_896] in [0] : vector<16xf32>, vector<16xi32> -> vector<16xf32>
        %parallel_loop3A_898 = vector.shape_cast %add3A_21 : vector<16xi32> to vector<16x1xi32>
        %parallel_loop3A_899 = vector.shape_cast %parallel_loop3A_898 : vector<16x1xi32> to vector<16xi32>
        %parallel_loop3A_900 = tpu.dynamic_gather %parallel_loop3A_536[%parallel_loop3A_899] in [0] : vector<16xf32>, vector<16xi32> -> vector<16xf32>
        %parallel_loop3A_901 = vector.shape_cast %add3A_21 : vector<16xi32> to vector<16x1xi32>
        %parallel_loop3A_902 = vector.shape_cast %parallel_loop3A_901 : vector<16x1xi32> to vector<16xi32>
        %parallel_loop3A_903 = tpu.dynamic_gather %parallel_loop3A_715[%parallel_loop3A_902] in [0] : vector<16xf32>, vector<16xi32> -> vector<16xf32>
        %parallel_loop3A_904 = vector.shape_cast %add3A_21 : vector<16xi32> to vector<16x1xi32>
        %parallel_loop3A_905 = vector.shape_cast %parallel_loop3A_904 : vector<16x1xi32> to vector<16xi32>
        %parallel_loop3A_906 = tpu.dynamic_gather %parallel_loop3A_894[%parallel_loop3A_905] in [0] : vector<16xf32>, vector<16xi32> -> vector<16xf32>
        %parallel_loop3A_907 = arith.select %lt3A_59, %parallel_loop3A_903, %parallel_loop3A_906 : vector<16xi1>, vector<16xf32>
        %parallel_loop3A_908 = arith.select %lt3A_56, %parallel_loop3A_900, %parallel_loop3A_907 : vector<16xi1>, vector<16xf32>
        %parallel_loop3A_909 = arith.select %lt3A_53, %parallel_loop3A_897, %parallel_loop3A_908 : vector<16xi1>, vector<16xf32>
        %parallel_loop3A_910 = arith.constant 0 : i32
        %parallel_loop3A_911 = arith.index_cast %parallel_loop3A_910 : i32 to index
        %parallel_loop3A_912 = arith.index_cast %parallel_loop3A_178 : i32 to index
        %parallel_loop3A_913 = tpu.vector_load %arg13[%parallel_loop3A_911, %parallel_loop3A_912] {strides = array<i32>} : memref<4x1024xf32, #tpu.memory_space<vmem>>, vector<16xf32>,
        tpu.vector_store %arg13[%parallel_loop3A_911, %parallel_loop3A_912], %parallel_loop3A_909 {strides = array<i32>} : memref<4x1024xf32, #tpu.memory_space<vmem>>, vector<16xf32>,
        %parallel_loop3A_914 = vector.shape_cast %add3A_30 : vector<16xi32> to vector<16x1xi32>
        %parallel_loop3A_915 = vector.shape_cast %parallel_loop3A_914 : vector<16x1xi32> to vector<16xi32>
        %parallel_loop3A_916 = tpu.dynamic_gather %parallel_loop3A_357[%parallel_loop3A_915] in [0] : vector<16xf32>, vector<16xi32> -> vector<16xf32>
        %parallel_loop3A_917 = vector.shape_cast %add3A_30 : vector<16xi32> to vector<16x1xi32>
        %parallel_loop3A_918 = vector.shape_cast %parallel_loop3A_917 : vector<16x1xi32> to vector<16xi32>
        %parallel_loop3A_919 = tpu.dynamic_gather %parallel_loop3A_536[%parallel_loop3A_918] in [0] : vector<16xf32>, vector<16xi32> -> vector<16xf32>
        %parallel_loop3A_920 = vector.shape_cast %add3A_30 : vector<16xi32> to vector<16x1xi32>
        %parallel_loop3A_921 = vector.shape_cast %parallel_loop3A_920 : vector<16x1xi32> to vector<16xi32>
        %parallel_loop3A_922 = tpu.dynamic_gather %parallel_loop3A_715[%parallel_loop3A_921] in [0] : vector<16xf32>, vector<16xi32> -> vector<16xf32>
        %parallel_loop3A_923 = vector.shape_cast %add3A_30 : vector<16xi32> to vector<16x1xi32>
        %parallel_loop3A_924 = vector.shape_cast %parallel_loop3A_923 : vector<16x1xi32> to vector<16xi32>
        %parallel_loop3A_925 = tpu.dynamic_gather %parallel_loop3A_894[%parallel_loop3A_924] in [0] : vector<16xf32>, vector<16xi32> -> vector<16xf32>
        %parallel_loop3A_926 = arith.select %lt3A_59, %parallel_loop3A_922, %parallel_loop3A_925 : vector<16xi1>, vector<16xf32>
        %parallel_loop3A_927 = arith.select %lt3A_56, %parallel_loop3A_919, %parallel_loop3A_926 : vector<16xi1>, vector<16xf32>
        %parallel_loop3A_928 = arith.select %lt3A_53, %parallel_loop3A_916, %parallel_loop3A_927 : vector<16xi1>, vector<16xf32>
        %parallel_loop3A_929 = arith.constant 1 : i32
        %parallel_loop3A_930 = arith.index_cast %parallel_loop3A_929 : i32 to index
        %parallel_loop3A_931 = arith.index_cast %parallel_loop3A_178 : i32 to index
        %parallel_loop3A_932 = tpu.vector_load %arg13[%parallel_loop3A_930, %parallel_loop3A_931] {strides = array<i32>} : memref<4x1024xf32, #tpu.memory_space<vmem>>, vector<16xf32>,
        tpu.vector_store %arg13[%parallel_loop3A_930, %parallel_loop3A_931], %parallel_loop3A_928 {strides = array<i32>} : memref<4x1024xf32, #tpu.memory_space<vmem>>, vector<16xf32>,
        %parallel_loop3A_933 = vector.shape_cast %add3A_39 : vector<16xi32> to vector<16x1xi32>
        %parallel_loop3A_934 = vector.shape_cast %parallel_loop3A_933 : vector<16x1xi32> to vector<16xi32>
        %parallel_loop3A_935 = tpu.dynamic_gather %parallel_loop3A_357[%parallel_loop3A_934] in [0] : vector<16xf32>, vector<16xi32> -> vector<16xf32>
        %parallel_loop3A_936 = vector.shape_cast %add3A_39 : vector<16xi32> to vector<16x1xi32>
        %parallel_loop3A_937 = vector.shape_cast %parallel_loop3A_936 : vector<16x1xi32> to vector<16xi32>
        %parallel_loop3A_938 = tpu.dynamic_gather %parallel_loop3A_536[%parallel_loop3A_937] in [0] : vector<16xf32>, vector<16xi32> -> vector<16xf32>
        %parallel_loop3A_939 = vector.shape_cast %add3A_39 : vector<16xi32> to vector<16x1xi32>
        %parallel_loop3A_940 = vector.shape_cast %parallel_loop3A_939 : vector<16x1xi32> to vector<16xi32>
        %parallel_loop3A_941 = tpu.dynamic_gather %parallel_loop3A_715[%parallel_loop3A_940] in [0] : vector<16xf32>, vector<16xi32> -> vector<16xf32>
        %parallel_loop3A_942 = vector.shape_cast %add3A_39 : vector<16xi32> to vector<16x1xi32>
        %parallel_loop3A_943 = vector.shape_cast %parallel_loop3A_942 : vector<16x1xi32> to vector<16xi32>
        %parallel_loop3A_944 = tpu.dynamic_gather %parallel_loop3A_894[%parallel_loop3A_943] in [0] : vector<16xf32>, vector<16xi32> -> vector<16xf32>
        %parallel_loop3A_945 = arith.select %lt3A_59, %parallel_loop3A_941, %parallel_loop3A_944 : vector<16xi1>, vector<16xf32>
        %parallel_loop3A_946 = arith.select %lt3A_56, %parallel_loop3A_938, %parallel_loop3A_945 : vector<16xi1>, vector<16xf32>
        %parallel_loop3A_947 = arith.select %lt3A_53, %parallel_loop3A_935, %parallel_loop3A_946 : vector<16xi1>, vector<16xf32>
        %parallel_loop3A_948 = arith.constant 2 : i32
        %parallel_loop3A_949 = arith.index_cast %parallel_loop3A_948 : i32 to index
        %parallel_loop3A_950 = arith.index_cast %parallel_loop3A_178 : i32 to index
        %parallel_loop3A_951 = tpu.vector_load %arg13[%parallel_loop3A_949, %parallel_loop3A_950] {strides = array<i32>} : memref<4x1024xf32, #tpu.memory_space<vmem>>, vector<16xf32>,
        tpu.vector_store %arg13[%parallel_loop3A_949, %parallel_loop3A_950], %parallel_loop3A_947 {strides = array<i32>} : memref<4x1024xf32, #tpu.memory_space<vmem>>, vector<16xf32>,
        %parallel_loop3A_952 = vector.shape_cast %add3A_48 : vector<16xi32> to vector<16x1xi32>
        %parallel_loop3A_953 = vector.shape_cast %parallel_loop3A_952 : vector<16x1xi32> to vector<16xi32>
        %parallel_loop3A_954 = tpu.dynamic_gather %parallel_loop3A_357[%parallel_loop3A_953] in [0] : vector<16xf32>, vector<16xi32> -> vector<16xf32>
        %parallel_loop3A_955 = vector.shape_cast %add3A_48 : vector<16xi32> to vector<16x1xi32>
        %parallel_loop3A_956 = vector.shape_cast %parallel_loop3A_955 : vector<16x1xi32> to vector<16xi32>
        %parallel_loop3A_957 = tpu.dynamic_gather %parallel_loop3A_536[%parallel_loop3A_956] in [0] : vector<16xf32>, vector<16xi32> -> vector<16xf32>
        %parallel_loop3A_958 = vector.shape_cast %add3A_48 : vector<16xi32> to vector<16x1xi32>
        %parallel_loop3A_959 = vector.shape_cast %parallel_loop3A_958 : vector<16x1xi32> to vector<16xi32>
        %parallel_loop3A_960 = tpu.dynamic_gather %parallel_loop3A_715[%parallel_loop3A_959] in [0] : vector<16xf32>, vector<16xi32> -> vector<16xf32>
        %parallel_loop3A_961 = vector.shape_cast %add3A_48 : vector<16xi32> to vector<16x1xi32>
        %parallel_loop3A_962 = vector.shape_cast %parallel_loop3A_961 : vector<16x1xi32> to vector<16xi32>
        %parallel_loop3A_963 = tpu.dynamic_gather %parallel_loop3A_894[%parallel_loop3A_962] in [0] : vector<16xf32>, vector<16xi32> -> vector<16xf32>
        %parallel_loop3A_964 = arith.select %lt3A_59, %parallel_loop3A_960, %parallel_loop3A_963 : vector<16xi1>, vector<16xf32>
        %parallel_loop3A_965 = arith.select %lt3A_56, %parallel_loop3A_957, %parallel_loop3A_964 : vector<16xi1>, vector<16xf32>
        %parallel_loop3A_966 = arith.select %lt3A_53, %parallel_loop3A_954, %parallel_loop3A_965 : vector<16xi1>, vector<16xf32>
        %parallel_loop3A_967 = arith.constant 3 : i32
        %parallel_loop3A_968 = arith.index_cast %parallel_loop3A_967 : i32 to index
        %parallel_loop3A_969 = arith.index_cast %parallel_loop3A_178 : i32 to index
        %parallel_loop3A_970 = tpu.vector_load %arg13[%parallel_loop3A_968, %parallel_loop3A_969] {strides = array<i32>} : memref<4x1024xf32, #tpu.memory_space<vmem>>, vector<16xf32>,
        tpu.vector_store %arg13[%parallel_loop3A_968, %parallel_loop3A_969], %parallel_loop3A_966 {strides = array<i32>} : memref<4x1024xf32, #tpu.memory_space<vmem>>, vector<16xf32>,
      } {sc.loop_unroll_factor = 2 : i64, sc.parallel_access}
      %mul3A_119 = arith.constant 1024 : i32
      %mul3A_120 = arith.muli %add3A_92, %mul3A_119 : i32
      %run_scoped3A_121 = arith.constant 0 : i32
      "tpu.region"() ({
        %run_scoped3A_178 = tpu.sem_alloc : memref<!tpu.dma_semaphore, #tpu.memory_space<semaphore_mem>>
        %dma_start3A_179 = arith.constant 0 : i32
        %dma_start3A_180 = tpu.memref_slice %arg13[%run_scoped3A_121, %dma_start3A_179] : memref<4x1024xf32, #tpu.memory_space<vmem>> -> memref<1x1024xf32, #tpu.memory_space<vmem>>
        %dma_start3A_181 = tpu.memref_squeeze %dma_start3A_180 : memref<1x1024xf32, #tpu.memory_space<vmem>> -> memref<1024xf32, #tpu.memory_space<vmem>>
        %dma_start3A_182 = tpu.memref_slice %arg5[%mul3A_120] : memref<1048576xf32, #tpu.memory_space<hbm>> -> memref<1024xf32, #tpu.memory_space<hbm>>
        %dma_start3A_183 = tpu.memref_slice %arg5[%mul3A_120] : memref<1048576xf32, #tpu.memory_space<hbm>> -> memref<1024xf32, #tpu.memory_space<hbm>>
        %dma_start3A_184 = arith.constant 0 : i32
        %dma_start3A_185 = tpu.memref_slice %arg13[%run_scoped3A_121, %dma_start3A_184] : memref<4x1024xf32, #tpu.memory_space<vmem>> -> memref<1x1024xf32, #tpu.memory_space<vmem>>
        %dma_start3A_186 = tpu.memref_squeeze %dma_start3A_185 : memref<1x1024xf32, #tpu.memory_space<vmem>> -> memref<1024xf32, #tpu.memory_space<vmem>>
        tpu.enqueue_dma source(%dma_start3A_186 : memref<1024xf32, #tpu.memory_space<vmem>>) target(%dma_start3A_183 : memref<1024xf32, #tpu.memory_space<hbm>>) target_semaphore(%run_scoped3A_178 : memref<!tpu.dma_semaphore, #tpu.memory_space<semaphore_mem>>)
        %dma_wait3A_187 = arith.constant 0 : i32
        %dma_wait3A_188 = tpu.memref_slice %arg13[%run_scoped3A_121, %dma_wait3A_187] : memref<4x1024xf32, #tpu.memory_space<vmem>> -> memref<1x1024xf32, #tpu.memory_space<vmem>>
        %dma_wait3A_189 = tpu.memref_squeeze %dma_wait3A_188 : memref<1x1024xf32, #tpu.memory_space<vmem>> -> memref<1024xf32, #tpu.memory_space<vmem>>
        %dma_wait3A_190 = tpu.memref_slice %arg5[%mul3A_120] : memref<1048576xf32, #tpu.memory_space<hbm>> -> memref<1024xf32, #tpu.memory_space<hbm>>
        %dma_wait3A_191 = tpu.memref_slice %arg5[%mul3A_120] : memref<1048576xf32, #tpu.memory_space<hbm>> -> memref<1024xf32, #tpu.memory_space<hbm>>
        %dma_wait3A_192 = arith.constant 0 : i32
        %dma_wait3A_193 = tpu.memref_slice %arg13[%run_scoped3A_121, %dma_wait3A_192] : memref<4x1024xf32, #tpu.memory_space<vmem>> -> memref<1x1024xf32, #tpu.memory_space<vmem>>
        %dma_wait3A_194 = tpu.memref_squeeze %dma_wait3A_193 : memref<1x1024xf32, #tpu.memory_space<vmem>> -> memref<1024xf32, #tpu.memory_space<vmem>>
        tpu.wait_dma2 semaphore(%run_scoped3A_178 : memref<!tpu.dma_semaphore, #tpu.memory_space<semaphore_mem>>) src(%dma_wait3A_194 : memref<1024xf32, #tpu.memory_space<vmem>>) dst(%dma_wait3A_191 : memref<1024xf32, #tpu.memory_space<hbm>>)
        tpu.yield
      }) : () -> ()
      %mul3A_122 = arith.constant 1024 : i32
      %mul3A_123 = arith.muli %add3A_92, %mul3A_122 : i32
      %run_scoped3A_124 = arith.constant 1 : i32
      "tpu.region"() ({
        %run_scoped3A_178 = tpu.sem_alloc : memref<!tpu.dma_semaphore, #tpu.memory_space<semaphore_mem>>
        %dma_start3A_179 = arith.constant 0 : i32
        %dma_start3A_180 = tpu.memref_slice %arg13[%run_scoped3A_124, %dma_start3A_179] : memref<4x1024xf32, #tpu.memory_space<vmem>> -> memref<1x1024xf32, #tpu.memory_space<vmem>>
        %dma_start3A_181 = tpu.memref_squeeze %dma_start3A_180 : memref<1x1024xf32, #tpu.memory_space<vmem>> -> memref<1024xf32, #tpu.memory_space<vmem>>
        %dma_start3A_182 = tpu.memref_slice %arg6[%mul3A_123] : memref<1048576xf32, #tpu.memory_space<hbm>> -> memref<1024xf32, #tpu.memory_space<hbm>>
        %dma_start3A_183 = tpu.memref_slice %arg6[%mul3A_123] : memref<1048576xf32, #tpu.memory_space<hbm>> -> memref<1024xf32, #tpu.memory_space<hbm>>
        %dma_start3A_184 = arith.constant 0 : i32
        %dma_start3A_185 = tpu.memref_slice %arg13[%run_scoped3A_124, %dma_start3A_184] : memref<4x1024xf32, #tpu.memory_space<vmem>> -> memref<1x1024xf32, #tpu.memory_space<vmem>>
        %dma_start3A_186 = tpu.memref_squeeze %dma_start3A_185 : memref<1x1024xf32, #tpu.memory_space<vmem>> -> memref<1024xf32, #tpu.memory_space<vmem>>
        tpu.enqueue_dma source(%dma_start3A_186 : memref<1024xf32, #tpu.memory_space<vmem>>) target(%dma_start3A_183 : memref<1024xf32, #tpu.memory_space<hbm>>) target_semaphore(%run_scoped3A_178 : memref<!tpu.dma_semaphore, #tpu.memory_space<semaphore_mem>>)
        %dma_wait3A_187 = arith.constant 0 : i32
        %dma_wait3A_188 = tpu.memref_slice %arg13[%run_scoped3A_124, %dma_wait3A_187] : memref<4x1024xf32, #tpu.memory_space<vmem>> -> memref<1x1024xf32, #tpu.memory_space<vmem>>
        %dma_wait3A_189 = tpu.memref_squeeze %dma_wait3A_188 : memref<1x1024xf32, #tpu.memory_space<vmem>> -> memref<1024xf32, #tpu.memory_space<vmem>>
        %dma_wait3A_190 = tpu.memref_slice %arg6[%mul3A_123] : memref<1048576xf32, #tpu.memory_space<hbm>> -> memref<1024xf32, #tpu.memory_space<hbm>>
        %dma_wait3A_191 = tpu.memref_slice %arg6[%mul3A_123] : memref<1048576xf32, #tpu.memory_space<hbm>> -> memref<1024xf32, #tpu.memory_space<hbm>>
        %dma_wait3A_192 = arith.constant 0 : i32
        %dma_wait3A_193 = tpu.memref_slice %arg13[%run_scoped3A_124, %dma_wait3A_192] : memref<4x1024xf32, #tpu.memory_space<vmem>> -> memref<1x1024xf32, #tpu.memory_space<vmem>>
        %dma_wait3A_194 = tpu.memref_squeeze %dma_wait3A_193 : memref<1x1024xf32, #tpu.memory_space<vmem>> -> memref<1024xf32, #tpu.memory_space<vmem>>
        tpu.wait_dma2 semaphore(%run_scoped3A_178 : memref<!tpu.dma_semaphore, #tpu.memory_space<semaphore_mem>>) src(%dma_wait3A_194 : memref<1024xf32, #tpu.memory_space<vmem>>) dst(%dma_wait3A_191 : memref<1024xf32, #tpu.memory_space<hbm>>)
        tpu.yield
      }) : () -> ()
      %mul3A_125 = arith.constant 1024 : i32
      %mul3A_126 = arith.muli %add3A_92, %mul3A_125 : i32
      %run_scoped3A_127 = arith.constant 2 : i32
      "tpu.region"() ({
        %run_scoped3A_178 = tpu.sem_alloc : memref<!tpu.dma_semaphore, #tpu.memory_space<semaphore_mem>>
        %dma_start3A_179 = arith.constant 0 : i32
        %dma_start3A_180 = tpu.memref_slice %arg13[%run_scoped3A_127, %dma_start3A_179] : memref<4x1024xf32, #tpu.memory_space<vmem>> -> memref<1x1024xf32, #tpu.memory_space<vmem>>
        %dma_start3A_181 = tpu.memref_squeeze %dma_start3A_180 : memref<1x1024xf32, #tpu.memory_space<vmem>> -> memref<1024xf32, #tpu.memory_space<vmem>>
        %dma_start3A_182 = tpu.memref_slice %arg7[%mul3A_126] : memref<1048576xf32, #tpu.memory_space<hbm>> -> memref<1024xf32, #tpu.memory_space<hbm>>
        %dma_start3A_183 = tpu.memref_slice %arg7[%mul3A_126] : memref<1048576xf32, #tpu.memory_space<hbm>> -> memref<1024xf32, #tpu.memory_space<hbm>>
        %dma_start3A_184 = arith.constant 0 : i32
        %dma_start3A_185 = tpu.memref_slice %arg13[%run_scoped3A_127, %dma_start3A_184] : memref<4x1024xf32, #tpu.memory_space<vmem>> -> memref<1x1024xf32, #tpu.memory_space<vmem>>
        %dma_start3A_186 = tpu.memref_squeeze %dma_start3A_185 : memref<1x1024xf32, #tpu.memory_space<vmem>> -> memref<1024xf32, #tpu.memory_space<vmem>>
        tpu.enqueue_dma source(%dma_start3A_186 : memref<1024xf32, #tpu.memory_space<vmem>>) target(%dma_start3A_183 : memref<1024xf32, #tpu.memory_space<hbm>>) target_semaphore(%run_scoped3A_178 : memref<!tpu.dma_semaphore, #tpu.memory_space<semaphore_mem>>)
        %dma_wait3A_187 = arith.constant 0 : i32
        %dma_wait3A_188 = tpu.memref_slice %arg13[%run_scoped3A_127, %dma_wait3A_187] : memref<4x1024xf32, #tpu.memory_space<vmem>> -> memref<1x1024xf32, #tpu.memory_space<vmem>>
        %dma_wait3A_189 = tpu.memref_squeeze %dma_wait3A_188 : memref<1x1024xf32, #tpu.memory_space<vmem>> -> memref<1024xf32, #tpu.memory_space<vmem>>
        %dma_wait3A_190 = tpu.memref_slice %arg7[%mul3A_126] : memref<1048576xf32, #tpu.memory_space<hbm>> -> memref<1024xf32, #tpu.memory_space<hbm>>
        %dma_wait3A_191 = tpu.memref_slice %arg7[%mul3A_126] : memref<1048576xf32, #tpu.memory_space<hbm>> -> memref<1024xf32, #tpu.memory_space<hbm>>
        %dma_wait3A_192 = arith.constant 0 : i32
        %dma_wait3A_193 = tpu.memref_slice %arg13[%run_scoped3A_127, %dma_wait3A_192] : memref<4x1024xf32, #tpu.memory_space<vmem>> -> memref<1x1024xf32, #tpu.memory_space<vmem>>
        %dma_wait3A_194 = tpu.memref_squeeze %dma_wait3A_193 : memref<1x1024xf32, #tpu.memory_space<vmem>> -> memref<1024xf32, #tpu.memory_space<vmem>>
        tpu.wait_dma2 semaphore(%run_scoped3A_178 : memref<!tpu.dma_semaphore, #tpu.memory_space<semaphore_mem>>) src(%dma_wait3A_194 : memref<1024xf32, #tpu.memory_space<vmem>>) dst(%dma_wait3A_191 : memref<1024xf32, #tpu.memory_space<hbm>>)
        tpu.yield
      }) : () -> ()
      %mul3A_128 = arith.constant 1024 : i32
      %mul3A_129 = arith.muli %add3A_92, %mul3A_128 : i32
      %run_scoped3A_130 = arith.constant 3 : i32
      "tpu.region"() ({
        %run_scoped3A_178 = tpu.sem_alloc : memref<!tpu.dma_semaphore, #tpu.memory_space<semaphore_mem>>
        %dma_start3A_179 = arith.constant 0 : i32
        %dma_start3A_180 = tpu.memref_slice %arg13[%run_scoped3A_130, %dma_start3A_179] : memref<4x1024xf32, #tpu.memory_space<vmem>> -> memref<1x1024xf32, #tpu.memory_space<vmem>>
        %dma_start3A_181 = tpu.memref_squeeze %dma_start3A_180 : memref<1x1024xf32, #tpu.memory_space<vmem>> -> memref<1024xf32, #tpu.memory_space<vmem>>
        %dma_start3A_182 = tpu.memref_slice %arg8[%mul3A_129] : memref<1048576xf32, #tpu.memory_space<hbm>> -> memref<1024xf32, #tpu.memory_space<hbm>>
        %dma_start3A_183 = tpu.memref_slice %arg8[%mul3A_129] : memref<1048576xf32, #tpu.memory_space<hbm>> -> memref<1024xf32, #tpu.memory_space<hbm>>
        %dma_start3A_184 = arith.constant 0 : i32
        %dma_start3A_185 = tpu.memref_slice %arg13[%run_scoped3A_130, %dma_start3A_184] : memref<4x1024xf32, #tpu.memory_space<vmem>> -> memref<1x1024xf32, #tpu.memory_space<vmem>>
        %dma_start3A_186 = tpu.memref_squeeze %dma_start3A_185 : memref<1x1024xf32, #tpu.memory_space<vmem>> -> memref<1024xf32, #tpu.memory_space<vmem>>
        tpu.enqueue_dma source(%dma_start3A_186 : memref<1024xf32, #tpu.memory_space<vmem>>) target(%dma_start3A_183 : memref<1024xf32, #tpu.memory_space<hbm>>) target_semaphore(%run_scoped3A_178 : memref<!tpu.dma_semaphore, #tpu.memory_space<semaphore_mem>>)
        %dma_wait3A_187 = arith.constant 0 : i32
        %dma_wait3A_188 = tpu.memref_slice %arg13[%run_scoped3A_130, %dma_wait3A_187] : memref<4x1024xf32, #tpu.memory_space<vmem>> -> memref<1x1024xf32, #tpu.memory_space<vmem>>
        %dma_wait3A_189 = tpu.memref_squeeze %dma_wait3A_188 : memref<1x1024xf32, #tpu.memory_space<vmem>> -> memref<1024xf32, #tpu.memory_space<vmem>>
        %dma_wait3A_190 = tpu.memref_slice %arg8[%mul3A_129] : memref<1048576xf32, #tpu.memory_space<hbm>> -> memref<1024xf32, #tpu.memory_space<hbm>>
        %dma_wait3A_191 = tpu.memref_slice %arg8[%mul3A_129] : memref<1048576xf32, #tpu.memory_space<hbm>> -> memref<1024xf32, #tpu.memory_space<hbm>>
        %dma_wait3A_192 = arith.constant 0 : i32
        %dma_wait3A_193 = tpu.memref_slice %arg13[%run_scoped3A_130, %dma_wait3A_192] : memref<4x1024xf32, #tpu.memory_space<vmem>> -> memref<1x1024xf32, #tpu.memory_space<vmem>>
        %dma_wait3A_194 = tpu.memref_squeeze %dma_wait3A_193 : memref<1x1024xf32, #tpu.memory_space<vmem>> -> memref<1024xf32, #tpu.memory_space<vmem>>
        tpu.wait_dma2 semaphore(%run_scoped3A_178 : memref<!tpu.dma_semaphore, #tpu.memory_space<semaphore_mem>>) src(%dma_wait3A_194 : memref<1024xf32, #tpu.memory_space<vmem>>) dst(%dma_wait3A_191 : memref<1024xf32, #tpu.memory_space<hbm>>)
        tpu.yield
      }) : () -> ()
      %add3A_131 = arith.constant 1 : i32
      %add3A_132 = arith.addi %add3A_87, %add3A_131 : i32
      %mul3A_133 = arith.constant 32 : i32
      %mul3A_134 = arith.muli %add3A, %mul3A_133 : i32
      %add3A_135 = arith.addi %mul3A_134, %add3A_132 : i32
      %dma_wait3A_136 = arith.constant 1 : i32
      %dma_wait3A_137 = arith.constant 1 : i32
      %dma_wait3A_138 = arith.constant 0 : i32
      %dma_wait3A_139 = arith.constant 0 : i32
      %dma_wait3A_140 = tpu.memref_slice %arg12[%dma_wait3A_137, %dma_wait3A_138, %dma_wait3A_139] : memref<2x2048x16xf32, #tpu.memory_space<vmem>> -> memref<1x2048x16xf32, #tpu.memory_space<vmem>>
      %dma_wait3A_141 = tpu.memref_squeeze %dma_wait3A_140 : memref<1x2048x16xf32, #tpu.memory_space<vmem>> -> memref<2048x16xf32, #tpu.memory_space<vmem>>
      %dma_wait3A_142 = arith.constant 0 : i32
      %dma_wait3A_143 = tpu.memref_slice %arg9[%dma_wait3A_136, %dma_wait3A_142] : memref<2x2048xi32, #tpu.memory_space<vmem>> -> memref<1x2048xi32, #tpu.memory_space<vmem>>
      %dma_wait3A_144 = tpu.memref_squeeze %dma_wait3A_143 : memref<1x2048xi32, #tpu.memory_space<vmem>> -> memref<2048xi32, #tpu.memory_space<vmem>>
      %dma_wait3A_145 = arith.constant 0 : i32
      %dma_wait3A_146 = arith.constant 0 : i32
      %dma_wait3A_147 = tpu.memref_slice %arg2[%dma_wait3A_145, %dma_wait3A_146] : memref<2162688x16xf32, #tpu.memory_space<hbm>> -> memref<2162688x16xf32, #tpu.memory_space<hbm>>
      tpu.wait_indirect_dma semaphore(%arg14 : memref<!tpu.dma_semaphore, #tpu.memory_space<semaphore_mem>>) src(%dma_wait3A_147 : memref<2162688x16xf32, #tpu.memory_space<hbm>>) dst(%dma_wait3A_141 : memref<2048x16xf32, #tpu.memory_space<vmem>>)
      %add3A_148 = arith.constant 1 : i32
      %add3A_149 = arith.addi %add3A_132, %add3A_148 : i32
      %lt3A_150 = arith.constant 32 : i32
      %lt3A_151 = arith.cmpi slt, %add3A_149, %lt3A_150 : i32
      %convert_element_type3A_152 = arith.extui %lt3A_151 : i1 to i32
      %cond3A_153 = arith.constant 0 : i32
      %cond3A_154 = arith.cmpi ne, %convert_element_type3A_152, %cond3A_153 : i32
      scf.if %cond3A_154 {
        %add3A_178 = arith.constant 1 : i32
        %add3A_179 = arith.addi %add3A_132, %add3A_178 : i32
        %mul3A_180 = arith.constant 32 : i32
        %mul3A_181 = arith.muli %add3A, %mul3A_180 : i32
        %add3A_182 = arith.addi %mul3A_181, %add3A_179 : i32
        %mul3A_183 = arith.constant 2 : i32
        %mul3A_184 = arith.muli %add3A_182, %mul3A_183 : i32
        %mul3A_185 = arith.constant 1024 : i32
        %mul3A_186 = arith.muli %mul3A_184, %mul3A_185 : i32
        %run_scoped3A_187 = arith.constant 0 : i32
        "tpu.region"() ({
          %run_scoped3A_200 = tpu.sem_alloc : memref<!tpu.dma_semaphore, #tpu.memory_space<semaphore_mem>>
          %dma_start3A_201 = arith.constant 0 : i32
          %dma_start3A_202 = tpu.memref_slice %arg9[%run_scoped3A_187, %dma_start3A_201] : memref<2x2048xi32, #tpu.memory_space<vmem>> -> memref<1x2048xi32, #tpu.memory_space<vmem>>
          %dma_start3A_203 = tpu.memref_squeeze %dma_start3A_202 : memref<1x2048xi32, #tpu.memory_space<vmem>> -> memref<2048xi32, #tpu.memory_space<vmem>>
          %dma_start3A_204 = tpu.memref_slice %arg3[%mul3A_186] : memref<2097152xi32, #tpu.memory_space<hbm>> -> memref<2048xi32, #tpu.memory_space<hbm>>
          %dma_start3A_205 = arith.constant 0 : i32
          %dma_start3A_206 = tpu.memref_slice %arg9[%run_scoped3A_187, %dma_start3A_205] : memref<2x2048xi32, #tpu.memory_space<vmem>> -> memref<1x2048xi32, #tpu.memory_space<vmem>>
          %dma_start3A_207 = tpu.memref_squeeze %dma_start3A_206 : memref<1x2048xi32, #tpu.memory_space<vmem>> -> memref<2048xi32, #tpu.memory_space<vmem>>
          %dma_start3A_208 = tpu.memref_slice %arg3[%mul3A_186] : memref<2097152xi32, #tpu.memory_space<hbm>> -> memref<2048xi32, #tpu.memory_space<hbm>>
          tpu.enqueue_dma source(%dma_start3A_208 : memref<2048xi32, #tpu.memory_space<hbm>>) target(%dma_start3A_207 : memref<2048xi32, #tpu.memory_space<vmem>>) target_semaphore(%run_scoped3A_200 : memref<!tpu.dma_semaphore, #tpu.memory_space<semaphore_mem>>)
          %dma_wait3A_209 = arith.constant 0 : i32
          %dma_wait3A_210 = tpu.memref_slice %arg9[%run_scoped3A_187, %dma_wait3A_209] : memref<2x2048xi32, #tpu.memory_space<vmem>> -> memref<1x2048xi32, #tpu.memory_space<vmem>>
          %dma_wait3A_211 = tpu.memref_squeeze %dma_wait3A_210 : memref<1x2048xi32, #tpu.memory_space<vmem>> -> memref<2048xi32, #tpu.memory_space<vmem>>
          %dma_wait3A_212 = tpu.memref_slice %arg3[%mul3A_186] : memref<2097152xi32, #tpu.memory_space<hbm>> -> memref<2048xi32, #tpu.memory_space<hbm>>
          %dma_wait3A_213 = arith.constant 0 : i32
          %dma_wait3A_214 = tpu.memref_slice %arg9[%run_scoped3A_187, %dma_wait3A_213] : memref<2x2048xi32, #tpu.memory_space<vmem>> -> memref<1x2048xi32, #tpu.memory_space<vmem>>
          %dma_wait3A_215 = tpu.memref_squeeze %dma_wait3A_214 : memref<1x2048xi32, #tpu.memory_space<vmem>> -> memref<2048xi32, #tpu.memory_space<vmem>>
          %dma_wait3A_216 = tpu.memref_slice %arg3[%mul3A_186] : memref<2097152xi32, #tpu.memory_space<hbm>> -> memref<2048xi32, #tpu.memory_space<hbm>>
          tpu.wait_dma2 semaphore(%run_scoped3A_200 : memref<!tpu.dma_semaphore, #tpu.memory_space<semaphore_mem>>) src(%dma_wait3A_216 : memref<2048xi32, #tpu.memory_space<hbm>>) dst(%dma_wait3A_215 : memref<2048xi32, #tpu.memory_space<vmem>>)
          tpu.yield
        }) : () -> ()
        %dma_start3A_188 = arith.constant 0 : i32
        %dma_start3A_189 = arith.constant 0 : i32
        %dma_start3A_190 = arith.constant 0 : i32
        %dma_start3A_191 = arith.constant 0 : i32
        %dma_start3A_192 = tpu.memref_slice %arg12[%dma_start3A_189, %dma_start3A_190, %dma_start3A_191] : memref<2x2048x16xf32, #tpu.memory_space<vmem>> -> memref<1x2048x16xf32, #tpu.memory_space<vmem>>
        %dma_start3A_193 = tpu.memref_squeeze %dma_start3A_192 : memref<1x2048x16xf32, #tpu.memory_space<vmem>> -> memref<2048x16xf32, #tpu.memory_space<vmem>>
        %dma_start3A_194 = arith.constant 0 : i32
        %dma_start3A_195 = tpu.memref_slice %arg9[%dma_start3A_188, %dma_start3A_194] : memref<2x2048xi32, #tpu.memory_space<vmem>> -> memref<1x2048xi32, #tpu.memory_space<vmem>>
        %dma_start3A_196 = tpu.memref_squeeze %dma_start3A_195 : memref<1x2048xi32, #tpu.memory_space<vmem>> -> memref<2048xi32, #tpu.memory_space<vmem>>
        %dma_start3A_197 = arith.constant 0 : i32
        %dma_start3A_198 = arith.constant 0 : i32
        %dma_start3A_199 = tpu.memref_slice %arg2[%dma_start3A_197, %dma_start3A_198] : memref<2162688x16xf32, #tpu.memory_space<hbm>> -> memref<2162688x16xf32, #tpu.memory_space<hbm>>
        tpu.enqueue_indirect_dma source(%dma_start3A_199 : memref<2162688x16xf32, #tpu.memory_space<hbm>>) target(%dma_start3A_193 : memref<2048x16xf32, #tpu.memory_space<vmem>>) offsets(%dma_start3A_196 : memref<2048xi32, #tpu.memory_space<vmem>>) semaphore(%arg14 : memref<!tpu.dma_semaphore, #tpu.memory_space<semaphore_mem>>)
      } else {
      }
      %mul3A_155 = arith.constant 8 : i32
      %mul3A_156 = arith.muli %add3A_135, %mul3A_155 : i32
      %mul3A_157 = arith.constant 1024 : i32
      %mul3A_158 = arith.muli %mul3A_156, %mul3A_157 : i32
      "tpu.region"() ({
        %run_scoped3A_178 = tpu.sem_alloc : memref<!tpu.dma_semaphore, #tpu.memory_space<semaphore_mem>>
        %dma_start3A_179 = tpu.memref_slice %arg4[%mul3A_158] : memref<8388608xf32, #tpu.memory_space<hbm>> -> memref<8192xf32, #tpu.memory_space<hbm>>
        %dma_start3A_180 = tpu.memref_slice %arg4[%mul3A_158] : memref<8388608xf32, #tpu.memory_space<hbm>> -> memref<8192xf32, #tpu.memory_space<hbm>>
        tpu.enqueue_dma source(%dma_start3A_180 : memref<8192xf32, #tpu.memory_space<hbm>>) target(%arg10 : memref<8192xf32, #tpu.memory_space<vmem>>) target_semaphore(%run_scoped3A_178 : memref<!tpu.dma_semaphore, #tpu.memory_space<semaphore_mem>>)
        %dma_wait3A_181 = tpu.memref_slice %arg4[%mul3A_158] : memref<8388608xf32, #tpu.memory_space<hbm>> -> memref<8192xf32, #tpu.memory_space<hbm>>
        %dma_wait3A_182 = tpu.memref_slice %arg4[%mul3A_158] : memref<8388608xf32, #tpu.memory_space<hbm>> -> memref<8192xf32, #tpu.memory_space<hbm>>
        tpu.wait_dma2 semaphore(%run_scoped3A_178 : memref<!tpu.dma_semaphore, #tpu.memory_space<semaphore_mem>>) src(%dma_wait3A_182 : memref<8192xf32, #tpu.memory_space<hbm>>) dst(%arg10 : memref<8192xf32, #tpu.memory_space<vmem>>)
        tpu.yield
      }) : () -> ()
      %parallel_loop3A_159 = arith.constant 0 : i32
      %parallel_loop3A_160 = arith.constant 1024 : i32
      %parallel_loop3A_161 = arith.constant 16 : i32
      scf.for %parallel_loop3A_178 = %parallel_loop3A_159 to %parallel_loop3A_160 step %parallel_loop3A_161  : i32 {
        %parallel_loop3A_179 = arith.constant 0 : i32
        %parallel_loop3A_180 = arith.addi %parallel_loop3A_179, %parallel_loop3A_178 : i32
        %parallel_loop3A_181 = arith.index_cast %parallel_loop3A_180 : i32 to index
        %parallel_loop3A_182 = tpu.vector_load %arg10[%parallel_loop3A_181] {strides = array<i32>} : memref<8192xf32, #tpu.memory_space<vmem>>, vector<16xf32>,
        %parallel_loop3A_183 = arith.constant 9 : i32
        %parallel_loop3A_184 = arith.muli %parallel_loop3A_183, %parallel_loop3A_178 : i32
        %parallel_loop3A_185 = arith.constant 0 : i32
        %parallel_loop3A_186 = arith.addi %parallel_loop3A_184, %parallel_loop3A_185 : i32
        %parallel_loop3A_187 = vector.broadcast %parallel_loop3A_186 : i32 to vector<16xi32>
        %parallel_loop3A_188 = arith.addi %mul3A_51, %parallel_loop3A_187 : vector<16xi32>
        tpu.vector_store_idx %arg11[%parallel_loop3A_188], %parallel_loop3A_182 : memref<9232xf32, #tpu.memory_space<vmem>>[vector<16xi32>], vector<16xf32>,
        %parallel_loop3A_189 = arith.constant 1024 : i32
        %parallel_loop3A_190 = arith.addi %parallel_loop3A_189, %parallel_loop3A_178 : i32
        %parallel_loop3A_191 = arith.index_cast %parallel_loop3A_190 : i32 to index
        %parallel_loop3A_192 = tpu.vector_load %arg10[%parallel_loop3A_191] {strides = array<i32>} : memref<8192xf32, #tpu.memory_space<vmem>>, vector<16xf32>,
        %parallel_loop3A_193 = arith.constant 9 : i32
        %parallel_loop3A_194 = arith.muli %parallel_loop3A_193, %parallel_loop3A_178 : i32
        %parallel_loop3A_195 = arith.constant 1 : i32
        %parallel_loop3A_196 = arith.addi %parallel_loop3A_194, %parallel_loop3A_195 : i32
        %parallel_loop3A_197 = vector.broadcast %parallel_loop3A_196 : i32 to vector<16xi32>
        %parallel_loop3A_198 = arith.addi %mul3A_51, %parallel_loop3A_197 : vector<16xi32>
        tpu.vector_store_idx %arg11[%parallel_loop3A_198], %parallel_loop3A_192 : memref<9232xf32, #tpu.memory_space<vmem>>[vector<16xi32>], vector<16xf32>,
        %parallel_loop3A_199 = arith.constant 2048 : i32
        %parallel_loop3A_200 = arith.addi %parallel_loop3A_199, %parallel_loop3A_178 : i32
        %parallel_loop3A_201 = arith.index_cast %parallel_loop3A_200 : i32 to index
        %parallel_loop3A_202 = tpu.vector_load %arg10[%parallel_loop3A_201] {strides = array<i32>} : memref<8192xf32, #tpu.memory_space<vmem>>, vector<16xf32>,
        %parallel_loop3A_203 = arith.constant 9 : i32
        %parallel_loop3A_204 = arith.muli %parallel_loop3A_203, %parallel_loop3A_178 : i32
        %parallel_loop3A_205 = arith.constant 2 : i32
        %parallel_loop3A_206 = arith.addi %parallel_loop3A_204, %parallel_loop3A_205 : i32
        %parallel_loop3A_207 = vector.broadcast %parallel_loop3A_206 : i32 to vector<16xi32>
        %parallel_loop3A_208 = arith.addi %mul3A_51, %parallel_loop3A_207 : vector<16xi32>
        tpu.vector_store_idx %arg11[%parallel_loop3A_208], %parallel_loop3A_202 : memref<9232xf32, #tpu.memory_space<vmem>>[vector<16xi32>], vector<16xf32>,
        %parallel_loop3A_209 = arith.constant 3072 : i32
        %parallel_loop3A_210 = arith.addi %parallel_loop3A_209, %parallel_loop3A_178 : i32
        %parallel_loop3A_211 = arith.index_cast %parallel_loop3A_210 : i32 to index
        %parallel_loop3A_212 = tpu.vector_load %arg10[%parallel_loop3A_211] {strides = array<i32>} : memref<8192xf32, #tpu.memory_space<vmem>>, vector<16xf32>,
        %parallel_loop3A_213 = arith.constant 9 : i32
        %parallel_loop3A_214 = arith.muli %parallel_loop3A_213, %parallel_loop3A_178 : i32
        %parallel_loop3A_215 = arith.constant 3 : i32
        %parallel_loop3A_216 = arith.addi %parallel_loop3A_214, %parallel_loop3A_215 : i32
        %parallel_loop3A_217 = vector.broadcast %parallel_loop3A_216 : i32 to vector<16xi32>
        %parallel_loop3A_218 = arith.addi %mul3A_51, %parallel_loop3A_217 : vector<16xi32>
        tpu.vector_store_idx %arg11[%parallel_loop3A_218], %parallel_loop3A_212 : memref<9232xf32, #tpu.memory_space<vmem>>[vector<16xi32>], vector<16xf32>,
        %parallel_loop3A_219 = arith.constant 4096 : i32
        %parallel_loop3A_220 = arith.addi %parallel_loop3A_219, %parallel_loop3A_178 : i32
        %parallel_loop3A_221 = arith.index_cast %parallel_loop3A_220 : i32 to index
        %parallel_loop3A_222 = tpu.vector_load %arg10[%parallel_loop3A_221] {strides = array<i32>} : memref<8192xf32, #tpu.memory_space<vmem>>, vector<16xf32>,
        %parallel_loop3A_223 = arith.constant 9 : i32
        %parallel_loop3A_224 = arith.muli %parallel_loop3A_223, %parallel_loop3A_178 : i32
        %parallel_loop3A_225 = arith.constant 4 : i32
        %parallel_loop3A_226 = arith.addi %parallel_loop3A_224, %parallel_loop3A_225 : i32
        %parallel_loop3A_227 = vector.broadcast %parallel_loop3A_226 : i32 to vector<16xi32>
        %parallel_loop3A_228 = arith.addi %mul3A_51, %parallel_loop3A_227 : vector<16xi32>
        tpu.vector_store_idx %arg11[%parallel_loop3A_228], %parallel_loop3A_222 : memref<9232xf32, #tpu.memory_space<vmem>>[vector<16xi32>], vector<16xf32>,
        %parallel_loop3A_229 = arith.constant 5120 : i32
        %parallel_loop3A_230 = arith.addi %parallel_loop3A_229, %parallel_loop3A_178 : i32
        %parallel_loop3A_231 = arith.index_cast %parallel_loop3A_230 : i32 to index
        %parallel_loop3A_232 = tpu.vector_load %arg10[%parallel_loop3A_231] {strides = array<i32>} : memref<8192xf32, #tpu.memory_space<vmem>>, vector<16xf32>,
        %parallel_loop3A_233 = arith.constant 9 : i32
        %parallel_loop3A_234 = arith.muli %parallel_loop3A_233, %parallel_loop3A_178 : i32
        %parallel_loop3A_235 = arith.constant 5 : i32
        %parallel_loop3A_236 = arith.addi %parallel_loop3A_234, %parallel_loop3A_235 : i32
        %parallel_loop3A_237 = vector.broadcast %parallel_loop3A_236 : i32 to vector<16xi32>
        %parallel_loop3A_238 = arith.addi %mul3A_51, %parallel_loop3A_237 : vector<16xi32>
        tpu.vector_store_idx %arg11[%parallel_loop3A_238], %parallel_loop3A_232 : memref<9232xf32, #tpu.memory_space<vmem>>[vector<16xi32>], vector<16xf32>,
        %parallel_loop3A_239 = arith.constant 6144 : i32
        %parallel_loop3A_240 = arith.addi %parallel_loop3A_239, %parallel_loop3A_178 : i32
        %parallel_loop3A_241 = arith.index_cast %parallel_loop3A_240 : i32 to index
        %parallel_loop3A_242 = tpu.vector_load %arg10[%parallel_loop3A_241] {strides = array<i32>} : memref<8192xf32, #tpu.memory_space<vmem>>, vector<16xf32>,
        %parallel_loop3A_243 = arith.constant 9 : i32
        %parallel_loop3A_244 = arith.muli %parallel_loop3A_243, %parallel_loop3A_178 : i32
        %parallel_loop3A_245 = arith.constant 6 : i32
        %parallel_loop3A_246 = arith.addi %parallel_loop3A_244, %parallel_loop3A_245 : i32
        %parallel_loop3A_247 = vector.broadcast %parallel_loop3A_246 : i32 to vector<16xi32>
        %parallel_loop3A_248 = arith.addi %mul3A_51, %parallel_loop3A_247 : vector<16xi32>
        tpu.vector_store_idx %arg11[%parallel_loop3A_248], %parallel_loop3A_242 : memref<9232xf32, #tpu.memory_space<vmem>>[vector<16xi32>], vector<16xf32>,
        %parallel_loop3A_249 = arith.constant 7168 : i32
        %parallel_loop3A_250 = arith.addi %parallel_loop3A_249, %parallel_loop3A_178 : i32
        %parallel_loop3A_251 = arith.index_cast %parallel_loop3A_250 : i32 to index
        %parallel_loop3A_252 = tpu.vector_load %arg10[%parallel_loop3A_251] {strides = array<i32>} : memref<8192xf32, #tpu.memory_space<vmem>>, vector<16xf32>,
        %parallel_loop3A_253 = arith.constant 9 : i32
        %parallel_loop3A_254 = arith.muli %parallel_loop3A_253, %parallel_loop3A_178 : i32
        %parallel_loop3A_255 = arith.constant 7 : i32
        %parallel_loop3A_256 = arith.addi %parallel_loop3A_254, %parallel_loop3A_255 : i32
        %parallel_loop3A_257 = vector.broadcast %parallel_loop3A_256 : i32 to vector<16xi32>
        %parallel_loop3A_258 = arith.addi %mul3A_51, %parallel_loop3A_257 : vector<16xi32>
        tpu.vector_store_idx %arg11[%parallel_loop3A_258], %parallel_loop3A_252 : memref<9232xf32, #tpu.memory_space<vmem>>[vector<16xi32>], vector<16xf32>,
      } {sc.loop_unroll_factor = 1 : i64, sc.parallel_access}
      %parallel_loop3A_162 = arith.constant 0 : i32
      %parallel_loop3A_163 = arith.constant 1024 : i32
      %parallel_loop3A_164 = arith.constant 16 : i32
      %parallel_loop3A_165 = arith.constant 1 : i32
      scf.for %parallel_loop3A_178 = %parallel_loop3A_162 to %parallel_loop3A_163 step %parallel_loop3A_164  : i32 {
        %parallel_loop3A_179 = arith.constant 0 : i32
        %parallel_loop3A_180 = arith.addi %parallel_loop3A_178, %parallel_loop3A_179 : i32
        %parallel_loop3A_181 = arith.constant 0 : i32
        %parallel_loop3A_182 = arith.addi %parallel_loop3A_180, %parallel_loop3A_181 : i32
        %parallel_loop3A_183 = arith.constant 0 : i32
        %parallel_loop3A_184 = arith.constant 0 : i32
        %parallel_loop3A_185 = tpu.memref_slice %arg12[%parallel_loop3A_165, %parallel_loop3A_183, %parallel_loop3A_184] : memref<2x2048x16xf32, #tpu.memory_space<vmem>> -> memref<1x2048x16xf32, #tpu.memory_space<vmem>>
        %parallel_loop3A_186 = tpu.memref_squeeze %parallel_loop3A_185 : memref<1x2048x16xf32, #tpu.memory_space<vmem>> -> memref<2048x16xf32, #tpu.memory_space<vmem>>
        %parallel_loop3A_187 = arith.index_cast %parallel_loop3A_182 : i32 to index
        %parallel_loop3A_188 = arith.constant 0 : index
        %parallel_loop3A_189 = tpu.vector_load %parallel_loop3A_186[%parallel_loop3A_187, %parallel_loop3A_188] {strides = array<i32>} : memref<2048x16xf32, #tpu.memory_space<vmem>>, vector<16xf32>,
        %parallel_loop3A_190 = arith.constant 1024 : i32
        %parallel_loop3A_191 = arith.addi %parallel_loop3A_190, %parallel_loop3A_182 : i32
        %parallel_loop3A_192 = arith.constant 0 : i32
        %parallel_loop3A_193 = arith.constant 0 : i32
        %parallel_loop3A_194 = tpu.memref_slice %arg12[%parallel_loop3A_165, %parallel_loop3A_192, %parallel_loop3A_193] : memref<2x2048x16xf32, #tpu.memory_space<vmem>> -> memref<1x2048x16xf32, #tpu.memory_space<vmem>>
        %parallel_loop3A_195 = tpu.memref_squeeze %parallel_loop3A_194 : memref<1x2048x16xf32, #tpu.memory_space<vmem>> -> memref<2048x16xf32, #tpu.memory_space<vmem>>
        %parallel_loop3A_196 = arith.index_cast %parallel_loop3A_191 : i32 to index
        %parallel_loop3A_197 = arith.constant 0 : index
        %parallel_loop3A_198 = tpu.vector_load %parallel_loop3A_195[%parallel_loop3A_196, %parallel_loop3A_197] {strides = array<i32>} : memref<2048x16xf32, #tpu.memory_space<vmem>>, vector<16xf32>,
        %parallel_loop3A_199 = arith.constant 9 : i32
        %parallel_loop3A_200 = arith.muli %parallel_loop3A_199, %parallel_loop3A_182 : i32
        %parallel_loop3A_201 = arith.index_cast %parallel_loop3A_200 : i32 to index
        %parallel_loop3A_202 = tpu.vector_load %arg11[%parallel_loop3A_201] {strides = array<i32>} : memref<9232xf32, #tpu.memory_space<vmem>>, vector<16xf32>,
        %parallel_loop3A_203 = vector.shape_cast %shift_right_arithmetic3A_13 : vector<16xi32> to vector<16x1xi32>
        %parallel_loop3A_204 = vector.shape_cast %parallel_loop3A_203 : vector<16x1xi32> to vector<16xi32>
        %parallel_loop3A_205 = tpu.dynamic_gather %parallel_loop3A_202[%parallel_loop3A_204] in [0] : vector<16xf32>, vector<16xi32> -> vector<16xf32>
        %parallel_loop3A_206 = arith.constant 4 : i32
        %parallel_loop3A_207 = vector.broadcast %parallel_loop3A_206 : i32 to vector<16xi32>
        %parallel_loop3A_208 = arith.addi %shift_right_arithmetic3A_13, %parallel_loop3A_207 : vector<16xi32>
        %parallel_loop3A_209 = vector.shape_cast %parallel_loop3A_208 : vector<16xi32> to vector<16x1xi32>
        %parallel_loop3A_210 = vector.shape_cast %parallel_loop3A_209 : vector<16x1xi32> to vector<16xi32>
        %parallel_loop3A_211 = tpu.dynamic_gather %parallel_loop3A_202[%parallel_loop3A_210] in [0] : vector<16xf32>, vector<16xi32> -> vector<16xf32>
        %parallel_loop3A_212 = arith.mulf %parallel_loop3A_189, %parallel_loop3A_205 : vector<16xf32>
        %parallel_loop3A_213 = arith.mulf %parallel_loop3A_198, %parallel_loop3A_211 : vector<16xf32>
        %parallel_loop3A_214 = arith.addf %parallel_loop3A_212, %parallel_loop3A_213 : vector<16xf32>
        %parallel_loop3A_215 = vector.shape_cast %and3A_11 : vector<16xi32> to vector<16x1xi32>
        %parallel_loop3A_216 = vector.shape_cast %parallel_loop3A_215 : vector<16x1xi32> to vector<16xi32>
        %parallel_loop3A_217 = tpu.dynamic_gather %parallel_loop3A_214[%parallel_loop3A_216] in [0] : vector<16xf32>, vector<16xi32> -> vector<16xf32>
        %parallel_loop3A_218 = arith.addf %parallel_loop3A_214, %parallel_loop3A_217 : vector<16xf32>
        %parallel_loop3A_219 = vector.shape_cast %and3A_5 : vector<16xi32> to vector<16x1xi32>
        %parallel_loop3A_220 = vector.shape_cast %parallel_loop3A_219 : vector<16x1xi32> to vector<16xi32>
        %parallel_loop3A_221 = tpu.dynamic_gather %parallel_loop3A_218[%parallel_loop3A_220] in [0] : vector<16xf32>, vector<16xi32> -> vector<16xf32>
        %parallel_loop3A_222 = arith.addf %parallel_loop3A_218, %parallel_loop3A_221 : vector<16xf32>
        %parallel_loop3A_223 = arith.constant 0 : i32
        %parallel_loop3A_224 = arith.addi %parallel_loop3A_178, %parallel_loop3A_223 : i32
        %parallel_loop3A_225 = arith.constant 1 : i32
        %parallel_loop3A_226 = arith.addi %parallel_loop3A_224, %parallel_loop3A_225 : i32
        %parallel_loop3A_227 = arith.constant 0 : i32
        %parallel_loop3A_228 = arith.constant 0 : i32
        %parallel_loop3A_229 = tpu.memref_slice %arg12[%parallel_loop3A_165, %parallel_loop3A_227, %parallel_loop3A_228] : memref<2x2048x16xf32, #tpu.memory_space<vmem>> -> memref<1x2048x16xf32, #tpu.memory_space<vmem>>
        %parallel_loop3A_230 = tpu.memref_squeeze %parallel_loop3A_229 : memref<1x2048x16xf32, #tpu.memory_space<vmem>> -> memref<2048x16xf32, #tpu.memory_space<vmem>>
        %parallel_loop3A_231 = arith.index_cast %parallel_loop3A_226 : i32 to index
        %parallel_loop3A_232 = arith.constant 0 : index
        %parallel_loop3A_233 = tpu.vector_load %parallel_loop3A_230[%parallel_loop3A_231, %parallel_loop3A_232] {strides = array<i32>} : memref<2048x16xf32, #tpu.memory_space<vmem>>, vector<16xf32>,
        %parallel_loop3A_234 = arith.constant 1024 : i32
        %parallel_loop3A_235 = arith.addi %parallel_loop3A_234, %parallel_loop3A_226 : i32
        %parallel_loop3A_236 = arith.constant 0 : i32
        %parallel_loop3A_237 = arith.constant 0 : i32
        %parallel_loop3A_238 = tpu.memref_slice %arg12[%parallel_loop3A_165, %parallel_loop3A_236, %parallel_loop3A_237] : memref<2x2048x16xf32, #tpu.memory_space<vmem>> -> memref<1x2048x16xf32, #tpu.memory_space<vmem>>
        %parallel_loop3A_239 = tpu.memref_squeeze %parallel_loop3A_238 : memref<1x2048x16xf32, #tpu.memory_space<vmem>> -> memref<2048x16xf32, #tpu.memory_space<vmem>>
        %parallel_loop3A_240 = arith.index_cast %parallel_loop3A_235 : i32 to index
        %parallel_loop3A_241 = arith.constant 0 : index
        %parallel_loop3A_242 = tpu.vector_load %parallel_loop3A_239[%parallel_loop3A_240, %parallel_loop3A_241] {strides = array<i32>} : memref<2048x16xf32, #tpu.memory_space<vmem>>, vector<16xf32>,
        %parallel_loop3A_243 = arith.constant 9 : i32
        %parallel_loop3A_244 = arith.muli %parallel_loop3A_243, %parallel_loop3A_226 : i32
        %parallel_loop3A_245 = arith.index_cast %parallel_loop3A_244 : i32 to index
        %parallel_loop3A_246 = tpu.vector_load %arg11[%parallel_loop3A_245] {strides = array<i32>} : memref<9232xf32, #tpu.memory_space<vmem>>, vector<16xf32>,
        %parallel_loop3A_247 = vector.shape_cast %shift_right_arithmetic3A_13 : vector<16xi32> to vector<16x1xi32>
        %parallel_loop3A_248 = vector.shape_cast %parallel_loop3A_247 : vector<16x1xi32> to vector<16xi32>
        %parallel_loop3A_249 = tpu.dynamic_gather %parallel_loop3A_246[%parallel_loop3A_248] in [0] : vector<16xf32>, vector<16xi32> -> vector<16xf32>
        %parallel_loop3A_250 = arith.constant 4 : i32
        %parallel_loop3A_251 = vector.broadcast %parallel_loop3A_250 : i32 to vector<16xi32>
        %parallel_loop3A_252 = arith.addi %shift_right_arithmetic3A_13, %parallel_loop3A_251 : vector<16xi32>
        %parallel_loop3A_253 = vector.shape_cast %parallel_loop3A_252 : vector<16xi32> to vector<16x1xi32>
        %parallel_loop3A_254 = vector.shape_cast %parallel_loop3A_253 : vector<16x1xi32> to vector<16xi32>
        %parallel_loop3A_255 = tpu.dynamic_gather %parallel_loop3A_246[%parallel_loop3A_254] in [0] : vector<16xf32>, vector<16xi32> -> vector<16xf32>
        %parallel_loop3A_256 = arith.mulf %parallel_loop3A_233, %parallel_loop3A_249 : vector<16xf32>
        %parallel_loop3A_257 = arith.mulf %parallel_loop3A_242, %parallel_loop3A_255 : vector<16xf32>
        %parallel_loop3A_258 = arith.addf %parallel_loop3A_256, %parallel_loop3A_257 : vector<16xf32>
        %parallel_loop3A_259 = vector.shape_cast %and3A_11 : vector<16xi32> to vector<16x1xi32>
        %parallel_loop3A_260 = vector.shape_cast %parallel_loop3A_259 : vector<16x1xi32> to vector<16xi32>
        %parallel_loop3A_261 = tpu.dynamic_gather %parallel_loop3A_258[%parallel_loop3A_260] in [0] : vector<16xf32>, vector<16xi32> -> vector<16xf32>
        %parallel_loop3A_262 = arith.addf %parallel_loop3A_258, %parallel_loop3A_261 : vector<16xf32>
        %parallel_loop3A_263 = vector.shape_cast %and3A_5 : vector<16xi32> to vector<16x1xi32>
        %parallel_loop3A_264 = vector.shape_cast %parallel_loop3A_263 : vector<16x1xi32> to vector<16xi32>
        %parallel_loop3A_265 = tpu.dynamic_gather %parallel_loop3A_262[%parallel_loop3A_264] in [0] : vector<16xf32>, vector<16xi32> -> vector<16xf32>
        %parallel_loop3A_266 = arith.addf %parallel_loop3A_262, %parallel_loop3A_265 : vector<16xf32>
        %parallel_loop3A_267 = arith.constant 0 : i32
        %parallel_loop3A_268 = arith.addi %parallel_loop3A_178, %parallel_loop3A_267 : i32
        %parallel_loop3A_269 = arith.constant 2 : i32
        %parallel_loop3A_270 = arith.addi %parallel_loop3A_268, %parallel_loop3A_269 : i32
        %parallel_loop3A_271 = arith.constant 0 : i32
        %parallel_loop3A_272 = arith.constant 0 : i32
        %parallel_loop3A_273 = tpu.memref_slice %arg12[%parallel_loop3A_165, %parallel_loop3A_271, %parallel_loop3A_272] : memref<2x2048x16xf32, #tpu.memory_space<vmem>> -> memref<1x2048x16xf32, #tpu.memory_space<vmem>>
        %parallel_loop3A_274 = tpu.memref_squeeze %parallel_loop3A_273 : memref<1x2048x16xf32, #tpu.memory_space<vmem>> -> memref<2048x16xf32, #tpu.memory_space<vmem>>
        %parallel_loop3A_275 = arith.index_cast %parallel_loop3A_270 : i32 to index
        %parallel_loop3A_276 = arith.constant 0 : index
        %parallel_loop3A_277 = tpu.vector_load %parallel_loop3A_274[%parallel_loop3A_275, %parallel_loop3A_276] {strides = array<i32>} : memref<2048x16xf32, #tpu.memory_space<vmem>>, vector<16xf32>,
        %parallel_loop3A_278 = arith.constant 1024 : i32
        %parallel_loop3A_279 = arith.addi %parallel_loop3A_278, %parallel_loop3A_270 : i32
        %parallel_loop3A_280 = arith.constant 0 : i32
        %parallel_loop3A_281 = arith.constant 0 : i32
        %parallel_loop3A_282 = tpu.memref_slice %arg12[%parallel_loop3A_165, %parallel_loop3A_280, %parallel_loop3A_281] : memref<2x2048x16xf32, #tpu.memory_space<vmem>> -> memref<1x2048x16xf32, #tpu.memory_space<vmem>>
        %parallel_loop3A_283 = tpu.memref_squeeze %parallel_loop3A_282 : memref<1x2048x16xf32, #tpu.memory_space<vmem>> -> memref<2048x16xf32, #tpu.memory_space<vmem>>
        %parallel_loop3A_284 = arith.index_cast %parallel_loop3A_279 : i32 to index
        %parallel_loop3A_285 = arith.constant 0 : index
        %parallel_loop3A_286 = tpu.vector_load %parallel_loop3A_283[%parallel_loop3A_284, %parallel_loop3A_285] {strides = array<i32>} : memref<2048x16xf32, #tpu.memory_space<vmem>>, vector<16xf32>,
        %parallel_loop3A_287 = arith.constant 9 : i32
        %parallel_loop3A_288 = arith.muli %parallel_loop3A_287, %parallel_loop3A_270 : i32
        %parallel_loop3A_289 = arith.index_cast %parallel_loop3A_288 : i32 to index
        %parallel_loop3A_290 = tpu.vector_load %arg11[%parallel_loop3A_289] {strides = array<i32>} : memref<9232xf32, #tpu.memory_space<vmem>>, vector<16xf32>,
        %parallel_loop3A_291 = vector.shape_cast %shift_right_arithmetic3A_13 : vector<16xi32> to vector<16x1xi32>
        %parallel_loop3A_292 = vector.shape_cast %parallel_loop3A_291 : vector<16x1xi32> to vector<16xi32>
        %parallel_loop3A_293 = tpu.dynamic_gather %parallel_loop3A_290[%parallel_loop3A_292] in [0] : vector<16xf32>, vector<16xi32> -> vector<16xf32>
        %parallel_loop3A_294 = arith.constant 4 : i32
        %parallel_loop3A_295 = vector.broadcast %parallel_loop3A_294 : i32 to vector<16xi32>
        %parallel_loop3A_296 = arith.addi %shift_right_arithmetic3A_13, %parallel_loop3A_295 : vector<16xi32>
        %parallel_loop3A_297 = vector.shape_cast %parallel_loop3A_296 : vector<16xi32> to vector<16x1xi32>
        %parallel_loop3A_298 = vector.shape_cast %parallel_loop3A_297 : vector<16x1xi32> to vector<16xi32>
        %parallel_loop3A_299 = tpu.dynamic_gather %parallel_loop3A_290[%parallel_loop3A_298] in [0] : vector<16xf32>, vector<16xi32> -> vector<16xf32>
        %parallel_loop3A_300 = arith.mulf %parallel_loop3A_277, %parallel_loop3A_293 : vector<16xf32>
        %parallel_loop3A_301 = arith.mulf %parallel_loop3A_286, %parallel_loop3A_299 : vector<16xf32>
        %parallel_loop3A_302 = arith.addf %parallel_loop3A_300, %parallel_loop3A_301 : vector<16xf32>
        %parallel_loop3A_303 = vector.shape_cast %and3A_11 : vector<16xi32> to vector<16x1xi32>
        %parallel_loop3A_304 = vector.shape_cast %parallel_loop3A_303 : vector<16x1xi32> to vector<16xi32>
        %parallel_loop3A_305 = tpu.dynamic_gather %parallel_loop3A_302[%parallel_loop3A_304] in [0] : vector<16xf32>, vector<16xi32> -> vector<16xf32>
        %parallel_loop3A_306 = arith.addf %parallel_loop3A_302, %parallel_loop3A_305 : vector<16xf32>
        %parallel_loop3A_307 = vector.shape_cast %and3A_5 : vector<16xi32> to vector<16x1xi32>
        %parallel_loop3A_308 = vector.shape_cast %parallel_loop3A_307 : vector<16x1xi32> to vector<16xi32>
        %parallel_loop3A_309 = tpu.dynamic_gather %parallel_loop3A_306[%parallel_loop3A_308] in [0] : vector<16xf32>, vector<16xi32> -> vector<16xf32>
        %parallel_loop3A_310 = arith.addf %parallel_loop3A_306, %parallel_loop3A_309 : vector<16xf32>
        %parallel_loop3A_311 = arith.constant 0 : i32
        %parallel_loop3A_312 = arith.addi %parallel_loop3A_178, %parallel_loop3A_311 : i32
        %parallel_loop3A_313 = arith.constant 3 : i32
        %parallel_loop3A_314 = arith.addi %parallel_loop3A_312, %parallel_loop3A_313 : i32
        %parallel_loop3A_315 = arith.constant 0 : i32
        %parallel_loop3A_316 = arith.constant 0 : i32
        %parallel_loop3A_317 = tpu.memref_slice %arg12[%parallel_loop3A_165, %parallel_loop3A_315, %parallel_loop3A_316] : memref<2x2048x16xf32, #tpu.memory_space<vmem>> -> memref<1x2048x16xf32, #tpu.memory_space<vmem>>
        %parallel_loop3A_318 = tpu.memref_squeeze %parallel_loop3A_317 : memref<1x2048x16xf32, #tpu.memory_space<vmem>> -> memref<2048x16xf32, #tpu.memory_space<vmem>>
        %parallel_loop3A_319 = arith.index_cast %parallel_loop3A_314 : i32 to index
        %parallel_loop3A_320 = arith.constant 0 : index
        %parallel_loop3A_321 = tpu.vector_load %parallel_loop3A_318[%parallel_loop3A_319, %parallel_loop3A_320] {strides = array<i32>} : memref<2048x16xf32, #tpu.memory_space<vmem>>, vector<16xf32>,
        %parallel_loop3A_322 = arith.constant 1024 : i32
        %parallel_loop3A_323 = arith.addi %parallel_loop3A_322, %parallel_loop3A_314 : i32
        %parallel_loop3A_324 = arith.constant 0 : i32
        %parallel_loop3A_325 = arith.constant 0 : i32
        %parallel_loop3A_326 = tpu.memref_slice %arg12[%parallel_loop3A_165, %parallel_loop3A_324, %parallel_loop3A_325] : memref<2x2048x16xf32, #tpu.memory_space<vmem>> -> memref<1x2048x16xf32, #tpu.memory_space<vmem>>
        %parallel_loop3A_327 = tpu.memref_squeeze %parallel_loop3A_326 : memref<1x2048x16xf32, #tpu.memory_space<vmem>> -> memref<2048x16xf32, #tpu.memory_space<vmem>>
        %parallel_loop3A_328 = arith.index_cast %parallel_loop3A_323 : i32 to index
        %parallel_loop3A_329 = arith.constant 0 : index
        %parallel_loop3A_330 = tpu.vector_load %parallel_loop3A_327[%parallel_loop3A_328, %parallel_loop3A_329] {strides = array<i32>} : memref<2048x16xf32, #tpu.memory_space<vmem>>, vector<16xf32>,
        %parallel_loop3A_331 = arith.constant 9 : i32
        %parallel_loop3A_332 = arith.muli %parallel_loop3A_331, %parallel_loop3A_314 : i32
        %parallel_loop3A_333 = arith.index_cast %parallel_loop3A_332 : i32 to index
        %parallel_loop3A_334 = tpu.vector_load %arg11[%parallel_loop3A_333] {strides = array<i32>} : memref<9232xf32, #tpu.memory_space<vmem>>, vector<16xf32>,
        %parallel_loop3A_335 = vector.shape_cast %shift_right_arithmetic3A_13 : vector<16xi32> to vector<16x1xi32>
        %parallel_loop3A_336 = vector.shape_cast %parallel_loop3A_335 : vector<16x1xi32> to vector<16xi32>
        %parallel_loop3A_337 = tpu.dynamic_gather %parallel_loop3A_334[%parallel_loop3A_336] in [0] : vector<16xf32>, vector<16xi32> -> vector<16xf32>
        %parallel_loop3A_338 = arith.constant 4 : i32
        %parallel_loop3A_339 = vector.broadcast %parallel_loop3A_338 : i32 to vector<16xi32>
        %parallel_loop3A_340 = arith.addi %shift_right_arithmetic3A_13, %parallel_loop3A_339 : vector<16xi32>
        %parallel_loop3A_341 = vector.shape_cast %parallel_loop3A_340 : vector<16xi32> to vector<16x1xi32>
        %parallel_loop3A_342 = vector.shape_cast %parallel_loop3A_341 : vector<16x1xi32> to vector<16xi32>
        %parallel_loop3A_343 = tpu.dynamic_gather %parallel_loop3A_334[%parallel_loop3A_342] in [0] : vector<16xf32>, vector<16xi32> -> vector<16xf32>
        %parallel_loop3A_344 = arith.mulf %parallel_loop3A_321, %parallel_loop3A_337 : vector<16xf32>
        %parallel_loop3A_345 = arith.mulf %parallel_loop3A_330, %parallel_loop3A_343 : vector<16xf32>
        %parallel_loop3A_346 = arith.addf %parallel_loop3A_344, %parallel_loop3A_345 : vector<16xf32>
        %parallel_loop3A_347 = vector.shape_cast %and3A_11 : vector<16xi32> to vector<16x1xi32>
        %parallel_loop3A_348 = vector.shape_cast %parallel_loop3A_347 : vector<16x1xi32> to vector<16xi32>
        %parallel_loop3A_349 = tpu.dynamic_gather %parallel_loop3A_346[%parallel_loop3A_348] in [0] : vector<16xf32>, vector<16xi32> -> vector<16xf32>
        %parallel_loop3A_350 = arith.addf %parallel_loop3A_346, %parallel_loop3A_349 : vector<16xf32>
        %parallel_loop3A_351 = vector.shape_cast %and3A_5 : vector<16xi32> to vector<16x1xi32>
        %parallel_loop3A_352 = vector.shape_cast %parallel_loop3A_351 : vector<16x1xi32> to vector<16xi32>
        %parallel_loop3A_353 = tpu.dynamic_gather %parallel_loop3A_350[%parallel_loop3A_352] in [0] : vector<16xf32>, vector<16xi32> -> vector<16xf32>
        %parallel_loop3A_354 = arith.addf %parallel_loop3A_350, %parallel_loop3A_353 : vector<16xf32>
        %parallel_loop3A_355 = arith.select %lt3A_59, %parallel_loop3A_310, %parallel_loop3A_354 : vector<16xi1>, vector<16xf32>
        %parallel_loop3A_356 = arith.select %lt3A_56, %parallel_loop3A_266, %parallel_loop3A_355 : vector<16xi1>, vector<16xf32>
        %parallel_loop3A_357 = arith.select %lt3A_53, %parallel_loop3A_222, %parallel_loop3A_356 : vector<16xi1>, vector<16xf32>
        %parallel_loop3A_358 = arith.constant 4 : i32
        %parallel_loop3A_359 = arith.addi %parallel_loop3A_178, %parallel_loop3A_358 : i32
        %parallel_loop3A_360 = arith.constant 0 : i32
        %parallel_loop3A_361 = arith.addi %parallel_loop3A_359, %parallel_loop3A_360 : i32
        %parallel_loop3A_362 = arith.constant 0 : i32
        %parallel_loop3A_363 = arith.constant 0 : i32
        %parallel_loop3A_364 = tpu.memref_slice %arg12[%parallel_loop3A_165, %parallel_loop3A_362, %parallel_loop3A_363] : memref<2x2048x16xf32, #tpu.memory_space<vmem>> -> memref<1x2048x16xf32, #tpu.memory_space<vmem>>
        %parallel_loop3A_365 = tpu.memref_squeeze %parallel_loop3A_364 : memref<1x2048x16xf32, #tpu.memory_space<vmem>> -> memref<2048x16xf32, #tpu.memory_space<vmem>>
        %parallel_loop3A_366 = arith.index_cast %parallel_loop3A_361 : i32 to index
        %parallel_loop3A_367 = arith.constant 0 : index
        %parallel_loop3A_368 = tpu.vector_load %parallel_loop3A_365[%parallel_loop3A_366, %parallel_loop3A_367] {strides = array<i32>} : memref<2048x16xf32, #tpu.memory_space<vmem>>, vector<16xf32>,
        %parallel_loop3A_369 = arith.constant 1024 : i32
        %parallel_loop3A_370 = arith.addi %parallel_loop3A_369, %parallel_loop3A_361 : i32
        %parallel_loop3A_371 = arith.constant 0 : i32
        %parallel_loop3A_372 = arith.constant 0 : i32
        %parallel_loop3A_373 = tpu.memref_slice %arg12[%parallel_loop3A_165, %parallel_loop3A_371, %parallel_loop3A_372] : memref<2x2048x16xf32, #tpu.memory_space<vmem>> -> memref<1x2048x16xf32, #tpu.memory_space<vmem>>
        %parallel_loop3A_374 = tpu.memref_squeeze %parallel_loop3A_373 : memref<1x2048x16xf32, #tpu.memory_space<vmem>> -> memref<2048x16xf32, #tpu.memory_space<vmem>>
        %parallel_loop3A_375 = arith.index_cast %parallel_loop3A_370 : i32 to index
        %parallel_loop3A_376 = arith.constant 0 : index
        %parallel_loop3A_377 = tpu.vector_load %parallel_loop3A_374[%parallel_loop3A_375, %parallel_loop3A_376] {strides = array<i32>} : memref<2048x16xf32, #tpu.memory_space<vmem>>, vector<16xf32>,
        %parallel_loop3A_378 = arith.constant 9 : i32
        %parallel_loop3A_379 = arith.muli %parallel_loop3A_378, %parallel_loop3A_361 : i32
        %parallel_loop3A_380 = arith.index_cast %parallel_loop3A_379 : i32 to index
        %parallel_loop3A_381 = tpu.vector_load %arg11[%parallel_loop3A_380] {strides = array<i32>} : memref<9232xf32, #tpu.memory_space<vmem>>, vector<16xf32>,
        %parallel_loop3A_382 = vector.shape_cast %shift_right_arithmetic3A_13 : vector<16xi32> to vector<16x1xi32>
        %parallel_loop3A_383 = vector.shape_cast %parallel_loop3A_382 : vector<16x1xi32> to vector<16xi32>
        %parallel_loop3A_384 = tpu.dynamic_gather %parallel_loop3A_381[%parallel_loop3A_383] in [0] : vector<16xf32>, vector<16xi32> -> vector<16xf32>
        %parallel_loop3A_385 = arith.constant 4 : i32
        %parallel_loop3A_386 = vector.broadcast %parallel_loop3A_385 : i32 to vector<16xi32>
        %parallel_loop3A_387 = arith.addi %shift_right_arithmetic3A_13, %parallel_loop3A_386 : vector<16xi32>
        %parallel_loop3A_388 = vector.shape_cast %parallel_loop3A_387 : vector<16xi32> to vector<16x1xi32>
        %parallel_loop3A_389 = vector.shape_cast %parallel_loop3A_388 : vector<16x1xi32> to vector<16xi32>
        %parallel_loop3A_390 = tpu.dynamic_gather %parallel_loop3A_381[%parallel_loop3A_389] in [0] : vector<16xf32>, vector<16xi32> -> vector<16xf32>
        %parallel_loop3A_391 = arith.mulf %parallel_loop3A_368, %parallel_loop3A_384 : vector<16xf32>
        %parallel_loop3A_392 = arith.mulf %parallel_loop3A_377, %parallel_loop3A_390 : vector<16xf32>
        %parallel_loop3A_393 = arith.addf %parallel_loop3A_391, %parallel_loop3A_392 : vector<16xf32>
        %parallel_loop3A_394 = vector.shape_cast %and3A_11 : vector<16xi32> to vector<16x1xi32>
        %parallel_loop3A_395 = vector.shape_cast %parallel_loop3A_394 : vector<16x1xi32> to vector<16xi32>
        %parallel_loop3A_396 = tpu.dynamic_gather %parallel_loop3A_393[%parallel_loop3A_395] in [0] : vector<16xf32>, vector<16xi32> -> vector<16xf32>
        %parallel_loop3A_397 = arith.addf %parallel_loop3A_393, %parallel_loop3A_396 : vector<16xf32>
        %parallel_loop3A_398 = vector.shape_cast %and3A_5 : vector<16xi32> to vector<16x1xi32>
        %parallel_loop3A_399 = vector.shape_cast %parallel_loop3A_398 : vector<16x1xi32> to vector<16xi32>
        %parallel_loop3A_400 = tpu.dynamic_gather %parallel_loop3A_397[%parallel_loop3A_399] in [0] : vector<16xf32>, vector<16xi32> -> vector<16xf32>
        %parallel_loop3A_401 = arith.addf %parallel_loop3A_397, %parallel_loop3A_400 : vector<16xf32>
        %parallel_loop3A_402 = arith.constant 4 : i32
        %parallel_loop3A_403 = arith.addi %parallel_loop3A_178, %parallel_loop3A_402 : i32
        %parallel_loop3A_404 = arith.constant 1 : i32
        %parallel_loop3A_405 = arith.addi %parallel_loop3A_403, %parallel_loop3A_404 : i32
        %parallel_loop3A_406 = arith.constant 0 : i32
        %parallel_loop3A_407 = arith.constant 0 : i32
        %parallel_loop3A_408 = tpu.memref_slice %arg12[%parallel_loop3A_165, %parallel_loop3A_406, %parallel_loop3A_407] : memref<2x2048x16xf32, #tpu.memory_space<vmem>> -> memref<1x2048x16xf32, #tpu.memory_space<vmem>>
        %parallel_loop3A_409 = tpu.memref_squeeze %parallel_loop3A_408 : memref<1x2048x16xf32, #tpu.memory_space<vmem>> -> memref<2048x16xf32, #tpu.memory_space<vmem>>
        %parallel_loop3A_410 = arith.index_cast %parallel_loop3A_405 : i32 to index
        %parallel_loop3A_411 = arith.constant 0 : index
        %parallel_loop3A_412 = tpu.vector_load %parallel_loop3A_409[%parallel_loop3A_410, %parallel_loop3A_411] {strides = array<i32>} : memref<2048x16xf32, #tpu.memory_space<vmem>>, vector<16xf32>,
        %parallel_loop3A_413 = arith.constant 1024 : i32
        %parallel_loop3A_414 = arith.addi %parallel_loop3A_413, %parallel_loop3A_405 : i32
        %parallel_loop3A_415 = arith.constant 0 : i32
        %parallel_loop3A_416 = arith.constant 0 : i32
        %parallel_loop3A_417 = tpu.memref_slice %arg12[%parallel_loop3A_165, %parallel_loop3A_415, %parallel_loop3A_416] : memref<2x2048x16xf32, #tpu.memory_space<vmem>> -> memref<1x2048x16xf32, #tpu.memory_space<vmem>>
        %parallel_loop3A_418 = tpu.memref_squeeze %parallel_loop3A_417 : memref<1x2048x16xf32, #tpu.memory_space<vmem>> -> memref<2048x16xf32, #tpu.memory_space<vmem>>
        %parallel_loop3A_419 = arith.index_cast %parallel_loop3A_414 : i32 to index
        %parallel_loop3A_420 = arith.constant 0 : index
        %parallel_loop3A_421 = tpu.vector_load %parallel_loop3A_418[%parallel_loop3A_419, %parallel_loop3A_420] {strides = array<i32>} : memref<2048x16xf32, #tpu.memory_space<vmem>>, vector<16xf32>,
        %parallel_loop3A_422 = arith.constant 9 : i32
        %parallel_loop3A_423 = arith.muli %parallel_loop3A_422, %parallel_loop3A_405 : i32
        %parallel_loop3A_424 = arith.index_cast %parallel_loop3A_423 : i32 to index
        %parallel_loop3A_425 = tpu.vector_load %arg11[%parallel_loop3A_424] {strides = array<i32>} : memref<9232xf32, #tpu.memory_space<vmem>>, vector<16xf32>,
        %parallel_loop3A_426 = vector.shape_cast %shift_right_arithmetic3A_13 : vector<16xi32> to vector<16x1xi32>
        %parallel_loop3A_427 = vector.shape_cast %parallel_loop3A_426 : vector<16x1xi32> to vector<16xi32>
        %parallel_loop3A_428 = tpu.dynamic_gather %parallel_loop3A_425[%parallel_loop3A_427] in [0] : vector<16xf32>, vector<16xi32> -> vector<16xf32>
        %parallel_loop3A_429 = arith.constant 4 : i32
        %parallel_loop3A_430 = vector.broadcast %parallel_loop3A_429 : i32 to vector<16xi32>
        %parallel_loop3A_431 = arith.addi %shift_right_arithmetic3A_13, %parallel_loop3A_430 : vector<16xi32>
        %parallel_loop3A_432 = vector.shape_cast %parallel_loop3A_431 : vector<16xi32> to vector<16x1xi32>
        %parallel_loop3A_433 = vector.shape_cast %parallel_loop3A_432 : vector<16x1xi32> to vector<16xi32>
        %parallel_loop3A_434 = tpu.dynamic_gather %parallel_loop3A_425[%parallel_loop3A_433] in [0] : vector<16xf32>, vector<16xi32> -> vector<16xf32>
        %parallel_loop3A_435 = arith.mulf %parallel_loop3A_412, %parallel_loop3A_428 : vector<16xf32>
        %parallel_loop3A_436 = arith.mulf %parallel_loop3A_421, %parallel_loop3A_434 : vector<16xf32>
        %parallel_loop3A_437 = arith.addf %parallel_loop3A_435, %parallel_loop3A_436 : vector<16xf32>
        %parallel_loop3A_438 = vector.shape_cast %and3A_11 : vector<16xi32> to vector<16x1xi32>
        %parallel_loop3A_439 = vector.shape_cast %parallel_loop3A_438 : vector<16x1xi32> to vector<16xi32>
        %parallel_loop3A_440 = tpu.dynamic_gather %parallel_loop3A_437[%parallel_loop3A_439] in [0] : vector<16xf32>, vector<16xi32> -> vector<16xf32>
        %parallel_loop3A_441 = arith.addf %parallel_loop3A_437, %parallel_loop3A_440 : vector<16xf32>
        %parallel_loop3A_442 = vector.shape_cast %and3A_5 : vector<16xi32> to vector<16x1xi32>
        %parallel_loop3A_443 = vector.shape_cast %parallel_loop3A_442 : vector<16x1xi32> to vector<16xi32>
        %parallel_loop3A_444 = tpu.dynamic_gather %parallel_loop3A_441[%parallel_loop3A_443] in [0] : vector<16xf32>, vector<16xi32> -> vector<16xf32>
        %parallel_loop3A_445 = arith.addf %parallel_loop3A_441, %parallel_loop3A_444 : vector<16xf32>
        %parallel_loop3A_446 = arith.constant 4 : i32
        %parallel_loop3A_447 = arith.addi %parallel_loop3A_178, %parallel_loop3A_446 : i32
        %parallel_loop3A_448 = arith.constant 2 : i32
        %parallel_loop3A_449 = arith.addi %parallel_loop3A_447, %parallel_loop3A_448 : i32
        %parallel_loop3A_450 = arith.constant 0 : i32
        %parallel_loop3A_451 = arith.constant 0 : i32
        %parallel_loop3A_452 = tpu.memref_slice %arg12[%parallel_loop3A_165, %parallel_loop3A_450, %parallel_loop3A_451] : memref<2x2048x16xf32, #tpu.memory_space<vmem>> -> memref<1x2048x16xf32, #tpu.memory_space<vmem>>
        %parallel_loop3A_453 = tpu.memref_squeeze %parallel_loop3A_452 : memref<1x2048x16xf32, #tpu.memory_space<vmem>> -> memref<2048x16xf32, #tpu.memory_space<vmem>>
        %parallel_loop3A_454 = arith.index_cast %parallel_loop3A_449 : i32 to index
        %parallel_loop3A_455 = arith.constant 0 : index
        %parallel_loop3A_456 = tpu.vector_load %parallel_loop3A_453[%parallel_loop3A_454, %parallel_loop3A_455] {strides = array<i32>} : memref<2048x16xf32, #tpu.memory_space<vmem>>, vector<16xf32>,
        %parallel_loop3A_457 = arith.constant 1024 : i32
        %parallel_loop3A_458 = arith.addi %parallel_loop3A_457, %parallel_loop3A_449 : i32
        %parallel_loop3A_459 = arith.constant 0 : i32
        %parallel_loop3A_460 = arith.constant 0 : i32
        %parallel_loop3A_461 = tpu.memref_slice %arg12[%parallel_loop3A_165, %parallel_loop3A_459, %parallel_loop3A_460] : memref<2x2048x16xf32, #tpu.memory_space<vmem>> -> memref<1x2048x16xf32, #tpu.memory_space<vmem>>
        %parallel_loop3A_462 = tpu.memref_squeeze %parallel_loop3A_461 : memref<1x2048x16xf32, #tpu.memory_space<vmem>> -> memref<2048x16xf32, #tpu.memory_space<vmem>>
        %parallel_loop3A_463 = arith.index_cast %parallel_loop3A_458 : i32 to index
        %parallel_loop3A_464 = arith.constant 0 : index
        %parallel_loop3A_465 = tpu.vector_load %parallel_loop3A_462[%parallel_loop3A_463, %parallel_loop3A_464] {strides = array<i32>} : memref<2048x16xf32, #tpu.memory_space<vmem>>, vector<16xf32>,
        %parallel_loop3A_466 = arith.constant 9 : i32
        %parallel_loop3A_467 = arith.muli %parallel_loop3A_466, %parallel_loop3A_449 : i32
        %parallel_loop3A_468 = arith.index_cast %parallel_loop3A_467 : i32 to index
        %parallel_loop3A_469 = tpu.vector_load %arg11[%parallel_loop3A_468] {strides = array<i32>} : memref<9232xf32, #tpu.memory_space<vmem>>, vector<16xf32>,
        %parallel_loop3A_470 = vector.shape_cast %shift_right_arithmetic3A_13 : vector<16xi32> to vector<16x1xi32>
        %parallel_loop3A_471 = vector.shape_cast %parallel_loop3A_470 : vector<16x1xi32> to vector<16xi32>
        %parallel_loop3A_472 = tpu.dynamic_gather %parallel_loop3A_469[%parallel_loop3A_471] in [0] : vector<16xf32>, vector<16xi32> -> vector<16xf32>
        %parallel_loop3A_473 = arith.constant 4 : i32
        %parallel_loop3A_474 = vector.broadcast %parallel_loop3A_473 : i32 to vector<16xi32>
        %parallel_loop3A_475 = arith.addi %shift_right_arithmetic3A_13, %parallel_loop3A_474 : vector<16xi32>
        %parallel_loop3A_476 = vector.shape_cast %parallel_loop3A_475 : vector<16xi32> to vector<16x1xi32>
        %parallel_loop3A_477 = vector.shape_cast %parallel_loop3A_476 : vector<16x1xi32> to vector<16xi32>
        %parallel_loop3A_478 = tpu.dynamic_gather %parallel_loop3A_469[%parallel_loop3A_477] in [0] : vector<16xf32>, vector<16xi32> -> vector<16xf32>
        %parallel_loop3A_479 = arith.mulf %parallel_loop3A_456, %parallel_loop3A_472 : vector<16xf32>
        %parallel_loop3A_480 = arith.mulf %parallel_loop3A_465, %parallel_loop3A_478 : vector<16xf32>
        %parallel_loop3A_481 = arith.addf %parallel_loop3A_479, %parallel_loop3A_480 : vector<16xf32>
        %parallel_loop3A_482 = vector.shape_cast %and3A_11 : vector<16xi32> to vector<16x1xi32>
        %parallel_loop3A_483 = vector.shape_cast %parallel_loop3A_482 : vector<16x1xi32> to vector<16xi32>
        %parallel_loop3A_484 = tpu.dynamic_gather %parallel_loop3A_481[%parallel_loop3A_483] in [0] : vector<16xf32>, vector<16xi32> -> vector<16xf32>
        %parallel_loop3A_485 = arith.addf %parallel_loop3A_481, %parallel_loop3A_484 : vector<16xf32>
        %parallel_loop3A_486 = vector.shape_cast %and3A_5 : vector<16xi32> to vector<16x1xi32>
        %parallel_loop3A_487 = vector.shape_cast %parallel_loop3A_486 : vector<16x1xi32> to vector<16xi32>
        %parallel_loop3A_488 = tpu.dynamic_gather %parallel_loop3A_485[%parallel_loop3A_487] in [0] : vector<16xf32>, vector<16xi32> -> vector<16xf32>
        %parallel_loop3A_489 = arith.addf %parallel_loop3A_485, %parallel_loop3A_488 : vector<16xf32>
        %parallel_loop3A_490 = arith.constant 4 : i32
        %parallel_loop3A_491 = arith.addi %parallel_loop3A_178, %parallel_loop3A_490 : i32
        %parallel_loop3A_492 = arith.constant 3 : i32
        %parallel_loop3A_493 = arith.addi %parallel_loop3A_491, %parallel_loop3A_492 : i32
        %parallel_loop3A_494 = arith.constant 0 : i32
        %parallel_loop3A_495 = arith.constant 0 : i32
        %parallel_loop3A_496 = tpu.memref_slice %arg12[%parallel_loop3A_165, %parallel_loop3A_494, %parallel_loop3A_495] : memref<2x2048x16xf32, #tpu.memory_space<vmem>> -> memref<1x2048x16xf32, #tpu.memory_space<vmem>>
        %parallel_loop3A_497 = tpu.memref_squeeze %parallel_loop3A_496 : memref<1x2048x16xf32, #tpu.memory_space<vmem>> -> memref<2048x16xf32, #tpu.memory_space<vmem>>
        %parallel_loop3A_498 = arith.index_cast %parallel_loop3A_493 : i32 to index
        %parallel_loop3A_499 = arith.constant 0 : index
        %parallel_loop3A_500 = tpu.vector_load %parallel_loop3A_497[%parallel_loop3A_498, %parallel_loop3A_499] {strides = array<i32>} : memref<2048x16xf32, #tpu.memory_space<vmem>>, vector<16xf32>,
        %parallel_loop3A_501 = arith.constant 1024 : i32
        %parallel_loop3A_502 = arith.addi %parallel_loop3A_501, %parallel_loop3A_493 : i32
        %parallel_loop3A_503 = arith.constant 0 : i32
        %parallel_loop3A_504 = arith.constant 0 : i32
        %parallel_loop3A_505 = tpu.memref_slice %arg12[%parallel_loop3A_165, %parallel_loop3A_503, %parallel_loop3A_504] : memref<2x2048x16xf32, #tpu.memory_space<vmem>> -> memref<1x2048x16xf32, #tpu.memory_space<vmem>>
        %parallel_loop3A_506 = tpu.memref_squeeze %parallel_loop3A_505 : memref<1x2048x16xf32, #tpu.memory_space<vmem>> -> memref<2048x16xf32, #tpu.memory_space<vmem>>
        %parallel_loop3A_507 = arith.index_cast %parallel_loop3A_502 : i32 to index
        %parallel_loop3A_508 = arith.constant 0 : index
        %parallel_loop3A_509 = tpu.vector_load %parallel_loop3A_506[%parallel_loop3A_507, %parallel_loop3A_508] {strides = array<i32>} : memref<2048x16xf32, #tpu.memory_space<vmem>>, vector<16xf32>,
        %parallel_loop3A_510 = arith.constant 9 : i32
        %parallel_loop3A_511 = arith.muli %parallel_loop3A_510, %parallel_loop3A_493 : i32
        %parallel_loop3A_512 = arith.index_cast %parallel_loop3A_511 : i32 to index
        %parallel_loop3A_513 = tpu.vector_load %arg11[%parallel_loop3A_512] {strides = array<i32>} : memref<9232xf32, #tpu.memory_space<vmem>>, vector<16xf32>,
        %parallel_loop3A_514 = vector.shape_cast %shift_right_arithmetic3A_13 : vector<16xi32> to vector<16x1xi32>
        %parallel_loop3A_515 = vector.shape_cast %parallel_loop3A_514 : vector<16x1xi32> to vector<16xi32>
        %parallel_loop3A_516 = tpu.dynamic_gather %parallel_loop3A_513[%parallel_loop3A_515] in [0] : vector<16xf32>, vector<16xi32> -> vector<16xf32>
        %parallel_loop3A_517 = arith.constant 4 : i32
        %parallel_loop3A_518 = vector.broadcast %parallel_loop3A_517 : i32 to vector<16xi32>
        %parallel_loop3A_519 = arith.addi %shift_right_arithmetic3A_13, %parallel_loop3A_518 : vector<16xi32>
        %parallel_loop3A_520 = vector.shape_cast %parallel_loop3A_519 : vector<16xi32> to vector<16x1xi32>
        %parallel_loop3A_521 = vector.shape_cast %parallel_loop3A_520 : vector<16x1xi32> to vector<16xi32>
        %parallel_loop3A_522 = tpu.dynamic_gather %parallel_loop3A_513[%parallel_loop3A_521] in [0] : vector<16xf32>, vector<16xi32> -> vector<16xf32>
        %parallel_loop3A_523 = arith.mulf %parallel_loop3A_500, %parallel_loop3A_516 : vector<16xf32>
        %parallel_loop3A_524 = arith.mulf %parallel_loop3A_509, %parallel_loop3A_522 : vector<16xf32>
        %parallel_loop3A_525 = arith.addf %parallel_loop3A_523, %parallel_loop3A_524 : vector<16xf32>
        %parallel_loop3A_526 = vector.shape_cast %and3A_11 : vector<16xi32> to vector<16x1xi32>
        %parallel_loop3A_527 = vector.shape_cast %parallel_loop3A_526 : vector<16x1xi32> to vector<16xi32>
        %parallel_loop3A_528 = tpu.dynamic_gather %parallel_loop3A_525[%parallel_loop3A_527] in [0] : vector<16xf32>, vector<16xi32> -> vector<16xf32>
        %parallel_loop3A_529 = arith.addf %parallel_loop3A_525, %parallel_loop3A_528 : vector<16xf32>
        %parallel_loop3A_530 = vector.shape_cast %and3A_5 : vector<16xi32> to vector<16x1xi32>
        %parallel_loop3A_531 = vector.shape_cast %parallel_loop3A_530 : vector<16x1xi32> to vector<16xi32>
        %parallel_loop3A_532 = tpu.dynamic_gather %parallel_loop3A_529[%parallel_loop3A_531] in [0] : vector<16xf32>, vector<16xi32> -> vector<16xf32>
        %parallel_loop3A_533 = arith.addf %parallel_loop3A_529, %parallel_loop3A_532 : vector<16xf32>
        %parallel_loop3A_534 = arith.select %lt3A_59, %parallel_loop3A_489, %parallel_loop3A_533 : vector<16xi1>, vector<16xf32>
        %parallel_loop3A_535 = arith.select %lt3A_56, %parallel_loop3A_445, %parallel_loop3A_534 : vector<16xi1>, vector<16xf32>
        %parallel_loop3A_536 = arith.select %lt3A_53, %parallel_loop3A_401, %parallel_loop3A_535 : vector<16xi1>, vector<16xf32>
        %parallel_loop3A_537 = arith.constant 8 : i32
        %parallel_loop3A_538 = arith.addi %parallel_loop3A_178, %parallel_loop3A_537 : i32
        %parallel_loop3A_539 = arith.constant 0 : i32
        %parallel_loop3A_540 = arith.addi %parallel_loop3A_538, %parallel_loop3A_539 : i32
        %parallel_loop3A_541 = arith.constant 0 : i32
        %parallel_loop3A_542 = arith.constant 0 : i32
        %parallel_loop3A_543 = tpu.memref_slice %arg12[%parallel_loop3A_165, %parallel_loop3A_541, %parallel_loop3A_542] : memref<2x2048x16xf32, #tpu.memory_space<vmem>> -> memref<1x2048x16xf32, #tpu.memory_space<vmem>>
        %parallel_loop3A_544 = tpu.memref_squeeze %parallel_loop3A_543 : memref<1x2048x16xf32, #tpu.memory_space<vmem>> -> memref<2048x16xf32, #tpu.memory_space<vmem>>
        %parallel_loop3A_545 = arith.index_cast %parallel_loop3A_540 : i32 to index
        %parallel_loop3A_546 = arith.constant 0 : index
        %parallel_loop3A_547 = tpu.vector_load %parallel_loop3A_544[%parallel_loop3A_545, %parallel_loop3A_546] {strides = array<i32>} : memref<2048x16xf32, #tpu.memory_space<vmem>>, vector<16xf32>,
        %parallel_loop3A_548 = arith.constant 1024 : i32
        %parallel_loop3A_549 = arith.addi %parallel_loop3A_548, %parallel_loop3A_540 : i32
        %parallel_loop3A_550 = arith.constant 0 : i32
        %parallel_loop3A_551 = arith.constant 0 : i32
        %parallel_loop3A_552 = tpu.memref_slice %arg12[%parallel_loop3A_165, %parallel_loop3A_550, %parallel_loop3A_551] : memref<2x2048x16xf32, #tpu.memory_space<vmem>> -> memref<1x2048x16xf32, #tpu.memory_space<vmem>>
        %parallel_loop3A_553 = tpu.memref_squeeze %parallel_loop3A_552 : memref<1x2048x16xf32, #tpu.memory_space<vmem>> -> memref<2048x16xf32, #tpu.memory_space<vmem>>
        %parallel_loop3A_554 = arith.index_cast %parallel_loop3A_549 : i32 to index
        %parallel_loop3A_555 = arith.constant 0 : index
        %parallel_loop3A_556 = tpu.vector_load %parallel_loop3A_553[%parallel_loop3A_554, %parallel_loop3A_555] {strides = array<i32>} : memref<2048x16xf32, #tpu.memory_space<vmem>>, vector<16xf32>,
        %parallel_loop3A_557 = arith.constant 9 : i32
        %parallel_loop3A_558 = arith.muli %parallel_loop3A_557, %parallel_loop3A_540 : i32
        %parallel_loop3A_559 = arith.index_cast %parallel_loop3A_558 : i32 to index
        %parallel_loop3A_560 = tpu.vector_load %arg11[%parallel_loop3A_559] {strides = array<i32>} : memref<9232xf32, #tpu.memory_space<vmem>>, vector<16xf32>,
        %parallel_loop3A_561 = vector.shape_cast %shift_right_arithmetic3A_13 : vector<16xi32> to vector<16x1xi32>
        %parallel_loop3A_562 = vector.shape_cast %parallel_loop3A_561 : vector<16x1xi32> to vector<16xi32>
        %parallel_loop3A_563 = tpu.dynamic_gather %parallel_loop3A_560[%parallel_loop3A_562] in [0] : vector<16xf32>, vector<16xi32> -> vector<16xf32>
        %parallel_loop3A_564 = arith.constant 4 : i32
        %parallel_loop3A_565 = vector.broadcast %parallel_loop3A_564 : i32 to vector<16xi32>
        %parallel_loop3A_566 = arith.addi %shift_right_arithmetic3A_13, %parallel_loop3A_565 : vector<16xi32>
        %parallel_loop3A_567 = vector.shape_cast %parallel_loop3A_566 : vector<16xi32> to vector<16x1xi32>
        %parallel_loop3A_568 = vector.shape_cast %parallel_loop3A_567 : vector<16x1xi32> to vector<16xi32>
        %parallel_loop3A_569 = tpu.dynamic_gather %parallel_loop3A_560[%parallel_loop3A_568] in [0] : vector<16xf32>, vector<16xi32> -> vector<16xf32>
        %parallel_loop3A_570 = arith.mulf %parallel_loop3A_547, %parallel_loop3A_563 : vector<16xf32>
        %parallel_loop3A_571 = arith.mulf %parallel_loop3A_556, %parallel_loop3A_569 : vector<16xf32>
        %parallel_loop3A_572 = arith.addf %parallel_loop3A_570, %parallel_loop3A_571 : vector<16xf32>
        %parallel_loop3A_573 = vector.shape_cast %and3A_11 : vector<16xi32> to vector<16x1xi32>
        %parallel_loop3A_574 = vector.shape_cast %parallel_loop3A_573 : vector<16x1xi32> to vector<16xi32>
        %parallel_loop3A_575 = tpu.dynamic_gather %parallel_loop3A_572[%parallel_loop3A_574] in [0] : vector<16xf32>, vector<16xi32> -> vector<16xf32>
        %parallel_loop3A_576 = arith.addf %parallel_loop3A_572, %parallel_loop3A_575 : vector<16xf32>
        %parallel_loop3A_577 = vector.shape_cast %and3A_5 : vector<16xi32> to vector<16x1xi32>
        %parallel_loop3A_578 = vector.shape_cast %parallel_loop3A_577 : vector<16x1xi32> to vector<16xi32>
        %parallel_loop3A_579 = tpu.dynamic_gather %parallel_loop3A_576[%parallel_loop3A_578] in [0] : vector<16xf32>, vector<16xi32> -> vector<16xf32>
        %parallel_loop3A_580 = arith.addf %parallel_loop3A_576, %parallel_loop3A_579 : vector<16xf32>
        %parallel_loop3A_581 = arith.constant 8 : i32
        %parallel_loop3A_582 = arith.addi %parallel_loop3A_178, %parallel_loop3A_581 : i32
        %parallel_loop3A_583 = arith.constant 1 : i32
        %parallel_loop3A_584 = arith.addi %parallel_loop3A_582, %parallel_loop3A_583 : i32
        %parallel_loop3A_585 = arith.constant 0 : i32
        %parallel_loop3A_586 = arith.constant 0 : i32
        %parallel_loop3A_587 = tpu.memref_slice %arg12[%parallel_loop3A_165, %parallel_loop3A_585, %parallel_loop3A_586] : memref<2x2048x16xf32, #tpu.memory_space<vmem>> -> memref<1x2048x16xf32, #tpu.memory_space<vmem>>
        %parallel_loop3A_588 = tpu.memref_squeeze %parallel_loop3A_587 : memref<1x2048x16xf32, #tpu.memory_space<vmem>> -> memref<2048x16xf32, #tpu.memory_space<vmem>>
        %parallel_loop3A_589 = arith.index_cast %parallel_loop3A_584 : i32 to index
        %parallel_loop3A_590 = arith.constant 0 : index
        %parallel_loop3A_591 = tpu.vector_load %parallel_loop3A_588[%parallel_loop3A_589, %parallel_loop3A_590] {strides = array<i32>} : memref<2048x16xf32, #tpu.memory_space<vmem>>, vector<16xf32>,
        %parallel_loop3A_592 = arith.constant 1024 : i32
        %parallel_loop3A_593 = arith.addi %parallel_loop3A_592, %parallel_loop3A_584 : i32
        %parallel_loop3A_594 = arith.constant 0 : i32
        %parallel_loop3A_595 = arith.constant 0 : i32
        %parallel_loop3A_596 = tpu.memref_slice %arg12[%parallel_loop3A_165, %parallel_loop3A_594, %parallel_loop3A_595] : memref<2x2048x16xf32, #tpu.memory_space<vmem>> -> memref<1x2048x16xf32, #tpu.memory_space<vmem>>
        %parallel_loop3A_597 = tpu.memref_squeeze %parallel_loop3A_596 : memref<1x2048x16xf32, #tpu.memory_space<vmem>> -> memref<2048x16xf32, #tpu.memory_space<vmem>>
        %parallel_loop3A_598 = arith.index_cast %parallel_loop3A_593 : i32 to index
        %parallel_loop3A_599 = arith.constant 0 : index
        %parallel_loop3A_600 = tpu.vector_load %parallel_loop3A_597[%parallel_loop3A_598, %parallel_loop3A_599] {strides = array<i32>} : memref<2048x16xf32, #tpu.memory_space<vmem>>, vector<16xf32>,
        %parallel_loop3A_601 = arith.constant 9 : i32
        %parallel_loop3A_602 = arith.muli %parallel_loop3A_601, %parallel_loop3A_584 : i32
        %parallel_loop3A_603 = arith.index_cast %parallel_loop3A_602 : i32 to index
        %parallel_loop3A_604 = tpu.vector_load %arg11[%parallel_loop3A_603] {strides = array<i32>} : memref<9232xf32, #tpu.memory_space<vmem>>, vector<16xf32>,
        %parallel_loop3A_605 = vector.shape_cast %shift_right_arithmetic3A_13 : vector<16xi32> to vector<16x1xi32>
        %parallel_loop3A_606 = vector.shape_cast %parallel_loop3A_605 : vector<16x1xi32> to vector<16xi32>
        %parallel_loop3A_607 = tpu.dynamic_gather %parallel_loop3A_604[%parallel_loop3A_606] in [0] : vector<16xf32>, vector<16xi32> -> vector<16xf32>
        %parallel_loop3A_608 = arith.constant 4 : i32
        %parallel_loop3A_609 = vector.broadcast %parallel_loop3A_608 : i32 to vector<16xi32>
        %parallel_loop3A_610 = arith.addi %shift_right_arithmetic3A_13, %parallel_loop3A_609 : vector<16xi32>
        %parallel_loop3A_611 = vector.shape_cast %parallel_loop3A_610 : vector<16xi32> to vector<16x1xi32>
        %parallel_loop3A_612 = vector.shape_cast %parallel_loop3A_611 : vector<16x1xi32> to vector<16xi32>
        %parallel_loop3A_613 = tpu.dynamic_gather %parallel_loop3A_604[%parallel_loop3A_612] in [0] : vector<16xf32>, vector<16xi32> -> vector<16xf32>
        %parallel_loop3A_614 = arith.mulf %parallel_loop3A_591, %parallel_loop3A_607 : vector<16xf32>
        %parallel_loop3A_615 = arith.mulf %parallel_loop3A_600, %parallel_loop3A_613 : vector<16xf32>
        %parallel_loop3A_616 = arith.addf %parallel_loop3A_614, %parallel_loop3A_615 : vector<16xf32>
        %parallel_loop3A_617 = vector.shape_cast %and3A_11 : vector<16xi32> to vector<16x1xi32>
        %parallel_loop3A_618 = vector.shape_cast %parallel_loop3A_617 : vector<16x1xi32> to vector<16xi32>
        %parallel_loop3A_619 = tpu.dynamic_gather %parallel_loop3A_616[%parallel_loop3A_618] in [0] : vector<16xf32>, vector<16xi32> -> vector<16xf32>
        %parallel_loop3A_620 = arith.addf %parallel_loop3A_616, %parallel_loop3A_619 : vector<16xf32>
        %parallel_loop3A_621 = vector.shape_cast %and3A_5 : vector<16xi32> to vector<16x1xi32>
        %parallel_loop3A_622 = vector.shape_cast %parallel_loop3A_621 : vector<16x1xi32> to vector<16xi32>
        %parallel_loop3A_623 = tpu.dynamic_gather %parallel_loop3A_620[%parallel_loop3A_622] in [0] : vector<16xf32>, vector<16xi32> -> vector<16xf32>
        %parallel_loop3A_624 = arith.addf %parallel_loop3A_620, %parallel_loop3A_623 : vector<16xf32>
        %parallel_loop3A_625 = arith.constant 8 : i32
        %parallel_loop3A_626 = arith.addi %parallel_loop3A_178, %parallel_loop3A_625 : i32
        %parallel_loop3A_627 = arith.constant 2 : i32
        %parallel_loop3A_628 = arith.addi %parallel_loop3A_626, %parallel_loop3A_627 : i32
        %parallel_loop3A_629 = arith.constant 0 : i32
        %parallel_loop3A_630 = arith.constant 0 : i32
        %parallel_loop3A_631 = tpu.memref_slice %arg12[%parallel_loop3A_165, %parallel_loop3A_629, %parallel_loop3A_630] : memref<2x2048x16xf32, #tpu.memory_space<vmem>> -> memref<1x2048x16xf32, #tpu.memory_space<vmem>>
        %parallel_loop3A_632 = tpu.memref_squeeze %parallel_loop3A_631 : memref<1x2048x16xf32, #tpu.memory_space<vmem>> -> memref<2048x16xf32, #tpu.memory_space<vmem>>
        %parallel_loop3A_633 = arith.index_cast %parallel_loop3A_628 : i32 to index
        %parallel_loop3A_634 = arith.constant 0 : index
        %parallel_loop3A_635 = tpu.vector_load %parallel_loop3A_632[%parallel_loop3A_633, %parallel_loop3A_634] {strides = array<i32>} : memref<2048x16xf32, #tpu.memory_space<vmem>>, vector<16xf32>,
        %parallel_loop3A_636 = arith.constant 1024 : i32
        %parallel_loop3A_637 = arith.addi %parallel_loop3A_636, %parallel_loop3A_628 : i32
        %parallel_loop3A_638 = arith.constant 0 : i32
        %parallel_loop3A_639 = arith.constant 0 : i32
        %parallel_loop3A_640 = tpu.memref_slice %arg12[%parallel_loop3A_165, %parallel_loop3A_638, %parallel_loop3A_639] : memref<2x2048x16xf32, #tpu.memory_space<vmem>> -> memref<1x2048x16xf32, #tpu.memory_space<vmem>>
        %parallel_loop3A_641 = tpu.memref_squeeze %parallel_loop3A_640 : memref<1x2048x16xf32, #tpu.memory_space<vmem>> -> memref<2048x16xf32, #tpu.memory_space<vmem>>
        %parallel_loop3A_642 = arith.index_cast %parallel_loop3A_637 : i32 to index
        %parallel_loop3A_643 = arith.constant 0 : index
        %parallel_loop3A_644 = tpu.vector_load %parallel_loop3A_641[%parallel_loop3A_642, %parallel_loop3A_643] {strides = array<i32>} : memref<2048x16xf32, #tpu.memory_space<vmem>>, vector<16xf32>,
        %parallel_loop3A_645 = arith.constant 9 : i32
        %parallel_loop3A_646 = arith.muli %parallel_loop3A_645, %parallel_loop3A_628 : i32
        %parallel_loop3A_647 = arith.index_cast %parallel_loop3A_646 : i32 to index
        %parallel_loop3A_648 = tpu.vector_load %arg11[%parallel_loop3A_647] {strides = array<i32>} : memref<9232xf32, #tpu.memory_space<vmem>>, vector<16xf32>,
        %parallel_loop3A_649 = vector.shape_cast %shift_right_arithmetic3A_13 : vector<16xi32> to vector<16x1xi32>
        %parallel_loop3A_650 = vector.shape_cast %parallel_loop3A_649 : vector<16x1xi32> to vector<16xi32>
        %parallel_loop3A_651 = tpu.dynamic_gather %parallel_loop3A_648[%parallel_loop3A_650] in [0] : vector<16xf32>, vector<16xi32> -> vector<16xf32>
        %parallel_loop3A_652 = arith.constant 4 : i32
        %parallel_loop3A_653 = vector.broadcast %parallel_loop3A_652 : i32 to vector<16xi32>
        %parallel_loop3A_654 = arith.addi %shift_right_arithmetic3A_13, %parallel_loop3A_653 : vector<16xi32>
        %parallel_loop3A_655 = vector.shape_cast %parallel_loop3A_654 : vector<16xi32> to vector<16x1xi32>
        %parallel_loop3A_656 = vector.shape_cast %parallel_loop3A_655 : vector<16x1xi32> to vector<16xi32>
        %parallel_loop3A_657 = tpu.dynamic_gather %parallel_loop3A_648[%parallel_loop3A_656] in [0] : vector<16xf32>, vector<16xi32> -> vector<16xf32>
        %parallel_loop3A_658 = arith.mulf %parallel_loop3A_635, %parallel_loop3A_651 : vector<16xf32>
        %parallel_loop3A_659 = arith.mulf %parallel_loop3A_644, %parallel_loop3A_657 : vector<16xf32>
        %parallel_loop3A_660 = arith.addf %parallel_loop3A_658, %parallel_loop3A_659 : vector<16xf32>
        %parallel_loop3A_661 = vector.shape_cast %and3A_11 : vector<16xi32> to vector<16x1xi32>
        %parallel_loop3A_662 = vector.shape_cast %parallel_loop3A_661 : vector<16x1xi32> to vector<16xi32>
        %parallel_loop3A_663 = tpu.dynamic_gather %parallel_loop3A_660[%parallel_loop3A_662] in [0] : vector<16xf32>, vector<16xi32> -> vector<16xf32>
        %parallel_loop3A_664 = arith.addf %parallel_loop3A_660, %parallel_loop3A_663 : vector<16xf32>
        %parallel_loop3A_665 = vector.shape_cast %and3A_5 : vector<16xi32> to vector<16x1xi32>
        %parallel_loop3A_666 = vector.shape_cast %parallel_loop3A_665 : vector<16x1xi32> to vector<16xi32>
        %parallel_loop3A_667 = tpu.dynamic_gather %parallel_loop3A_664[%parallel_loop3A_666] in [0] : vector<16xf32>, vector<16xi32> -> vector<16xf32>
        %parallel_loop3A_668 = arith.addf %parallel_loop3A_664, %parallel_loop3A_667 : vector<16xf32>
        %parallel_loop3A_669 = arith.constant 8 : i32
        %parallel_loop3A_670 = arith.addi %parallel_loop3A_178, %parallel_loop3A_669 : i32
        %parallel_loop3A_671 = arith.constant 3 : i32
        %parallel_loop3A_672 = arith.addi %parallel_loop3A_670, %parallel_loop3A_671 : i32
        %parallel_loop3A_673 = arith.constant 0 : i32
        %parallel_loop3A_674 = arith.constant 0 : i32
        %parallel_loop3A_675 = tpu.memref_slice %arg12[%parallel_loop3A_165, %parallel_loop3A_673, %parallel_loop3A_674] : memref<2x2048x16xf32, #tpu.memory_space<vmem>> -> memref<1x2048x16xf32, #tpu.memory_space<vmem>>
        %parallel_loop3A_676 = tpu.memref_squeeze %parallel_loop3A_675 : memref<1x2048x16xf32, #tpu.memory_space<vmem>> -> memref<2048x16xf32, #tpu.memory_space<vmem>>
        %parallel_loop3A_677 = arith.index_cast %parallel_loop3A_672 : i32 to index
        %parallel_loop3A_678 = arith.constant 0 : index
        %parallel_loop3A_679 = tpu.vector_load %parallel_loop3A_676[%parallel_loop3A_677, %parallel_loop3A_678] {strides = array<i32>} : memref<2048x16xf32, #tpu.memory_space<vmem>>, vector<16xf32>,
        %parallel_loop3A_680 = arith.constant 1024 : i32
        %parallel_loop3A_681 = arith.addi %parallel_loop3A_680, %parallel_loop3A_672 : i32
        %parallel_loop3A_682 = arith.constant 0 : i32
        %parallel_loop3A_683 = arith.constant 0 : i32
        %parallel_loop3A_684 = tpu.memref_slice %arg12[%parallel_loop3A_165, %parallel_loop3A_682, %parallel_loop3A_683] : memref<2x2048x16xf32, #tpu.memory_space<vmem>> -> memref<1x2048x16xf32, #tpu.memory_space<vmem>>
        %parallel_loop3A_685 = tpu.memref_squeeze %parallel_loop3A_684 : memref<1x2048x16xf32, #tpu.memory_space<vmem>> -> memref<2048x16xf32, #tpu.memory_space<vmem>>
        %parallel_loop3A_686 = arith.index_cast %parallel_loop3A_681 : i32 to index
        %parallel_loop3A_687 = arith.constant 0 : index
        %parallel_loop3A_688 = tpu.vector_load %parallel_loop3A_685[%parallel_loop3A_686, %parallel_loop3A_687] {strides = array<i32>} : memref<2048x16xf32, #tpu.memory_space<vmem>>, vector<16xf32>,
        %parallel_loop3A_689 = arith.constant 9 : i32
        %parallel_loop3A_690 = arith.muli %parallel_loop3A_689, %parallel_loop3A_672 : i32
        %parallel_loop3A_691 = arith.index_cast %parallel_loop3A_690 : i32 to index
        %parallel_loop3A_692 = tpu.vector_load %arg11[%parallel_loop3A_691] {strides = array<i32>} : memref<9232xf32, #tpu.memory_space<vmem>>, vector<16xf32>,
        %parallel_loop3A_693 = vector.shape_cast %shift_right_arithmetic3A_13 : vector<16xi32> to vector<16x1xi32>
        %parallel_loop3A_694 = vector.shape_cast %parallel_loop3A_693 : vector<16x1xi32> to vector<16xi32>
        %parallel_loop3A_695 = tpu.dynamic_gather %parallel_loop3A_692[%parallel_loop3A_694] in [0] : vector<16xf32>, vector<16xi32> -> vector<16xf32>
        %parallel_loop3A_696 = arith.constant 4 : i32
        %parallel_loop3A_697 = vector.broadcast %parallel_loop3A_696 : i32 to vector<16xi32>
        %parallel_loop3A_698 = arith.addi %shift_right_arithmetic3A_13, %parallel_loop3A_697 : vector<16xi32>
        %parallel_loop3A_699 = vector.shape_cast %parallel_loop3A_698 : vector<16xi32> to vector<16x1xi32>
        %parallel_loop3A_700 = vector.shape_cast %parallel_loop3A_699 : vector<16x1xi32> to vector<16xi32>
        %parallel_loop3A_701 = tpu.dynamic_gather %parallel_loop3A_692[%parallel_loop3A_700] in [0] : vector<16xf32>, vector<16xi32> -> vector<16xf32>
        %parallel_loop3A_702 = arith.mulf %parallel_loop3A_679, %parallel_loop3A_695 : vector<16xf32>
        %parallel_loop3A_703 = arith.mulf %parallel_loop3A_688, %parallel_loop3A_701 : vector<16xf32>
        %parallel_loop3A_704 = arith.addf %parallel_loop3A_702, %parallel_loop3A_703 : vector<16xf32>
        %parallel_loop3A_705 = vector.shape_cast %and3A_11 : vector<16xi32> to vector<16x1xi32>
        %parallel_loop3A_706 = vector.shape_cast %parallel_loop3A_705 : vector<16x1xi32> to vector<16xi32>
        %parallel_loop3A_707 = tpu.dynamic_gather %parallel_loop3A_704[%parallel_loop3A_706] in [0] : vector<16xf32>, vector<16xi32> -> vector<16xf32>
        %parallel_loop3A_708 = arith.addf %parallel_loop3A_704, %parallel_loop3A_707 : vector<16xf32>
        %parallel_loop3A_709 = vector.shape_cast %and3A_5 : vector<16xi32> to vector<16x1xi32>
        %parallel_loop3A_710 = vector.shape_cast %parallel_loop3A_709 : vector<16x1xi32> to vector<16xi32>
        %parallel_loop3A_711 = tpu.dynamic_gather %parallel_loop3A_708[%parallel_loop3A_710] in [0] : vector<16xf32>, vector<16xi32> -> vector<16xf32>
        %parallel_loop3A_712 = arith.addf %parallel_loop3A_708, %parallel_loop3A_711 : vector<16xf32>
        %parallel_loop3A_713 = arith.select %lt3A_59, %parallel_loop3A_668, %parallel_loop3A_712 : vector<16xi1>, vector<16xf32>
        %parallel_loop3A_714 = arith.select %lt3A_56, %parallel_loop3A_624, %parallel_loop3A_713 : vector<16xi1>, vector<16xf32>
        %parallel_loop3A_715 = arith.select %lt3A_53, %parallel_loop3A_580, %parallel_loop3A_714 : vector<16xi1>, vector<16xf32>
        %parallel_loop3A_716 = arith.constant 12 : i32
        %parallel_loop3A_717 = arith.addi %parallel_loop3A_178, %parallel_loop3A_716 : i32
        %parallel_loop3A_718 = arith.constant 0 : i32
        %parallel_loop3A_719 = arith.addi %parallel_loop3A_717, %parallel_loop3A_718 : i32
        %parallel_loop3A_720 = arith.constant 0 : i32
        %parallel_loop3A_721 = arith.constant 0 : i32
        %parallel_loop3A_722 = tpu.memref_slice %arg12[%parallel_loop3A_165, %parallel_loop3A_720, %parallel_loop3A_721] : memref<2x2048x16xf32, #tpu.memory_space<vmem>> -> memref<1x2048x16xf32, #tpu.memory_space<vmem>>
        %parallel_loop3A_723 = tpu.memref_squeeze %parallel_loop3A_722 : memref<1x2048x16xf32, #tpu.memory_space<vmem>> -> memref<2048x16xf32, #tpu.memory_space<vmem>>
        %parallel_loop3A_724 = arith.index_cast %parallel_loop3A_719 : i32 to index
        %parallel_loop3A_725 = arith.constant 0 : index
        %parallel_loop3A_726 = tpu.vector_load %parallel_loop3A_723[%parallel_loop3A_724, %parallel_loop3A_725] {strides = array<i32>} : memref<2048x16xf32, #tpu.memory_space<vmem>>, vector<16xf32>,
        %parallel_loop3A_727 = arith.constant 1024 : i32
        %parallel_loop3A_728 = arith.addi %parallel_loop3A_727, %parallel_loop3A_719 : i32
        %parallel_loop3A_729 = arith.constant 0 : i32
        %parallel_loop3A_730 = arith.constant 0 : i32
        %parallel_loop3A_731 = tpu.memref_slice %arg12[%parallel_loop3A_165, %parallel_loop3A_729, %parallel_loop3A_730] : memref<2x2048x16xf32, #tpu.memory_space<vmem>> -> memref<1x2048x16xf32, #tpu.memory_space<vmem>>
        %parallel_loop3A_732 = tpu.memref_squeeze %parallel_loop3A_731 : memref<1x2048x16xf32, #tpu.memory_space<vmem>> -> memref<2048x16xf32, #tpu.memory_space<vmem>>
        %parallel_loop3A_733 = arith.index_cast %parallel_loop3A_728 : i32 to index
        %parallel_loop3A_734 = arith.constant 0 : index
        %parallel_loop3A_735 = tpu.vector_load %parallel_loop3A_732[%parallel_loop3A_733, %parallel_loop3A_734] {strides = array<i32>} : memref<2048x16xf32, #tpu.memory_space<vmem>>, vector<16xf32>,
        %parallel_loop3A_736 = arith.constant 9 : i32
        %parallel_loop3A_737 = arith.muli %parallel_loop3A_736, %parallel_loop3A_719 : i32
        %parallel_loop3A_738 = arith.index_cast %parallel_loop3A_737 : i32 to index
        %parallel_loop3A_739 = tpu.vector_load %arg11[%parallel_loop3A_738] {strides = array<i32>} : memref<9232xf32, #tpu.memory_space<vmem>>, vector<16xf32>,
        %parallel_loop3A_740 = vector.shape_cast %shift_right_arithmetic3A_13 : vector<16xi32> to vector<16x1xi32>
        %parallel_loop3A_741 = vector.shape_cast %parallel_loop3A_740 : vector<16x1xi32> to vector<16xi32>
        %parallel_loop3A_742 = tpu.dynamic_gather %parallel_loop3A_739[%parallel_loop3A_741] in [0] : vector<16xf32>, vector<16xi32> -> vector<16xf32>
        %parallel_loop3A_743 = arith.constant 4 : i32
        %parallel_loop3A_744 = vector.broadcast %parallel_loop3A_743 : i32 to vector<16xi32>
        %parallel_loop3A_745 = arith.addi %shift_right_arithmetic3A_13, %parallel_loop3A_744 : vector<16xi32>
        %parallel_loop3A_746 = vector.shape_cast %parallel_loop3A_745 : vector<16xi32> to vector<16x1xi32>
        %parallel_loop3A_747 = vector.shape_cast %parallel_loop3A_746 : vector<16x1xi32> to vector<16xi32>
        %parallel_loop3A_748 = tpu.dynamic_gather %parallel_loop3A_739[%parallel_loop3A_747] in [0] : vector<16xf32>, vector<16xi32> -> vector<16xf32>
        %parallel_loop3A_749 = arith.mulf %parallel_loop3A_726, %parallel_loop3A_742 : vector<16xf32>
        %parallel_loop3A_750 = arith.mulf %parallel_loop3A_735, %parallel_loop3A_748 : vector<16xf32>
        %parallel_loop3A_751 = arith.addf %parallel_loop3A_749, %parallel_loop3A_750 : vector<16xf32>
        %parallel_loop3A_752 = vector.shape_cast %and3A_11 : vector<16xi32> to vector<16x1xi32>
        %parallel_loop3A_753 = vector.shape_cast %parallel_loop3A_752 : vector<16x1xi32> to vector<16xi32>
        %parallel_loop3A_754 = tpu.dynamic_gather %parallel_loop3A_751[%parallel_loop3A_753] in [0] : vector<16xf32>, vector<16xi32> -> vector<16xf32>
        %parallel_loop3A_755 = arith.addf %parallel_loop3A_751, %parallel_loop3A_754 : vector<16xf32>
        %parallel_loop3A_756 = vector.shape_cast %and3A_5 : vector<16xi32> to vector<16x1xi32>
        %parallel_loop3A_757 = vector.shape_cast %parallel_loop3A_756 : vector<16x1xi32> to vector<16xi32>
        %parallel_loop3A_758 = tpu.dynamic_gather %parallel_loop3A_755[%parallel_loop3A_757] in [0] : vector<16xf32>, vector<16xi32> -> vector<16xf32>
        %parallel_loop3A_759 = arith.addf %parallel_loop3A_755, %parallel_loop3A_758 : vector<16xf32>
        %parallel_loop3A_760 = arith.constant 12 : i32
        %parallel_loop3A_761 = arith.addi %parallel_loop3A_178, %parallel_loop3A_760 : i32
        %parallel_loop3A_762 = arith.constant 1 : i32
        %parallel_loop3A_763 = arith.addi %parallel_loop3A_761, %parallel_loop3A_762 : i32
        %parallel_loop3A_764 = arith.constant 0 : i32
        %parallel_loop3A_765 = arith.constant 0 : i32
        %parallel_loop3A_766 = tpu.memref_slice %arg12[%parallel_loop3A_165, %parallel_loop3A_764, %parallel_loop3A_765] : memref<2x2048x16xf32, #tpu.memory_space<vmem>> -> memref<1x2048x16xf32, #tpu.memory_space<vmem>>
        %parallel_loop3A_767 = tpu.memref_squeeze %parallel_loop3A_766 : memref<1x2048x16xf32, #tpu.memory_space<vmem>> -> memref<2048x16xf32, #tpu.memory_space<vmem>>
        %parallel_loop3A_768 = arith.index_cast %parallel_loop3A_763 : i32 to index
        %parallel_loop3A_769 = arith.constant 0 : index
        %parallel_loop3A_770 = tpu.vector_load %parallel_loop3A_767[%parallel_loop3A_768, %parallel_loop3A_769] {strides = array<i32>} : memref<2048x16xf32, #tpu.memory_space<vmem>>, vector<16xf32>,
        %parallel_loop3A_771 = arith.constant 1024 : i32
        %parallel_loop3A_772 = arith.addi %parallel_loop3A_771, %parallel_loop3A_763 : i32
        %parallel_loop3A_773 = arith.constant 0 : i32
        %parallel_loop3A_774 = arith.constant 0 : i32
        %parallel_loop3A_775 = tpu.memref_slice %arg12[%parallel_loop3A_165, %parallel_loop3A_773, %parallel_loop3A_774] : memref<2x2048x16xf32, #tpu.memory_space<vmem>> -> memref<1x2048x16xf32, #tpu.memory_space<vmem>>
        %parallel_loop3A_776 = tpu.memref_squeeze %parallel_loop3A_775 : memref<1x2048x16xf32, #tpu.memory_space<vmem>> -> memref<2048x16xf32, #tpu.memory_space<vmem>>
        %parallel_loop3A_777 = arith.index_cast %parallel_loop3A_772 : i32 to index
        %parallel_loop3A_778 = arith.constant 0 : index
        %parallel_loop3A_779 = tpu.vector_load %parallel_loop3A_776[%parallel_loop3A_777, %parallel_loop3A_778] {strides = array<i32>} : memref<2048x16xf32, #tpu.memory_space<vmem>>, vector<16xf32>,
        %parallel_loop3A_780 = arith.constant 9 : i32
        %parallel_loop3A_781 = arith.muli %parallel_loop3A_780, %parallel_loop3A_763 : i32
        %parallel_loop3A_782 = arith.index_cast %parallel_loop3A_781 : i32 to index
        %parallel_loop3A_783 = tpu.vector_load %arg11[%parallel_loop3A_782] {strides = array<i32>} : memref<9232xf32, #tpu.memory_space<vmem>>, vector<16xf32>,
        %parallel_loop3A_784 = vector.shape_cast %shift_right_arithmetic3A_13 : vector<16xi32> to vector<16x1xi32>
        %parallel_loop3A_785 = vector.shape_cast %parallel_loop3A_784 : vector<16x1xi32> to vector<16xi32>
        %parallel_loop3A_786 = tpu.dynamic_gather %parallel_loop3A_783[%parallel_loop3A_785] in [0] : vector<16xf32>, vector<16xi32> -> vector<16xf32>
        %parallel_loop3A_787 = arith.constant 4 : i32
        %parallel_loop3A_788 = vector.broadcast %parallel_loop3A_787 : i32 to vector<16xi32>
        %parallel_loop3A_789 = arith.addi %shift_right_arithmetic3A_13, %parallel_loop3A_788 : vector<16xi32>
        %parallel_loop3A_790 = vector.shape_cast %parallel_loop3A_789 : vector<16xi32> to vector<16x1xi32>
        %parallel_loop3A_791 = vector.shape_cast %parallel_loop3A_790 : vector<16x1xi32> to vector<16xi32>
        %parallel_loop3A_792 = tpu.dynamic_gather %parallel_loop3A_783[%parallel_loop3A_791] in [0] : vector<16xf32>, vector<16xi32> -> vector<16xf32>
        %parallel_loop3A_793 = arith.mulf %parallel_loop3A_770, %parallel_loop3A_786 : vector<16xf32>
        %parallel_loop3A_794 = arith.mulf %parallel_loop3A_779, %parallel_loop3A_792 : vector<16xf32>
        %parallel_loop3A_795 = arith.addf %parallel_loop3A_793, %parallel_loop3A_794 : vector<16xf32>
        %parallel_loop3A_796 = vector.shape_cast %and3A_11 : vector<16xi32> to vector<16x1xi32>
        %parallel_loop3A_797 = vector.shape_cast %parallel_loop3A_796 : vector<16x1xi32> to vector<16xi32>
        %parallel_loop3A_798 = tpu.dynamic_gather %parallel_loop3A_795[%parallel_loop3A_797] in [0] : vector<16xf32>, vector<16xi32> -> vector<16xf32>
        %parallel_loop3A_799 = arith.addf %parallel_loop3A_795, %parallel_loop3A_798 : vector<16xf32>
        %parallel_loop3A_800 = vector.shape_cast %and3A_5 : vector<16xi32> to vector<16x1xi32>
        %parallel_loop3A_801 = vector.shape_cast %parallel_loop3A_800 : vector<16x1xi32> to vector<16xi32>
        %parallel_loop3A_802 = tpu.dynamic_gather %parallel_loop3A_799[%parallel_loop3A_801] in [0] : vector<16xf32>, vector<16xi32> -> vector<16xf32>
        %parallel_loop3A_803 = arith.addf %parallel_loop3A_799, %parallel_loop3A_802 : vector<16xf32>
        %parallel_loop3A_804 = arith.constant 12 : i32
        %parallel_loop3A_805 = arith.addi %parallel_loop3A_178, %parallel_loop3A_804 : i32
        %parallel_loop3A_806 = arith.constant 2 : i32
        %parallel_loop3A_807 = arith.addi %parallel_loop3A_805, %parallel_loop3A_806 : i32
        %parallel_loop3A_808 = arith.constant 0 : i32
        %parallel_loop3A_809 = arith.constant 0 : i32
        %parallel_loop3A_810 = tpu.memref_slice %arg12[%parallel_loop3A_165, %parallel_loop3A_808, %parallel_loop3A_809] : memref<2x2048x16xf32, #tpu.memory_space<vmem>> -> memref<1x2048x16xf32, #tpu.memory_space<vmem>>
        %parallel_loop3A_811 = tpu.memref_squeeze %parallel_loop3A_810 : memref<1x2048x16xf32, #tpu.memory_space<vmem>> -> memref<2048x16xf32, #tpu.memory_space<vmem>>
        %parallel_loop3A_812 = arith.index_cast %parallel_loop3A_807 : i32 to index
        %parallel_loop3A_813 = arith.constant 0 : index
        %parallel_loop3A_814 = tpu.vector_load %parallel_loop3A_811[%parallel_loop3A_812, %parallel_loop3A_813] {strides = array<i32>} : memref<2048x16xf32, #tpu.memory_space<vmem>>, vector<16xf32>,
        %parallel_loop3A_815 = arith.constant 1024 : i32
        %parallel_loop3A_816 = arith.addi %parallel_loop3A_815, %parallel_loop3A_807 : i32
        %parallel_loop3A_817 = arith.constant 0 : i32
        %parallel_loop3A_818 = arith.constant 0 : i32
        %parallel_loop3A_819 = tpu.memref_slice %arg12[%parallel_loop3A_165, %parallel_loop3A_817, %parallel_loop3A_818] : memref<2x2048x16xf32, #tpu.memory_space<vmem>> -> memref<1x2048x16xf32, #tpu.memory_space<vmem>>
        %parallel_loop3A_820 = tpu.memref_squeeze %parallel_loop3A_819 : memref<1x2048x16xf32, #tpu.memory_space<vmem>> -> memref<2048x16xf32, #tpu.memory_space<vmem>>
        %parallel_loop3A_821 = arith.index_cast %parallel_loop3A_816 : i32 to index
        %parallel_loop3A_822 = arith.constant 0 : index
        %parallel_loop3A_823 = tpu.vector_load %parallel_loop3A_820[%parallel_loop3A_821, %parallel_loop3A_822] {strides = array<i32>} : memref<2048x16xf32, #tpu.memory_space<vmem>>, vector<16xf32>,
        %parallel_loop3A_824 = arith.constant 9 : i32
        %parallel_loop3A_825 = arith.muli %parallel_loop3A_824, %parallel_loop3A_807 : i32
        %parallel_loop3A_826 = arith.index_cast %parallel_loop3A_825 : i32 to index
        %parallel_loop3A_827 = tpu.vector_load %arg11[%parallel_loop3A_826] {strides = array<i32>} : memref<9232xf32, #tpu.memory_space<vmem>>, vector<16xf32>,
        %parallel_loop3A_828 = vector.shape_cast %shift_right_arithmetic3A_13 : vector<16xi32> to vector<16x1xi32>
        %parallel_loop3A_829 = vector.shape_cast %parallel_loop3A_828 : vector<16x1xi32> to vector<16xi32>
        %parallel_loop3A_830 = tpu.dynamic_gather %parallel_loop3A_827[%parallel_loop3A_829] in [0] : vector<16xf32>, vector<16xi32> -> vector<16xf32>
        %parallel_loop3A_831 = arith.constant 4 : i32
        %parallel_loop3A_832 = vector.broadcast %parallel_loop3A_831 : i32 to vector<16xi32>
        %parallel_loop3A_833 = arith.addi %shift_right_arithmetic3A_13, %parallel_loop3A_832 : vector<16xi32>
        %parallel_loop3A_834 = vector.shape_cast %parallel_loop3A_833 : vector<16xi32> to vector<16x1xi32>
        %parallel_loop3A_835 = vector.shape_cast %parallel_loop3A_834 : vector<16x1xi32> to vector<16xi32>
        %parallel_loop3A_836 = tpu.dynamic_gather %parallel_loop3A_827[%parallel_loop3A_835] in [0] : vector<16xf32>, vector<16xi32> -> vector<16xf32>
        %parallel_loop3A_837 = arith.mulf %parallel_loop3A_814, %parallel_loop3A_830 : vector<16xf32>
        %parallel_loop3A_838 = arith.mulf %parallel_loop3A_823, %parallel_loop3A_836 : vector<16xf32>
        %parallel_loop3A_839 = arith.addf %parallel_loop3A_837, %parallel_loop3A_838 : vector<16xf32>
        %parallel_loop3A_840 = vector.shape_cast %and3A_11 : vector<16xi32> to vector<16x1xi32>
        %parallel_loop3A_841 = vector.shape_cast %parallel_loop3A_840 : vector<16x1xi32> to vector<16xi32>
        %parallel_loop3A_842 = tpu.dynamic_gather %parallel_loop3A_839[%parallel_loop3A_841] in [0] : vector<16xf32>, vector<16xi32> -> vector<16xf32>
        %parallel_loop3A_843 = arith.addf %parallel_loop3A_839, %parallel_loop3A_842 : vector<16xf32>
        %parallel_loop3A_844 = vector.shape_cast %and3A_5 : vector<16xi32> to vector<16x1xi32>
        %parallel_loop3A_845 = vector.shape_cast %parallel_loop3A_844 : vector<16x1xi32> to vector<16xi32>
        %parallel_loop3A_846 = tpu.dynamic_gather %parallel_loop3A_843[%parallel_loop3A_845] in [0] : vector<16xf32>, vector<16xi32> -> vector<16xf32>
        %parallel_loop3A_847 = arith.addf %parallel_loop3A_843, %parallel_loop3A_846 : vector<16xf32>
        %parallel_loop3A_848 = arith.constant 12 : i32
        %parallel_loop3A_849 = arith.addi %parallel_loop3A_178, %parallel_loop3A_848 : i32
        %parallel_loop3A_850 = arith.constant 3 : i32
        %parallel_loop3A_851 = arith.addi %parallel_loop3A_849, %parallel_loop3A_850 : i32
        %parallel_loop3A_852 = arith.constant 0 : i32
        %parallel_loop3A_853 = arith.constant 0 : i32
        %parallel_loop3A_854 = tpu.memref_slice %arg12[%parallel_loop3A_165, %parallel_loop3A_852, %parallel_loop3A_853] : memref<2x2048x16xf32, #tpu.memory_space<vmem>> -> memref<1x2048x16xf32, #tpu.memory_space<vmem>>
        %parallel_loop3A_855 = tpu.memref_squeeze %parallel_loop3A_854 : memref<1x2048x16xf32, #tpu.memory_space<vmem>> -> memref<2048x16xf32, #tpu.memory_space<vmem>>
        %parallel_loop3A_856 = arith.index_cast %parallel_loop3A_851 : i32 to index
        %parallel_loop3A_857 = arith.constant 0 : index
        %parallel_loop3A_858 = tpu.vector_load %parallel_loop3A_855[%parallel_loop3A_856, %parallel_loop3A_857] {strides = array<i32>} : memref<2048x16xf32, #tpu.memory_space<vmem>>, vector<16xf32>,
        %parallel_loop3A_859 = arith.constant 1024 : i32
        %parallel_loop3A_860 = arith.addi %parallel_loop3A_859, %parallel_loop3A_851 : i32
        %parallel_loop3A_861 = arith.constant 0 : i32
        %parallel_loop3A_862 = arith.constant 0 : i32
        %parallel_loop3A_863 = tpu.memref_slice %arg12[%parallel_loop3A_165, %parallel_loop3A_861, %parallel_loop3A_862] : memref<2x2048x16xf32, #tpu.memory_space<vmem>> -> memref<1x2048x16xf32, #tpu.memory_space<vmem>>
        %parallel_loop3A_864 = tpu.memref_squeeze %parallel_loop3A_863 : memref<1x2048x16xf32, #tpu.memory_space<vmem>> -> memref<2048x16xf32, #tpu.memory_space<vmem>>
        %parallel_loop3A_865 = arith.index_cast %parallel_loop3A_860 : i32 to index
        %parallel_loop3A_866 = arith.constant 0 : index
        %parallel_loop3A_867 = tpu.vector_load %parallel_loop3A_864[%parallel_loop3A_865, %parallel_loop3A_866] {strides = array<i32>} : memref<2048x16xf32, #tpu.memory_space<vmem>>, vector<16xf32>,
        %parallel_loop3A_868 = arith.constant 9 : i32
        %parallel_loop3A_869 = arith.muli %parallel_loop3A_868, %parallel_loop3A_851 : i32
        %parallel_loop3A_870 = arith.index_cast %parallel_loop3A_869 : i32 to index
        %parallel_loop3A_871 = tpu.vector_load %arg11[%parallel_loop3A_870] {strides = array<i32>} : memref<9232xf32, #tpu.memory_space<vmem>>, vector<16xf32>,
        %parallel_loop3A_872 = vector.shape_cast %shift_right_arithmetic3A_13 : vector<16xi32> to vector<16x1xi32>
        %parallel_loop3A_873 = vector.shape_cast %parallel_loop3A_872 : vector<16x1xi32> to vector<16xi32>
        %parallel_loop3A_874 = tpu.dynamic_gather %parallel_loop3A_871[%parallel_loop3A_873] in [0] : vector<16xf32>, vector<16xi32> -> vector<16xf32>
        %parallel_loop3A_875 = arith.constant 4 : i32
        %parallel_loop3A_876 = vector.broadcast %parallel_loop3A_875 : i32 to vector<16xi32>
        %parallel_loop3A_877 = arith.addi %shift_right_arithmetic3A_13, %parallel_loop3A_876 : vector<16xi32>
        %parallel_loop3A_878 = vector.shape_cast %parallel_loop3A_877 : vector<16xi32> to vector<16x1xi32>
        %parallel_loop3A_879 = vector.shape_cast %parallel_loop3A_878 : vector<16x1xi32> to vector<16xi32>
        %parallel_loop3A_880 = tpu.dynamic_gather %parallel_loop3A_871[%parallel_loop3A_879] in [0] : vector<16xf32>, vector<16xi32> -> vector<16xf32>
        %parallel_loop3A_881 = arith.mulf %parallel_loop3A_858, %parallel_loop3A_874 : vector<16xf32>
        %parallel_loop3A_882 = arith.mulf %parallel_loop3A_867, %parallel_loop3A_880 : vector<16xf32>
        %parallel_loop3A_883 = arith.addf %parallel_loop3A_881, %parallel_loop3A_882 : vector<16xf32>
        %parallel_loop3A_884 = vector.shape_cast %and3A_11 : vector<16xi32> to vector<16x1xi32>
        %parallel_loop3A_885 = vector.shape_cast %parallel_loop3A_884 : vector<16x1xi32> to vector<16xi32>
        %parallel_loop3A_886 = tpu.dynamic_gather %parallel_loop3A_883[%parallel_loop3A_885] in [0] : vector<16xf32>, vector<16xi32> -> vector<16xf32>
        %parallel_loop3A_887 = arith.addf %parallel_loop3A_883, %parallel_loop3A_886 : vector<16xf32>
        %parallel_loop3A_888 = vector.shape_cast %and3A_5 : vector<16xi32> to vector<16x1xi32>
        %parallel_loop3A_889 = vector.shape_cast %parallel_loop3A_888 : vector<16x1xi32> to vector<16xi32>
        %parallel_loop3A_890 = tpu.dynamic_gather %parallel_loop3A_887[%parallel_loop3A_889] in [0] : vector<16xf32>, vector<16xi32> -> vector<16xf32>
        %parallel_loop3A_891 = arith.addf %parallel_loop3A_887, %parallel_loop3A_890 : vector<16xf32>
        %parallel_loop3A_892 = arith.select %lt3A_59, %parallel_loop3A_847, %parallel_loop3A_891 : vector<16xi1>, vector<16xf32>
        %parallel_loop3A_893 = arith.select %lt3A_56, %parallel_loop3A_803, %parallel_loop3A_892 : vector<16xi1>, vector<16xf32>
        %parallel_loop3A_894 = arith.select %lt3A_53, %parallel_loop3A_759, %parallel_loop3A_893 : vector<16xi1>, vector<16xf32>
        %parallel_loop3A_895 = vector.shape_cast %add3A_21 : vector<16xi32> to vector<16x1xi32>
        %parallel_loop3A_896 = vector.shape_cast %parallel_loop3A_895 : vector<16x1xi32> to vector<16xi32>
        %parallel_loop3A_897 = tpu.dynamic_gather %parallel_loop3A_357[%parallel_loop3A_896] in [0] : vector<16xf32>, vector<16xi32> -> vector<16xf32>
        %parallel_loop3A_898 = vector.shape_cast %add3A_21 : vector<16xi32> to vector<16x1xi32>
        %parallel_loop3A_899 = vector.shape_cast %parallel_loop3A_898 : vector<16x1xi32> to vector<16xi32>
        %parallel_loop3A_900 = tpu.dynamic_gather %parallel_loop3A_536[%parallel_loop3A_899] in [0] : vector<16xf32>, vector<16xi32> -> vector<16xf32>
        %parallel_loop3A_901 = vector.shape_cast %add3A_21 : vector<16xi32> to vector<16x1xi32>
        %parallel_loop3A_902 = vector.shape_cast %parallel_loop3A_901 : vector<16x1xi32> to vector<16xi32>
        %parallel_loop3A_903 = tpu.dynamic_gather %parallel_loop3A_715[%parallel_loop3A_902] in [0] : vector<16xf32>, vector<16xi32> -> vector<16xf32>
        %parallel_loop3A_904 = vector.shape_cast %add3A_21 : vector<16xi32> to vector<16x1xi32>
        %parallel_loop3A_905 = vector.shape_cast %parallel_loop3A_904 : vector<16x1xi32> to vector<16xi32>
        %parallel_loop3A_906 = tpu.dynamic_gather %parallel_loop3A_894[%parallel_loop3A_905] in [0] : vector<16xf32>, vector<16xi32> -> vector<16xf32>
        %parallel_loop3A_907 = arith.select %lt3A_59, %parallel_loop3A_903, %parallel_loop3A_906 : vector<16xi1>, vector<16xf32>
        %parallel_loop3A_908 = arith.select %lt3A_56, %parallel_loop3A_900, %parallel_loop3A_907 : vector<16xi1>, vector<16xf32>
        %parallel_loop3A_909 = arith.select %lt3A_53, %parallel_loop3A_897, %parallel_loop3A_908 : vector<16xi1>, vector<16xf32>
        %parallel_loop3A_910 = arith.constant 0 : i32
        %parallel_loop3A_911 = arith.index_cast %parallel_loop3A_910 : i32 to index
        %parallel_loop3A_912 = arith.index_cast %parallel_loop3A_178 : i32 to index
        %parallel_loop3A_913 = tpu.vector_load %arg13[%parallel_loop3A_911, %parallel_loop3A_912] {strides = array<i32>} : memref<4x1024xf32, #tpu.memory_space<vmem>>, vector<16xf32>,
        tpu.vector_store %arg13[%parallel_loop3A_911, %parallel_loop3A_912], %parallel_loop3A_909 {strides = array<i32>} : memref<4x1024xf32, #tpu.memory_space<vmem>>, vector<16xf32>,
        %parallel_loop3A_914 = vector.shape_cast %add3A_30 : vector<16xi32> to vector<16x1xi32>
        %parallel_loop3A_915 = vector.shape_cast %parallel_loop3A_914 : vector<16x1xi32> to vector<16xi32>
        %parallel_loop3A_916 = tpu.dynamic_gather %parallel_loop3A_357[%parallel_loop3A_915] in [0] : vector<16xf32>, vector<16xi32> -> vector<16xf32>
        %parallel_loop3A_917 = vector.shape_cast %add3A_30 : vector<16xi32> to vector<16x1xi32>
        %parallel_loop3A_918 = vector.shape_cast %parallel_loop3A_917 : vector<16x1xi32> to vector<16xi32>
        %parallel_loop3A_919 = tpu.dynamic_gather %parallel_loop3A_536[%parallel_loop3A_918] in [0] : vector<16xf32>, vector<16xi32> -> vector<16xf32>
        %parallel_loop3A_920 = vector.shape_cast %add3A_30 : vector<16xi32> to vector<16x1xi32>
        %parallel_loop3A_921 = vector.shape_cast %parallel_loop3A_920 : vector<16x1xi32> to vector<16xi32>
        %parallel_loop3A_922 = tpu.dynamic_gather %parallel_loop3A_715[%parallel_loop3A_921] in [0] : vector<16xf32>, vector<16xi32> -> vector<16xf32>
        %parallel_loop3A_923 = vector.shape_cast %add3A_30 : vector<16xi32> to vector<16x1xi32>
        %parallel_loop3A_924 = vector.shape_cast %parallel_loop3A_923 : vector<16x1xi32> to vector<16xi32>
        %parallel_loop3A_925 = tpu.dynamic_gather %parallel_loop3A_894[%parallel_loop3A_924] in [0] : vector<16xf32>, vector<16xi32> -> vector<16xf32>
        %parallel_loop3A_926 = arith.select %lt3A_59, %parallel_loop3A_922, %parallel_loop3A_925 : vector<16xi1>, vector<16xf32>
        %parallel_loop3A_927 = arith.select %lt3A_56, %parallel_loop3A_919, %parallel_loop3A_926 : vector<16xi1>, vector<16xf32>
        %parallel_loop3A_928 = arith.select %lt3A_53, %parallel_loop3A_916, %parallel_loop3A_927 : vector<16xi1>, vector<16xf32>
        %parallel_loop3A_929 = arith.constant 1 : i32
        %parallel_loop3A_930 = arith.index_cast %parallel_loop3A_929 : i32 to index
        %parallel_loop3A_931 = arith.index_cast %parallel_loop3A_178 : i32 to index
        %parallel_loop3A_932 = tpu.vector_load %arg13[%parallel_loop3A_930, %parallel_loop3A_931] {strides = array<i32>} : memref<4x1024xf32, #tpu.memory_space<vmem>>, vector<16xf32>,
        tpu.vector_store %arg13[%parallel_loop3A_930, %parallel_loop3A_931], %parallel_loop3A_928 {strides = array<i32>} : memref<4x1024xf32, #tpu.memory_space<vmem>>, vector<16xf32>,
        %parallel_loop3A_933 = vector.shape_cast %add3A_39 : vector<16xi32> to vector<16x1xi32>
        %parallel_loop3A_934 = vector.shape_cast %parallel_loop3A_933 : vector<16x1xi32> to vector<16xi32>
        %parallel_loop3A_935 = tpu.dynamic_gather %parallel_loop3A_357[%parallel_loop3A_934] in [0] : vector<16xf32>, vector<16xi32> -> vector<16xf32>
        %parallel_loop3A_936 = vector.shape_cast %add3A_39 : vector<16xi32> to vector<16x1xi32>
        %parallel_loop3A_937 = vector.shape_cast %parallel_loop3A_936 : vector<16x1xi32> to vector<16xi32>
        %parallel_loop3A_938 = tpu.dynamic_gather %parallel_loop3A_536[%parallel_loop3A_937] in [0] : vector<16xf32>, vector<16xi32> -> vector<16xf32>
        %parallel_loop3A_939 = vector.shape_cast %add3A_39 : vector<16xi32> to vector<16x1xi32>
        %parallel_loop3A_940 = vector.shape_cast %parallel_loop3A_939 : vector<16x1xi32> to vector<16xi32>
        %parallel_loop3A_941 = tpu.dynamic_gather %parallel_loop3A_715[%parallel_loop3A_940] in [0] : vector<16xf32>, vector<16xi32> -> vector<16xf32>
        %parallel_loop3A_942 = vector.shape_cast %add3A_39 : vector<16xi32> to vector<16x1xi32>
        %parallel_loop3A_943 = vector.shape_cast %parallel_loop3A_942 : vector<16x1xi32> to vector<16xi32>
        %parallel_loop3A_944 = tpu.dynamic_gather %parallel_loop3A_894[%parallel_loop3A_943] in [0] : vector<16xf32>, vector<16xi32> -> vector<16xf32>
        %parallel_loop3A_945 = arith.select %lt3A_59, %parallel_loop3A_941, %parallel_loop3A_944 : vector<16xi1>, vector<16xf32>
        %parallel_loop3A_946 = arith.select %lt3A_56, %parallel_loop3A_938, %parallel_loop3A_945 : vector<16xi1>, vector<16xf32>
        %parallel_loop3A_947 = arith.select %lt3A_53, %parallel_loop3A_935, %parallel_loop3A_946 : vector<16xi1>, vector<16xf32>
        %parallel_loop3A_948 = arith.constant 2 : i32
        %parallel_loop3A_949 = arith.index_cast %parallel_loop3A_948 : i32 to index
        %parallel_loop3A_950 = arith.index_cast %parallel_loop3A_178 : i32 to index
        %parallel_loop3A_951 = tpu.vector_load %arg13[%parallel_loop3A_949, %parallel_loop3A_950] {strides = array<i32>} : memref<4x1024xf32, #tpu.memory_space<vmem>>, vector<16xf32>,
        tpu.vector_store %arg13[%parallel_loop3A_949, %parallel_loop3A_950], %parallel_loop3A_947 {strides = array<i32>} : memref<4x1024xf32, #tpu.memory_space<vmem>>, vector<16xf32>,
        %parallel_loop3A_952 = vector.shape_cast %add3A_48 : vector<16xi32> to vector<16x1xi32>
        %parallel_loop3A_953 = vector.shape_cast %parallel_loop3A_952 : vector<16x1xi32> to vector<16xi32>
        %parallel_loop3A_954 = tpu.dynamic_gather %parallel_loop3A_357[%parallel_loop3A_953] in [0] : vector<16xf32>, vector<16xi32> -> vector<16xf32>
        %parallel_loop3A_955 = vector.shape_cast %add3A_48 : vector<16xi32> to vector<16x1xi32>
        %parallel_loop3A_956 = vector.shape_cast %parallel_loop3A_955 : vector<16x1xi32> to vector<16xi32>
        %parallel_loop3A_957 = tpu.dynamic_gather %parallel_loop3A_536[%parallel_loop3A_956] in [0] : vector<16xf32>, vector<16xi32> -> vector<16xf32>
        %parallel_loop3A_958 = vector.shape_cast %add3A_48 : vector<16xi32> to vector<16x1xi32>
        %parallel_loop3A_959 = vector.shape_cast %parallel_loop3A_958 : vector<16x1xi32> to vector<16xi32>
        %parallel_loop3A_960 = tpu.dynamic_gather %parallel_loop3A_715[%parallel_loop3A_959] in [0] : vector<16xf32>, vector<16xi32> -> vector<16xf32>
        %parallel_loop3A_961 = vector.shape_cast %add3A_48 : vector<16xi32> to vector<16x1xi32>
        %parallel_loop3A_962 = vector.shape_cast %parallel_loop3A_961 : vector<16x1xi32> to vector<16xi32>
        %parallel_loop3A_963 = tpu.dynamic_gather %parallel_loop3A_894[%parallel_loop3A_962] in [0] : vector<16xf32>, vector<16xi32> -> vector<16xf32>
        %parallel_loop3A_964 = arith.select %lt3A_59, %parallel_loop3A_960, %parallel_loop3A_963 : vector<16xi1>, vector<16xf32>
        %parallel_loop3A_965 = arith.select %lt3A_56, %parallel_loop3A_957, %parallel_loop3A_964 : vector<16xi1>, vector<16xf32>
        %parallel_loop3A_966 = arith.select %lt3A_53, %parallel_loop3A_954, %parallel_loop3A_965 : vector<16xi1>, vector<16xf32>
        %parallel_loop3A_967 = arith.constant 3 : i32
        %parallel_loop3A_968 = arith.index_cast %parallel_loop3A_967 : i32 to index
        %parallel_loop3A_969 = arith.index_cast %parallel_loop3A_178 : i32 to index
        %parallel_loop3A_970 = tpu.vector_load %arg13[%parallel_loop3A_968, %parallel_loop3A_969] {strides = array<i32>} : memref<4x1024xf32, #tpu.memory_space<vmem>>, vector<16xf32>,
        tpu.vector_store %arg13[%parallel_loop3A_968, %parallel_loop3A_969], %parallel_loop3A_966 {strides = array<i32>} : memref<4x1024xf32, #tpu.memory_space<vmem>>, vector<16xf32>,
      } {sc.loop_unroll_factor = 2 : i64, sc.parallel_access}
      %mul3A_166 = arith.constant 1024 : i32
      %mul3A_167 = arith.muli %add3A_135, %mul3A_166 : i32
      %run_scoped3A_168 = arith.constant 0 : i32
      "tpu.region"() ({
        %run_scoped3A_178 = tpu.sem_alloc : memref<!tpu.dma_semaphore, #tpu.memory_space<semaphore_mem>>
        %dma_start3A_179 = arith.constant 0 : i32
        %dma_start3A_180 = tpu.memref_slice %arg13[%run_scoped3A_168, %dma_start3A_179] : memref<4x1024xf32, #tpu.memory_space<vmem>> -> memref<1x1024xf32, #tpu.memory_space<vmem>>
        %dma_start3A_181 = tpu.memref_squeeze %dma_start3A_180 : memref<1x1024xf32, #tpu.memory_space<vmem>> -> memref<1024xf32, #tpu.memory_space<vmem>>
        %dma_start3A_182 = tpu.memref_slice %arg5[%mul3A_167] : memref<1048576xf32, #tpu.memory_space<hbm>> -> memref<1024xf32, #tpu.memory_space<hbm>>
        %dma_start3A_183 = tpu.memref_slice %arg5[%mul3A_167] : memref<1048576xf32, #tpu.memory_space<hbm>> -> memref<1024xf32, #tpu.memory_space<hbm>>
        %dma_start3A_184 = arith.constant 0 : i32
        %dma_start3A_185 = tpu.memref_slice %arg13[%run_scoped3A_168, %dma_start3A_184] : memref<4x1024xf32, #tpu.memory_space<vmem>> -> memref<1x1024xf32, #tpu.memory_space<vmem>>
        %dma_start3A_186 = tpu.memref_squeeze %dma_start3A_185 : memref<1x1024xf32, #tpu.memory_space<vmem>> -> memref<1024xf32, #tpu.memory_space<vmem>>
        tpu.enqueue_dma source(%dma_start3A_186 : memref<1024xf32, #tpu.memory_space<vmem>>) target(%dma_start3A_183 : memref<1024xf32, #tpu.memory_space<hbm>>) target_semaphore(%run_scoped3A_178 : memref<!tpu.dma_semaphore, #tpu.memory_space<semaphore_mem>>)
        %dma_wait3A_187 = arith.constant 0 : i32
        %dma_wait3A_188 = tpu.memref_slice %arg13[%run_scoped3A_168, %dma_wait3A_187] : memref<4x1024xf32, #tpu.memory_space<vmem>> -> memref<1x1024xf32, #tpu.memory_space<vmem>>
        %dma_wait3A_189 = tpu.memref_squeeze %dma_wait3A_188 : memref<1x1024xf32, #tpu.memory_space<vmem>> -> memref<1024xf32, #tpu.memory_space<vmem>>
        %dma_wait3A_190 = tpu.memref_slice %arg5[%mul3A_167] : memref<1048576xf32, #tpu.memory_space<hbm>> -> memref<1024xf32, #tpu.memory_space<hbm>>
        %dma_wait3A_191 = tpu.memref_slice %arg5[%mul3A_167] : memref<1048576xf32, #tpu.memory_space<hbm>> -> memref<1024xf32, #tpu.memory_space<hbm>>
        %dma_wait3A_192 = arith.constant 0 : i32
        %dma_wait3A_193 = tpu.memref_slice %arg13[%run_scoped3A_168, %dma_wait3A_192] : memref<4x1024xf32, #tpu.memory_space<vmem>> -> memref<1x1024xf32, #tpu.memory_space<vmem>>
        %dma_wait3A_194 = tpu.memref_squeeze %dma_wait3A_193 : memref<1x1024xf32, #tpu.memory_space<vmem>> -> memref<1024xf32, #tpu.memory_space<vmem>>
        tpu.wait_dma2 semaphore(%run_scoped3A_178 : memref<!tpu.dma_semaphore, #tpu.memory_space<semaphore_mem>>) src(%dma_wait3A_194 : memref<1024xf32, #tpu.memory_space<vmem>>) dst(%dma_wait3A_191 : memref<1024xf32, #tpu.memory_space<hbm>>)
        tpu.yield
      }) : () -> ()
      %mul3A_169 = arith.constant 1024 : i32
      %mul3A_170 = arith.muli %add3A_135, %mul3A_169 : i32
      %run_scoped3A_171 = arith.constant 1 : i32
      "tpu.region"() ({
        %run_scoped3A_178 = tpu.sem_alloc : memref<!tpu.dma_semaphore, #tpu.memory_space<semaphore_mem>>
        %dma_start3A_179 = arith.constant 0 : i32
        %dma_start3A_180 = tpu.memref_slice %arg13[%run_scoped3A_171, %dma_start3A_179] : memref<4x1024xf32, #tpu.memory_space<vmem>> -> memref<1x1024xf32, #tpu.memory_space<vmem>>
        %dma_start3A_181 = tpu.memref_squeeze %dma_start3A_180 : memref<1x1024xf32, #tpu.memory_space<vmem>> -> memref<1024xf32, #tpu.memory_space<vmem>>
        %dma_start3A_182 = tpu.memref_slice %arg6[%mul3A_170] : memref<1048576xf32, #tpu.memory_space<hbm>> -> memref<1024xf32, #tpu.memory_space<hbm>>
        %dma_start3A_183 = tpu.memref_slice %arg6[%mul3A_170] : memref<1048576xf32, #tpu.memory_space<hbm>> -> memref<1024xf32, #tpu.memory_space<hbm>>
        %dma_start3A_184 = arith.constant 0 : i32
        %dma_start3A_185 = tpu.memref_slice %arg13[%run_scoped3A_171, %dma_start3A_184] : memref<4x1024xf32, #tpu.memory_space<vmem>> -> memref<1x1024xf32, #tpu.memory_space<vmem>>
        %dma_start3A_186 = tpu.memref_squeeze %dma_start3A_185 : memref<1x1024xf32, #tpu.memory_space<vmem>> -> memref<1024xf32, #tpu.memory_space<vmem>>
        tpu.enqueue_dma source(%dma_start3A_186 : memref<1024xf32, #tpu.memory_space<vmem>>) target(%dma_start3A_183 : memref<1024xf32, #tpu.memory_space<hbm>>) target_semaphore(%run_scoped3A_178 : memref<!tpu.dma_semaphore, #tpu.memory_space<semaphore_mem>>)
        %dma_wait3A_187 = arith.constant 0 : i32
        %dma_wait3A_188 = tpu.memref_slice %arg13[%run_scoped3A_171, %dma_wait3A_187] : memref<4x1024xf32, #tpu.memory_space<vmem>> -> memref<1x1024xf32, #tpu.memory_space<vmem>>
        %dma_wait3A_189 = tpu.memref_squeeze %dma_wait3A_188 : memref<1x1024xf32, #tpu.memory_space<vmem>> -> memref<1024xf32, #tpu.memory_space<vmem>>
        %dma_wait3A_190 = tpu.memref_slice %arg6[%mul3A_170] : memref<1048576xf32, #tpu.memory_space<hbm>> -> memref<1024xf32, #tpu.memory_space<hbm>>
        %dma_wait3A_191 = tpu.memref_slice %arg6[%mul3A_170] : memref<1048576xf32, #tpu.memory_space<hbm>> -> memref<1024xf32, #tpu.memory_space<hbm>>
        %dma_wait3A_192 = arith.constant 0 : i32
        %dma_wait3A_193 = tpu.memref_slice %arg13[%run_scoped3A_171, %dma_wait3A_192] : memref<4x1024xf32, #tpu.memory_space<vmem>> -> memref<1x1024xf32, #tpu.memory_space<vmem>>
        %dma_wait3A_194 = tpu.memref_squeeze %dma_wait3A_193 : memref<1x1024xf32, #tpu.memory_space<vmem>> -> memref<1024xf32, #tpu.memory_space<vmem>>
        tpu.wait_dma2 semaphore(%run_scoped3A_178 : memref<!tpu.dma_semaphore, #tpu.memory_space<semaphore_mem>>) src(%dma_wait3A_194 : memref<1024xf32, #tpu.memory_space<vmem>>) dst(%dma_wait3A_191 : memref<1024xf32, #tpu.memory_space<hbm>>)
        tpu.yield
      }) : () -> ()
      %mul3A_172 = arith.constant 1024 : i32
      %mul3A_173 = arith.muli %add3A_135, %mul3A_172 : i32
      %run_scoped3A_174 = arith.constant 2 : i32
      "tpu.region"() ({
        %run_scoped3A_178 = tpu.sem_alloc : memref<!tpu.dma_semaphore, #tpu.memory_space<semaphore_mem>>
        %dma_start3A_179 = arith.constant 0 : i32
        %dma_start3A_180 = tpu.memref_slice %arg13[%run_scoped3A_174, %dma_start3A_179] : memref<4x1024xf32, #tpu.memory_space<vmem>> -> memref<1x1024xf32, #tpu.memory_space<vmem>>
        %dma_start3A_181 = tpu.memref_squeeze %dma_start3A_180 : memref<1x1024xf32, #tpu.memory_space<vmem>> -> memref<1024xf32, #tpu.memory_space<vmem>>
        %dma_start3A_182 = tpu.memref_slice %arg7[%mul3A_173] : memref<1048576xf32, #tpu.memory_space<hbm>> -> memref<1024xf32, #tpu.memory_space<hbm>>
        %dma_start3A_183 = tpu.memref_slice %arg7[%mul3A_173] : memref<1048576xf32, #tpu.memory_space<hbm>> -> memref<1024xf32, #tpu.memory_space<hbm>>
        %dma_start3A_184 = arith.constant 0 : i32
        %dma_start3A_185 = tpu.memref_slice %arg13[%run_scoped3A_174, %dma_start3A_184] : memref<4x1024xf32, #tpu.memory_space<vmem>> -> memref<1x1024xf32, #tpu.memory_space<vmem>>
        %dma_start3A_186 = tpu.memref_squeeze %dma_start3A_185 : memref<1x1024xf32, #tpu.memory_space<vmem>> -> memref<1024xf32, #tpu.memory_space<vmem>>
        tpu.enqueue_dma source(%dma_start3A_186 : memref<1024xf32, #tpu.memory_space<vmem>>) target(%dma_start3A_183 : memref<1024xf32, #tpu.memory_space<hbm>>) target_semaphore(%run_scoped3A_178 : memref<!tpu.dma_semaphore, #tpu.memory_space<semaphore_mem>>)
        %dma_wait3A_187 = arith.constant 0 : i32
        %dma_wait3A_188 = tpu.memref_slice %arg13[%run_scoped3A_174, %dma_wait3A_187] : memref<4x1024xf32, #tpu.memory_space<vmem>> -> memref<1x1024xf32, #tpu.memory_space<vmem>>
        %dma_wait3A_189 = tpu.memref_squeeze %dma_wait3A_188 : memref<1x1024xf32, #tpu.memory_space<vmem>> -> memref<1024xf32, #tpu.memory_space<vmem>>
        %dma_wait3A_190 = tpu.memref_slice %arg7[%mul3A_173] : memref<1048576xf32, #tpu.memory_space<hbm>> -> memref<1024xf32, #tpu.memory_space<hbm>>
        %dma_wait3A_191 = tpu.memref_slice %arg7[%mul3A_173] : memref<1048576xf32, #tpu.memory_space<hbm>> -> memref<1024xf32, #tpu.memory_space<hbm>>
        %dma_wait3A_192 = arith.constant 0 : i32
        %dma_wait3A_193 = tpu.memref_slice %arg13[%run_scoped3A_174, %dma_wait3A_192] : memref<4x1024xf32, #tpu.memory_space<vmem>> -> memref<1x1024xf32, #tpu.memory_space<vmem>>
        %dma_wait3A_194 = tpu.memref_squeeze %dma_wait3A_193 : memref<1x1024xf32, #tpu.memory_space<vmem>> -> memref<1024xf32, #tpu.memory_space<vmem>>
        tpu.wait_dma2 semaphore(%run_scoped3A_178 : memref<!tpu.dma_semaphore, #tpu.memory_space<semaphore_mem>>) src(%dma_wait3A_194 : memref<1024xf32, #tpu.memory_space<vmem>>) dst(%dma_wait3A_191 : memref<1024xf32, #tpu.memory_space<hbm>>)
        tpu.yield
      }) : () -> ()
      %mul3A_175 = arith.constant 1024 : i32
      %mul3A_176 = arith.muli %add3A_135, %mul3A_175 : i32
      %run_scoped3A_177 = arith.constant 3 : i32
      "tpu.region"() ({
        %run_scoped3A_178 = tpu.sem_alloc : memref<!tpu.dma_semaphore, #tpu.memory_space<semaphore_mem>>
        %dma_start3A_179 = arith.constant 0 : i32
        %dma_start3A_180 = tpu.memref_slice %arg13[%run_scoped3A_177, %dma_start3A_179] : memref<4x1024xf32, #tpu.memory_space<vmem>> -> memref<1x1024xf32, #tpu.memory_space<vmem>>
        %dma_start3A_181 = tpu.memref_squeeze %dma_start3A_180 : memref<1x1024xf32, #tpu.memory_space<vmem>> -> memref<1024xf32, #tpu.memory_space<vmem>>
        %dma_start3A_182 = tpu.memref_slice %arg8[%mul3A_176] : memref<1048576xf32, #tpu.memory_space<hbm>> -> memref<1024xf32, #tpu.memory_space<hbm>>
        %dma_start3A_183 = tpu.memref_slice %arg8[%mul3A_176] : memref<1048576xf32, #tpu.memory_space<hbm>> -> memref<1024xf32, #tpu.memory_space<hbm>>
        %dma_start3A_184 = arith.constant 0 : i32
        %dma_start3A_185 = tpu.memref_slice %arg13[%run_scoped3A_177, %dma_start3A_184] : memref<4x1024xf32, #tpu.memory_space<vmem>> -> memref<1x1024xf32, #tpu.memory_space<vmem>>
        %dma_start3A_186 = tpu.memref_squeeze %dma_start3A_185 : memref<1x1024xf32, #tpu.memory_space<vmem>> -> memref<1024xf32, #tpu.memory_space<vmem>>
        tpu.enqueue_dma source(%dma_start3A_186 : memref<1024xf32, #tpu.memory_space<vmem>>) target(%dma_start3A_183 : memref<1024xf32, #tpu.memory_space<hbm>>) target_semaphore(%run_scoped3A_178 : memref<!tpu.dma_semaphore, #tpu.memory_space<semaphore_mem>>)
        %dma_wait3A_187 = arith.constant 0 : i32
        %dma_wait3A_188 = tpu.memref_slice %arg13[%run_scoped3A_177, %dma_wait3A_187] : memref<4x1024xf32, #tpu.memory_space<vmem>> -> memref<1x1024xf32, #tpu.memory_space<vmem>>
        %dma_wait3A_189 = tpu.memref_squeeze %dma_wait3A_188 : memref<1x1024xf32, #tpu.memory_space<vmem>> -> memref<1024xf32, #tpu.memory_space<vmem>>
        %dma_wait3A_190 = tpu.memref_slice %arg8[%mul3A_176] : memref<1048576xf32, #tpu.memory_space<hbm>> -> memref<1024xf32, #tpu.memory_space<hbm>>
        %dma_wait3A_191 = tpu.memref_slice %arg8[%mul3A_176] : memref<1048576xf32, #tpu.memory_space<hbm>> -> memref<1024xf32, #tpu.memory_space<hbm>>
        %dma_wait3A_192 = arith.constant 0 : i32
        %dma_wait3A_193 = tpu.memref_slice %arg13[%run_scoped3A_177, %dma_wait3A_192] : memref<4x1024xf32, #tpu.memory_space<vmem>> -> memref<1x1024xf32, #tpu.memory_space<vmem>>
        %dma_wait3A_194 = tpu.memref_squeeze %dma_wait3A_193 : memref<1x1024xf32, #tpu.memory_space<vmem>> -> memref<1024xf32, #tpu.memory_space<vmem>>
        tpu.wait_dma2 semaphore(%run_scoped3A_178 : memref<!tpu.dma_semaphore, #tpu.memory_space<semaphore_mem>>) src(%dma_wait3A_194 : memref<1024xf32, #tpu.memory_space<vmem>>) dst(%dma_wait3A_191 : memref<1024xf32, #tpu.memory_space<hbm>>)
        tpu.yield
      }) : () -> ()
    }
    %scan3A_82 = arith.constant 16 : i32
    return
  }
}

module attributes {stable_mosaic.version = 14 : i64} {
  func.func @_softplus_body(%arg0: i32, %arg1: memref<512x128xf32, #tpu.memory_space<vmem>>, %arg2: memref<512x128xf32, #tpu.memory_space<vmem>>) attributes {dimension_semantics = [#tpu.dimension_semantics<arbitrary>], iteration_bounds = array<i64: 32>, scalar_prefetch = 0 : i64, scratch_operands = 0 : i64, tpu.core_type = #tpu.core_type<tc>, window_params = [{transform_indices = @transform_0, window_bounds = array<i64: 512, 128>}, {transform_indices = @transform_1, window_bounds = array<i64: 512, 128>}]} {
    %get3A = arith.constant 0 : index
    %get3A_0 = arith.constant 0 : index
    %get3A_1 = vector.load %arg1[%get3A, %get3A_0] : memref<512x128xf32, #tpu.memory_space<vmem>>, vector<512x128xf32>
    %custom_jvp_call3A = arith.constant 0.000000e+00 : f32
    %max3A = vector.broadcast %custom_jvp_call3A : f32 to vector<512x128xf32>
    %max3A_2 = arith.maximumf %get3A_1, %max3A : vector<512x128xf32>
    %sub3A = vector.broadcast %custom_jvp_call3A : f32 to vector<512x128xf32>
    %sub3A_3 = arith.subf %get3A_1, %sub3A : vector<512x128xf32>
    %ne3A = arith.cmpf one, %sub3A_3, %sub3A_3 : vector<512x128xf32>
    %add3A = vector.broadcast %custom_jvp_call3A : f32 to vector<512x128xf32>
    %add3A_4 = arith.addf %get3A_1, %add3A : vector<512x128xf32>
    %abs3A = math.absf %sub3A_3 : vector<512x128xf32>
    %neg3A = arith.constant 0.000000e+00 : f32
    %neg3A_5 = vector.broadcast %neg3A : f32 to vector<512x128xf32>
    %neg3A_6 = arith.subf %neg3A_5, %abs3A : vector<512x128xf32>
    %exp3A = math.exp %neg3A_6 : vector<512x128xf32>
    %log1p3A = math.log1p %exp3A : vector<512x128xf32>
    %add3A_7 = arith.addf %max3A_2, %log1p3A : vector<512x128xf32>
    %select_n3A = arith.select %ne3A, %add3A_4, %add3A_7 : vector<512x128xi1>, vector<512x128xf32>
    %swap3A = arith.constant 0 : index
    %swap3A_8 = arith.constant 0 : index
    %swap3A_9 = vector.load %arg2[%swap3A, %swap3A_8] : memref<512x128xf32, #tpu.memory_space<vmem>>, vector<512x128xf32>
    tpu.vector_store %arg2[%swap3A, %swap3A_8], %select_n3A {strides = array<i32>} : memref<512x128xf32, #tpu.memory_space<vmem>>, vector<512x128xf32>,
    return
  }
  func.func @transform_0(%arg0: i32) -> (i32, i32) {
    %c0_i32 = arith.constant 0 : i32
    %c0_i32_0 = arith.constant 0 : i32
    return %arg0, %c0_i32 : i32, i32
  }
  func.func @transform_1(%arg0: i32) -> (i32, i32) {
    %c0_i32 = arith.constant 0 : i32
    %c0_i32_0 = arith.constant 0 : i32
    return %arg0, %c0_i32 : i32, i32
  }
}

module attributes {stable_mosaic.version = 14 : i64} {
  func.func @_sigmoid_body(%arg0: i32, %arg1: memref<512x128xf32, #tpu.memory_space<vmem>>, %arg2: memref<512x128xf32, #tpu.memory_space<vmem>>) attributes {dimension_semantics = [#tpu.dimension_semantics<arbitrary>], iteration_bounds = array<i64: 96>, scalar_prefetch = 0 : i64, scratch_operands = 0 : i64, tpu.core_type = #tpu.core_type<tc>, window_params = [{transform_indices = @transform_0, window_bounds = array<i64: 512, 128>}, {transform_indices = @transform_1, window_bounds = array<i64: 512, 128>}]} {
    %get3A = arith.constant 0 : index
    %get3A_0 = arith.constant 0 : index
    %get3A_1 = vector.load %arg1[%get3A, %get3A_0] : memref<512x128xf32, #tpu.memory_space<vmem>>, vector<512x128xf32>
    %logistic3A = arith.negf %get3A_1 : vector<512x128xf32>
    %logistic3A_2 = math.exp %logistic3A : vector<512x128xf32>
    %logistic3A_3 = arith.constant 1.000000e+00 : f32
    %logistic3A_4 = vector.broadcast %logistic3A_3 : f32 to vector<512x128xf32>
    %logistic3A_5 = arith.addf %logistic3A_4, %logistic3A_2 : vector<512x128xf32>
    %logistic3A_6 = arith.divf %logistic3A_4, %logistic3A_5 : vector<512x128xf32>
    %swap3A = arith.constant 0 : index
    %swap3A_7 = arith.constant 0 : index
    %swap3A_8 = vector.load %arg2[%swap3A, %swap3A_7] : memref<512x128xf32, #tpu.memory_space<vmem>>, vector<512x128xf32>
    tpu.vector_store %arg2[%swap3A, %swap3A_7], %logistic3A_6 {strides = array<i32>} : memref<512x128xf32, #tpu.memory_space<vmem>>, vector<512x128xf32>,
    return
  }
  func.func @transform_0(%arg0: i32) -> (i32, i32) {
    %c0_i32 = arith.constant 0 : i32
    %c0_i32_0 = arith.constant 0 : i32
    return %arg0, %c0_i32 : i32, i32
  }
  func.func @transform_1(%arg0: i32) -> (i32, i32) {
    %c0_i32 = arith.constant 0 : i32
    %c0_i32_0 = arith.constant 0 : i32
    return %arg0, %c0_i32 : i32, i32
  }
}

module attributes {stable_mosaic.version = 14 : i64} {
  func.func @_points_body(%arg0: i32, %arg1: memref<64x128xf32, #tpu.memory_space<vmem>>, %arg2: memref<64x128xf32, #tpu.memory_space<vmem>>, %arg3: memref<64x128xf32, #tpu.memory_space<vmem>>, %arg4: memref<64x128xf32, #tpu.memory_space<vmem>>, %arg5: memref<64x128xf32, #tpu.memory_space<vmem>>, %arg6: memref<64x128xf32, #tpu.memory_space<vmem>>, %arg7: memref<64x128xf32, #tpu.memory_space<vmem>>, %arg8: memref<8x2x8x128xi32, #tpu.memory_space<vmem>>, %arg9: memref<8x8x8x128xf32, #tpu.memory_space<vmem>>) attributes {dimension_semantics = [#tpu.dimension_semantics<arbitrary>], iteration_bounds = array<i64: 128>, scalar_prefetch = 0 : i64, scratch_operands = 0 : i64, tpu.core_type = #tpu.core_type<tc>, window_params = [{transform_indices = @transform_0, window_bounds = array<i64: 64, 128>}, {transform_indices = @transform_1, window_bounds = array<i64: 64, 128>}, {transform_indices = @transform_2, window_bounds = array<i64: 64, 128>}, {transform_indices = @transform_3, window_bounds = array<i64: 64, 128>}, {transform_indices = @transform_4, window_bounds = array<i64: 64, 128>}, {transform_indices = @transform_5, window_bounds = array<i64: 64, 128>}, {transform_indices = @transform_6, window_bounds = array<i64: 64, 128>}, {transform_indices = @transform_7, window_bounds = array<i64: 8, 2, 8, 128>}, {transform_indices = @transform_8, window_bounds = array<i64: 8, 8, 8, 128>}]} {
    %get3A = arith.constant 0 : index
    %get3A_0 = arith.constant 0 : index
    %get3A_1 = vector.load %arg7[%get3A, %get3A_0] : memref<64x128xf32, #tpu.memory_space<vmem>>, vector<64x128xf32>
    %get3A_2 = arith.constant 0 : index
    %get3A_3 = arith.constant 0 : index
    %get3A_4 = vector.load %arg1[%get3A_2, %get3A_3] : memref<64x128xf32, #tpu.memory_space<vmem>>, vector<64x128xf32>
    %get3A_5 = arith.constant 0 : index
    %get3A_6 = arith.constant 0 : index
    %get3A_7 = vector.load %arg4[%get3A_5, %get3A_6] : memref<64x128xf32, #tpu.memory_space<vmem>>, vector<64x128xf32>
    %mul3A = arith.mulf %get3A_7, %get3A_1 : vector<64x128xf32>
    %add3A = arith.addf %get3A_4, %mul3A : vector<64x128xf32>
    %get3A_8 = arith.constant 0 : index
    %get3A_9 = arith.constant 0 : index
    %get3A_10 = vector.load %arg2[%get3A_8, %get3A_9] : memref<64x128xf32, #tpu.memory_space<vmem>>, vector<64x128xf32>
    %get3A_11 = arith.constant 0 : index
    %get3A_12 = arith.constant 0 : index
    %get3A_13 = vector.load %arg5[%get3A_11, %get3A_12] : memref<64x128xf32, #tpu.memory_space<vmem>>, vector<64x128xf32>
    %mul3A_14 = arith.mulf %get3A_13, %get3A_1 : vector<64x128xf32>
    %add3A_15 = arith.addf %get3A_10, %mul3A_14 : vector<64x128xf32>
    %get3A_16 = arith.constant 0 : index
    %get3A_17 = arith.constant 0 : index
    %get3A_18 = vector.load %arg3[%get3A_16, %get3A_17] : memref<64x128xf32, #tpu.memory_space<vmem>>, vector<64x128xf32>
    %get3A_19 = arith.constant 0 : index
    %get3A_20 = arith.constant 0 : index
    %get3A_21 = vector.load %arg6[%get3A_19, %get3A_20] : memref<64x128xf32, #tpu.memory_space<vmem>>, vector<64x128xf32>
    %mul3A_22 = arith.mulf %get3A_21, %get3A_1 : vector<64x128xf32>
    %add3A_23 = arith.addf %get3A_18, %mul3A_22 : vector<64x128xf32>
    %add3A_24 = arith.constant 1.000000e+00 : f32
    %add3A_25 = vector.broadcast %add3A_24 : f32 to vector<64x128xf32>
    %add3A_26 = arith.addf %add3A, %add3A_25 : vector<64x128xf32>
    %mul3A_27 = arith.constant 1.280000e+02 : f32
    %mul3A_28 = vector.broadcast %mul3A_27 : f32 to vector<64x128xf32>
    %mul3A_29 = arith.mulf %add3A_26, %mul3A_28 : vector<64x128xf32>
    %sub3A = arith.constant 1.000000e+00 : f32
    %sub3A_30 = vector.broadcast %sub3A : f32 to vector<64x128xf32>
    %sub3A_31 = arith.subf %mul3A_29, %sub3A_30 : vector<64x128xf32>
    %mul3A_32 = arith.constant 5.000000e-01 : f32
    %mul3A_33 = vector.broadcast %mul3A_32 : f32 to vector<64x128xf32>
    %mul3A_34 = arith.mulf %sub3A_31, %mul3A_33 : vector<64x128xf32>
    %add3A_35 = arith.constant 1.000000e+00 : f32
    %add3A_36 = vector.broadcast %add3A_35 : f32 to vector<64x128xf32>
    %add3A_37 = arith.addf %add3A_15, %add3A_36 : vector<64x128xf32>
    %mul3A_38 = arith.constant 1.280000e+02 : f32
    %mul3A_39 = vector.broadcast %mul3A_38 : f32 to vector<64x128xf32>
    %mul3A_40 = arith.mulf %add3A_37, %mul3A_39 : vector<64x128xf32>
    %sub3A_41 = arith.constant 1.000000e+00 : f32
    %sub3A_42 = vector.broadcast %sub3A_41 : f32 to vector<64x128xf32>
    %sub3A_43 = arith.subf %mul3A_40, %sub3A_42 : vector<64x128xf32>
    %mul3A_44 = arith.constant 5.000000e-01 : f32
    %mul3A_45 = vector.broadcast %mul3A_44 : f32 to vector<64x128xf32>
    %mul3A_46 = arith.mulf %sub3A_43, %mul3A_45 : vector<64x128xf32>
    %add3A_47 = arith.constant 1.000000e+00 : f32
    %add3A_48 = vector.broadcast %add3A_47 : f32 to vector<64x128xf32>
    %add3A_49 = arith.addf %add3A_23, %add3A_48 : vector<64x128xf32>
    %mul3A_50 = arith.constant 1.280000e+02 : f32
    %mul3A_51 = vector.broadcast %mul3A_50 : f32 to vector<64x128xf32>
    %mul3A_52 = arith.mulf %add3A_49, %mul3A_51 : vector<64x128xf32>
    %sub3A_53 = arith.constant 1.000000e+00 : f32
    %sub3A_54 = vector.broadcast %sub3A_53 : f32 to vector<64x128xf32>
    %sub3A_55 = arith.subf %mul3A_52, %sub3A_54 : vector<64x128xf32>
    %mul3A_56 = arith.constant 5.000000e-01 : f32
    %mul3A_57 = vector.broadcast %mul3A_56 : f32 to vector<64x128xf32>
    %mul3A_58 = arith.mulf %sub3A_55, %mul3A_57 : vector<64x128xf32>
    %floor3A = math.floor %mul3A_34 : vector<64x128xf32>
    %floor3A_59 = math.floor %mul3A_46 : vector<64x128xf32>
    %floor3A_60 = math.floor %mul3A_58 : vector<64x128xf32>
    %sub3A_61 = arith.subf %mul3A_34, %floor3A : vector<64x128xf32>
    %sub3A_62 = arith.subf %mul3A_46, %floor3A_59 : vector<64x128xf32>
    %sub3A_63 = arith.subf %mul3A_58, %floor3A_60 : vector<64x128xf32>
    %jit3A = arith.constant -1 : i32
    %jit3A_64 = arith.constant 127 : i32
    %convert_element_type3A = arith.sitofp %jit3A : i32 to f32
    %max3A = vector.broadcast %convert_element_type3A : f32 to vector<64x128xf32>
    %max3A_65 = arith.maximumf %max3A, %floor3A : vector<64x128xf32>
    %convert_element_type3A_66 = arith.sitofp %jit3A_64 : i32 to f32
    %min3A = vector.broadcast %convert_element_type3A_66 : f32 to vector<64x128xf32>
    %min3A_67 = arith.minimumf %min3A, %max3A_65 : vector<64x128xf32>
    %convert_element_type3A_68 = arith.fptosi %min3A_67 : vector<64x128xf32> to vector<64x128xi32>
    %jit3A_69 = arith.constant -1 : i32
    %jit3A_70 = arith.constant 127 : i32
    %convert_element_type3A_71 = arith.sitofp %jit3A_69 : i32 to f32
    %max3A_72 = vector.broadcast %convert_element_type3A_71 : f32 to vector<64x128xf32>
    %max3A_73 = arith.maximumf %max3A_72, %floor3A_59 : vector<64x128xf32>
    %convert_element_type3A_74 = arith.sitofp %jit3A_70 : i32 to f32
    %min3A_75 = vector.broadcast %convert_element_type3A_74 : f32 to vector<64x128xf32>
    %min3A_76 = arith.minimumf %min3A_75, %max3A_73 : vector<64x128xf32>
    %convert_element_type3A_77 = arith.fptosi %min3A_76 : vector<64x128xf32> to vector<64x128xi32>
    %add3A_78 = arith.constant 0.000000e+00 : f32
    %add3A_79 = vector.broadcast %add3A_78 : f32 to vector<64x128xf32>
    %add3A_80 = arith.addf %floor3A_60, %add3A_79 : vector<64x128xf32>
    %jit3A_81 = arith.constant 0 : i32
    %jit3A_82 = arith.constant 127 : i32
    %convert_element_type3A_83 = arith.sitofp %jit3A_81 : i32 to f32
    %max3A_84 = vector.broadcast %convert_element_type3A_83 : f32 to vector<64x128xf32>
    %max3A_85 = arith.maximumf %max3A_84, %add3A_80 : vector<64x128xf32>
    %convert_element_type3A_86 = arith.sitofp %jit3A_82 : i32 to f32
    %min3A_87 = vector.broadcast %convert_element_type3A_86 : f32 to vector<64x128xf32>
    %min3A_88 = arith.minimumf %min3A_87, %max3A_85 : vector<64x128xf32>
    %convert_element_type3A_89 = arith.fptosi %min3A_88 : vector<64x128xf32> to vector<64x128xi32>
    %mul3A_90 = arith.constant 128 : i32
    %mul3A_91 = vector.broadcast %mul3A_90 : i32 to vector<64x128xi32>
    %mul3A_92 = arith.muli %convert_element_type3A_89, %mul3A_91 : vector<64x128xi32>
    %add3A_93 = arith.addi %mul3A_92, %convert_element_type3A_77 : vector<64x128xi32>
    %mul3A_94 = arith.constant 128 : i32
    %mul3A_95 = vector.broadcast %mul3A_94 : i32 to vector<64x128xi32>
    %mul3A_96 = arith.muli %add3A_93, %mul3A_95 : vector<64x128xi32>
    %add3A_97 = arith.addi %mul3A_96, %convert_element_type3A_68 : vector<64x128xi32>
    %add3A_98 = arith.constant 136 : i32
    %add3A_99 = vector.broadcast %add3A_98 : i32 to vector<64x128xi32>
    %add3A_100 = arith.addi %add3A_97, %add3A_99 : vector<64x128xi32>
    %reshape3A = vector.shape_cast %add3A_100 : vector<64x128xi32> to vector<8x8x128xi32>
    %swap3A = arith.constant 0 : index
    %swap3A_101 = arith.constant 0 : index
    %swap3A_102 = arith.constant 0 : index
    %swap3A_103 = arith.constant 0 : index
    %swap3A_104 = vector.load %arg8[%swap3A, %swap3A_101, %swap3A_102, %swap3A_103] : memref<8x2x8x128xi32, #tpu.memory_space<vmem>>, vector<8x1x8x128xi32>
    %swap3A_105 = vector.shape_cast %swap3A_104 : vector<8x1x8x128xi32> to vector<8x8x128xi32>
    %swap3A_106 = vector.shape_cast %reshape3A : vector<8x8x128xi32> to vector<8x1x8x128xi32>
    tpu.vector_store %arg8[%swap3A, %swap3A_101, %swap3A_102, %swap3A_103], %swap3A_106 {strides = array<i32>} : memref<8x2x8x128xi32, #tpu.memory_space<vmem>>, vector<8x1x8x128xi32>,
    %add3A_107 = arith.constant 1.000000e+00 : f32
    %add3A_108 = vector.broadcast %add3A_107 : f32 to vector<64x128xf32>
    %add3A_109 = arith.addf %floor3A_60, %add3A_108 : vector<64x128xf32>
    %jit3A_110 = arith.constant 0 : i32
    %jit3A_111 = arith.constant 127 : i32
    %convert_element_type3A_112 = arith.sitofp %jit3A_110 : i32 to f32
    %max3A_113 = vector.broadcast %convert_element_type3A_112 : f32 to vector<64x128xf32>
    %max3A_114 = arith.maximumf %max3A_113, %add3A_109 : vector<64x128xf32>
    %convert_element_type3A_115 = arith.sitofp %jit3A_111 : i32 to f32
    %min3A_116 = vector.broadcast %convert_element_type3A_115 : f32 to vector<64x128xf32>
    %min3A_117 = arith.minimumf %min3A_116, %max3A_114 : vector<64x128xf32>
    %convert_element_type3A_118 = arith.fptosi %min3A_117 : vector<64x128xf32> to vector<64x128xi32>
    %mul3A_119 = arith.constant 128 : i32
    %mul3A_120 = vector.broadcast %mul3A_119 : i32 to vector<64x128xi32>
    %mul3A_121 = arith.muli %convert_element_type3A_118, %mul3A_120 : vector<64x128xi32>
    %add3A_122 = arith.addi %mul3A_121, %convert_element_type3A_77 : vector<64x128xi32>
    %mul3A_123 = arith.constant 128 : i32
    %mul3A_124 = vector.broadcast %mul3A_123 : i32 to vector<64x128xi32>
    %mul3A_125 = arith.muli %add3A_122, %mul3A_124 : vector<64x128xi32>
    %add3A_126 = arith.addi %mul3A_125, %convert_element_type3A_68 : vector<64x128xi32>
    %add3A_127 = arith.constant 136 : i32
    %add3A_128 = vector.broadcast %add3A_127 : i32 to vector<64x128xi32>
    %add3A_129 = arith.addi %add3A_126, %add3A_128 : vector<64x128xi32>
    %reshape3A_130 = vector.shape_cast %add3A_129 : vector<64x128xi32> to vector<8x8x128xi32>
    %swap3A_131 = arith.constant 0 : index
    %swap3A_132 = arith.constant 1 : index
    %swap3A_133 = arith.constant 0 : index
    %swap3A_134 = arith.constant 0 : index
    %swap3A_135 = vector.load %arg8[%swap3A_131, %swap3A_132, %swap3A_133, %swap3A_134] : memref<8x2x8x128xi32, #tpu.memory_space<vmem>>, vector<8x1x8x128xi32>
    %swap3A_136 = vector.shape_cast %swap3A_135 : vector<8x1x8x128xi32> to vector<8x8x128xi32>
    %swap3A_137 = vector.shape_cast %reshape3A_130 : vector<8x8x128xi32> to vector<8x1x8x128xi32>
    tpu.vector_store %arg8[%swap3A_131, %swap3A_132, %swap3A_133, %swap3A_134], %swap3A_137 {strides = array<i32>} : memref<8x2x8x128xi32, #tpu.memory_space<vmem>>, vector<8x1x8x128xi32>,
    %add3A_138 = arith.constant 0.000000e+00 : f32
    %add3A_139 = vector.broadcast %add3A_138 : f32 to vector<64x128xf32>
    %add3A_140 = arith.addf %floor3A_60, %add3A_139 : vector<64x128xf32>
    %add3A_141 = arith.constant 0.000000e+00 : f32
    %add3A_142 = vector.broadcast %add3A_141 : f32 to vector<64x128xf32>
    %add3A_143 = arith.addf %floor3A_59, %add3A_142 : vector<64x128xf32>
    %add3A_144 = arith.constant 0.000000e+00 : f32
    %add3A_145 = vector.broadcast %add3A_144 : f32 to vector<64x128xf32>
    %add3A_146 = arith.addf %floor3A, %add3A_145 : vector<64x128xf32>
    %sub3A_147 = arith.constant 1.000000e+00 : f32
    %sub3A_148 = vector.broadcast %sub3A_147 : f32 to vector<64x128xf32>
    %sub3A_149 = arith.subf %sub3A_148, %sub3A_63 : vector<64x128xf32>
    %sub3A_150 = arith.constant 1.000000e+00 : f32
    %sub3A_151 = vector.broadcast %sub3A_150 : f32 to vector<64x128xf32>
    %sub3A_152 = arith.subf %sub3A_151, %sub3A_62 : vector<64x128xf32>
    %sub3A_153 = arith.constant 1.000000e+00 : f32
    %sub3A_154 = vector.broadcast %sub3A_153 : f32 to vector<64x128xf32>
    %sub3A_155 = arith.subf %sub3A_154, %sub3A_61 : vector<64x128xf32>
    %ge3A = arith.constant 0.000000e+00 : f32
    %ge3A_156 = vector.broadcast %ge3A : f32 to vector<64x128xf32>
    %ge3A_157 = arith.cmpf oge, %add3A_146, %ge3A_156 : vector<64x128xf32>
    %lt3A = arith.constant 1.280000e+02 : f32
    %lt3A_158 = vector.broadcast %lt3A : f32 to vector<64x128xf32>
    %lt3A_159 = arith.cmpf olt, %add3A_146, %lt3A_158 : vector<64x128xf32>
    %and3A = arith.andi %ge3A_157, %lt3A_159 : vector<64x128xi1>
    %ge3A_160 = arith.constant 0.000000e+00 : f32
    %ge3A_161 = vector.broadcast %ge3A_160 : f32 to vector<64x128xf32>
    %ge3A_162 = arith.cmpf oge, %add3A_143, %ge3A_161 : vector<64x128xf32>
    %and3A_163 = arith.andi %and3A, %ge3A_162 : vector<64x128xi1>
    %lt3A_164 = arith.constant 1.280000e+02 : f32
    %lt3A_165 = vector.broadcast %lt3A_164 : f32 to vector<64x128xf32>
    %lt3A_166 = arith.cmpf olt, %add3A_143, %lt3A_165 : vector<64x128xf32>
    %and3A_167 = arith.andi %and3A_163, %lt3A_166 : vector<64x128xi1>
    %ge3A_168 = arith.constant 0.000000e+00 : f32
    %ge3A_169 = vector.broadcast %ge3A_168 : f32 to vector<64x128xf32>
    %ge3A_170 = arith.cmpf oge, %add3A_140, %ge3A_169 : vector<64x128xf32>
    %and3A_171 = arith.andi %and3A_167, %ge3A_170 : vector<64x128xi1>
    %lt3A_172 = arith.constant 1.280000e+02 : f32
    %lt3A_173 = vector.broadcast %lt3A_172 : f32 to vector<64x128xf32>
    %lt3A_174 = arith.cmpf olt, %add3A_140, %lt3A_173 : vector<64x128xf32>
    %and3A_175 = arith.andi %and3A_171, %lt3A_174 : vector<64x128xi1>
    %mul3A_176 = arith.mulf %sub3A_155, %sub3A_152 : vector<64x128xf32>
    %mul3A_177 = arith.mulf %mul3A_176, %sub3A_149 : vector<64x128xf32>
    %jit3A_178 = arith.constant 0.000000e+00 : f32
    %broadcast_in_dim3A = vector.broadcast %jit3A_178 : f32 to vector<64x128xf32>
    %select_n3A = arith.select %and3A_175, %mul3A_177, %broadcast_in_dim3A : vector<64x128xi1>, vector<64x128xf32>
    %reshape3A_179 = vector.shape_cast %select_n3A : vector<64x128xf32> to vector<8x8x128xf32>
    %swap3A_180 = arith.constant 0 : index
    %swap3A_181 = arith.constant 0 : index
    %swap3A_182 = arith.constant 0 : index
    %swap3A_183 = arith.constant 0 : index
    %swap3A_184 = vector.load %arg9[%swap3A_180, %swap3A_181, %swap3A_182, %swap3A_183] : memref<8x8x8x128xf32, #tpu.memory_space<vmem>>, vector<8x1x8x128xf32>
    %swap3A_185 = vector.shape_cast %swap3A_184 : vector<8x1x8x128xf32> to vector<8x8x128xf32>
    %swap3A_186 = vector.shape_cast %reshape3A_179 : vector<8x8x128xf32> to vector<8x1x8x128xf32>
    tpu.vector_store %arg9[%swap3A_180, %swap3A_181, %swap3A_182, %swap3A_183], %swap3A_186 {strides = array<i32>} : memref<8x8x8x128xf32, #tpu.memory_space<vmem>>, vector<8x1x8x128xf32>,
    %add3A_187 = arith.constant 0.000000e+00 : f32
    %add3A_188 = vector.broadcast %add3A_187 : f32 to vector<64x128xf32>
    %add3A_189 = arith.addf %floor3A_60, %add3A_188 : vector<64x128xf32>
    %add3A_190 = arith.constant 0.000000e+00 : f32
    %add3A_191 = vector.broadcast %add3A_190 : f32 to vector<64x128xf32>
    %add3A_192 = arith.addf %floor3A_59, %add3A_191 : vector<64x128xf32>
    %add3A_193 = arith.constant 1.000000e+00 : f32
    %add3A_194 = vector.broadcast %add3A_193 : f32 to vector<64x128xf32>
    %add3A_195 = arith.addf %floor3A, %add3A_194 : vector<64x128xf32>
    %sub3A_196 = arith.constant 1.000000e+00 : f32
    %sub3A_197 = vector.broadcast %sub3A_196 : f32 to vector<64x128xf32>
    %sub3A_198 = arith.subf %sub3A_197, %sub3A_63 : vector<64x128xf32>
    %sub3A_199 = arith.constant 1.000000e+00 : f32
    %sub3A_200 = vector.broadcast %sub3A_199 : f32 to vector<64x128xf32>
    %sub3A_201 = arith.subf %sub3A_200, %sub3A_62 : vector<64x128xf32>
    %ge3A_202 = arith.constant 0.000000e+00 : f32
    %ge3A_203 = vector.broadcast %ge3A_202 : f32 to vector<64x128xf32>
    %ge3A_204 = arith.cmpf oge, %add3A_195, %ge3A_203 : vector<64x128xf32>
    %lt3A_205 = arith.constant 1.280000e+02 : f32
    %lt3A_206 = vector.broadcast %lt3A_205 : f32 to vector<64x128xf32>
    %lt3A_207 = arith.cmpf olt, %add3A_195, %lt3A_206 : vector<64x128xf32>
    %and3A_208 = arith.andi %ge3A_204, %lt3A_207 : vector<64x128xi1>
    %ge3A_209 = arith.constant 0.000000e+00 : f32
    %ge3A_210 = vector.broadcast %ge3A_209 : f32 to vector<64x128xf32>
    %ge3A_211 = arith.cmpf oge, %add3A_192, %ge3A_210 : vector<64x128xf32>
    %and3A_212 = arith.andi %and3A_208, %ge3A_211 : vector<64x128xi1>
    %lt3A_213 = arith.constant 1.280000e+02 : f32
    %lt3A_214 = vector.broadcast %lt3A_213 : f32 to vector<64x128xf32>
    %lt3A_215 = arith.cmpf olt, %add3A_192, %lt3A_214 : vector<64x128xf32>
    %and3A_216 = arith.andi %and3A_212, %lt3A_215 : vector<64x128xi1>
    %ge3A_217 = arith.constant 0.000000e+00 : f32
    %ge3A_218 = vector.broadcast %ge3A_217 : f32 to vector<64x128xf32>
    %ge3A_219 = arith.cmpf oge, %add3A_189, %ge3A_218 : vector<64x128xf32>
    %and3A_220 = arith.andi %and3A_216, %ge3A_219 : vector<64x128xi1>
    %lt3A_221 = arith.constant 1.280000e+02 : f32
    %lt3A_222 = vector.broadcast %lt3A_221 : f32 to vector<64x128xf32>
    %lt3A_223 = arith.cmpf olt, %add3A_189, %lt3A_222 : vector<64x128xf32>
    %and3A_224 = arith.andi %and3A_220, %lt3A_223 : vector<64x128xi1>
    %mul3A_225 = arith.mulf %sub3A_61, %sub3A_201 : vector<64x128xf32>
    %mul3A_226 = arith.mulf %mul3A_225, %sub3A_198 : vector<64x128xf32>
    %jit3A_227 = arith.constant 0.000000e+00 : f32
    %broadcast_in_dim3A_228 = vector.broadcast %jit3A_227 : f32 to vector<64x128xf32>
    %select_n3A_229 = arith.select %and3A_224, %mul3A_226, %broadcast_in_dim3A_228 : vector<64x128xi1>, vector<64x128xf32>
    %reshape3A_230 = vector.shape_cast %select_n3A_229 : vector<64x128xf32> to vector<8x8x128xf32>
    %swap3A_231 = arith.constant 0 : index
    %swap3A_232 = arith.constant 1 : index
    %swap3A_233 = arith.constant 0 : index
    %swap3A_234 = arith.constant 0 : index
    %swap3A_235 = vector.load %arg9[%swap3A_231, %swap3A_232, %swap3A_233, %swap3A_234] : memref<8x8x8x128xf32, #tpu.memory_space<vmem>>, vector<8x1x8x128xf32>
    %swap3A_236 = vector.shape_cast %swap3A_235 : vector<8x1x8x128xf32> to vector<8x8x128xf32>
    %swap3A_237 = vector.shape_cast %reshape3A_230 : vector<8x8x128xf32> to vector<8x1x8x128xf32>
    tpu.vector_store %arg9[%swap3A_231, %swap3A_232, %swap3A_233, %swap3A_234], %swap3A_237 {strides = array<i32>} : memref<8x8x8x128xf32, #tpu.memory_space<vmem>>, vector<8x1x8x128xf32>,
    %add3A_238 = arith.constant 0.000000e+00 : f32
    %add3A_239 = vector.broadcast %add3A_238 : f32 to vector<64x128xf32>
    %add3A_240 = arith.addf %floor3A_60, %add3A_239 : vector<64x128xf32>
    %add3A_241 = arith.constant 1.000000e+00 : f32
    %add3A_242 = vector.broadcast %add3A_241 : f32 to vector<64x128xf32>
    %add3A_243 = arith.addf %floor3A_59, %add3A_242 : vector<64x128xf32>
    %add3A_244 = arith.constant 0.000000e+00 : f32
    %add3A_245 = vector.broadcast %add3A_244 : f32 to vector<64x128xf32>
    %add3A_246 = arith.addf %floor3A, %add3A_245 : vector<64x128xf32>
    %sub3A_247 = arith.constant 1.000000e+00 : f32
    %sub3A_248 = vector.broadcast %sub3A_247 : f32 to vector<64x128xf32>
    %sub3A_249 = arith.subf %sub3A_248, %sub3A_63 : vector<64x128xf32>
    %sub3A_250 = arith.constant 1.000000e+00 : f32
    %sub3A_251 = vector.broadcast %sub3A_250 : f32 to vector<64x128xf32>
    %sub3A_252 = arith.subf %sub3A_251, %sub3A_61 : vector<64x128xf32>
    %ge3A_253 = arith.constant 0.000000e+00 : f32
    %ge3A_254 = vector.broadcast %ge3A_253 : f32 to vector<64x128xf32>
    %ge3A_255 = arith.cmpf oge, %add3A_246, %ge3A_254 : vector<64x128xf32>
    %lt3A_256 = arith.constant 1.280000e+02 : f32
    %lt3A_257 = vector.broadcast %lt3A_256 : f32 to vector<64x128xf32>
    %lt3A_258 = arith.cmpf olt, %add3A_246, %lt3A_257 : vector<64x128xf32>
    %and3A_259 = arith.andi %ge3A_255, %lt3A_258 : vector<64x128xi1>
    %ge3A_260 = arith.constant 0.000000e+00 : f32
    %ge3A_261 = vector.broadcast %ge3A_260 : f32 to vector<64x128xf32>
    %ge3A_262 = arith.cmpf oge, %add3A_243, %ge3A_261 : vector<64x128xf32>
    %and3A_263 = arith.andi %and3A_259, %ge3A_262 : vector<64x128xi1>
    %lt3A_264 = arith.constant 1.280000e+02 : f32
    %lt3A_265 = vector.broadcast %lt3A_264 : f32 to vector<64x128xf32>
    %lt3A_266 = arith.cmpf olt, %add3A_243, %lt3A_265 : vector<64x128xf32>
    %and3A_267 = arith.andi %and3A_263, %lt3A_266 : vector<64x128xi1>
    %ge3A_268 = arith.constant 0.000000e+00 : f32
    %ge3A_269 = vector.broadcast %ge3A_268 : f32 to vector<64x128xf32>
    %ge3A_270 = arith.cmpf oge, %add3A_240, %ge3A_269 : vector<64x128xf32>
    %and3A_271 = arith.andi %and3A_267, %ge3A_270 : vector<64x128xi1>
    %lt3A_272 = arith.constant 1.280000e+02 : f32
    %lt3A_273 = vector.broadcast %lt3A_272 : f32 to vector<64x128xf32>
    %lt3A_274 = arith.cmpf olt, %add3A_240, %lt3A_273 : vector<64x128xf32>
    %and3A_275 = arith.andi %and3A_271, %lt3A_274 : vector<64x128xi1>
    %mul3A_276 = arith.mulf %sub3A_252, %sub3A_62 : vector<64x128xf32>
    %mul3A_277 = arith.mulf %mul3A_276, %sub3A_249 : vector<64x128xf32>
    %jit3A_278 = arith.constant 0.000000e+00 : f32
    %broadcast_in_dim3A_279 = vector.broadcast %jit3A_278 : f32 to vector<64x128xf32>
    %select_n3A_280 = arith.select %and3A_275, %mul3A_277, %broadcast_in_dim3A_279 : vector<64x128xi1>, vector<64x128xf32>
    %reshape3A_281 = vector.shape_cast %select_n3A_280 : vector<64x128xf32> to vector<8x8x128xf32>
    %swap3A_282 = arith.constant 0 : index
    %swap3A_283 = arith.constant 2 : index
    %swap3A_284 = arith.constant 0 : index
    %swap3A_285 = arith.constant 0 : index
    %swap3A_286 = vector.load %arg9[%swap3A_282, %swap3A_283, %swap3A_284, %swap3A_285] : memref<8x8x8x128xf32, #tpu.memory_space<vmem>>, vector<8x1x8x128xf32>
    %swap3A_287 = vector.shape_cast %swap3A_286 : vector<8x1x8x128xf32> to vector<8x8x128xf32>
    %swap3A_288 = vector.shape_cast %reshape3A_281 : vector<8x8x128xf32> to vector<8x1x8x128xf32>
    tpu.vector_store %arg9[%swap3A_282, %swap3A_283, %swap3A_284, %swap3A_285], %swap3A_288 {strides = array<i32>} : memref<8x8x8x128xf32, #tpu.memory_space<vmem>>, vector<8x1x8x128xf32>,
    %add3A_289 = arith.constant 0.000000e+00 : f32
    %add3A_290 = vector.broadcast %add3A_289 : f32 to vector<64x128xf32>
    %add3A_291 = arith.addf %floor3A_60, %add3A_290 : vector<64x128xf32>
    %add3A_292 = arith.constant 1.000000e+00 : f32
    %add3A_293 = vector.broadcast %add3A_292 : f32 to vector<64x128xf32>
    %add3A_294 = arith.addf %floor3A_59, %add3A_293 : vector<64x128xf32>
    %add3A_295 = arith.constant 1.000000e+00 : f32
    %add3A_296 = vector.broadcast %add3A_295 : f32 to vector<64x128xf32>
    %add3A_297 = arith.addf %floor3A, %add3A_296 : vector<64x128xf32>
    %sub3A_298 = arith.constant 1.000000e+00 : f32
    %sub3A_299 = vector.broadcast %sub3A_298 : f32 to vector<64x128xf32>
    %sub3A_300 = arith.subf %sub3A_299, %sub3A_63 : vector<64x128xf32>
    %ge3A_301 = arith.constant 0.000000e+00 : f32
    %ge3A_302 = vector.broadcast %ge3A_301 : f32 to vector<64x128xf32>
    %ge3A_303 = arith.cmpf oge, %add3A_297, %ge3A_302 : vector<64x128xf32>
    %lt3A_304 = arith.constant 1.280000e+02 : f32
    %lt3A_305 = vector.broadcast %lt3A_304 : f32 to vector<64x128xf32>
    %lt3A_306 = arith.cmpf olt, %add3A_297, %lt3A_305 : vector<64x128xf32>
    %and3A_307 = arith.andi %ge3A_303, %lt3A_306 : vector<64x128xi1>
    %ge3A_308 = arith.constant 0.000000e+00 : f32
    %ge3A_309 = vector.broadcast %ge3A_308 : f32 to vector<64x128xf32>
    %ge3A_310 = arith.cmpf oge, %add3A_294, %ge3A_309 : vector<64x128xf32>
    %and3A_311 = arith.andi %and3A_307, %ge3A_310 : vector<64x128xi1>
    %lt3A_312 = arith.constant 1.280000e+02 : f32
    %lt3A_313 = vector.broadcast %lt3A_312 : f32 to vector<64x128xf32>
    %lt3A_314 = arith.cmpf olt, %add3A_294, %lt3A_313 : vector<64x128xf32>
    %and3A_315 = arith.andi %and3A_311, %lt3A_314 : vector<64x128xi1>
    %ge3A_316 = arith.constant 0.000000e+00 : f32
    %ge3A_317 = vector.broadcast %ge3A_316 : f32 to vector<64x128xf32>
    %ge3A_318 = arith.cmpf oge, %add3A_291, %ge3A_317 : vector<64x128xf32>
    %and3A_319 = arith.andi %and3A_315, %ge3A_318 : vector<64x128xi1>
    %lt3A_320 = arith.constant 1.280000e+02 : f32
    %lt3A_321 = vector.broadcast %lt3A_320 : f32 to vector<64x128xf32>
    %lt3A_322 = arith.cmpf olt, %add3A_291, %lt3A_321 : vector<64x128xf32>
    %and3A_323 = arith.andi %and3A_319, %lt3A_322 : vector<64x128xi1>
    %mul3A_324 = arith.mulf %sub3A_61, %sub3A_62 : vector<64x128xf32>
    %mul3A_325 = arith.mulf %mul3A_324, %sub3A_300 : vector<64x128xf32>
    %jit3A_326 = arith.constant 0.000000e+00 : f32
    %broadcast_in_dim3A_327 = vector.broadcast %jit3A_326 : f32 to vector<64x128xf32>
    %select_n3A_328 = arith.select %and3A_323, %mul3A_325, %broadcast_in_dim3A_327 : vector<64x128xi1>, vector<64x128xf32>
    %reshape3A_329 = vector.shape_cast %select_n3A_328 : vector<64x128xf32> to vector<8x8x128xf32>
    %swap3A_330 = arith.constant 0 : index
    %swap3A_331 = arith.constant 3 : index
    %swap3A_332 = arith.constant 0 : index
    %swap3A_333 = arith.constant 0 : index
    %swap3A_334 = vector.load %arg9[%swap3A_330, %swap3A_331, %swap3A_332, %swap3A_333] : memref<8x8x8x128xf32, #tpu.memory_space<vmem>>, vector<8x1x8x128xf32>
    %swap3A_335 = vector.shape_cast %swap3A_334 : vector<8x1x8x128xf32> to vector<8x8x128xf32>
    %swap3A_336 = vector.shape_cast %reshape3A_329 : vector<8x8x128xf32> to vector<8x1x8x128xf32>
    tpu.vector_store %arg9[%swap3A_330, %swap3A_331, %swap3A_332, %swap3A_333], %swap3A_336 {strides = array<i32>} : memref<8x8x8x128xf32, #tpu.memory_space<vmem>>, vector<8x1x8x128xf32>,
    %add3A_337 = arith.constant 1.000000e+00 : f32
    %add3A_338 = vector.broadcast %add3A_337 : f32 to vector<64x128xf32>
    %add3A_339 = arith.addf %floor3A_60, %add3A_338 : vector<64x128xf32>
    %add3A_340 = arith.constant 0.000000e+00 : f32
    %add3A_341 = vector.broadcast %add3A_340 : f32 to vector<64x128xf32>
    %add3A_342 = arith.addf %floor3A_59, %add3A_341 : vector<64x128xf32>
    %add3A_343 = arith.constant 0.000000e+00 : f32
    %add3A_344 = vector.broadcast %add3A_343 : f32 to vector<64x128xf32>
    %add3A_345 = arith.addf %floor3A, %add3A_344 : vector<64x128xf32>
    %sub3A_346 = arith.constant 1.000000e+00 : f32
    %sub3A_347 = vector.broadcast %sub3A_346 : f32 to vector<64x128xf32>
    %sub3A_348 = arith.subf %sub3A_347, %sub3A_62 : vector<64x128xf32>
    %sub3A_349 = arith.constant 1.000000e+00 : f32
    %sub3A_350 = vector.broadcast %sub3A_349 : f32 to vector<64x128xf32>
    %sub3A_351 = arith.subf %sub3A_350, %sub3A_61 : vector<64x128xf32>
    %ge3A_352 = arith.constant 0.000000e+00 : f32
    %ge3A_353 = vector.broadcast %ge3A_352 : f32 to vector<64x128xf32>
    %ge3A_354 = arith.cmpf oge, %add3A_345, %ge3A_353 : vector<64x128xf32>
    %lt3A_355 = arith.constant 1.280000e+02 : f32
    %lt3A_356 = vector.broadcast %lt3A_355 : f32 to vector<64x128xf32>
    %lt3A_357 = arith.cmpf olt, %add3A_345, %lt3A_356 : vector<64x128xf32>
    %and3A_358 = arith.andi %ge3A_354, %lt3A_357 : vector<64x128xi1>
    %ge3A_359 = arith.constant 0.000000e+00 : f32
    %ge3A_360 = vector.broadcast %ge3A_359 : f32 to vector<64x128xf32>
    %ge3A_361 = arith.cmpf oge, %add3A_342, %ge3A_360 : vector<64x128xf32>
    %and3A_362 = arith.andi %and3A_358, %ge3A_361 : vector<64x128xi1>
    %lt3A_363 = arith.constant 1.280000e+02 : f32
    %lt3A_364 = vector.broadcast %lt3A_363 : f32 to vector<64x128xf32>
    %lt3A_365 = arith.cmpf olt, %add3A_342, %lt3A_364 : vector<64x128xf32>
    %and3A_366 = arith.andi %and3A_362, %lt3A_365 : vector<64x128xi1>
    %ge3A_367 = arith.constant 0.000000e+00 : f32
    %ge3A_368 = vector.broadcast %ge3A_367 : f32 to vector<64x128xf32>
    %ge3A_369 = arith.cmpf oge, %add3A_339, %ge3A_368 : vector<64x128xf32>
    %and3A_370 = arith.andi %and3A_366, %ge3A_369 : vector<64x128xi1>
    %lt3A_371 = arith.constant 1.280000e+02 : f32
    %lt3A_372 = vector.broadcast %lt3A_371 : f32 to vector<64x128xf32>
    %lt3A_373 = arith.cmpf olt, %add3A_339, %lt3A_372 : vector<64x128xf32>
    %and3A_374 = arith.andi %and3A_370, %lt3A_373 : vector<64x128xi1>
    %mul3A_375 = arith.mulf %sub3A_351, %sub3A_348 : vector<64x128xf32>
    %mul3A_376 = arith.mulf %mul3A_375, %sub3A_63 : vector<64x128xf32>
    %jit3A_377 = arith.constant 0.000000e+00 : f32
    %broadcast_in_dim3A_378 = vector.broadcast %jit3A_377 : f32 to vector<64x128xf32>
    %select_n3A_379 = arith.select %and3A_374, %mul3A_376, %broadcast_in_dim3A_378 : vector<64x128xi1>, vector<64x128xf32>
    %reshape3A_380 = vector.shape_cast %select_n3A_379 : vector<64x128xf32> to vector<8x8x128xf32>
    %swap3A_381 = arith.constant 0 : index
    %swap3A_382 = arith.constant 4 : index
    %swap3A_383 = arith.constant 0 : index
    %swap3A_384 = arith.constant 0 : index
    %swap3A_385 = vector.load %arg9[%swap3A_381, %swap3A_382, %swap3A_383, %swap3A_384] : memref<8x8x8x128xf32, #tpu.memory_space<vmem>>, vector<8x1x8x128xf32>
    %swap3A_386 = vector.shape_cast %swap3A_385 : vector<8x1x8x128xf32> to vector<8x8x128xf32>
    %swap3A_387 = vector.shape_cast %reshape3A_380 : vector<8x8x128xf32> to vector<8x1x8x128xf32>
    tpu.vector_store %arg9[%swap3A_381, %swap3A_382, %swap3A_383, %swap3A_384], %swap3A_387 {strides = array<i32>} : memref<8x8x8x128xf32, #tpu.memory_space<vmem>>, vector<8x1x8x128xf32>,
    %add3A_388 = arith.constant 1.000000e+00 : f32
    %add3A_389 = vector.broadcast %add3A_388 : f32 to vector<64x128xf32>
    %add3A_390 = arith.addf %floor3A_60, %add3A_389 : vector<64x128xf32>
    %add3A_391 = arith.constant 0.000000e+00 : f32
    %add3A_392 = vector.broadcast %add3A_391 : f32 to vector<64x128xf32>
    %add3A_393 = arith.addf %floor3A_59, %add3A_392 : vector<64x128xf32>
    %add3A_394 = arith.constant 1.000000e+00 : f32
    %add3A_395 = vector.broadcast %add3A_394 : f32 to vector<64x128xf32>
    %add3A_396 = arith.addf %floor3A, %add3A_395 : vector<64x128xf32>
    %sub3A_397 = arith.constant 1.000000e+00 : f32
    %sub3A_398 = vector.broadcast %sub3A_397 : f32 to vector<64x128xf32>
    %sub3A_399 = arith.subf %sub3A_398, %sub3A_62 : vector<64x128xf32>
    %ge3A_400 = arith.constant 0.000000e+00 : f32
    %ge3A_401 = vector.broadcast %ge3A_400 : f32 to vector<64x128xf32>
    %ge3A_402 = arith.cmpf oge, %add3A_396, %ge3A_401 : vector<64x128xf32>
    %lt3A_403 = arith.constant 1.280000e+02 : f32
    %lt3A_404 = vector.broadcast %lt3A_403 : f32 to vector<64x128xf32>
    %lt3A_405 = arith.cmpf olt, %add3A_396, %lt3A_404 : vector<64x128xf32>
    %and3A_406 = arith.andi %ge3A_402, %lt3A_405 : vector<64x128xi1>
    %ge3A_407 = arith.constant 0.000000e+00 : f32
    %ge3A_408 = vector.broadcast %ge3A_407 : f32 to vector<64x128xf32>
    %ge3A_409 = arith.cmpf oge, %add3A_393, %ge3A_408 : vector<64x128xf32>
    %and3A_410 = arith.andi %and3A_406, %ge3A_409 : vector<64x128xi1>
    %lt3A_411 = arith.constant 1.280000e+02 : f32
    %lt3A_412 = vector.broadcast %lt3A_411 : f32 to vector<64x128xf32>
    %lt3A_413 = arith.cmpf olt, %add3A_393, %lt3A_412 : vector<64x128xf32>
    %and3A_414 = arith.andi %and3A_410, %lt3A_413 : vector<64x128xi1>
    %ge3A_415 = arith.constant 0.000000e+00 : f32
    %ge3A_416 = vector.broadcast %ge3A_415 : f32 to vector<64x128xf32>
    %ge3A_417 = arith.cmpf oge, %add3A_390, %ge3A_416 : vector<64x128xf32>
    %and3A_418 = arith.andi %and3A_414, %ge3A_417 : vector<64x128xi1>
    %lt3A_419 = arith.constant 1.280000e+02 : f32
    %lt3A_420 = vector.broadcast %lt3A_419 : f32 to vector<64x128xf32>
    %lt3A_421 = arith.cmpf olt, %add3A_390, %lt3A_420 : vector<64x128xf32>
    %and3A_422 = arith.andi %and3A_418, %lt3A_421 : vector<64x128xi1>
    %mul3A_423 = arith.mulf %sub3A_61, %sub3A_399 : vector<64x128xf32>
    %mul3A_424 = arith.mulf %mul3A_423, %sub3A_63 : vector<64x128xf32>
    %jit3A_425 = arith.constant 0.000000e+00 : f32
    %broadcast_in_dim3A_426 = vector.broadcast %jit3A_425 : f32 to vector<64x128xf32>
    %select_n3A_427 = arith.select %and3A_422, %mul3A_424, %broadcast_in_dim3A_426 : vector<64x128xi1>, vector<64x128xf32>
    %reshape3A_428 = vector.shape_cast %select_n3A_427 : vector<64x128xf32> to vector<8x8x128xf32>
    %swap3A_429 = arith.constant 0 : index
    %swap3A_430 = arith.constant 5 : index
    %swap3A_431 = arith.constant 0 : index
    %swap3A_432 = arith.constant 0 : index
    %swap3A_433 = vector.load %arg9[%swap3A_429, %swap3A_430, %swap3A_431, %swap3A_432] : memref<8x8x8x128xf32, #tpu.memory_space<vmem>>, vector<8x1x8x128xf32>
    %swap3A_434 = vector.shape_cast %swap3A_433 : vector<8x1x8x128xf32> to vector<8x8x128xf32>
    %swap3A_435 = vector.shape_cast %reshape3A_428 : vector<8x8x128xf32> to vector<8x1x8x128xf32>
    tpu.vector_store %arg9[%swap3A_429, %swap3A_430, %swap3A_431, %swap3A_432], %swap3A_435 {strides = array<i32>} : memref<8x8x8x128xf32, #tpu.memory_space<vmem>>, vector<8x1x8x128xf32>,
    %add3A_436 = arith.constant 1.000000e+00 : f32
    %add3A_437 = vector.broadcast %add3A_436 : f32 to vector<64x128xf32>
    %add3A_438 = arith.addf %floor3A_60, %add3A_437 : vector<64x128xf32>
    %add3A_439 = arith.constant 1.000000e+00 : f32
    %add3A_440 = vector.broadcast %add3A_439 : f32 to vector<64x128xf32>
    %add3A_441 = arith.addf %floor3A_59, %add3A_440 : vector<64x128xf32>
    %add3A_442 = arith.constant 0.000000e+00 : f32
    %add3A_443 = vector.broadcast %add3A_442 : f32 to vector<64x128xf32>
    %add3A_444 = arith.addf %floor3A, %add3A_443 : vector<64x128xf32>
    %sub3A_445 = arith.constant 1.000000e+00 : f32
    %sub3A_446 = vector.broadcast %sub3A_445 : f32 to vector<64x128xf32>
    %sub3A_447 = arith.subf %sub3A_446, %sub3A_61 : vector<64x128xf32>
    %ge3A_448 = arith.constant 0.000000e+00 : f32
    %ge3A_449 = vector.broadcast %ge3A_448 : f32 to vector<64x128xf32>
    %ge3A_450 = arith.cmpf oge, %add3A_444, %ge3A_449 : vector<64x128xf32>
    %lt3A_451 = arith.constant 1.280000e+02 : f32
    %lt3A_452 = vector.broadcast %lt3A_451 : f32 to vector<64x128xf32>
    %lt3A_453 = arith.cmpf olt, %add3A_444, %lt3A_452 : vector<64x128xf32>
    %and3A_454 = arith.andi %ge3A_450, %lt3A_453 : vector<64x128xi1>
    %ge3A_455 = arith.constant 0.000000e+00 : f32
    %ge3A_456 = vector.broadcast %ge3A_455 : f32 to vector<64x128xf32>
    %ge3A_457 = arith.cmpf oge, %add3A_441, %ge3A_456 : vector<64x128xf32>
    %and3A_458 = arith.andi %and3A_454, %ge3A_457 : vector<64x128xi1>
    %lt3A_459 = arith.constant 1.280000e+02 : f32
    %lt3A_460 = vector.broadcast %lt3A_459 : f32 to vector<64x128xf32>
    %lt3A_461 = arith.cmpf olt, %add3A_441, %lt3A_460 : vector<64x128xf32>
    %and3A_462 = arith.andi %and3A_458, %lt3A_461 : vector<64x128xi1>
    %ge3A_463 = arith.constant 0.000000e+00 : f32
    %ge3A_464 = vector.broadcast %ge3A_463 : f32 to vector<64x128xf32>
    %ge3A_465 = arith.cmpf oge, %add3A_438, %ge3A_464 : vector<64x128xf32>
    %and3A_466 = arith.andi %and3A_462, %ge3A_465 : vector<64x128xi1>
    %lt3A_467 = arith.constant 1.280000e+02 : f32
    %lt3A_468 = vector.broadcast %lt3A_467 : f32 to vector<64x128xf32>
    %lt3A_469 = arith.cmpf olt, %add3A_438, %lt3A_468 : vector<64x128xf32>
    %and3A_470 = arith.andi %and3A_466, %lt3A_469 : vector<64x128xi1>
    %mul3A_471 = arith.mulf %sub3A_447, %sub3A_62 : vector<64x128xf32>
    %mul3A_472 = arith.mulf %mul3A_471, %sub3A_63 : vector<64x128xf32>
    %jit3A_473 = arith.constant 0.000000e+00 : f32
    %broadcast_in_dim3A_474 = vector.broadcast %jit3A_473 : f32 to vector<64x128xf32>
    %select_n3A_475 = arith.select %and3A_470, %mul3A_472, %broadcast_in_dim3A_474 : vector<64x128xi1>, vector<64x128xf32>
    %reshape3A_476 = vector.shape_cast %select_n3A_475 : vector<64x128xf32> to vector<8x8x128xf32>
    %swap3A_477 = arith.constant 0 : index
    %swap3A_478 = arith.constant 6 : index
    %swap3A_479 = arith.constant 0 : index
    %swap3A_480 = arith.constant 0 : index
    %swap3A_481 = vector.load %arg9[%swap3A_477, %swap3A_478, %swap3A_479, %swap3A_480] : memref<8x8x8x128xf32, #tpu.memory_space<vmem>>, vector<8x1x8x128xf32>
    %swap3A_482 = vector.shape_cast %swap3A_481 : vector<8x1x8x128xf32> to vector<8x8x128xf32>
    %swap3A_483 = vector.shape_cast %reshape3A_476 : vector<8x8x128xf32> to vector<8x1x8x128xf32>
    tpu.vector_store %arg9[%swap3A_477, %swap3A_478, %swap3A_479, %swap3A_480], %swap3A_483 {strides = array<i32>} : memref<8x8x8x128xf32, #tpu.memory_space<vmem>>, vector<8x1x8x128xf32>,
    %add3A_484 = arith.constant 1.000000e+00 : f32
    %add3A_485 = vector.broadcast %add3A_484 : f32 to vector<64x128xf32>
    %add3A_486 = arith.addf %floor3A_60, %add3A_485 : vector<64x128xf32>
    %add3A_487 = arith.constant 1.000000e+00 : f32
    %add3A_488 = vector.broadcast %add3A_487 : f32 to vector<64x128xf32>
    %add3A_489 = arith.addf %floor3A_59, %add3A_488 : vector<64x128xf32>
    %add3A_490 = arith.constant 1.000000e+00 : f32
    %add3A_491 = vector.broadcast %add3A_490 : f32 to vector<64x128xf32>
    %add3A_492 = arith.addf %floor3A, %add3A_491 : vector<64x128xf32>
    %ge3A_493 = arith.constant 0.000000e+00 : f32
    %ge3A_494 = vector.broadcast %ge3A_493 : f32 to vector<64x128xf32>
    %ge3A_495 = arith.cmpf oge, %add3A_492, %ge3A_494 : vector<64x128xf32>
    %lt3A_496 = arith.constant 1.280000e+02 : f32
    %lt3A_497 = vector.broadcast %lt3A_496 : f32 to vector<64x128xf32>
    %lt3A_498 = arith.cmpf olt, %add3A_492, %lt3A_497 : vector<64x128xf32>
    %and3A_499 = arith.andi %ge3A_495, %lt3A_498 : vector<64x128xi1>
    %ge3A_500 = arith.constant 0.000000e+00 : f32
    %ge3A_501 = vector.broadcast %ge3A_500 : f32 to vector<64x128xf32>
    %ge3A_502 = arith.cmpf oge, %add3A_489, %ge3A_501 : vector<64x128xf32>
    %and3A_503 = arith.andi %and3A_499, %ge3A_502 : vector<64x128xi1>
    %lt3A_504 = arith.constant 1.280000e+02 : f32
    %lt3A_505 = vector.broadcast %lt3A_504 : f32 to vector<64x128xf32>
    %lt3A_506 = arith.cmpf olt, %add3A_489, %lt3A_505 : vector<64x128xf32>
    %and3A_507 = arith.andi %and3A_503, %lt3A_506 : vector<64x128xi1>
    %ge3A_508 = arith.constant 0.000000e+00 : f32
    %ge3A_509 = vector.broadcast %ge3A_508 : f32 to vector<64x128xf32>
    %ge3A_510 = arith.cmpf oge, %add3A_486, %ge3A_509 : vector<64x128xf32>
    %and3A_511 = arith.andi %and3A_507, %ge3A_510 : vector<64x128xi1>
    %lt3A_512 = arith.constant 1.280000e+02 : f32
    %lt3A_513 = vector.broadcast %lt3A_512 : f32 to vector<64x128xf32>
    %lt3A_514 = arith.cmpf olt, %add3A_486, %lt3A_513 : vector<64x128xf32>
    %and3A_515 = arith.andi %and3A_511, %lt3A_514 : vector<64x128xi1>
    %mul3A_516 = arith.mulf %sub3A_61, %sub3A_62 : vector<64x128xf32>
    %mul3A_517 = arith.mulf %mul3A_516, %sub3A_63 : vector<64x128xf32>
    %jit3A_518 = arith.constant 0.000000e+00 : f32
    %broadcast_in_dim3A_519 = vector.broadcast %jit3A_518 : f32 to vector<64x128xf32>
    %select_n3A_520 = arith.select %and3A_515, %mul3A_517, %broadcast_in_dim3A_519 : vector<64x128xi1>, vector<64x128xf32>
    %reshape3A_521 = vector.shape_cast %select_n3A_520 : vector<64x128xf32> to vector<8x8x128xf32>
    %swap3A_522 = arith.constant 0 : index
    %swap3A_523 = arith.constant 7 : index
    %swap3A_524 = arith.constant 0 : index
    %swap3A_525 = arith.constant 0 : index
    %swap3A_526 = vector.load %arg9[%swap3A_522, %swap3A_523, %swap3A_524, %swap3A_525] : memref<8x8x8x128xf32, #tpu.memory_space<vmem>>, vector<8x1x8x128xf32>
    %swap3A_527 = vector.shape_cast %swap3A_526 : vector<8x1x8x128xf32> to vector<8x8x128xf32>
    %swap3A_528 = vector.shape_cast %reshape3A_521 : vector<8x8x128xf32> to vector<8x1x8x128xf32>
    tpu.vector_store %arg9[%swap3A_522, %swap3A_523, %swap3A_524, %swap3A_525], %swap3A_528 {strides = array<i32>} : memref<8x8x8x128xf32, #tpu.memory_space<vmem>>, vector<8x1x8x128xf32>,
    return
  }
  func.func @transform_0(%arg0: i32) -> (i32, i32) {
    %c0_i32 = arith.constant 0 : i32
    %c0_i32_0 = arith.constant 0 : i32
    return %arg0, %c0_i32 : i32, i32
  }
  func.func @transform_1(%arg0: i32) -> (i32, i32) {
    %c0_i32 = arith.constant 0 : i32
    %c0_i32_0 = arith.constant 0 : i32
    return %arg0, %c0_i32 : i32, i32
  }
  func.func @transform_2(%arg0: i32) -> (i32, i32) {
    %c0_i32 = arith.constant 0 : i32
    %c0_i32_0 = arith.constant 0 : i32
    return %arg0, %c0_i32 : i32, i32
  }
  func.func @transform_3(%arg0: i32) -> (i32, i32) {
    %c0_i32 = arith.constant 0 : i32
    %c0_i32_0 = arith.constant 0 : i32
    return %arg0, %c0_i32 : i32, i32
  }
  func.func @transform_4(%arg0: i32) -> (i32, i32) {
    %c0_i32 = arith.constant 0 : i32
    %c0_i32_0 = arith.constant 0 : i32
    return %arg0, %c0_i32 : i32, i32
  }
  func.func @transform_5(%arg0: i32) -> (i32, i32) {
    %c0_i32 = arith.constant 0 : i32
    %c0_i32_0 = arith.constant 0 : i32
    return %arg0, %c0_i32 : i32, i32
  }
  func.func @transform_6(%arg0: i32) -> (i32, i32) {
    %c0_i32 = arith.constant 0 : i32
    %c0_i32_0 = arith.constant 0 : i32
    return %arg0, %c0_i32 : i32, i32
  }
  func.func @transform_7(%arg0: i32) -> (i32, i32, i32, i32) {
    %c0_i32 = arith.constant 0 : i32
    %c0_i32_0 = arith.constant 0 : i32
    %c0_i32_1 = arith.constant 0 : i32
    %c0_i32_2 = arith.constant 0 : i32
    return %arg0, %c0_i32, %c0_i32_0, %c0_i32_1 : i32, i32, i32, i32
  }
  func.func @transform_8(%arg0: i32) -> (i32, i32, i32, i32) {
    %c0_i32 = arith.constant 0 : i32
    %c0_i32_0 = arith.constant 0 : i32
    %c0_i32_1 = arith.constant 0 : i32
    %c0_i32_2 = arith.constant 0 : i32
    return %arg0, %c0_i32, %c0_i32_0, %c0_i32_1 : i32, i32, i32, i32
  }
}

</mosaic_0001>

<sc_bundles>
// kernel: kernel.10.cloned.1.call-start
scs
__scs_entry_jumppad:
0x0: {  	(pc) =	sbr.rel $0x88, $3  }
0x1: {  	(tag) =	ssettag $0x0;
	lr =	simm.s32 $0x1  }
0x2: {  	[smem:$0x3F9C] =	sst lr;
	_ =	strace $0xD0000000  }
0x3: {  	_ = 	snop  }
0x4: {  	_ = 	snop  }
0x5: {  	_ = 	snop  }
0x6: {  	_ = 	snop  }
0x7: {  	_ = 	snop  }
__scs_overlays_trampoline_lowered:
0x8: {  	[smem:$0x3FAB] =	sst s0  }
0x9: {  	[smem:$0x3FAC] =	sst s1  }
0xa: {  	[smem:$0x3FAD] =	sst s2  }
0xb: {  	[smem:$0x3FAE] =	sst s3  }
0xc: {  	[smem:$0x3FAF] =	sst s4  }
0xd: {  	[smem:$0x3FB0] =	sst s5  }
0xe: {  	[smem:$0x3FB1] =	sst s6  }
0xf: {  	[smem:$0x3FB2] =	sst s7  }
0x10: {  	[smem:$0x3FB3] =	sst s8  }
0x11: {  	[smem:$0x3FB4] =	sst s9;
	s0 =	simm.s32 @!p0 $0x0  }
0x12: {  	s1 =	sld [smem:$0x3F9A];
	s0 =	simm.s32 @p0 $0x1  }
0x13: {  	[smem:$0x3FB5] =	sst s0;
	s0 =	simm.s32 @!p1 $0x0  }
0x14: {  	s2 =	sld [smem:$0x3F99];
	s0 =	simm.s32 @p1 $0x1  }
0x15: {  	[smem:$0x3FB6] =	sst s0;
	s0 =	simm.s32 @!p2 $0x0  }
0x16: {  	s3 =	sld [smem:$0x3FDB];
	s0 =	simm.s32 @p2 $0x1  }
0x17: {  	s4 =	simm.s32 $0x1BF5;
	[smem:$0x3FB8] =	sst s0  }
0x18: {  	s0 =	sld [smem:$0x3F9B];
	_ =	swait.ge [sflag:s4], $0x0  }
0x19: {  	s7 =	sld [smem:$0x3F9C]  }
0x1a: {  	s8 =	sadd.s32 $0xFFFFE003, lr  }
0x1b: {  	s9 =	sadd.s32 $0xFFFFFEF7, lr;
	s5 =	simm.s32 $0xFFFFFFFF;
	p2 =	slt.u32 s8, $0xFFFFF086  }
0x1c: {  	p1 =	slt.u32 s9, $0xF7A;
	s5 =	simm.s32 @!p2 $0x0  }
0x1d: {  	s5 =	simm.s32 @p1 $0x1;
	p0 =	seq.s32 s7, s2  }
0x1e: {  	s7 =	smul.u32 @!p0 $0xF7A, s2;
	p2 =	seq.s32 @!p0 s5, $0x0  }
0x1f: {  	s9 =	smul.u32 $0xF7A, s1;
	s8 =	simm.s32 @!p0 $0x1BF5;
	p2 =	por !p2, p0  }
0x20: {  	[sflag:s8] =	ssyncset.s32 @!p0 $0xFFFFF086;
	s6 =	sadd.s32 @!p0 s3, s7;
	s7 =	simm.s32 @!p0 $0x108  }
0x21: {  	s3 =	sadd.s32 s3, s9;
	s6 =	sadd.s32 @!p0 $0x88, s6;
	s7 =	simm.s32 @p2 $0x1082  }
0x22: {  	[simem:s7], [sflag:s8] =	dma.local @!p0 [hbm:s6], $0xF7A  }
0x23: {  	s9 =	sor.u32 $0xD0000000, s2;
	s6 =	simm.s32 $0x108;
	_ =	swait.ge @!p0 [sflag:s8], $0x0  }
0x24: {  	s3 =	sadd.s32 $0x88, s3;
	s6 =	simm.s32 @!p1 $0x1082;
	[sflag:s4] =	ssyncset.s32 $0xFFFFF086  }
0x25: {  	[simem:s6], [sflag:s4] =	dma.local [hbm:s3], $0xF7A  }
0x26: {  	[smem:$0x3F9C] =	sst s1;
	(tag) =	ssettag s2;
	_ =	strace s9  }
0x27: {  	s1 =	sld [smem:$0x3FAC]  }
0x28: {  	s2 =	sld [smem:$0x3FAD]  }
0x29: {  	s4 =	sld [smem:$0x3FAF]  }
0x2a: {  	p0 =	seq.s32 s5, $0x0;
	s5 =	sld [smem:$0x3FB0]  }
0x2b: {  	s6 =	sld [smem:$0x3FB1]  }
0x2c: {  	s7 =	sld [smem:$0x3FB2]  }
0x2d: {  	s3 =	simm.s32 $0x108;
	s8 =	sld [smem:$0x3FB3]  }
0x2e: {  	s3 =	simm.s32 @!p0 $0x1082;
	s9 =	sld [smem:$0x3FB4]  }
0x2f: {  	lr =	sadd.s32 s0, s3;
	s0 =	sld [smem:$0x3FAB]  }
0x30: {  	s3 =	sld [smem:$0x3FAE]  }
0x31: {  	[smem:$0x3FB7] =	sst s10  }
0x32: {  	s10 =	sld [smem:$0x3FB5];
	_ =	sdelay $0x3  }
0x33: {  	p0 =	seq.s32 s10, $0x1;
	s10 =	sld [smem:$0x3FB7];
	_ =	sdelay $0x3  }
0x34: {  	[smem:$0x3FB7] =	sst s10  }
0x35: {  	s10 =	sld [smem:$0x3FB6];
	_ =	sdelay $0x3  }
0x36: {  	p1 =	seq.s32 s10, $0x1;
	s10 =	sld [smem:$0x3FB7];
	_ =	sdelay $0x3  }
0x37: {  	[smem:$0x3FB7] =	sst s10  }
0x38: {  	s10 =	sld [smem:$0x3FB8]  }
0x39: {  	_ = 	snop;
	(pc) =	sbr.ind lr, $3  }
0x3a: {  	_ = 	snop  }
0x3b: {  	_ = 	snop  }
0x3c: {  	p2 =	seq.s32 s10, $0x1;
	s10 =	sld [smem:$0x3FB7]  }
0x3d: {  	_ =	shalt  }
0x3e: {  	_ =	shalt  }
0x3f: {  	_ =	shalt  }
0x40: {  	_ =	shalt  }
0x41: {  	_ =	shalt  }
0x42: {  	_ =	shalt  }
0x43: {  	_ =	shalt  }
0x44: {  	_ =	shalt  }
0x45: {  	_ =	shalt  }
0x46: {  	_ =	shalt  }
0x47: {  	_ =	shalt  }
0x48: {  	_ =	shalt  }
0x49: {  	_ =	shalt  }
0x4a: {  	_ =	shalt  }
0x4b: {  	_ =	shalt  }
0x4c: {  	_ =	shalt  }
0x4d: {  	_ =	shalt  }
0x4e: {  	_ =	shalt  }
0x4f: {  	_ =	shalt  }
0x50: {  	_ =	shalt  }
0x51: {  	_ =	shalt  }
0x52: {  	_ =	shalt  }
0x53: {  	_ =	shalt  }
0x54: {  	_ =	shalt  }
0x55: {  	_ =	shalt  }
0x56: {  	_ =	shalt  }
0x57: {  	_ =	shalt  }
0x58: {  	_ =	shalt  }
0x59: {  	_ =	shalt  }
0x5a: {  	_ =	shalt  }
0x5b: {  	_ =	shalt  }
0x5c: {  	_ =	shalt  }
0x5d: {  	_ =	shalt  }
0x5e: {  	_ =	shalt  }
0x5f: {  	_ =	shalt  }
0x60: {  	_ =	shalt  }
0x61: {  	_ =	shalt  }
0x62: {  	_ =	shalt  }
0x63: {  	_ =	shalt  }
0x64: {  	_ =	shalt  }
0x65: {  	_ =	shalt  }
0x66: {  	_ =	shalt  }
0x67: {  	_ =	shalt  }
0x68: {  	_ =	shalt  }
0x69: {  	_ =	shalt  }
0x6a: {  	_ =	shalt  }
0x6b: {  	_ =	shalt  }
0x6c: {  	_ =	shalt  }
0x6d: {  	_ =	shalt  }
0x6e: {  	_ =	shalt  }
0x6f: {  	_ =	shalt  }
0x70: {  	_ =	shalt  }
0x71: {  	_ =	shalt  }
0x72: {  	_ =	shalt  }
0x73: {  	_ =	shalt  }
0x74: {  	_ =	shalt  }
0x75: {  	_ =	shalt  }
0x76: {  	_ =	shalt  }
0x77: {  	_ =	shalt  }
0x78: {  	_ =	shalt  }
0x79: {  	_ =	shalt  }
0x7a: {  	_ =	shalt  }
0x7b: {  	_ =	shalt  }
0x7c: {  	_ =	shalt  }
0x7d: {  	_ =	shalt  }
0x7e: {  	_ =	shalt  }
0x7f: {  	_ =	shalt  }
0x80: {  	_ =	shalt  }
0x81: {  	_ =	shalt  }
0x82: {  	_ =	shalt  }
0x83: {  	_ =	shalt  }
0x84: {  	_ =	shalt  }
0x85: {  	_ =	shalt  }
0x86: {  	_ =	shalt  }
0x87: {  	_ =	shalt  }
.Lfunc_end0:
.L_simem_size_0:
called_computation.1_lowered:
.L_overlay_start_0:
0x88: {  	s2 =	sld [smem:$0x3FD9]  }
0x89: {  	s3 =	sld [smem:$0x3FFE];
	_ =	sdelay $0x1  }
0x8a: {  	s1 =	srdreg.scid  }
0x8b: {  	s0 =	sand.u32 $0x1, s1  }
0x8c: {  	s14 =	sshll.u32 s0, $0xA;
	s2 =	sadd.s32 s3, s2  }
0x8d: {  	s2 =	sadd.s32 s2, s14  }
0x8e: {  	[smem:$0x3FC3] =	sst s2  }
0x8f: {  	_ = 	snop  }
0x90: {  	s2 =	sld [smem:$0x3FD0];
	_ =	sdelay $0x2  }
0x91: {  	s15 =	simm.s32 $0xA;
	s4 =	simm.s32 $0x10  }
0x92: {  	[smem:s4], [sflag:s15] =	dma.local [hbm:s2], $0x1  }
0x93: {  	_ =	swait.eq [sflag:s15], $0x1  }
0x94: {  	[sflag:s15] =	ssyncset.done $0x0  }
0x95: {  	s16 =	sld [smem:$0x10];
	[sflag:s15] =	ssyncadd.s32 $0xFFFFFFFF  }
0x96: {  	s17 =	sld [smem:$0x11];
	(tm) =	ssettm $0x1  }
0x97: {  	s18 =	sld [smem:$0x3FFB];
	_ =	sdelay $0x3  }
0x98: {  	_ =	strace s18  }
0x99: {  	s4 =	sld [smem:$0x3FFC];
	_ =	sdelay $0x3  }
0x9a: {  	_ =	strace s4  }
0x9b: {  	s4 =	sld [smem:$0x3FFD];
	_ =	sdelay $0x3  }
0x9c: {  	_ =	strace s4  }
0x9d: {  	_ =	strace $0x8FFFFFFF  }
0x9e: {  	s19 =	sld [smem:$0x3FDB];
	_ =	sdelay $0x1  }
0x9f: {  	s5 =	simm.s32 $_scs_section_size  }
0xa0: {  	s6 =	simm.s32 $_size__tile_overlayer_lowered;
	s7 =	simm.s32 $_tile_overlayer_lowered  }
0xa1: {  	s22 =	simm.s32 $0x1BFF;
	s21 =	sshll.u32 s7, $0x1;
	s4 =	sadd.s32 s5, s19  }
0xa2: {  	s8 =	simm.s32 $0x0;
	s20 =	sshll.u32 s6, $0x1;
	s6 =	sadd.s32 s21, s4  }
0xa3: {  	[timem:s8], [sflag:s22] =	dma.local [hbm:s6], s20  }
0xa4: {  	_ =	swait.ge [sflag:s22], s20  }
0xa5: {  	s5 =	ssub.s32 $0x0, s20;
	[sflag:s22] =	ssyncset.done $0x0  }
0xa6: {  	[sflag:s22] =	ssyncadd.s32 s5;
	_ =	sdelay $0x1  }
0xa7: {  	s23 =	simm.s32 $0x1B8B  }
0xa8: {  	_ =	swait.ge [sflag:s23], $0x1  }
0xa9: {  	[sflag:s23] =	ssyncset.done $0x0  }
0xaa: {  	s25 =	simm.s32 $0x1B8E;
	s24 =	sld [smem:$0x3FFE];
	[sflag:s23] =	ssyncadd.s32 $0xFFFFFFFF  }
0xab: {  	s26 =	simm.s32 $execute0_lowered;
	[smem:$0x3FD2] =	sst s25  }
0xac: {  	s6 =	sshll.u32 s26, $0x1;
	_ =	strace $0x80000049;
	[dreg:$0x1] =	wrdreg $0xFFFFFFFF  }
0xad: {  	s28 =	simm.s32 $_size_execute0_lowered;
	s4 =	sadd.s32 s4, s6;
	[dreg:$0x0] =	wrdreg $0x0  }
0xae: {  	s6 =	sshll.u32 s28, $0x1;
	[dreg:$0x2] =	wrdreg s4  }
0xaf: {  	[dreg:$0x3] =	wrdreg s6  }
0xb0: {  	[dreg:$0x4] =	wrdreg $0xC0  }
0xb1: {  	_ =	task [dreg:s8], $0x5FFFF  }
0xb2: {  	[dreg:$0x1] =	wrdreg $0xFFFFFFFF  }
0xb3: {  	[dreg:$0x0] =	wrdreg $0x60  }
0xb4: {  	[dreg:$0x2] =	wrdreg s24  }
0xb5: {  	[dreg:$0x3] =	wrdreg s16  }
0xb6: {  	[dreg:$0x4] =	wrdreg s17  }
0xb7: {  	[dreg:$0x5] =	wrdreg $0x9  }
0xb8: {  	_ =	task.clear_ibuf [dreg:s8], $0x6FFFF;
	_ =	strace $0x90000049  }
0xb9: {  	s29 =	simm.s32 $0x9;
	_ =	strace $0x8000004B  }
0xba: {  	_ =	swait.ge [sflag:s29], $0x1  }
0xbb: {  	[sflag:s29] =	ssyncadd.s32 $0xFFFFFFFF  }
0xbc: {  	_ =	strace $0x9000004B  }
0xbd: {  	_ =	sfence  }
0xbe: {  	s30 =	sld [smem:$0x0];
	_ =	sdelay $0x2  }
0xbf: {  	s31 =	sshll.u32 s1, $0xD;
	s1 =	sshrl.u32 s1, $0x2  }
0xc0: {  	s3 =	sand.u32 $0x4000, s31;
	s1 =	sadd.s32 s1, s30  }
0xc1: {  	s0 =	sor.u32 s3, s0;
	s1 =	sshll.u32 s1, $0x11  }
0xc2: {  	s0 =	sor.u32 s1, s0  }
0xc3: {  	s0 =	sadd.s32 $0x8F2B, s0  }
0xc4: {  	[sflag:s0] =	ssyncadd.remote.s32 $0x1  }
0xc5: {  	_ =	sfence.sel $0xFFFF  }
0xc6: {  	[dreg:$0x0] =	wrdreg $0xFFFFFFFF;
	(pc) =	sbr.abs _section_cstart, $3  }
0xc7: {  	[dreg:$0x1] =	wrdreg $0xFFFFFFFF  }
0xc8: {  	_ =	task.clear_ibuf [dreg:s8], $0x2FFFF;
	_ =	strace $0x9FFFFFFF  }
0xc9: {  	(tm) =	ssettm $0x7FFFFFFF  }
tec
execute0_lowered:
.L_overlay_start_1:
0x0: {  	(tag) =	ssettag $0x1  }
0x1: {  	s0 =	rddreg [dreg:$0x0]  }
0x2: {  	s26 =	rddreg [dreg:$0x1]  }
0x3: {  	s16 =	rddreg [dreg:$0x2];
	s3 =	simm.s32 $0x0;
	s1 =	srdreg.scid;
	v0 =	vimm.s32 $0x3210FEDC  }
0x4: {  	s2 =	stileid.u32;
	v1 =	vimm.s32 $0xBA987654;
	v2 =	vimm.s32 $0xFEDCBA98;
	s15 =	simm.s32 $0x2;
	s5 =	sadd.s32 $0x182200, s0  }
0x5: {  	v4 =	vlaneseq.u32;
	v3 =	vimm.s32 $0x76543210;
	[smem:$0x7FF] =	sst s3;
	s31 =	sadd.s32 $0x22200, s0;
	s4 =	sadd.s32 $0x5A2200, s0  }
0x6: {  	s1 =	sand.u32 $0x1, s1;
	s2 =	sshll.u32 s2, $0x1;
	v0 =	vunpack.c.l.s4.s8 v0;
	v1 =	vunpack.c.l.s4.s8 v1;
	s8 =	sadd.s32 $0x62200, s0;
	v2 =	vunpack.c.l.s4.s8 v2  }
0x7: {  	vm0 =	vcmask $0x2F20;
	vm1 =	vcmask $0x1F10;
	v3 =	vunpack.c.l.s4.s8 v3;
	_ =	strace $0x8000004A;
	s28 =	ssub.s32 $0x2, s1;
	s1 =	sor.u32 s1, s2  }
0x8: {  	[dreg:$0x4] =	wrdreg s4;
	s2 =	sshll.u32 s1, $0xD;
	v5 =	vunpack.c.0.s8.s32 v0;
	v6 =	vunpack.c.0.s8.s32 v1;
	s1 =	sshll.u32 s1, $0x5;
	v7 =	vunpack.c.0.s8.s32 v2  }
0x9: {  	s9 =	sadd.s32 $0x2200, s0;
	v0 =	vmul.u32 $0x9, v4;
	v1 =	vand.u32 $0x7, v4;
	v8 =	vunpack.c.0.s8.s32 v3;
	s2 =	sadd.s32 s31, s2;
	[dreg:$0x6] =	wrdreg s1  }
0xa: {  	s29 =	sshrl.u32 s28, $0x1;
	s30 =	sor.u32 $0x1, s1;
	[dreg:$0x5] =	wrdreg s2;
	v5 =	vcombine.low v6, v5;
	v6 =	vand.u32 $0xF, v7;
	v7 =	vand.u32 $0x3, v4  }
0xb: {  	v2 =	vshrl.u32 v4, $0x2;
	s0 =	ssub.s32 s28, s29;
	s1 =	sor.u32 $0x2, s1;
	[dreg:$0x7] =	wrdreg s30;
	v4 =	vcombine.low v6, v8;
	v6 =	vmul.u32 $0x4, v7  }
0xc: {  	s18 =	simm.s32 $0x1;
	vm2 =	vmmov $0xf;
	v3 =	vor.u32 $0x4, v2;
	[dreg:$0x8] =	wrdreg s1;
	s0 =	smax.u32 s0, $0x1;
	v5 =	vand.u32 $0xF, v5  }
0xd: {  	s21 =	simm.s32 $0x3000;
	s1 =	simm.s32 $0x0;
	[dreg:$0x9] =	wrdreg s0;
	v7 =	vor.u32 $0x1, v6;
	v8 =	vor.u32 $0x2, v6;
	v9 =	vor.u32 $0x3, v6  }
.LBB2_1:
0xe: {  	[dreg:$0xa] =	wrdreg s1  }
0xf: {  	s0 =	rddreg [dreg:$0x5]  }
0x10: {  	[tilespmem:s3], [sflag:$0x2] =	stream.linear.gather [hbm4b:s0+s3], $0x800, $0x38;
	[tilespmem:$0x16410] =	vst v63  }
0x11: {  	_ =	swait.ge [sflag:s15], $0x800  }
0x12: {  	s29 =	simm.s32 $0x800;
	[sflag:s15] =	ssyncset.done $0x0  }
0x13: {  	s30 =	simm.s32 $0x5410;
	s28 =	simm.s32 $0x0;
	[sflag:s15] =	ssyncadd.s32 $0xFFFFF800  }
0x14: {  	[tilespmem:s30], [sflag:$0x1] =	stream.indirect.gather [hbm4b:s5+s29], $0x10, s3, s29, $0xb8;
	[tilespmem:$0x16410] =	vst v63  }
.LBB2_2:
0x15: {  	s30 =	sshll.u32 s28, $0x1;
	s0 =	rddreg [dreg:$0x7]  }
0x16: {  	s29 =	sor.u32 s0, s30  }
0x17: {  	_ =	swait.ge [sflag:s18], $0x8000;
	s0 =	sshll.u32 s29, $0x8  }
0x18: {  	[sflag:s18] =	ssyncset.done $0x0;
	s0 =	sand.u32 $0x1FFFFF00, s0  }
0x19: {  	s1 =	simm.s32 $0x800;
	[sflag:s18] =	ssyncadd.s32 $0xFFFF8000;
	s0 =	sadd.s32 s31, s0  }
0x1a: {  	[tilespmem:s1], [sflag:$0x2] =	stream.linear.gather [hbm4b:s0+s3], $0x800, $0x38;
	[tilespmem:$0x16410] =	vst v63  }
0x1b: {  	s6 =	smov.u32 s16;
	s16 =	smov.u32 s26;
	_ =	swait.ge [sflag:s15], $0x800  }
0x1c: {  	s7 =	smov.u32 s31;
	[sflag:s15] =	ssyncset.done $0x0;
	s25 =	rddreg [dreg:$0x6]  }
0x1d: {  	s26 =	simm.s32 $0xD410;
	s31 =	sor.u32 s25, s30;
	[sflag:s15] =	ssyncadd.s32 $0xFFFFF800  }
0x1e: {  	[tilespmem:s26], [sflag:$0x1] =	stream.indirect.gather [hbm4b:s5+s1], $0x10, s1, s1, $0xb8;
	[tilespmem:$0x16410] =	vst v63  }
0x1f: {  	s4 =	rddreg [dreg:$0x4];
	s2 =	sshll.u32 s31, $0xA  }
0x20: {  	s10 =	simm.s32 $0x1000;
	s0 =	sadd.s32 s4, s2  }
0x21: {  	[tilespmem:s10], [sflag:$0x2] =	stream.linear.gather [hbm4b:s0+s3], $0x2000, $0x38;
	[tilespmem:$0x16410] =	vst v63  }
0x22: {  	s11 =	simm.s32 $0x0;
	_ =	swait.ge [sflag:s15], $0x2000  }
0x23: {  	v10 =	vadd.s32 s11, v0;
	[sflag:s15] =	ssyncset.done $0x0  }
0x24: {  	v10 =	vand.u32 $0x7FF8, v10;
	s0 =	simm.s32 $0x2000;
	[sflag:s15] =	ssyncadd.s32 $0xFFFFE000  }
0x25: {  	v10 =	vor.u32 v1, v10;
	v11 =	vld [tilespmem:s0+$0xFFFFF000];
	_ =	sdelay $0x4  }
0x26: {  	s2 =	simm.s32 $0x1;
	[tilespmem:v10+s21+$0x0] =	vst.idx.msk $0xffff, v11  }
0x27: {  	s12 =	simm.s32 $0x90;
	v12 =	vadd.s32 s2, v0;
	v11 =	vld [tilespmem:s0+$0xFFFFF400]  }
0x28: {  	v10 =	vadd.s32 s12, v0  }
0x29: {  	s10 =	simm.s32 $0x2010;
	v10 =	vand.u32 $0x7FF8, v10  }
0x2a: {  	v13 =	vld [tilespmem:s10+$0xFFFFF000];
	v10 =	vor.u32 v1, v10;
	_ =	sdelay $0x1  }
0x2b: {  	s13 =	simm.s32 $0x2;
	[tilespmem:v12+s21+$0x0] =	vst.idx.msk $0xffff, v11  }
0x2c: {  	v12 =	vadd.s32 s13, v0;
	v11 =	vld [tilespmem:s0+$0xFFFFF800]  }
0x2d: {  	s14 =	simm.s32 $0x120  }
0x2e: {  	s17 =	simm.s32 $0x91;
	[tilespmem:v10+s21+$0x0] =	vst.idx.msk $0xffff, v13;
	v10 =	vadd.s32 s14, v0  }
0x2f: {  	v14 =	vadd.s32 s17, v0;
	s17 =	simm.s32 $0x2020;
	v13 =	vld [tilespmem:s10+$0xFFFFF400];
	v10 =	vand.u32 $0x7FF8, v10  }
0x30: {  	v15 =	vld [tilespmem:s17+$0xFFFFF000];
	v10 =	vor.u32 v1, v10  }
0x31: {  	s19 =	simm.s32 $0x3;
	[tilespmem:v12+s21+$0x0] =	vst.idx.msk $0xffff, v11  }
0x32: {  	v12 =	vadd.s32 s19, v0;
	v11 =	vld [tilespmem:s0+$0xFFFFFC00];
	_ =	sdelay $0x1  }
0x33: {  	s22 =	simm.s32 $0x1B0;
	[tilespmem:v14+s21+$0x0] =	vst.idx.msk $0xffff, v13  }
0x34: {  	s20 =	simm.s32 $0x92;
	[tilespmem:v10+s21+$0x0] =	vst.idx.msk $0xffff, v15;
	v10 =	vadd.s32 s22, v0  }
0x35: {  	s14 =	simm.s32 $0x2030;
	v14 =	vadd.s32 s20, v0;
	v13 =	vld [tilespmem:s10+$0xFFFFF800];
	v10 =	vand.u32 $0x7FF8, v10  }
0x36: {  	s23 =	simm.s32 $0x121;
	v10 =	vor.u32 v1, v10;
	[tilespmem:v12+s21+$0x0] =	vst.idx.msk $0xffff, v11;
	v11 =	vld [tilespmem:s14+$0xFFFFF000]  }
0x37: {  	v16 =	vadd.s32 s23, v0;
	v15 =	vld [tilespmem:s17+$0xFFFFF400]  }
0x38: {  	s24 =	simm.s32 $0x4  }
0x39: {  	v17 =	vadd.s32 s24, v0;
	v12 =	vld [tilespmem:s0+$0x0]  }
0x3a: {  	s25 =	simm.s32 $0x93;
	[tilespmem:v14+s21+$0x0] =	vst.idx.msk $0xffff, v13  }
0x3b: {  	s4 =	simm.s32 $0x1B1;
	v14 =	vadd.s32 s25, v0;
	v13 =	vld [tilespmem:s10+$0xFFFFFC00];
	[tilespmem:v10+s21+$0x0] =	vst.idx.msk $0xffff, v11  }
0x3c: {  	s26 =	simm.s32 $0x122;
	v18 =	vadd.s32 s4, v0;
	[tilespmem:v16+s21+$0x0] =	vst.idx.msk $0xffff, v15;
	v11 =	vld [tilespmem:s14+$0xFFFFF400]  }
0x3d: {  	s2 =	simm.s32 $0x240;
	v16 =	vadd.s32 s26, v0;
	v15 =	vld [tilespmem:s17+$0xFFFFF800]  }
0x3e: {  	s11 =	simm.s32 $0x5;
	v10 =	vadd.s32 s2, v0;
	[tilespmem:v17+s21+$0x0] =	vst.idx.msk $0xffff, v12  }
0x3f: {  	s26 =	simm.s32 $0x2040;
	v10 =	vand.u32 $0x7FF8, v10;
	v17 =	vadd.s32 s11, v0;
	v12 =	vld [tilespmem:s0+$0x400]  }
0x40: {  	s12 =	simm.s32 $0x94;
	[tilespmem:v14+s21+$0x0] =	vst.idx.msk $0xffff, v13;
	v13 =	vld [tilespmem:s26+$0xFFFFF000];
	v10 =	vor.u32 v1, v10  }
0x41: {  	v19 =	vadd.s32 s12, v0;
	s19 =	simm.s32 $0x1B2;
	v14 =	vld [tilespmem:s10+$0x0];
	[tilespmem:v18+s21+$0x0] =	vst.idx.msk $0xffff, v11  }
0x42: {  	s13 =	simm.s32 $0x123;
	[tilespmem:v16+s21+$0x0] =	vst.idx.msk $0xffff, v15;
	v18 =	vadd.s32 s19, v0;
	v11 =	vld [tilespmem:s14+$0xFFFFF800]  }
0x43: {  	v16 =	vadd.s32 s13, v0;
	v15 =	vld [tilespmem:s17+$0xFFFFFC00]  }
0x44: {  	s20 =	simm.s32 $0x6;
	[tilespmem:v17+s21+$0x0] =	vst.idx.msk $0xffff, v12  }
0x45: {  	s22 =	simm.s32 $0x241;
	[tilespmem:v10+s21+$0x0] =	vst.idx.msk $0xffff, v13;
	v13 =	vadd.s32 s20, v0;
	v10 =	vld [tilespmem:s0+$0x800]  }
0x46: {  	s23 =	simm.s32 $0x95;
	s24 =	simm.s32 $0x2D0;
	v20 =	vadd.s32 s22, v0;
	v17 =	vld [tilespmem:s26+$0xFFFFF400];
	[tilespmem:v19+s21+$0x0] =	vst.idx.msk $0xffff, v14  }
0x47: {  	v22 =	vadd.s32 s23, v0;
	s19 =	simm.s32 $0x2050;
	v21 =	vld [tilespmem:s10+$0x400];
	[tilespmem:v18+s21+$0x0] =	vst.idx.msk $0xffff, v11;
	v11 =	vadd.s32 s24, v0  }
0x48: {  	[tilespmem:v16+s21+$0x0] =	vst.idx.msk $0xffff, v15;
	v16 =	vld [tilespmem:s19+$0xFFFFF000];
	v11 =	vand.u32 $0x7FF8, v11  }
0x49: {  	s23 =	simm.s32 $0x242;
	s1 =	simm.s32 $0x1B7;
	s25 =	simm.s32 $0x124;
	v12 =	vld [tilespmem:s17+$0x0];
	v19 =	vor.u32 v1, v11  }
0x4a: {  	s4 =	simm.s32 $0x7;
	s12 =	simm.s32 $0x97;
	s20 =	simm.s32 $0x1B3;
	v14 =	vld [tilespmem:s14+$0xFFFFFC00];
	[tilespmem:v13+s21+$0x0] =	vst.idx.msk $0xffff, v10;
	v13 =	vadd.s32 s25, v0  }
0x4b: {  	s22 =	simm.s32 $0x367;
	s2 =	simm.s32 $0x2D7;
	s11 =	simm.s32 $0x127;
	v15 =	vadd.s32 s20, v0;
	[tilespmem:v20+s21+$0x0] =	vst.idx.msk $0xffff, v17;
	v10 =	vld [tilespmem:s0+$0xC00]  }
0x4c: {  	s13 =	simm.s32 $0x247;
	s20 =	simm.s32 $0x50;
	v18 =	vadd.s32 s23, v0;
	s23 =	simm.s32 $0x96;
	v11 =	vadd.s32 s4, v0;
	v17 =	vld [tilespmem:s26+$0xFFFFF800];
	[tilespmem:v22+s21+$0x0] =	vst.idx.msk $0xffff, v21  }
.LBB2_3:
0x4d: {  	s0 =	sadd.s32 $0xFFFFFFF9, s22;
	s4 =	sadd.s32 $0xFFFFFFFA, s2;
	s24 =	smov.u32 s26  }
0x4e: {  	[tilespmem:v19+s21+$0x0] =	vst.idx.msk $0xffff, v16;
	v20 =	vld [tilespmem:s10+$0x800];
	v21 =	vadd.s32 s23, v0;
	s26 =	smov.u32 s19;
	s23 =	smov.u32 s12;
	s12 =	smov.u32 s11  }
0x4f: {  	s20 =	sadd.s32 $0x10, s20;
	v16 =	vadd.s32 s0, v0;
	v22 =	vld [tilespmem:s19+$0xFFFFF400];
	v23 =	vadd.s32 s4, v0;
	[tilespmem:v13+s21+$0x0] =	vst.idx.msk $0xffff, v12;
	s0 =	sadd.s32 $0xFFFFFFFE, s12  }
0x50: {  	p0 =	slt.u32 s20, $0x3F0;
	s19 =	sadd.s32 $0x10, s19;
	v12 =	vand.u32 $0x7FF8, v16;
	[tilespmem:v15+s21+$0x0] =	vst.idx.msk $0xffff, v14;
	v24 =	vld [tilespmem:s17+$0x400];
	v25 =	vadd.s32 s0, v0;
	s0 =	simm.s32 $0x3090  }
.Ltmp0:
0x51: {  	s11 =	sadd.s32 $0xFFFFFFFD, s1;
	s4 =	simm.s32 $0x9600;
	v16 =	vld [tilespmem:s19+$0xFFFFF000];
	v19 =	vor.u32 v1, v12;
	[tilespmem:v11+s21+$0x0] =	vst.idx.msk $0xffff, v10;
	(pc) =	sbr.rel @p0 .LBB2_3-.Ltmp0, $4  }
0x52: {  	s25 =	sadd.s32 $0xFFFFFFFC, s13;
	v13 =	vadd.s32 s11, v0;
	s11 =	smov.u32 s1;
	s1 =	smov.u32 s13;
	[tilespmem:v18+s21+$0x0] =	vst.idx.msk $0xffff, v17;
	v12 =	vld [tilespmem:s14+$0x0]  }
0x53: {  	s13 =	smov.u32 s2;
	s2 =	smov.u32 s22;
	v15 =	vadd.s32 s25, v0;
	v14 =	vld [tilespmem:s24+$0xFFFFFC00];
	[tilespmem:v21+s21+$0x0] =	vst.idx.msk $0xffff, v20  }
0x54: {  	s25 =	sadd.s32 $0xFFFFFFFB, s13;
	v11 =	vadd.s32 s23, v0;
	[tilespmem:v23+s21+$0x0] =	vst.idx.msk $0xffff, v22;
	v10 =	vld [tilespmem:s10+$0xC00];
	s10 =	smov.u32 s17;
	s17 =	smov.u32 s14  }
0x55: {  	s22 =	sadd.s32 $0x90, s22;
	s23 =	sadd.s32 $0xFFFFFFFF, s12;
	v18 =	vadd.s32 s25, v0;
	s14 =	smov.u32 s24;
	v17 =	vld [tilespmem:s26+$0xFFFFF800];
	[tilespmem:v25+s21+$0x0] =	vst.idx.msk $0xffff, v24  }
0x56: {  	_ =	sdelay $0x3  }
0x57: {  	[tilespmem:v19+s21+$0x0] =	vst.idx.msk $0xffff, v16;
	s20 =	sadd.s32 $0xFFFFFFFA, s2  }
0x58: {  	v16 =	vld [tilespmem:s19+$0xFFFFF400];
	v19 =	vadd.s32 s20, v0;
	_ =	sdelay $0x4  }
0x59: {  	s25 =	sadd.s32 $0xFFFFFFFB, s2;
	[tilespmem:v19+s21+$0x0] =	vst.idx.msk $0xffff, v16  }
0x5a: {  	v19 =	vadd.s32 s25, v0;
	v16 =	vld [tilespmem:s19+$0xFFFFF800];
	_ =	sdelay $0x3  }
0x5b: {  	s22 =	sadd.s32 $0xFFFFFFFC, s13;
	[tilespmem:v18+s21+$0x0] =	vst.idx.msk $0xffff, v17  }
0x5c: {  	s24 =	sadd.s32 $0xFFFFFFFC, s2;
	v18 =	vadd.s32 s22, v0;
	v17 =	vld [tilespmem:s26+$0xFFFFFC00];
	[tilespmem:v19+s21+$0x0] =	vst.idx.msk $0xffff, v16  }
0x5d: {  	v19 =	vadd.s32 s24, v0;
	v16 =	vld [tilespmem:s19+$0xFFFFFC00];
	_ =	sdelay $0x2  }
0x5e: {  	[tilespmem:v15+s21+$0x0] =	vst.idx.msk $0xffff, v14;
	s25 =	sadd.s32 $0xFFFFFFFD, s1  }
0x5f: {  	v14 =	vld [tilespmem:s14+$0x0];
	s22 =	sadd.s32 $0xFFFFFFFD, s13;
	v15 =	vadd.s32 s25, v0;
	[tilespmem:v18+s21+$0x0] =	vst.idx.msk $0xffff, v17  }
0x60: {  	v18 =	vadd.s32 s22, v0;
	v17 =	vld [tilespmem:s26+$0x0];
	s24 =	sadd.s32 $0xFFFFFFFD, s2;
	[tilespmem:v19+s21+$0x0] =	vst.idx.msk $0xffff, v16  }
0x61: {  	v19 =	vadd.s32 s24, v0;
	v16 =	vld [tilespmem:s19+$0x0];
	_ =	sdelay $0x1  }
0x62: {  	[tilespmem:v13+s21+$0x0] =	vst.idx.msk $0xffff, v12;
	s25 =	sadd.s32 $0xFFFFFFFE, s11  }
0x63: {  	v12 =	vld [tilespmem:s17+$0x400];
	v13 =	vadd.s32 s25, v0;
	s22 =	sadd.s32 $0xFFFFFFFE, s1;
	[tilespmem:v15+s21+$0x0] =	vst.idx.msk $0xffff, v14  }
0x64: {  	v15 =	vadd.s32 s22, v0;
	v14 =	vld [tilespmem:s14+$0x400];
	[tilespmem:v18+s21+$0x0] =	vst.idx.msk $0xffff, v17;
	s24 =	sadd.s32 $0xFFFFFFFE, s13  }
0x65: {  	s25 =	sadd.s32 $0xFFFFFFFE, s2;
	v17 =	vld [tilespmem:s26+$0x400];
	v18 =	vadd.s32 s24, v0;
	[tilespmem:v19+s21+$0x0] =	vst.idx.msk $0xffff, v16  }
0x66: {  	v19 =	vadd.s32 s25, v0;
	v16 =	vld [tilespmem:s19+$0x400];
	_ =	sdelay $0x1  }
0x67: {  	v20 =	vld [tilespmem:s10+$0x800];
	v21 =	vadd.s32 s23, v0;
	s22 =	sadd.s32 $0xFFFFFFFF, s11;
	[tilespmem:v13+s21+$0x0] =	vst.idx.msk $0xffff, v12  }
0x68: {  	s23 =	sadd.s32 $0xFFFFFFFF, s1;
	v13 =	vadd.s32 s22, v0;
	v12 =	vld [tilespmem:s17+$0x800];
	[tilespmem:v15+s21+$0x0] =	vst.idx.msk $0xffff, v14  }
0x69: {  	v15 =	vadd.s32 s23, v0;
	v14 =	vld [tilespmem:s14+$0x800];
	s24 =	sadd.s32 $0xFFFFFFFF, s13;
	[tilespmem:v18+s21+$0x0] =	vst.idx.msk $0xffff, v17  }
0x6a: {  	v18 =	vadd.s32 s24, v0;
	s25 =	sadd.s32 $0xFFFFFFFF, s2;
	v17 =	vld [tilespmem:s26+$0x800];
	[tilespmem:v19+s21+$0x0] =	vst.idx.msk $0xffff, v16  }
0x6b: {  	v19 =	vadd.s32 s25, v0;
	v16 =	vld [tilespmem:s19+$0x800]  }
0x6c: {  	[tilespmem:v21+s21+$0x0] =	vst.idx.msk $0xffff, v20  }
0x6d: {  	v21 =	vadd.s32 s12, v0;
	v20 =	vld [tilespmem:s10+$0xC00];
	[tilespmem:v13+s21+$0x0] =	vst.idx.msk $0xffff, v12  }
0x6e: {  	v13 =	vadd.s32 s11, v0;
	v12 =	vld [tilespmem:s17+$0xC00];
	[tilespmem:v15+s21+$0x0] =	vst.idx.msk $0xffff, v14  }
0x6f: {  	v15 =	vadd.s32 s1, v0;
	v14 =	vld [tilespmem:s14+$0xC00];
	[tilespmem:v18+s21+$0x0] =	vst.idx.msk $0xffff, v17  }
0x70: {  	v18 =	vadd.s32 s13, v0;
	v17 =	vld [tilespmem:s26+$0xC00];
	[tilespmem:v19+s21+$0x0] =	vst.idx.msk $0xffff, v16  }
0x71: {  	[tilespmem:v11+s21+$0x0] =	vst.idx.msk $0xffff, v10;
	v11 =	vadd.s32 s2, v0;
	v10 =	vld [tilespmem:s19+$0xC00]  }
0x72: {  	[tilespmem:v21+s21+$0x0] =	vst.idx.msk $0xffff, v20  }
0x73: {  	[tilespmem:v13+s21+$0x0] =	vst.idx.msk $0xffff, v12  }
0x74: {  	[tilespmem:v15+s21+$0x0] =	vst.idx.msk $0xffff, v14  }
0x75: {  	[tilespmem:v18+s21+$0x0] =	vst.idx.msk $0xffff, v17  }
0x76: {  	[tilespmem:v11+s21+$0x0] =	vst.idx.msk $0xffff, v10  }
0x77: {  	v10 =	vld [tilespmem:s4+$0xFFFFBF10]  }
0x78: {  	v11 =	vld [tilespmem:s4+$0xFFFFFF10]  }
0x79: {  	v12 =	vld [tilespmem:s4+$0xFFFFBF20]  }
0x7a: {  	v13 =	vld [tilespmem:s4+$0xFFFFFF20]  }
0x7b: {  	v14 =	vld [tilespmem:s4+$0xFFFFBF50]  }
0x7c: {  	v15 =	vld [tilespmem:s4+$0xFFFFFF50]  }
0x7d: {  	v16 =	vld [tilespmem:s0+$0x0]  }
0x7e: {  	v17 =	vld [tilespmem:s4+$0xFFFFBF30]  }
0x7f: {  	v18 =	vld [tilespmem:s4+$0xFFFFFF30]  }
0x80: {  	v19 =	vld [tilespmem:s4+$0xFFFFBF40]  }
0x81: {  	v20 =	vld [tilespmem:s4+$0xFFFFFF40]  }
0x82: {  	v21 =	vld [tilespmem:s4+$0xFFFFBF60]  }
0x83: {  	v24 =	vld [tilespmem:s0+$0x9]  }
0x84: {  	v25 =	vld [tilespmem:s0+$0x24]  }
0x85: {  	v26 =	vld [tilespmem:s0+$0x12]  }
0x86: {  	v27 =	vld [tilespmem:s0+$0x1B]  }
0x87: {  	v29 =	vld [tilespmem:s0+$0x2D];
	v28 =	vperm.xlane v16, v2  }
0x88: {  	v31 =	vld [tilespmem:s0+$0x48];
	v16 =	vperm.xlane v16, v3;
	v30 =	vperm.xlane v24, v2  }
0x89: {  	v33 =	vld [tilespmem:s0+$0x6C];
	v24 =	vperm.xlane v24, v3;
	v32 =	vperm.xlane v25, v2  }
0x8a: {  	v35 =	vld [tilespmem:s0+$0x36];
	v34 =	vperm.xlane v26, v2;
	v25 =	vperm.xlane v25, v3  }
0x8b: {  	v37 =	vld [tilespmem:s0+$0x3F];
	v26 =	vperm.xlane v26, v3;
	v36 =	vperm.xlane v27, v2  }
0x8c: {  	v39 =	vld [tilespmem:s0+$0x51];
	v27 =	vperm.xlane v27, v3;
	v38 =	vperm.xlane v29, v2  }
0x8d: {  	v41 =	vld [tilespmem:s0+$0x75];
	v29 =	vperm.xlane v29, v3;
	v40 =	vperm.xlane v31, v2  }
0x8e: {  	v42 =	vld [tilespmem:s0+$0x5A];
	v31 =	vperm.xlane v31, v3;
	v43 =	vperm.xlane v33, v2  }
0x8f: {  	v45 =	vld [tilespmem:s0+$0x63];
	v44 =	vperm.xlane v35, v2;
	v33 =	vperm.xlane v33, v3  }
0x90: {  	v47 =	vld [tilespmem:s0+$0x7E];
	v35 =	vperm.xlane v35, v3;
	v46 =	vperm.xlane v37, v2  }
0x91: {  	v49 =	vld [tilespmem:s0+$0x87];
	v37 =	vperm.xlane v37, v3;
	v48 =	vperm.xlane v39, v2  }
0x92: {  	v22 =	vld [tilespmem:s4+$0xFFFFFF60];
	v39 =	vperm.xlane v39, v3;
	v51 =	vperm.xlane v41, v2  }
0x93: {  	v23 =	vld [tilespmem:s4+$0xFFFFBF90];
	v52 =	vperm.xlane v42, v2;
	v41 =	vperm.xlane v41, v3  }
0x94: {  	v50 =	vld [tilespmem:s4+$0xFFFFFF90];
	v42 =	vperm.xlane v42, v3;
	v54 =	vperm.xlane v45, v2  }
0x95: {  	v53 =	vld [tilespmem:s4+$0xFFFFBFD0];
	v45 =	vperm.xlane v45, v3;
	v57 =	vperm.xlane v47, v2  }
0x96: {  	v55 =	vld [tilespmem:s4+$0xFFFFFFD0];
	v47 =	vperm.xlane v47, v3;
	v59 =	vperm.xlane v49, v2  }
0x97: {  	v56 =	vld [tilespmem:s4+$0xFFFFBF70];
	v49 =	vperm.xlane v49, v3;
	v10 =	vmul.f32 v28, v10  }
0x98: {  	v58 =	vld [tilespmem:s4+$0xFFFFFF70];
	v11 =	vmul.f32 v16, v11;
	v12 =	vmul.f32 v30, v12  }
0x99: {  	v60 =	vld [tilespmem:s4+$0xFFFFBFF0];
	v13 =	vmul.f32 v24, v13;
	v14 =	vmul.f32 v32, v14  }
0x9a: {  	v61 =	vld [tilespmem:s4+$0xFFFFFFF0];
	v17 =	vmul.f32 v34, v17;
	v15 =	vmul.f32 v25, v15  }
0x9b: {  	v62 =	vld [tilespmem:s4+$0xFFFFC000];
	v18 =	vmul.f32 v26, v18;
	v19 =	vmul.f32 v36, v19  }
0x9c: {  	v28 =	vld [tilespmem:s4+$0xFFFFBF80];
	v20 =	vmul.f32 v27, v20;
	v21 =	vmul.f32 v38, v21  }
0x9d: {  	v16 =	vld [tilespmem:s4+$0xFFFFFF80];
	v22 =	vmul.f32 v29, v22;
	v23 =	vmul.f32 v40, v23  }
0x9e: {  	v24 =	vld [tilespmem:s4+$0xFFFFBFA0];
	v30 =	vmul.f32 v31, v50;
	v50 =	vmul.f32 v43, v53  }
0x9f: {  	v25 =	vld [tilespmem:s4+$0xFFFFFFA0];
	v53 =	vmul.f32 v44, v56;
	v33 =	vmul.f32 v33, v55;
	v10 =	vadd.f32 v11, v10  }
0xa0: {  	v26 =	vld [tilespmem:s4+$0xFFFFBFE0];
	v35 =	vmul.f32 v35, v58;
	v11 =	vadd.f32 v13, v12;
	v13 =	vadd.f32 v18, v17  }
0xa1: {  	v27 =	vld [tilespmem:s4+$0xFFFFFFE0];
	v14 =	vadd.f32 v15, v14;
	v15 =	vmul.f32 v57, v60;
	v17 =	vadd.f32 v20, v19  }
0xa2: {  	v29 =	vld [tilespmem:s4+$0xFFFFBFB0];
	v18 =	vadd.f32 v22, v21;
	v19 =	vmul.f32 v47, v61;
	v20 =	vadd.f32 v30, v23  }
0xa3: {  	v31 =	vld [tilespmem:s4+$0xFFFFFFB0];
	v21 =	vadd.f32 v33, v50;
	v22 =	vmul.f32 v59, v62;
	v23 =	vadd.f32 v35, v53  }
0xa4: {  	v56 =	vld [tilespmem:s4+$0xFFFFBFC0];
	v30 =	vperm.xlane v10, v4;
	v43 =	vperm.xlane v20, v4  }
0xa5: {  	v58 =	vld [tilespmem:s4+$0xFFFFFFC0];
	v15 =	vadd.f32 v19, v15;
	v19 =	vperm.xlane v23, v4;
	v44 =	vperm.xlane v21, v4  }
0xa6: {  	v28 =	vmul.f32 v46, v28;
	v16 =	vmul.f32 v37, v16  }
0xa7: {  	v32 =	vld [tilespmem:s0+$0xFFFFFFCA];
	v24 =	vmul.f32 v48, v24;
	v25 =	vmul.f32 v39, v25  }
0xa8: {  	v26 =	vmul.f32 v51, v26;
	v29 =	vmul.f32 v52, v29  }
0xa9: {  	v63 =	vld [tilespmem:s4+$0x0];
	v27 =	vmul.f32 v41, v27;
	v31 =	vmul.f32 v42, v31  }
0xaa: {  	v36 =	vmul.f32 v54, v56;
	v12 =	vmul.f32 v45, v58  }
0xab: {  	v41 =	vperm.xlane v17, v4;
	v42 =	vperm.xlane v18, v4  }
0xac: {  	v35 =	vld [tilespmem:s0+$0xFFFFFF82];
	v56 =	vperm.xlane v32, v2;
	v10 =	vadd.f32 v10, v30;
	v20 =	vadd.f32 v20, v43  }
0xad: {  	v19 =	vadd.f32 v23, v19;
	v21 =	vadd.f32 v21, v44;
	v23 =	vperm.xlane v15, v4  }
0xae: {  	v16 =	vadd.f32 v16, v28;
	v28 =	vmul.f32 v49, v63;
	v24 =	vadd.f32 v25, v24  }
0xaf: {  	v25 =	vadd.f32 v27, v26;
	v26 =	vperm.xlane v11, v4;
	v27 =	vperm.xlane v14, v4  }
0xb0: {  	v29 =	vadd.f32 v31, v29;
	v31 =	vperm.xlane v13, v4;
	v12 =	vadd.f32 v12, v36  }
0xb1: {  	v17 =	vadd.f32 v17, v41;
	v34 =	vperm.xlane v35, v2;
	v35 =	vperm.xlane v35, v3  }
0xb2: {  	v18 =	vadd.f32 v18, v42;
	v45 =	vperm.xlane v10, v5;
	v51 =	vperm.xlane v20, v5  }
0xb3: {  	v52 =	vperm.xlane v21, v5;
	v15 =	vadd.f32 v15, v23;
	v53 =	vperm.xlane v19, v5  }
0xb4: {  	v37 =	vld [tilespmem:s0+$0xFFFFFF8B];
	v22 =	vadd.f32 v28, v22;
	v28 =	vperm.xlane v16, v4;
	v30 =	vperm.xlane v24, v4  }
0xb5: {  	v33 =	vld [tilespmem:s0+$0xFFFFFFD3];
	v11 =	vadd.f32 v11, v26;
	v14 =	vadd.f32 v14, v27;
	v26 =	vperm.xlane v25, v4  }
0xb6: {  	v57 =	vld [tilespmem:s4+$0xFFFFBEC0];
	v13 =	vadd.f32 v13, v31;
	v27 =	vperm.xlane v29, v4;
	v31 =	vperm.xlane v12, v4  }
0xb7: {  	v43 =	vld [tilespmem:s4+$0xFFFFBEB0];
	v49 =	vperm.xlane v17, v5;
	v50 =	vperm.xlane v18, v5;
	v10 =	vadd.f32 v10, v45  }
0xb8: {  	v41 =	vld [tilespmem:s0+$0xFFFFFFB8];
	v20 =	vadd.f32 v20, v51;
	v21 =	vadd.f32 v21, v52;
	v60 =	vperm.xlane v15, v5  }
0xb9: {  	v36 =	vld [tilespmem:s0+$0xFFFFFF94];
	v19 =	vadd.f32 v19, v53;
	v40 =	vperm.xlane v37, v2;
	v37 =	vperm.xlane v37, v3  }
0xba: {  	v42 =	vld [tilespmem:s4+$0xFFFFFE30];
	v16 =	vadd.f32 v16, v28;
	v24 =	vadd.f32 v24, v30;
	v28 =	vperm.xlane v22, v4  }
0xbb: {  	v39 =	vld [tilespmem:s0+$0xFFFFFF9D];
	v46 =	vperm.xlane v11, v5;
	v25 =	vadd.f32 v25, v26;
	v47 =	vperm.xlane v13, v5  }
0xbc: {  	v44 =	vld [tilespmem:s4+$0xFFFFFEA0];
	v48 =	vperm.xlane v14, v5;
	v27 =	vadd.f32 v29, v27;
	v12 =	vadd.f32 v12, v31  }
0xbd: {  	v23 =	vld [tilespmem:s0+$0xFFFFFFC1];
	v17 =	vadd.f32 v17, v49;
	v43 =	vmul.f32 v56, v43;
	v56 =	vperm.xlane v41, v2  }
0xbe: {  	v63 =	vld [tilespmem:s4+$0xFFFFFEB0];
	v18 =	vadd.f32 v18, v50;
	v41 =	vperm.xlane v41, v3;
	v51 =	vperm.xlane v36, v3  }
0xbf: {  	v45 =	vld [tilespmem:s4+$0xFFFFBE70];
	v15 =	vadd.f32 v15, v60;
	v35 =	vmul.f32 v35, v42;
	v54 =	vperm.xlane v16, v5  }
0xc0: {  	v30 =	vld [tilespmem:s0+$0xFFFFFFEE];
	v22 =	vadd.f32 v22, v28;
	v11 =	vadd.f32 v11, v46;
	v55 =	vperm.xlane v24, v5  }
0xc1: {  	v26 =	vld [tilespmem:s0+$0xFFFFFFF7];
	v13 =	vadd.f32 v13, v47;
	v58 =	vperm.xlane v27, v5;
	v59 =	vperm.xlane v12, v5  }
0xc2: {  	v29 =	vld [tilespmem:s0+$0xFFFFFFA6];
	v14 =	vadd.f32 v14, v48;
	v62 =	vperm.xlane v25, v5;
	v50 =	vperm.xlane v23, v2  }
0xc3: {  	v31 =	vld [tilespmem:s0+$0xFFFFFFAF];
	v23 =	vperm.xlane v23, v3;
	v16 =	vadd.f32 v16, v54;
	v61 =	vperm.xlane v22, v5  }
0xc4: {  	v49 =	vld [tilespmem:s4+$0xFFFFBE80];
	v27 =	vadd.f32 v27, v58;
	v54 =	vperm.xlane v39, v2;
	v39 =	vperm.xlane v39, v3  }
0xc5: {  	v28 =	vld [tilespmem:s0+$0xFFFFFFE5];
	v12 =	vadd.f32 v12, v59;
	v23 =	vmul.f32 v23, v44;
	v58 =	vperm.xlane v30, v2  }
0xc6: {  	v47 =	vld [tilespmem:s4+$0xFFFFFE70];
	v13 =	vsel vm0, v13, v17;
	v30 =	vperm.xlane v30, v3;
	v59 =	vperm.xlane v26, v2  }
0xc7: {  	v60 =	vld [tilespmem:s4+$0xFFFFFE80];
	v17 =	vadd.f32 v24, v55;
	v46 =	vperm.xlane v29, v2;
	v26 =	vperm.xlane v26, v3  }
0xc8: {  	v24 =	vadd.f32 v25, v62;
	v25 =	vld [tilespmem:s4+$0xFFFFFEC0];
	v29 =	vperm.xlane v29, v3;
	v48 =	vperm.xlane v31, v2  }
0xc9: {  	v62 =	vld [tilespmem:s4+$0xFFFFBEE0];
	v31 =	vperm.xlane v31, v3;
	v22 =	vadd.f32 v22, v61;
	v16 =	vsel vm0, v19, v16  }
0xca: {  	v55 =	vld [tilespmem:s4+$0xFFFFBE40];
	v12 =	vsel vm0, v27, v12;
	v52 =	vperm.xlane v28, v2;
	v28 =	vperm.xlane v28, v3  }
0xcb: {  	v19 =	vld [tilespmem:s0+$0xFFFFFFDC];
	v16 =	vsel vm1, v18, v16;
	v45 =	vmul.f32 v46, v45;
	v29 =	vmul.f32 v29, v47  }
0xcc: {  	v61 =	vld [tilespmem:s4+$0xFFFFBEA0];
	v15 =	vsel vm0, v15, v22;
	v22 =	vsel vm1, v11, v13;
	v11 =	vsel vm1, v17, v12  }
0xcd: {  	v18 =	vld [tilespmem:s4+$0xFFFFBF00];
	v31 =	vmul.f32 v31, v60;
	v12 =	vsel vm1, v24, v15;
	v13 =	vsel vm2, v20, v11  }
0xce: {  	v17 =	vld [tilespmem:s4+$0xFFFFFEF0];
	v11 =	vsel vm2, v14, v16;
	v20 =	vperm.xlane v32, v3;
	v24 =	vperm.xlane v33, v2  }
0xcf: {  	v15 =	vld [tilespmem:s4+$0xFFFFBEF0];
	v10 =	vsel vm2, v10, v22;
	v33 =	vperm.xlane v33, v3;
	v40 =	vmul.f32 v40, v55  }
0xd0: {  	v22 =	vld [tilespmem:s4+$0xFFFFFF00];
	v12 =	vsel vm2, v21, v12;
	v14 =	vperm.xlane v13, v9;
	v21 =	vperm.xlane v11, v9  }
0xd1: {  	v32 =	vld [tilespmem:s0+$0xFFFFFF79];
	v27 =	vperm.xlane v10, v9;
	v16 =	vperm.xlane v12, v9  }
0xd2: {  	v20 =	vmul.f32 v20, v63;
	v24 =	vmul.f32 v24, v57;
	v63 =	vld [tilespmem:s4+$0xFFFFFEE0]  }
0xd3: {  	v29 =	vadd.f32 v29, v45;
	v25 =	vmul.f32 v33, v25;
	v60 =	vmul.f32 v50, v61;
	v61 =	vld [tilespmem:s4+$0xFFFFFE90]  }
0xd4: {  	v57 =	vperm.xlane v19, v2;
	v19 =	vperm.xlane v19, v3;
	v50 =	vld [tilespmem:s4+$0xFFFFBE20]  }
0xd5: {  	v44 =	vperm.xlane v29, v4;
	v18 =	vmul.f32 v59, v18;
	v59 =	vld [tilespmem:s4+$0xFFFFBE90]  }
0xd6: {  	v17 =	vmul.f32 v30, v17;
	v30 =	vld [tilespmem:s0+$0xFFFFFF70];
	v14 =	vsel vm0, v14, v16;
	v24 =	vadd.f32 v25, v24  }
0xd7: {  	v16 =	vld [tilespmem:s4+$0xFFFFFE40];
	v25 =	vmul.f32 v52, v62;
	v23 =	vadd.f32 v23, v60;
	v15 =	vmul.f32 v58, v15  }
0xd8: {  	v62 =	vld [tilespmem:s4+$0xFFFFBED0];
	v22 =	vmul.f32 v26, v22;
	v14 =	vsel vm1, v21, v14;
	v58 =	vmul.f32 v48, v49  }
0xd9: {  	v52 =	vld [tilespmem:s4+$0xFFFFFE20];
	v49 =	vperm.xlane v36, v2;
	v46 =	vperm.xlane v23, v4;
	v15 =	vadd.f32 v17, v15  }
0xda: {  	v55 =	vld [tilespmem:s4+$0xFFFFFE50];
	v17 =	vperm.xlane v32, v2;
	v28 =	vmul.f32 v28, v63;
	v18 =	vadd.f32 v22, v18  }
0xdb: {  	v26 =	vld [tilespmem:s4+$0xFFFFBE30];
	v22 =	vperm.xlane v32, v3;
	v31 =	vadd.f32 v31, v58;
	v58 =	vmul.f32 v41, v61  }
0xdc: {  	v21 =	vld [tilespmem:s4+$0xFFFFBE60];
	v16 =	vmul.f32 v37, v16;
	v25 =	vadd.f32 v28, v25;
	v28 =	vmul.f32 v56, v59  }
0xdd: {  	v14 =	vsel vm2, v27, v14;
	v27 =	vld [tilespmem:s4+$0xFFFFFE60];
	v38 =	vmul.f32 v57, v62;
	v60 =	vperm.xlane v30, v2  }
0xde: {  	v17 =	vmul.f32 v17, v50;
	v22 =	vmul.f32 v22, v52  }
0xdf: {  	v20 =	vadd.f32 v20, v43;
	v63 =	vld [tilespmem:s4+$0xFFFFFED0];
	v62 =	vmul.f32 v51, v55;
	v41 =	vperm.xlane v15, v4  }
0xe0: {  	v53 =	vld [tilespmem:s4+$0xFFFFBE50];
	v29 =	vadd.f32 v29, v44;
	v43 =	vperm.xlane v18, v4;
	v45 =	vperm.xlane v31, v4  }
0xe1: {  	v26 =	vmul.f32 v34, v26;
	v21 =	vmul.f32 v54, v21;
	v16 =	vadd.f32 v16, v40  }
0xe2: {  	v27 =	vmul.f32 v39, v27;
	v28 =	vadd.f32 v58, v28;
	v17 =	vadd.f32 v22, v17  }
0xe3: {  	v22 =	vperm.xlane v24, v4;
	v32 =	vadd.f32 v18, v43;
	v31 =	vadd.f32 v31, v45  }
0xe4: {  	v59 =	vld [tilespmem:s4+$0xFFFFBE10];
	v26 =	vadd.f32 v35, v26;
	v19 =	vmul.f32 v19, v63;
	v63 =	vperm.xlane v20, v4  }
0xe5: {  	v21 =	vadd.f32 v27, v21;
	v27 =	vperm.xlane v30, v3;
	v30 =	vmul.f32 v49, v53  }
0xe6: {  	v61 =	vld [tilespmem:s4+$0xFFFFFE10];
	v22 =	vadd.f32 v24, v22;
	v24 =	vperm.xlane v25, v4;
	v18 =	vperm.xlane v16, v4  }
0xe7: {  	v35 =	vadd.f32 v15, v41;
	v48 =	vperm.xlane v28, v4;
	v50 =	vperm.xlane v17, v4  }
0xe8: {  	v49 =	vadd.f32 v23, v46;
	v55 =	vperm.xlane v32, v5;
	v57 =	vperm.xlane v31, v5  }
0xe9: {  	v19 =	vadd.f32 v19, v38;
	v42 =	vmul.f32 v60, v59;
	v20 =	vadd.f32 v20, v63  }
0xea: {  	v15 =	vperm.xlane v26, v4;
	v54 =	vperm.xlane v35, v5;
	v30 =	vadd.f32 v62, v30  }
0xeb: {  	v27 =	vmul.f32 v27, v61;
	v24 =	vadd.f32 v25, v24;
	v53 =	vadd.f32 v16, v18  }
0xec: {  	v47 =	vperm.xlane v21, v4;
	v16 =	vadd.f32 v28, v48;
	v17 =	vadd.f32 v17, v50  }
0xed: {  	v58 =	vperm.xlane v49, v5;
	v63 =	vadd.f32 v32, v55;
	v23 =	vperm.xlane v19, v4  }
0xee: {  	v52 =	vadd.f32 v26, v15;
	v25 =	vperm.xlane v20, v5;
	v26 =	vperm.xlane v22, v5  }
0xef: {  	v35 =	vadd.f32 v35, v54;
	v27 =	vadd.f32 v27, v42;
	v51 =	vperm.xlane v30, v4  }
0xf0: {  	v15 =	vadd.f32 v21, v47;
	v21 =	vperm.xlane v29, v5;
	v59 =	vperm.xlane v24, v5  }
0xf1: {  	v62 =	vperm.xlane v53, v5;
	v18 =	vadd.f32 v19, v23;
	v60 =	vperm.xlane v52, v5  }
0xf2: {  	v61 =	vadd.f32 v20, v25;
	v22 =	vadd.f32 v22, v26;
	v26 =	vperm.xlane v16, v5  }
0xf3: {  	v23 =	vadd.f32 v31, v57;
	v33 =	vsel vm0, v35, v63;
	v19 =	vadd.f32 v30, v51  }
0xf4: {  	v56 =	vperm.xlane v27, v4;
	v21 =	vadd.f32 v29, v21;
	v30 =	vadd.f32 v49, v58  }
0xf5: {  	v25 =	vperm.xlane v15, v5;
	v31 =	vadd.f32 v24, v59;
	v24 =	vadd.f32 v53, v62  }
0xf6: {  	s4 =	simm.s32 $0x15C10;
	v28 =	vperm.xlane v18, v5;
	v32 =	vsel vm0, v61, v22;
	v20 =	vadd.f32 v27, v56  }
0xf7: {  	s10 =	simm.s32 $0x9800;
	s17 =	simm.s32 $0x0;
	[tilespmem:s4+$0x410] =	vst v14;
	v22 =	vadd.f32 v52, v60;
	v27 =	vperm.xlane v17, v5;
	v29 =	vperm.xlane v19, v5  }
.LBB2_5:
0xf8: {  	v14 =	vld [tilespmem:s10+$0xFFFFBF10];
	v34 =	vperm.xlane v20, v5;
	v25 =	vadd.f32 v15, v25;
	v26 =	vadd.f32 v16, v26  }
0xf9: {  	v30 =	vsel vm1, v30, v32;
	v18 =	vadd.f32 v18, v28;
	v28 =	vsel vm1, v31, v33;
	v15 =	vld [tilespmem:s10+$0xFFFFFF10]  }
0xfa: {  	v27 =	vadd.f32 v17, v27;
	v29 =	vadd.f32 v19, v29;
	v19 =	vsel vm0, v21, v23;
	v16 =	vld [tilespmem:s10+$0xFFFFBF20]  }
0xfb: {  	v21 =	vsel vm1, v25, v19;
	v23 =	vsel vm2, v26, v30;
	v25 =	vsel vm2, v18, v28;
	v17 =	vld [tilespmem:s10+$0xFFFFFF20]  }
0xfc: {  	v26 =	vadd.f32 v20, v34;
	v20 =	vsel vm0, v22, v24;
	v22 =	vperm.xlane v23, v6;
	v18 =	vld [tilespmem:s10+$0xFFFFBF50]  }
0xfd: {  	s0 =	sadd.s32 $0x120, s0;
	v28 =	vsel vm2, v29, v21;
	v24 =	vperm.xlane v25, v6;
	v29 =	vperm.xlane v23, v7;
	v19 =	vld [tilespmem:s10+$0xFFFFFF50]  }
0xfe: {  	v21 =	vsel vm1, v27, v20;
	v27 =	vperm.xlane v25, v7;
	v31 =	vperm.xlane v23, v8;
	v30 =	vld [tilespmem:s0+$0x0]  }
0xff: {  	v32 =	vperm.xlane v25, v8;
	v33 =	vperm.xlane v23, v9;
	v26 =	vsel vm2, v26, v21;
	v20 =	vld [tilespmem:s10+$0xFFFFBF30]  }
0x100: {  	v34 =	vsel vm0, v22, v24;
	v24 =	vperm.xlane v25, v9;
	v25 =	vperm.xlane v13, v6;
	v21 =	vld [tilespmem:s10+$0xFFFFFF30]  }
0x101: {  	v35 =	vperm.xlane v13, v7;
	v27 =	vsel vm0, v29, v27;
	v29 =	vperm.xlane v12, v6;
	v22 =	vld [tilespmem:s10+$0xFFFFBF40]  }
0x102: {  	v36 =	vperm.xlane v13, v8;
	v31 =	vsel vm0, v31, v32;
	v32 =	vperm.xlane v12, v7;
	v23 =	vld [tilespmem:s10+$0xFFFFFF40]  }
0x103: {  	v38 =	vperm.xlane v12, v8;
	v37 =	vperm.xlane v28, v6;
	v33 =	vsel vm0, v33, v24;
	v13 =	vld [tilespmem:s10+$0xFFFFBF60]  }
0x104: {  	v39 =	vperm.xlane v28, v7;
	v40 =	vperm.xlane v28, v8;
	v25 =	vsel vm0, v25, v29;
	v12 =	vld [tilespmem:s10+$0xFFFFFF60]  }
0x105: {  	v28 =	vperm.xlane v28, v9;
	v29 =	vperm.xlane v11, v6;
	v32 =	vsel vm0, v35, v32;
	v24 =	vld [tilespmem:s10+$0xFFFFBF90]  }
0x106: {  	v41 =	vperm.xlane v11, v7;
	v36 =	vsel vm0, v36, v38;
	v11 =	vperm.xlane v11, v8;
	v35 =	vld [tilespmem:s0+$0x9]  }
0x107: {  	v42 =	vperm.xlane v26, v6;
	v34 =	vsel vm1, v37, v34;
	v37 =	vperm.xlane v26, v7;
	v38 =	vld [tilespmem:s0+$0x24]  }
0x108: {  	v27 =	vsel vm1, v39, v27;
	v39 =	vperm.xlane v26, v8;
	v26 =	vperm.xlane v26, v9;
	v43 =	vld [tilespmem:s0+$0x12]  }
0x109: {  	v45 =	vperm.xlane v10, v7;
	v31 =	vsel vm1, v40, v31;
	v40 =	vperm.xlane v10, v6;
	v44 =	vld [tilespmem:s0+$0x1B]  }
0x10a: {  	v10 =	vperm.xlane v10, v8;
	v28 =	vsel vm1, v28, v33;
	v46 =	vperm.xlane v30, v2;
	v47 =	vld [tilespmem:s0+$0x2D]  }
0x10b: {  	v25 =	vsel vm1, v29, v25;
	v30 =	vperm.xlane v30, v3;
	v33 =	vperm.xlane v35, v2;
	v48 =	vld [tilespmem:s0+$0x48]  }
0x10c: {  	v32 =	vsel vm1, v41, v32;
	v29 =	vperm.xlane v35, v3;
	v35 =	vperm.xlane v38, v2;
	v49 =	vld [tilespmem:s0+$0x6C]  }
0x10d: {  	v11 =	vsel vm1, v11, v36;
	v38 =	vperm.xlane v38, v3;
	v41 =	vperm.xlane v43, v2;
	v50 =	vld [tilespmem:s0+$0x36]  }
0x10e: {  	v34 =	vsel vm2, v42, v34;
	v36 =	vperm.xlane v43, v3;
	v43 =	vperm.xlane v44, v2;
	v51 =	vld [tilespmem:s0+$0x3F]  }
0x10f: {  	v27 =	vsel vm2, v37, v27;
	v42 =	vperm.xlane v44, v3;
	v44 =	vperm.xlane v47, v2;
	v52 =	vld [tilespmem:s0+$0x51];
	[tilespmem:s4+$0xFFFFF800] =	vst v34  }
0x110: {  	v34 =	vperm.xlane v47, v3;
	v37 =	vperm.xlane v48, v2;
	v47 =	vld [tilespmem:s0+$0x75];
	[tilespmem:s4+$0xFFFFFC00] =	vst v27;
	v27 =	vsel vm2, v39, v31  }
0x111: {  	v26 =	vsel vm2, v26, v28;
	v31 =	vperm.xlane v48, v3;
	v39 =	vld [tilespmem:s0+$0x5A];
	v48 =	vperm.xlane v49, v2;
	[tilespmem:s4+$0x0] =	vst v27  }
0x112: {  	v25 =	vsel vm2, v40, v25;
	v49 =	vperm.xlane v49, v3;
	v27 =	vperm.xlane v50, v2;
	v28 =	vld [tilespmem:s0+$0x63];
	[tilespmem:s4+$0x400] =	vst v26  }
0x113: {  	v26 =	vperm.xlane v50, v3;
	v40 =	vperm.xlane v51, v2;
	v50 =	vld [tilespmem:s0+$0x7E];
	[tilespmem:s4+$0xFFFFF810] =	vst v25;
	v25 =	vsel vm2, v45, v32  }
0x114: {  	v10 =	vsel vm2, v10, v11;
	v32 =	vperm.xlane v51, v3;
	v45 =	vperm.xlane v52, v2;
	v51 =	vld [tilespmem:s0+$0x87];
	[tilespmem:s4+$0xFFFFFC10] =	vst v25  }
0x115: {  	v25 =	vperm.xlane v52, v3;
	v11 =	vld [tilespmem:s10+$0xFFFFFF90];
	v52 =	vperm.xlane v47, v2;
	[tilespmem:s4+$0x10] =	vst v10  }
0x116: {  	v47 =	vperm.xlane v47, v3;
	v10 =	vperm.xlane v39, v2;
	v53 =	vld [tilespmem:s10+$0xFFFFBFD0]  }
0x117: {  	v39 =	vperm.xlane v39, v3;
	v54 =	vperm.xlane v28, v2;
	v55 =	vld [tilespmem:s10+$0xFFFFFFD0]  }
0x118: {  	v28 =	vperm.xlane v28, v3;
	v56 =	vld [tilespmem:s10+$0xFFFFBF70];
	v57 =	vperm.xlane v50, v2  }
0x119: {  	v50 =	vperm.xlane v50, v3;
	v58 =	vld [tilespmem:s10+$0xFFFFFF70];
	v59 =	vperm.xlane v51, v2  }
0x11a: {  	v14 =	vmul.f32 v46, v14;
	v51 =	vperm.xlane v51, v3;
	v46 =	vld [tilespmem:s10+$0xFFFFBF80]  }
0x11b: {  	v15 =	vmul.f32 v30, v15;
	v16 =	vmul.f32 v33, v16;
	v30 =	vld [tilespmem:s10+$0xFFFFFF80]  }
0x11c: {  	v17 =	vmul.f32 v29, v17;
	v18 =	vmul.f32 v35, v18;
	v29 =	vld [tilespmem:s10+$0xFFFFBFA0]  }
0x11d: {  	v19 =	vmul.f32 v38, v19;
	v33 =	vmul.f32 v41, v20;
	v20 =	vld [tilespmem:s10+$0xFFFFFFA0]  }
0x11e: {  	v21 =	vmul.f32 v36, v21;
	v22 =	vmul.f32 v43, v22;
	v35 =	vld [tilespmem:s10+$0xFFFFBFE0]  }
0x11f: {  	v23 =	vmul.f32 v42, v23;
	v13 =	vmul.f32 v44, v13;
	v36 =	vld [tilespmem:s10+$0xFFFFFFE0]  }
0x120: {  	v12 =	vmul.f32 v34, v12;
	v24 =	vmul.f32 v37, v24;
	v34 =	vld [tilespmem:s10+$0xFFFFBFB0]  }
0x121: {  	v11 =	vmul.f32 v31, v11;
	v37 =	vmul.f32 v48, v53;
	v31 =	vld [tilespmem:s10+$0xFFFFFFB0]  }
0x122: {  	v41 =	vmul.f32 v49, v55;
	v27 =	vmul.f32 v27, v56;
	v38 =	vld [tilespmem:s10+$0xFFFFBFC0]  }
0x123: {  	v26 =	vmul.f32 v26, v58;
	v40 =	vmul.f32 v40, v46;
	v42 =	vld [tilespmem:s10+$0xFFFFFFC0]  }
0x124: {  	v30 =	vmul.f32 v32, v30;
	v29 =	vmul.f32 v45, v29;
	v32 =	vld [tilespmem:s10+$0xFFFFBFF0]  }
0x125: {  	v25 =	vmul.f32 v25, v20;
	v35 =	vmul.f32 v52, v35;
	v43 =	vld [tilespmem:s10+$0xFFFFFFF0]  }
0x126: {  	v36 =	vmul.f32 v47, v36;
	v34 =	vmul.f32 v10, v34;
	v44 =	vld [tilespmem:s10+$0xFFFFC000]  }
0x127: {  	v31 =	vmul.f32 v39, v31;
	v38 =	vmul.f32 v54, v38;
	v39 =	vld [tilespmem:s10+$0x0]  }
0x128: {  	v46 =	vadd.f32 v17, v16;
	v45 =	vadd.f32 v15, v14;
	v10 =	vld [tilespmem:s0+$0xFFFFFFCA];
	v14 =	vmul.f32 v28, v42  }
0x129: {  	v33 =	vadd.f32 v21, v33;
	v28 =	vadd.f32 v19, v18;
	v20 =	vld [tilespmem:s0+$0xFFFFFFD3];
	v15 =	vmul.f32 v57, v32  }
0x12a: {  	v12 =	vadd.f32 v12, v13;
	v32 =	vadd.f32 v23, v22;
	v21 =	vld [tilespmem:s0+$0xFFFFFFEE];
	v13 =	vmul.f32 v50, v43  }
0x12b: {  	v11 =	vadd.f32 v11, v24;
	v37 =	vadd.f32 v41, v37;
	v18 =	vld [tilespmem:s0+$0xFFFFFFF7];
	v16 =	vmul.f32 v59, v44  }
0x12c: {  	v26 =	vadd.f32 v26, v27;
	v27 =	vadd.f32 v30, v40;
	v19 =	vld [tilespmem:s0+$0xFFFFFFA6];
	v17 =	vmul.f32 v51, v39  }
0x12d: {  	v30 =	vperm.xlane v45, v4;
	v25 =	vadd.f32 v25, v29;
	v35 =	vadd.f32 v36, v35;
	v22 =	vld [tilespmem:s0+$0xFFFFFFAF]  }
0x12e: {  	v29 =	vperm.xlane v46, v4;
	v34 =	vadd.f32 v31, v34;
	v36 =	vperm.xlane v28, v4;
	v24 =	vld [tilespmem:s0+$0xFFFFFFC1]  }
0x12f: {  	v31 =	vperm.xlane v33, v4;
	v38 =	vadd.f32 v14, v38;
	v39 =	vperm.xlane v32, v4;
	v23 =	vld [tilespmem:s0+$0xFFFFFFE5]  }
0x130: {  	v41 =	vperm.xlane v11, v4;
	v40 =	vperm.xlane v12, v4;
	v13 =	vadd.f32 v13, v15;
	v14 =	vld [tilespmem:s0+$0xFFFFFF82]  }
0x131: {  	v42 =	vperm.xlane v26, v4;
	v43 =	vperm.xlane v37, v4;
	v44 =	vadd.f32 v17, v16;
	v15 =	vld [tilespmem:s0+$0xFFFFFF8B]  }
0x132: {  	s17 =	sadd.s32 $0x20, s17;
	v47 =	vperm.xlane v27, v4;
	v45 =	vadd.f32 v45, v30;
	v48 =	vperm.xlane v25, v4;
	v16 =	vld [tilespmem:s0+$0xFFFFFF9D]  }
0x133: {  	p0 =	slt.u32 s17, $0x3E0;
	v46 =	vadd.f32 v46, v29;
	v49 =	vperm.xlane v35, v4;
	v36 =	vadd.f32 v28, v36;
	v17 =	vld [tilespmem:s0+$0xFFFFFFB8]  }
0x134: {  	v33 =	vadd.f32 v33, v31;
	v32 =	vadd.f32 v32, v39;
	v39 =	vperm.xlane v34, v4;
	v28 =	vld [tilespmem:s10+$0xFFFFBEB0]  }
0x135: {  	v11 =	vadd.f32 v11, v41;
	v12 =	vadd.f32 v12, v40;
	v40 =	vperm.xlane v38, v4;
	v29 =	vld [tilespmem:s10+$0xFFFFFEB0]  }
0x136: {  	v41 =	vadd.f32 v26, v42;
	v37 =	vadd.f32 v37, v43;
	v26 =	vperm.xlane v13, v4;
	v30 =	vld [tilespmem:s10+$0xFFFFBEC0]  }
0x137: {  	v42 =	vadd.f32 v27, v47;
	v43 =	vadd.f32 v25, v48;
	v27 =	vperm.xlane v44, v4;
	v31 =	vld [tilespmem:s10+$0xFFFFFEC0]  }
0x138: {  	v47 =	vperm.xlane v45, v5;
	v35 =	vadd.f32 v35, v49;
	v48 =	vperm.xlane v46, v5;
	v25 =	vld [tilespmem:s0+$0xFFFFFFDC]  }
0x139: {  	v50 =	vperm.xlane v33, v5;
	v51 =	vperm.xlane v36, v5;
	v34 =	vadd.f32 v34, v39;
	v49 =	vld [tilespmem:s10+$0xFFFFBEF0]  }
0x13a: {  	v53 =	vperm.xlane v12, v5;
	v38 =	vadd.f32 v38, v40;
	v52 =	vperm.xlane v32, v5;
	v39 =	vld [tilespmem:s10+$0xFFFFFEF0]  }
0x13b: {  	v54 =	vperm.xlane v11, v5;
	v55 =	vperm.xlane v37, v5;
	v13 =	vadd.f32 v13, v26;
	v40 =	vld [tilespmem:s10+$0xFFFFBF00]  }
0x13c: {  	v57 =	vperm.xlane v41, v5;
	v58 =	vperm.xlane v42, v5;
	v44 =	vadd.f32 v44, v27;
	v56 =	vld [tilespmem:s10+$0xFFFFFF00]  }
0x13d: {  	v45 =	vadd.f32 v45, v47;
	v46 =	vadd.f32 v46, v48;
	v47 =	vperm.xlane v43, v5;
	v26 =	vld [tilespmem:s0+$0xFFFFFF79]  }
0x13e: {  	v33 =	vadd.f32 v33, v50;
	v36 =	vadd.f32 v36, v51;
	v48 =	vperm.xlane v34, v5;
	v27 =	vld [tilespmem:s0+$0xFFFFFF94]  }
0x13f: {  	v12 =	vadd.f32 v12, v53;
	v51 =	vperm.xlane v38, v5;
	v32 =	vadd.f32 v32, v52;
	v50 =	vld [tilespmem:s10+$0xFFFFBE70]  }
0x140: {  	v11 =	vadd.f32 v11, v54;
	v37 =	vadd.f32 v37, v55;
	v53 =	vperm.xlane v13, v5;
	v52 =	vld [tilespmem:s10+$0xFFFFFE70]  }
0x141: {  	v41 =	vadd.f32 v41, v57;
	v42 =	vadd.f32 v42, v58;
	v55 =	vperm.xlane v44, v5;
	v54 =	vld [tilespmem:s10+$0xFFFFBE80]  }
0x142: {  	v38 =	vadd.f32 v38, v51;
	v34 =	vadd.f32 v34, v48;
	v48 =	vperm.xlane v35, v5;
	v57 =	vld [tilespmem:s10+$0xFFFFFE80]  }
0x143: {  	v58 =	vperm.xlane v10, v2;
	v13 =	vadd.f32 v13, v53;
	v44 =	vadd.f32 v44, v55;
	v51 =	vld [tilespmem:s10+$0xFFFFBEA0]  }
0x144: {  	v32 =	vsel vm0, v33, v32;
	v33 =	vadd.f32 v43, v47;
	v35 =	vadd.f32 v35, v48;
	v53 =	vld [tilespmem:s10+$0xFFFFFEA0]  }
0x145: {  	v41 =	vsel vm0, v41, v42;
	v34 =	vsel vm0, v34, v38;
	v13 =	vsel vm0, v13, v44;
	v43 =	vld [tilespmem:s10+$0xFFFFBEE0]  }
0x146: {  	v42 =	vsel vm1, v46, v32;
	v33 =	vsel vm1, v33, v34;
	v34 =	vsel vm1, v35, v13;
	v38 =	vld [tilespmem:s10+$0xFFFFFEE0]  }
0x147: {  	v35 =	vsel vm1, v12, v41;
	v13 =	vsel vm2, v11, v33;
	v12 =	vsel vm2, v37, v34;
	v32 =	vld [tilespmem:s0+$0xFFFFFF70]  }
0x148: {  	v11 =	vsel vm2, v36, v35;
	v34 =	vperm.xlane v13, v9;
	v35 =	vperm.xlane v12, v9;
	v33 =	vld [tilespmem:s10+$0xFFFFBE30]  }
0x149: {  	v37 =	vperm.xlane v10, v3;
	v10 =	vsel vm2, v45, v42;
	v41 =	vperm.xlane v11, v9;
	v36 =	vld [tilespmem:s10+$0xFFFFFE30]  }
0x14a: {  	v44 =	vperm.xlane v20, v2;
	v45 =	vperm.xlane v10, v9;
	v34 =	vsel vm0, v34, v35;
	v42 =	vld [tilespmem:s10+$0xFFFFBE40]  }
0x14b: {  	v46 =	vperm.xlane v21, v2;
	v20 =	vperm.xlane v20, v3;
	v34 =	vsel vm1, v41, v34;
	v35 =	vld [tilespmem:s10+$0xFFFFFE40]  }
0x14c: {  	s4 =	sadd.s32 $0x20, s4;
	v47 =	vperm.xlane v18, v2;
	v21 =	vperm.xlane v21, v3;
	v34 =	vsel vm2, v45, v34;
	v41 =	vld [tilespmem:s10+$0xFFFFBE60]  }
0x14d: {  	v18 =	vperm.xlane v18, v3;
	v48 =	vperm.xlane v19, v2;
	v45 =	vld [tilespmem:s10+$0xFFFFFE60];
	[tilespmem:s4+$0x410] =	vst v34  }
0x14e: {  	v19 =	vperm.xlane v19, v3;
	v34 =	vperm.xlane v22, v2;
	v55 =	vld [tilespmem:s10+$0xFFFFBE90]  }
0x14f: {  	v60 =	vperm.xlane v24, v2;
	v22 =	vperm.xlane v22, v3;
	v59 =	vld [tilespmem:s10+$0xFFFFFE90]  }
0x150: {  	v24 =	vperm.xlane v24, v3;
	v62 =	vperm.xlane v23, v2;
	v61 =	vld [tilespmem:s10+$0xFFFFBED0]  }
0x151: {  	v23 =	vperm.xlane v23, v3;
	v28 =	vmul.f32 v58, v28;
	v58 =	vld [tilespmem:s10+$0xFFFFFED0]  }
0x152: {  	v30 =	vmul.f32 v44, v30;
	v29 =	vmul.f32 v37, v29;
	v63 =	vld [tilespmem:s10+$0xFFFFBE20]  }
0x153: {  	v20 =	vmul.f32 v20, v31;
	v31 =	vmul.f32 v46, v49;
	v37 =	vld [tilespmem:s10+$0xFFFFFE20]  }
0x154: {  	v28 =	vadd.f32 v29, v28;
	v21 =	vmul.f32 v21, v39;
	v29 =	vmul.f32 v47, v40;
	v44 =	vld [tilespmem:s10+$0xFFFFBE50]  }
0x155: {  	v20 =	vadd.f32 v20, v30;
	v39 =	vperm.xlane v14, v2;
	v18 =	vmul.f32 v18, v56;
	v40 =	vld [tilespmem:s10+$0xFFFFFE50]  }
0x156: {  	v46 =	vperm.xlane v15, v2;
	v14 =	vperm.xlane v14, v3;
	v21 =	vadd.f32 v21, v31;
	v30 =	vld [tilespmem:s10+$0xFFFFFE10]  }
0x157: {  	v15 =	vperm.xlane v15, v3;
	v47 =	vperm.xlane v16, v2;
	v18 =	vadd.f32 v18, v29;
	v31 =	vld [tilespmem:s10+$0xFFFFBE10]  }
0x158: {  	v16 =	vperm.xlane v16, v3;
	v29 =	vperm.xlane v17, v2  }
0x159: {  	v49 =	vperm.xlane v25, v2;
	v17 =	vperm.xlane v17, v3  }
0x15a: {  	v25 =	vperm.xlane v25, v3;
	v48 =	vmul.f32 v48, v50  }
0x15b: {  	v19 =	vmul.f32 v19, v52;
	v34 =	vmul.f32 v34, v54  }
0x15c: {  	v50 =	vmul.f32 v60, v51;
	v22 =	vmul.f32 v22, v57  }
0x15d: {  	v19 =	vadd.f32 v19, v48;
	v24 =	vmul.f32 v24, v53;
	v43 =	vmul.f32 v62, v43  }
0x15e: {  	v48 =	vperm.xlane v26, v2;
	v23 =	vmul.f32 v23, v38;
	v22 =	vadd.f32 v22, v34  }
0x15f: {  	v26 =	vperm.xlane v26, v3;
	v24 =	vadd.f32 v24, v50;
	v34 =	vperm.xlane v27, v2  }
0x160: {  	v33 =	vmul.f32 v39, v33;
	v23 =	vadd.f32 v23, v43;
	v27 =	vperm.xlane v27, v3  }
0x161: {  	v14 =	vmul.f32 v14, v36;
	v36 =	vmul.f32 v46, v42  }
0x162: {  	v15 =	vmul.f32 v15, v35;
	v35 =	vmul.f32 v47, v41  }
0x163: {  	v14 =	vadd.f32 v14, v33;
	v16 =	vmul.f32 v16, v45;
	v29 =	vmul.f32 v29, v55  }
0x164: {  	v15 =	vadd.f32 v15, v36;
	v17 =	vmul.f32 v17, v59;
	v33 =	vmul.f32 v49, v61  }
0x165: {  	v36 =	vperm.xlane v32, v2;
	v16 =	vadd.f32 v16, v35;
	v25 =	vmul.f32 v25, v58  }
0x166: {  	v32 =	vperm.xlane v32, v3;
	v17 =	vadd.f32 v17, v29;
	v35 =	vmul.f32 v48, v63  }
0x167: {  	v26 =	vmul.f32 v26, v37;
	v25 =	vadd.f32 v25, v33;
	v29 =	vmul.f32 v34, v44  }
0x168: {  	v33 =	vperm.xlane v28, v4;
	v27 =	vmul.f32 v27, v40  }
0x169: {  	v34 =	vperm.xlane v20, v4;
	v26 =	vadd.f32 v26, v35;
	v35 =	vperm.xlane v21, v4  }
0x16a: {  	v31 =	vmul.f32 v36, v31;
	v27 =	vadd.f32 v27, v29;
	v29 =	vperm.xlane v18, v4  }
0x16b: {  	v28 =	vadd.f32 v28, v33;
	v30 =	vmul.f32 v32, v30;
	v32 =	vperm.xlane v19, v4  }
0x16c: {  	v33 =	vperm.xlane v22, v4;
	v20 =	vadd.f32 v20, v34;
	v36 =	vperm.xlane v24, v4  }
0x16d: {  	v34 =	vperm.xlane v23, v4;
	v21 =	vadd.f32 v21, v35;
	v29 =	vadd.f32 v18, v29  }
0x16e: {  	v30 =	vadd.f32 v30, v31;
	v18 =	vperm.xlane v14, v4;
	v31 =	vperm.xlane v15, v4  }
0x16f: {  	v35 =	vperm.xlane v16, v4;
	v32 =	vadd.f32 v19, v32;
	v19 =	vperm.xlane v17, v4  }
0x170: {  	v22 =	vadd.f32 v22, v33;
	v33 =	vperm.xlane v25, v4;
	v24 =	vadd.f32 v24, v36  }
0x171: {  	v34 =	vadd.f32 v23, v34;
	v36 =	vperm.xlane v26, v4;
	v37 =	vperm.xlane v27, v4  }
0x172: {  	v23 =	vperm.xlane v28, v5;
	v38 =	vperm.xlane v20, v5;
	v14 =	vadd.f32 v14, v18  }
0x173: {  	v39 =	vadd.f32 v15, v31;
	v31 =	vperm.xlane v21, v5;
	v40 =	vperm.xlane v29, v5  }
0x174: {  	v41 =	vperm.xlane v30, v4;
	v15 =	vadd.f32 v16, v35;
	v16 =	vadd.f32 v17, v19  }
0x175: {  	v42 =	vperm.xlane v22, v5;
	v35 =	vperm.xlane v32, v5;
	v18 =	vadd.f32 v25, v33  }
0x176: {  	v17 =	vadd.f32 v26, v36;
	v33 =	vperm.xlane v24, v5;
	v36 =	vperm.xlane v34, v5  }
0x177: {  	v19 =	vadd.f32 v27, v37;
	v37 =	vadd.f32 v28, v23;
	v43 =	vperm.xlane v14, v5  }
0x178: {  	v38 =	vadd.f32 v20, v38;
	v44 =	vperm.xlane v39, v5;
	v45 =	vadd.f32 v21, v31  }
.Ltmp1:
0x179: {  	v25 =	vperm.xlane v15, v5;
	v26 =	vperm.xlane v16, v5;
	v40 =	vadd.f32 v29, v40;
	(pc) =	sbr.rel @p0 .LBB2_5-.Ltmp1, $4  }
0x17a: {  	v20 =	vadd.f32 v30, v41;
	v21 =	vadd.f32 v32, v35;
	v28 =	vperm.xlane v18, v5  }
0x17b: {  	v23 =	vadd.f32 v22, v42;
	v27 =	vperm.xlane v17, v5;
	v30 =	vadd.f32 v24, v33  }
0x17c: {  	v29 =	vperm.xlane v19, v5;
	v32 =	vsel vm0, v37, v38;
	v31 =	vadd.f32 v34, v36  }
0x17d: {  	s10 =	sadd.s32 $0x200, s10;
	v22 =	vadd.f32 v14, v43;
	v24 =	vadd.f32 v39, v44;
	v33 =	vsel vm0, v45, v40  }
0x17e: {  	v14 =	vperm.xlane v20, v5  }
0x17f: {  	v15 =	vadd.f32 v15, v25;
	v16 =	vadd.f32 v16, v26;
	v47 =	vsel vm1, v30, v32  }
0x180: {  	v18 =	vadd.f32 v18, v28;
	v48 =	vsel vm1, v31, v33;
	v53 =	vperm.xlane v12, v6  }
0x181: {  	v17 =	vadd.f32 v17, v27;
	v54 =	vperm.xlane v13, v7;
	v55 =	vperm.xlane v12, v7  }
0x182: {  	v19 =	vadd.f32 v19, v29;
	v12 =	vperm.xlane v12, v8;
	v58 =	vperm.xlane v11, v6  }
0x183: {  	v21 =	vsel vm0, v21, v23;
	v59 =	vperm.xlane v11, v7;
	v11 =	vperm.xlane v11, v8  }
0x184: {  	v22 =	vsel vm0, v22, v24;
	v16 =	vsel vm2, v16, v47;
	v18 =	vsel vm2, v18, v48  }
0x185: {  	v14 =	vadd.f32 v20, v14;
	v20 =	vperm.xlane v16, v6;
	v49 =	vperm.xlane v18, v6  }
0x186: {  	v15 =	vsel vm1, v15, v21;
	v50 =	vperm.xlane v16, v7;
	v51 =	vperm.xlane v18, v7  }
0x187: {  	v15 =	vsel vm2, v19, v15;
	v19 =	vperm.xlane v16, v8;
	v52 =	vperm.xlane v18, v8  }
0x188: {  	v17 =	vsel vm1, v17, v22;
	v16 =	vperm.xlane v16, v9;
	v18 =	vperm.xlane v18, v9  }
0x189: {  	v14 =	vsel vm2, v14, v17;
	v17 =	vperm.xlane v13, v6;
	v13 =	vperm.xlane v13, v8  }
0x18a: {  	v56 =	vperm.xlane v15, v6;
	v57 =	vperm.xlane v15, v7;
	v20 =	vsel vm0, v20, v49  }
0x18b: {  	v23 =	vsel vm0, v50, v51;
	v16 =	vsel vm0, v16, v18;
	v18 =	vperm.xlane v15, v8  }
0x18c: {  	v19 =	vsel vm0, v19, v52;
	v15 =	vperm.xlane v15, v9;
	v60 =	vperm.xlane v14, v6  }
0x18d: {  	v61 =	vperm.xlane v14, v8;
	v12 =	vsel vm0, v13, v12;
	v13 =	vsel vm1, v56, v20  }
0x18e: {  	v20 =	vperm.xlane v14, v7;
	v23 =	vsel vm1, v57, v23;
	v13 =	vsel vm2, v60, v13  }
0x18f: {  	v18 =	vsel vm1, v18, v19;
	v19 =	vperm.xlane v10, v6;
	v15 =	vsel vm1, v15, v16  }
0x190: {  	v16 =	vperm.xlane v10, v7;
	v10 =	vperm.xlane v10, v8;
	[tilespmem:s4+$0xFFFFF800] =	vst v13;
	v13 =	vsel vm2, v20, v23  }
0x191: {  	v14 =	vperm.xlane v14, v9;
	v11 =	vsel vm1, v11, v12;
	[tilespmem:s4+$0xFFFFFC00] =	vst v13;
	v13 =	vsel vm2, v61, v18  }
0x192: {  	v17 =	vsel vm0, v17, v53;
	v10 =	vsel vm2, v10, v11;
	[tilespmem:s4+$0x0] =	vst v13  }
0x193: {  	v21 =	vsel vm0, v54, v55;
	v17 =	vsel vm1, v58, v17;
	v13 =	vsel vm2, v14, v15;
	[tilespmem:s4+$0x10] =	vst v10  }
0x194: {  	v14 =	vsel vm1, v59, v21;
	[tilespmem:s4+$0x400] =	vst v13;
	v13 =	vsel vm2, v19, v17  }
0x195: {  	s0 =	sshll.u32 s31, $0x7;
	v12 =	vsel vm2, v16, v14;
	[tilespmem:s4+$0xFFFFF810] =	vst v13  }
0x196: {  	s2 =	simm.s32 $0x15410;
	s1 =	sadd.s32 s16, s0;
	[tilespmem:s4+$0xFFFFFC10] =	vst v12  }
0x197: {  	[hbm4b:s1+s3] =	stream.linear.scatter [tilespmem:s2], [sflag:$0x2], $0x400, $0x38;
	[tilespmem:$0x16410] =	vst v63  }
0x198: {  	_ =	swait.ge [sflag:s15], $0x400  }
0x199: {  	[sflag:s15] =	ssyncset.done $0x0  }
0x19a: {  	s23 =	simm.s32 $0x15810;
	s22 =	sadd.s32 s8, s0;
	[sflag:s15] =	ssyncadd.s32 $0xFFFFFC00  }
0x19b: {  	[hbm4b:s22+s3] =	stream.linear.scatter [tilespmem:s23], [sflag:$0x2], $0x400, $0x38;
	[tilespmem:$0x16410] =	vst v63  }
0x19c: {  	_ =	swait.ge [sflag:s15], $0x400  }
0x19d: {  	[sflag:s15] =	ssyncset.done $0x0  }
0x19e: {  	s25 =	simm.s32 $0x15C10;
	s24 =	sadd.s32 s9, s0;
	[sflag:s15] =	ssyncadd.s32 $0xFFFFFC00  }
0x19f: {  	[hbm4b:s24+s3] =	stream.linear.scatter [tilespmem:s25], [sflag:$0x2], $0x400, $0x38;
	[tilespmem:$0x16410] =	vst v63  }
0x1a0: {  	_ =	swait.ge [sflag:s15], $0x400  }
0x1a1: {  	s26 =	smov.u32 s16;
	s16 =	smov.u32 s6;
	[sflag:s15] =	ssyncset.done $0x0  }
0x1a2: {  	s0 =	sadd.s32 s6, s0;
	s6 =	simm.s32 $0x16010;
	[sflag:s15] =	ssyncadd.s32 $0xFFFFFC00  }
0x1a3: {  	[hbm4b:s0+s3] =	stream.linear.scatter [tilespmem:s6], [sflag:$0x2], $0x400, $0x38;
	[tilespmem:$0x16410] =	vst v63  }
0x1a4: {  	_ =	swait.ge [sflag:s15], $0x400  }
0x1a5: {  	p0 =	seq.s32 s28, $0xF;
	[sflag:s15] =	ssyncset.done $0x0;
	s0 =	rddreg [dreg:$0x8]  }
0x1a6: {  	[sflag:s15] =	ssyncadd.s32 $0xFFFFFC00;
	s0 =	sadd.s32 @!p0 s30, s0  }
0x1a7: {  	_ =	swait.ge [sflag:s18], $0x8000;
	s0 =	sshll.u32 @!p0 s0, $0x8  }
0x1a8: {  	[sflag:s18] =	ssyncset.done $0x0;
	s0 =	sand.u32 @!p0 $0x1FFFFE00, s0  }
0x1a9: {  	s1 =	simm.s32 @!p0 $0x0;
	[sflag:s18] =	ssyncadd.s32 $0xFFFF8000;
	s0 =	sadd.s32 @!p0 s7, s0  }
0x1aa: {  	[tilespmem:s1], [sflag:$0x2] =	stream.linear.gather @!p0 [hbm4b:s0+s1], $0x800, $0x38;
	[tilespmem:$0x16410] =	vst v63  }
0x1ab: {  	s0 =	simm.s32 @!p0 $0x2  }
0x1ac: {  	_ =	swait.ge @!p0 [sflag:s0], $0x800  }
0x1ad: {  	s4 =	sshll.u32 s29, $0xA;
	[sflag:s0] =	ssyncset.done @!p0 $0x0  }
0x1ae: {  	s2 =	simm.s32 @!p0 $0x5410;
	[sflag:s0] =	ssyncadd.s32 @!p0 $0xFFFFF800;
	s0 =	simm.s32 @!p0 $0x800  }
0x1af: {  	[tilespmem:s2], [sflag:$0x1] =	stream.indirect.gather @!p0 [hbm4b:s5+s0], $0x10, s1, s0, $0xb8;
	[tilespmem:$0x16410] =	vst v63  }
0x1b0: {  	s31 =	smov.u32 s7;
	s7 =	rddreg [dreg:$0x4];
	s0 =	sand.u32 $0x1FFFFC00, s4  }
0x1b1: {  	s10 =	simm.s32 $0x1000;
	s0 =	sadd.s32 s7, s0  }
0x1b2: {  	[tilespmem:s10], [sflag:$0x2] =	stream.linear.gather [hbm4b:s0+s3], $0x2000, $0x38;
	[tilespmem:$0x16410] =	vst v63  }
0x1b3: {  	s11 =	simm.s32 $0x0;
	_ =	swait.ge [sflag:s15], $0x2000  }
0x1b4: {  	v10 =	vadd.s32 s11, v0;
	[sflag:s15] =	ssyncset.done $0x0  }
0x1b5: {  	v10 =	vand.u32 $0x7FF8, v10;
	s4 =	simm.s32 $0x2000;
	[sflag:s15] =	ssyncadd.s32 $0xFFFFE000  }
0x1b6: {  	v10 =	vor.u32 v1, v10;
	v11 =	vld [tilespmem:s4+$0xFFFFF000];
	_ =	sdelay $0x4  }
0x1b7: {  	s13 =	simm.s32 $0x1;
	[tilespmem:v10+s21+$0x0] =	vst.idx.msk $0xffff, v11  }
0x1b8: {  	s12 =	simm.s32 $0x90;
	v12 =	vadd.s32 s13, v0;
	v11 =	vld [tilespmem:s4+$0xFFFFF400]  }
0x1b9: {  	v10 =	vadd.s32 s12, v0  }
0x1ba: {  	s0 =	simm.s32 $0x2010;
	v10 =	vand.u32 $0x7FF8, v10  }
0x1bb: {  	v13 =	vld [tilespmem:s0+$0xFFFFF000];
	v10 =	vor.u32 v1, v10;
	_ =	sdelay $0x1  }
0x1bc: {  	s14 =	simm.s32 $0x2;
	[tilespmem:v12+s21+$0x0] =	vst.idx.msk $0xffff, v11  }
0x1bd: {  	v12 =	vadd.s32 s14, v0;
	v11 =	vld [tilespmem:s4+$0xFFFFF800]  }
0x1be: {  	s17 =	simm.s32 $0x120  }
0x1bf: {  	s19 =	simm.s32 $0x91;
	[tilespmem:v10+s21+$0x0] =	vst.idx.msk $0xffff, v13;
	v10 =	vadd.s32 s17, v0  }
0x1c0: {  	v14 =	vadd.s32 s19, v0;
	s10 =	simm.s32 $0x2020;
	v13 =	vld [tilespmem:s0+$0xFFFFF400];
	v10 =	vand.u32 $0x7FF8, v10  }
0x1c1: {  	v15 =	vld [tilespmem:s10+$0xFFFFF000];
	v10 =	vor.u32 v1, v10  }
0x1c2: {  	s20 =	simm.s32 $0x3;
	[tilespmem:v12+s21+$0x0] =	vst.idx.msk $0xffff, v11  }
0x1c3: {  	v12 =	vadd.s32 s20, v0;
	v11 =	vld [tilespmem:s4+$0xFFFFFC00];
	_ =	sdelay $0x1  }
0x1c4: {  	s23 =	simm.s32 $0x1B0;
	[tilespmem:v14+s21+$0x0] =	vst.idx.msk $0xffff, v13  }
0x1c5: {  	s22 =	simm.s32 $0x92;
	[tilespmem:v10+s21+$0x0] =	vst.idx.msk $0xffff, v15;
	v10 =	vadd.s32 s23, v0  }
0x1c6: {  	s14 =	simm.s32 $0x2030;
	v14 =	vadd.s32 s22, v0;
	v13 =	vld [tilespmem:s0+$0xFFFFF800];
	v10 =	vand.u32 $0x7FF8, v10  }
0x1c7: {  	s24 =	simm.s32 $0x121;
	v10 =	vor.u32 v1, v10;
	[tilespmem:v12+s21+$0x0] =	vst.idx.msk $0xffff, v11;
	v11 =	vld [tilespmem:s14+$0xFFFFF000]  }
0x1c8: {  	v16 =	vadd.s32 s24, v0;
	v15 =	vld [tilespmem:s10+$0xFFFFF400]  }
0x1c9: {  	s25 =	simm.s32 $0x4  }
0x1ca: {  	v17 =	vadd.s32 s25, v0;
	v12 =	vld [tilespmem:s4+$0x0]  }
0x1cb: {  	s30 =	simm.s32 $0x93;
	[tilespmem:v14+s21+$0x0] =	vst.idx.msk $0xffff, v13  }
0x1cc: {  	s11 =	simm.s32 $0x1B1;
	v14 =	vadd.s32 s30, v0;
	v13 =	vld [tilespmem:s0+$0xFFFFFC00];
	[tilespmem:v10+s21+$0x0] =	vst.idx.msk $0xffff, v11  }
0x1cd: {  	v18 =	vadd.s32 s11, v0;
	s2 =	simm.s32 $0x122;
	[tilespmem:v16+s21+$0x0] =	vst.idx.msk $0xffff, v15;
	v11 =	vld [tilespmem:s14+$0xFFFFF400]  }
0x1ce: {  	s7 =	simm.s32 $0x240;
	v16 =	vadd.s32 s2, v0;
	v15 =	vld [tilespmem:s10+$0xFFFFF800]  }
0x1cf: {  	s12 =	simm.s32 $0x5;
	v10 =	vadd.s32 s7, v0;
	[tilespmem:v17+s21+$0x0] =	vst.idx.msk $0xffff, v12  }
0x1d0: {  	s17 =	simm.s32 $0x2040;
	v10 =	vand.u32 $0x7FF8, v10;
	v17 =	vadd.s32 s12, v0;
	v12 =	vld [tilespmem:s4+$0x400]  }
0x1d1: {  	s13 =	simm.s32 $0x94;
	[tilespmem:v14+s21+$0x0] =	vst.idx.msk $0xffff, v13;
	v13 =	vld [tilespmem:s17+$0xFFFFF000];
	v10 =	vor.u32 v1, v10  }
0x1d2: {  	v19 =	vadd.s32 s13, v0;
	s20 =	simm.s32 $0x1B2;
	v14 =	vld [tilespmem:s0+$0x0];
	[tilespmem:v18+s21+$0x0] =	vst.idx.msk $0xffff, v11  }
0x1d3: {  	s19 =	simm.s32 $0x123;
	[tilespmem:v16+s21+$0x0] =	vst.idx.msk $0xffff, v15;
	v18 =	vadd.s32 s20, v0;
	v11 =	vld [tilespmem:s14+$0xFFFFF800]  }
0x1d4: {  	v16 =	vadd.s32 s19, v0;
	v15 =	vld [tilespmem:s10+$0xFFFFFC00]  }
0x1d5: {  	s22 =	simm.s32 $0x6;
	[tilespmem:v17+s21+$0x0] =	vst.idx.msk $0xffff, v12  }
0x1d6: {  	s23 =	simm.s32 $0x241;
	[tilespmem:v10+s21+$0x0] =	vst.idx.msk $0xffff, v13;
	v13 =	vadd.s32 s22, v0;
	v10 =	vld [tilespmem:s4+$0x800]  }
0x1d7: {  	s24 =	simm.s32 $0x95;
	s25 =	simm.s32 $0x2D0;
	v20 =	vadd.s32 s23, v0;
	v17 =	vld [tilespmem:s17+$0xFFFFF400];
	[tilespmem:v19+s21+$0x0] =	vst.idx.msk $0xffff, v14  }
0x1d8: {  	v63 =	vadd.s32 s24, v0;
	s19 =	simm.s32 $0x2050;
	v62 =	vld [tilespmem:s0+$0x400];
	[tilespmem:v18+s21+$0x0] =	vst.idx.msk $0xffff, v11;
	v11 =	vadd.s32 s25, v0  }
0x1d9: {  	[tilespmem:v16+s21+$0x0] =	vst.idx.msk $0xffff, v15;
	v16 =	vld [tilespmem:s19+$0xFFFFF000];
	v11 =	vand.u32 $0x7FF8, v11  }
0x1da: {  	s11 =	simm.s32 $0x127;
	s13 =	simm.s32 $0x247;
	s30 =	simm.s32 $0x124;
	v12 =	vld [tilespmem:s10+$0x0];
	v19 =	vor.u32 v1, v11  }
0x1db: {  	s1 =	simm.s32 $0x1B7;
	s23 =	simm.s32 $0x242;
	s20 =	simm.s32 $0x1B3;
	v14 =	vld [tilespmem:s14+$0xFFFFFC00];
	[tilespmem:v13+s21+$0x0] =	vst.idx.msk $0xffff, v10;
	v13 =	vadd.s32 s30, v0  }
0x1dc: {  	s2 =	simm.s32 $0x2D7;
	s12 =	simm.s32 $0x97;
	s22 =	simm.s32 $0x7;
	v15 =	vadd.s32 s20, v0;
	[tilespmem:v20+s21+$0x0] =	vst.idx.msk $0xffff, v17;
	v10 =	vld [tilespmem:s4+$0xC00]  }
0x1dd: {  	s20 =	simm.s32 $0x50;
	v18 =	vadd.s32 s23, v0;
	s23 =	simm.s32 $0x96;
	v11 =	vadd.s32 s22, v0;
	s22 =	simm.s32 $0x367;
	v17 =	vld [tilespmem:s17+$0xFFFFF800];
	[tilespmem:v63+s21+$0x0] =	vst.idx.msk $0xffff, v62  }
.LBB2_7:
0x1de: {  	s4 =	sadd.s32 $0xFFFFFFF9, s22;
	s24 =	sadd.s32 $0xFFFFFFFA, s2;
	s25 =	smov.u32 s17  }
0x1df: {  	[tilespmem:v19+s21+$0x0] =	vst.idx.msk $0xffff, v16;
	v20 =	vld [tilespmem:s0+$0x800];
	v21 =	vadd.s32 s23, v0;
	s17 =	smov.u32 s19;
	s23 =	smov.u32 s12;
	s12 =	smov.u32 s11  }
0x1e0: {  	s20 =	sadd.s32 $0x10, s20;
	v16 =	vadd.s32 s4, v0;
	v22 =	vld [tilespmem:s19+$0xFFFFF400];
	v23 =	vadd.s32 s24, v0;
	[tilespmem:v13+s21+$0x0] =	vst.idx.msk $0xffff, v12;
	s4 =	sadd.s32 $0xFFFFFFFE, s12  }
0x1e1: {  	p0 =	slt.u32 s20, $0x3F0;
	s19 =	sadd.s32 $0x10, s19;
	v12 =	vand.u32 $0x7FF8, v16;
	[tilespmem:v15+s21+$0x0] =	vst.idx.msk $0xffff, v14;
	v24 =	vld [tilespmem:s10+$0x400];
	v25 =	vadd.s32 s4, v0  }
.Ltmp2:
0x1e2: {  	s11 =	sadd.s32 $0xFFFFFFFD, s1;
	s4 =	simm.s32 $0x11600;
	v16 =	vld [tilespmem:s19+$0xFFFFF000];
	v19 =	vor.u32 v1, v12;
	[tilespmem:v11+s21+$0x0] =	vst.idx.msk $0xffff, v10;
	(pc) =	sbr.rel @p0 .LBB2_7-.Ltmp2, $4  }
0x1e3: {  	s24 =	sadd.s32 $0xFFFFFFFC, s13;
	v13 =	vadd.s32 s11, v0;
	s11 =	smov.u32 s1;
	s1 =	smov.u32 s13;
	[tilespmem:v18+s21+$0x0] =	vst.idx.msk $0xffff, v17;
	v12 =	vld [tilespmem:s14+$0x0]  }
0x1e4: {  	s13 =	smov.u32 s2;
	s2 =	smov.u32 s22;
	v15 =	vadd.s32 s24, v0;
	v14 =	vld [tilespmem:s25+$0xFFFFFC00];
	[tilespmem:v21+s21+$0x0] =	vst.idx.msk $0xffff, v20  }
0x1e5: {  	s24 =	sadd.s32 $0xFFFFFFFB, s13;
	v11 =	vadd.s32 s23, v0;
	[tilespmem:v23+s21+$0x0] =	vst.idx.msk $0xffff, v22;
	v10 =	vld [tilespmem:s0+$0xC00];
	s0 =	smov.u32 s10;
	s10 =	smov.u32 s14  }
0x1e6: {  	s22 =	sadd.s32 $0x90, s22;
	s23 =	sadd.s32 $0xFFFFFFFF, s12;
	v18 =	vadd.s32 s24, v0;
	s14 =	smov.u32 s25;
	v17 =	vld [tilespmem:s17+$0xFFFFF800];
	[tilespmem:v25+s21+$0x0] =	vst.idx.msk $0xffff, v24  }
0x1e7: {  	_ =	sdelay $0x3  }
0x1e8: {  	[tilespmem:v19+s21+$0x0] =	vst.idx.msk $0xffff, v16;
	s20 =	sadd.s32 $0xFFFFFFFA, s2  }
0x1e9: {  	v16 =	vld [tilespmem:s19+$0xFFFFF400];
	v19 =	vadd.s32 s20, v0;
	_ =	sdelay $0x4  }
0x1ea: {  	s25 =	sadd.s32 $0xFFFFFFFB, s2;
	[tilespmem:v19+s21+$0x0] =	vst.idx.msk $0xffff, v16  }
0x1eb: {  	v19 =	vadd.s32 s25, v0;
	v16 =	vld [tilespmem:s19+$0xFFFFF800];
	_ =	sdelay $0x3  }
0x1ec: {  	s7 =	sadd.s32 $0xFFFFFFFC, s13;
	[tilespmem:v18+s21+$0x0] =	vst.idx.msk $0xffff, v17  }
0x1ed: {  	s22 =	sadd.s32 $0xFFFFFFFC, s2;
	v18 =	vadd.s32 s7, v0;
	v17 =	vld [tilespmem:s17+$0xFFFFFC00];
	[tilespmem:v19+s21+$0x0] =	vst.idx.msk $0xffff, v16  }
0x1ee: {  	v19 =	vadd.s32 s22, v0;
	v16 =	vld [tilespmem:s19+$0xFFFFFC00];
	_ =	sdelay $0x1  }
0x1ef: {  	s24 =	sadd.s32 $0xFFFFFFFD, s1;
	[tilespmem:v15+s21+$0x0] =	vst.idx.msk $0xffff, v14  }
0x1f0: {  	v15 =	vadd.s32 s24, v0;
	v14 =	vld [tilespmem:s14+$0x0]  }
0x1f1: {  	s25 =	sadd.s32 $0xFFFFFFFD, s13;
	[tilespmem:v18+s21+$0x0] =	vst.idx.msk $0xffff, v17  }
0x1f2: {  	s7 =	sadd.s32 $0xFFFFFFFD, s2;
	v18 =	vadd.s32 s25, v0;
	v17 =	vld [tilespmem:s17+$0x0];
	[tilespmem:v19+s21+$0x0] =	vst.idx.msk $0xffff, v16  }
0x1f3: {  	v19 =	vadd.s32 s7, v0;
	v16 =	vld [tilespmem:s19+$0x0];
	_ =	sdelay $0x1  }
0x1f4: {  	s24 =	sadd.s32 $0xFFFFFFFE, s1;
	[tilespmem:v15+s21+$0x0] =	vst.idx.msk $0xffff, v14  }
0x1f5: {  	[tilespmem:v13+s21+$0x0] =	vst.idx.msk $0xffff, v12;
	v15 =	vadd.s32 s24, v0;
	v14 =	vld [tilespmem:s14+$0x400];
	s22 =	sadd.s32 $0xFFFFFFFE, s11  }
0x1f6: {  	v12 =	vld [tilespmem:s10+$0x400];
	s25 =	sadd.s32 $0xFFFFFFFE, s13;
	v13 =	vadd.s32 s22, v0;
	[tilespmem:v18+s21+$0x0] =	vst.idx.msk $0xffff, v17  }
0x1f7: {  	v18 =	vadd.s32 s25, v0;
	v17 =	vld [tilespmem:s17+$0x400];
	s7 =	sadd.s32 $0xFFFFFFFE, s2;
	[tilespmem:v19+s21+$0x0] =	vst.idx.msk $0xffff, v16  }
0x1f8: {  	v19 =	vadd.s32 s7, v0;
	v16 =	vld [tilespmem:s19+$0x400];
	_ =	sdelay $0x1  }
0x1f9: {  	v20 =	vld [tilespmem:s0+$0x800];
	v21 =	vadd.s32 s23, v0;
	s23 =	sadd.s32 $0xFFFFFFFF, s1;
	[tilespmem:v15+s21+$0x0] =	vst.idx.msk $0xffff, v14  }
0x1fa: {  	s22 =	sadd.s32 $0xFFFFFFFF, s11;
	v15 =	vadd.s32 s23, v0;
	v14 =	vld [tilespmem:s14+$0x800];
	[tilespmem:v13+s21+$0x0] =	vst.idx.msk $0xffff, v12  }
0x1fb: {  	s24 =	sadd.s32 $0xFFFFFFFF, s13;
	v13 =	vadd.s32 s22, v0;
	v12 =	vld [tilespmem:s10+$0x800];
	[tilespmem:v18+s21+$0x0] =	vst.idx.msk $0xffff, v17  }
0x1fc: {  	s25 =	sadd.s32 $0xFFFFFFFF, s2;
	v18 =	vadd.s32 s24, v0;
	v17 =	vld [tilespmem:s17+$0x800];
	[tilespmem:v19+s21+$0x0] =	vst.idx.msk $0xffff, v16  }
0x1fd: {  	v19 =	vadd.s32 s25, v0;
	v16 =	vld [tilespmem:s19+$0x800]  }
0x1fe: {  	[tilespmem:v21+s21+$0x0] =	vst.idx.msk $0xffff, v20  }
0x1ff: {  	v21 =	vadd.s32 s12, v0;
	v20 =	vld [tilespmem:s0+$0xC00];
	[tilespmem:v15+s21+$0x0] =	vst.idx.msk $0xffff, v14  }
0x200: {  	v15 =	vadd.s32 s1, v0;
	v14 =	vld [tilespmem:s14+$0xC00];
	[tilespmem:v13+s21+$0x0] =	vst.idx.msk $0xffff, v12  }
0x201: {  	v13 =	vadd.s32 s11, v0;
	v12 =	vld [tilespmem:s10+$0xC00];
	[tilespmem:v18+s21+$0x0] =	vst.idx.msk $0xffff, v17  }
0x202: {  	v18 =	vadd.s32 s13, v0;
	v17 =	vld [tilespmem:s17+$0xC00];
	[tilespmem:v19+s21+$0x0] =	vst.idx.msk $0xffff, v16  }
0x203: {  	[tilespmem:v11+s21+$0x0] =	vst.idx.msk $0xffff, v10;
	v11 =	vadd.s32 s2, v0;
	v10 =	vld [tilespmem:s19+$0xC00]  }
0x204: {  	[tilespmem:v21+s21+$0x0] =	vst.idx.msk $0xffff, v20  }
0x205: {  	[tilespmem:v15+s21+$0x0] =	vst.idx.msk $0xffff, v14  }
0x206: {  	[tilespmem:v13+s21+$0x0] =	vst.idx.msk $0xffff, v12  }
0x207: {  	[tilespmem:v18+s21+$0x0] =	vst.idx.msk $0xffff, v17  }
0x208: {  	[tilespmem:v11+s21+$0x0] =	vst.idx.msk $0xffff, v10  }
0x209: {  	v10 =	vld [tilespmem:s4+$0xFFFFBF10]  }
0x20a: {  	v11 =	vld [tilespmem:s4+$0xFFFFFF10]  }
0x20b: {  	v12 =	vld [tilespmem:s4+$0xFFFFBF20]  }
0x20c: {  	v13 =	vld [tilespmem:s4+$0xFFFFFF20]  }
0x20d: {  	v14 =	vld [tilespmem:s4+$0xFFFFBF50]  }
0x20e: {  	s0 =	simm.s32 $0x3090;
	v15 =	vld [tilespmem:s4+$0xFFFFFF50]  }
0x20f: {  	v16 =	vld [tilespmem:s0+$0x0]  }
0x210: {  	v17 =	vld [tilespmem:s4+$0xFFFFBF30]  }
0x211: {  	v18 =	vld [tilespmem:s4+$0xFFFFFF30]  }
0x212: {  	v19 =	vld [tilespmem:s4+$0xFFFFBF40]  }
0x213: {  	v20 =	vld [tilespmem:s4+$0xFFFFFF40]  }
0x214: {  	v21 =	vld [tilespmem:s4+$0xFFFFBF60]  }
0x215: {  	v24 =	vld [tilespmem:s0+$0x9]  }
0x216: {  	v25 =	vld [tilespmem:s0+$0x24]  }
0x217: {  	v26 =	vld [tilespmem:s0+$0x12]  }
0x218: {  	v27 =	vld [tilespmem:s0+$0x1B]  }
0x219: {  	v29 =	vld [tilespmem:s0+$0x2D];
	v28 =	vperm.xlane v16, v2  }
0x21a: {  	v31 =	vld [tilespmem:s0+$0x48];
	v16 =	vperm.xlane v16, v3;
	v30 =	vperm.xlane v24, v2  }
0x21b: {  	v33 =	vld [tilespmem:s0+$0x6C];
	v24 =	vperm.xlane v24, v3;
	v32 =	vperm.xlane v25, v2  }
0x21c: {  	v35 =	vld [tilespmem:s0+$0x36];
	v34 =	vperm.xlane v26, v2;
	v25 =	vperm.xlane v25, v3  }
0x21d: {  	v37 =	vld [tilespmem:s0+$0x3F];
	v26 =	vperm.xlane v26, v3;
	v36 =	vperm.xlane v27, v2  }
0x21e: {  	v39 =	vld [tilespmem:s0+$0x51];
	v27 =	vperm.xlane v27, v3;
	v38 =	vperm.xlane v29, v2  }
0x21f: {  	v41 =	vld [tilespmem:s0+$0x75];
	v29 =	vperm.xlane v29, v3;
	v40 =	vperm.xlane v31, v2  }
0x220: {  	v42 =	vld [tilespmem:s0+$0x5A];
	v31 =	vperm.xlane v31, v3;
	v43 =	vperm.xlane v33, v2  }
0x221: {  	v45 =	vld [tilespmem:s0+$0x63];
	v44 =	vperm.xlane v35, v2;
	v33 =	vperm.xlane v33, v3  }
0x222: {  	v47 =	vld [tilespmem:s0+$0x7E];
	v35 =	vperm.xlane v35, v3;
	v46 =	vperm.xlane v37, v2  }
0x223: {  	v49 =	vld [tilespmem:s0+$0x87];
	v37 =	vperm.xlane v37, v3;
	v48 =	vperm.xlane v39, v2  }
0x224: {  	v22 =	vld [tilespmem:s4+$0xFFFFFF60];
	v39 =	vperm.xlane v39, v3;
	v51 =	vperm.xlane v41, v2  }
0x225: {  	v23 =	vld [tilespmem:s4+$0xFFFFBF90];
	v52 =	vperm.xlane v42, v2;
	v41 =	vperm.xlane v41, v3  }
0x226: {  	v50 =	vld [tilespmem:s4+$0xFFFFFF90];
	v42 =	vperm.xlane v42, v3;
	v54 =	vperm.xlane v45, v2  }
0x227: {  	v53 =	vld [tilespmem:s4+$0xFFFFBFD0];
	v45 =	vperm.xlane v45, v3;
	v57 =	vperm.xlane v47, v2  }
0x228: {  	v55 =	vld [tilespmem:s4+$0xFFFFFFD0];
	v47 =	vperm.xlane v47, v3;
	v59 =	vperm.xlane v49, v2  }
0x229: {  	v56 =	vld [tilespmem:s4+$0xFFFFBF70];
	v49 =	vperm.xlane v49, v3;
	v10 =	vmul.f32 v28, v10  }
0x22a: {  	v58 =	vld [tilespmem:s4+$0xFFFFFF70];
	v11 =	vmul.f32 v16, v11;
	v12 =	vmul.f32 v30, v12  }
0x22b: {  	v60 =	vld [tilespmem:s4+$0xFFFFBFF0];
	v13 =	vmul.f32 v24, v13;
	v14 =	vmul.f32 v32, v14  }
0x22c: {  	v61 =	vld [tilespmem:s4+$0xFFFFFFF0];
	v17 =	vmul.f32 v34, v17;
	v15 =	vmul.f32 v25, v15  }
0x22d: {  	v62 =	vld [tilespmem:s4+$0xFFFFC000];
	v18 =	vmul.f32 v26, v18;
	v19 =	vmul.f32 v36, v19  }
0x22e: {  	v28 =	vld [tilespmem:s4+$0xFFFFBF80];
	v20 =	vmul.f32 v27, v20;
	v21 =	vmul.f32 v38, v21  }
0x22f: {  	v16 =	vld [tilespmem:s4+$0xFFFFFF80];
	v22 =	vmul.f32 v29, v22;
	v23 =	vmul.f32 v40, v23  }
0x230: {  	v24 =	vld [tilespmem:s4+$0xFFFFBFA0];
	v30 =	vmul.f32 v31, v50;
	v50 =	vmul.f32 v43, v53  }
0x231: {  	v25 =	vld [tilespmem:s4+$0xFFFFFFA0];
	v53 =	vmul.f32 v44, v56;
	v33 =	vmul.f32 v33, v55;
	v10 =	vadd.f32 v11, v10  }
0x232: {  	v26 =	vld [tilespmem:s4+$0xFFFFBFE0];
	v35 =	vmul.f32 v35, v58;
	v11 =	vadd.f32 v13, v12;
	v13 =	vadd.f32 v18, v17  }
0x233: {  	v27 =	vld [tilespmem:s4+$0xFFFFFFE0];
	v14 =	vadd.f32 v15, v14;
	v15 =	vmul.f32 v57, v60;
	v17 =	vadd.f32 v20, v19  }
0x234: {  	v29 =	vld [tilespmem:s4+$0xFFFFBFB0];
	v18 =	vadd.f32 v22, v21;
	v19 =	vmul.f32 v47, v61;
	v20 =	vadd.f32 v30, v23  }
0x235: {  	v31 =	vld [tilespmem:s4+$0xFFFFFFB0];
	v21 =	vadd.f32 v33, v50;
	v22 =	vmul.f32 v59, v62;
	v23 =	vadd.f32 v35, v53  }
0x236: {  	v56 =	vld [tilespmem:s4+$0xFFFFBFC0];
	v30 =	vperm.xlane v10, v4;
	v43 =	vperm.xlane v20, v4  }
0x237: {  	v58 =	vld [tilespmem:s4+$0xFFFFFFC0];
	v15 =	vadd.f32 v19, v15;
	v19 =	vperm.xlane v23, v4;
	v44 =	vperm.xlane v21, v4  }
0x238: {  	v28 =	vmul.f32 v46, v28;
	v16 =	vmul.f32 v37, v16  }
0x239: {  	v32 =	vld [tilespmem:s0+$0xFFFFFFCA];
	v24 =	vmul.f32 v48, v24;
	v25 =	vmul.f32 v39, v25  }
0x23a: {  	v26 =	vmul.f32 v51, v26;
	v29 =	vmul.f32 v52, v29  }
0x23b: {  	v63 =	vld [tilespmem:s4+$0x0];
	v27 =	vmul.f32 v41, v27;
	v31 =	vmul.f32 v42, v31  }
0x23c: {  	v36 =	vmul.f32 v54, v56;
	v12 =	vmul.f32 v45, v58  }
0x23d: {  	v41 =	vperm.xlane v17, v4;
	v42 =	vperm.xlane v18, v4  }
0x23e: {  	v35 =	vld [tilespmem:s0+$0xFFFFFF82];
	v56 =	vperm.xlane v32, v2;
	v10 =	vadd.f32 v10, v30;
	v20 =	vadd.f32 v20, v43  }
0x23f: {  	v19 =	vadd.f32 v23, v19;
	v21 =	vadd.f32 v21, v44;
	v23 =	vperm.xlane v15, v4  }
0x240: {  	v16 =	vadd.f32 v16, v28;
	v28 =	vmul.f32 v49, v63;
	v24 =	vadd.f32 v25, v24  }
0x241: {  	v25 =	vadd.f32 v27, v26;
	v26 =	vperm.xlane v11, v4;
	v27 =	vperm.xlane v14, v4  }
0x242: {  	v29 =	vadd.f32 v31, v29;
	v31 =	vperm.xlane v13, v4;
	v12 =	vadd.f32 v12, v36  }
0x243: {  	v17 =	vadd.f32 v17, v41;
	v34 =	vperm.xlane v35, v2;
	v35 =	vperm.xlane v35, v3  }
0x244: {  	v18 =	vadd.f32 v18, v42;
	v45 =	vperm.xlane v10, v5;
	v51 =	vperm.xlane v20, v5  }
0x245: {  	v52 =	vperm.xlane v21, v5;
	v15 =	vadd.f32 v15, v23;
	v53 =	vperm.xlane v19, v5  }
0x246: {  	v37 =	vld [tilespmem:s0+$0xFFFFFF8B];
	v22 =	vadd.f32 v28, v22;
	v28 =	vperm.xlane v16, v4;
	v30 =	vperm.xlane v24, v4  }
0x247: {  	v33 =	vld [tilespmem:s0+$0xFFFFFFD3];
	v11 =	vadd.f32 v11, v26;
	v14 =	vadd.f32 v14, v27;
	v26 =	vperm.xlane v25, v4  }
0x248: {  	v57 =	vld [tilespmem:s4+$0xFFFFBEC0];
	v13 =	vadd.f32 v13, v31;
	v27 =	vperm.xlane v29, v4;
	v31 =	vperm.xlane v12, v4  }
0x249: {  	v43 =	vld [tilespmem:s4+$0xFFFFBEB0];
	v49 =	vperm.xlane v17, v5;
	v50 =	vperm.xlane v18, v5;
	v10 =	vadd.f32 v10, v45  }
0x24a: {  	v41 =	vld [tilespmem:s0+$0xFFFFFFB8];
	v20 =	vadd.f32 v20, v51;
	v21 =	vadd.f32 v21, v52;
	v60 =	vperm.xlane v15, v5  }
0x24b: {  	v36 =	vld [tilespmem:s0+$0xFFFFFF94];
	v19 =	vadd.f32 v19, v53;
	v40 =	vperm.xlane v37, v2;
	v37 =	vperm.xlane v37, v3  }
0x24c: {  	v42 =	vld [tilespmem:s4+$0xFFFFFE30];
	v16 =	vadd.f32 v16, v28;
	v24 =	vadd.f32 v24, v30;
	v28 =	vperm.xlane v22, v4  }
0x24d: {  	v39 =	vld [tilespmem:s0+$0xFFFFFF9D];
	v46 =	vperm.xlane v11, v5;
	v25 =	vadd.f32 v25, v26;
	v47 =	vperm.xlane v13, v5  }
0x24e: {  	v44 =	vld [tilespmem:s4+$0xFFFFFEA0];
	v48 =	vperm.xlane v14, v5;
	v27 =	vadd.f32 v29, v27;
	v12 =	vadd.f32 v12, v31  }
0x24f: {  	v23 =	vld [tilespmem:s0+$0xFFFFFFC1];
	v17 =	vadd.f32 v17, v49;
	v43 =	vmul.f32 v56, v43;
	v56 =	vperm.xlane v41, v2  }
0x250: {  	v63 =	vld [tilespmem:s4+$0xFFFFFEB0];
	v18 =	vadd.f32 v18, v50;
	v41 =	vperm.xlane v41, v3;
	v51 =	vperm.xlane v36, v3  }
0x251: {  	v45 =	vld [tilespmem:s4+$0xFFFFBE70];
	v15 =	vadd.f32 v15, v60;
	v35 =	vmul.f32 v35, v42;
	v54 =	vperm.xlane v16, v5  }
0x252: {  	v30 =	vld [tilespmem:s0+$0xFFFFFFEE];
	v22 =	vadd.f32 v22, v28;
	v11 =	vadd.f32 v11, v46;
	v55 =	vperm.xlane v24, v5  }
0x253: {  	v26 =	vld [tilespmem:s0+$0xFFFFFFF7];
	v13 =	vadd.f32 v13, v47;
	v58 =	vperm.xlane v27, v5;
	v59 =	vperm.xlane v12, v5  }
0x254: {  	v29 =	vld [tilespmem:s0+$0xFFFFFFA6];
	v14 =	vadd.f32 v14, v48;
	v62 =	vperm.xlane v25, v5;
	v50 =	vperm.xlane v23, v2  }
0x255: {  	v31 =	vld [tilespmem:s0+$0xFFFFFFAF];
	v23 =	vperm.xlane v23, v3;
	v16 =	vadd.f32 v16, v54;
	v61 =	vperm.xlane v22, v5  }
0x256: {  	v49 =	vld [tilespmem:s4+$0xFFFFBE80];
	v27 =	vadd.f32 v27, v58;
	v54 =	vperm.xlane v39, v2;
	v39 =	vperm.xlane v39, v3  }
0x257: {  	v28 =	vld [tilespmem:s0+$0xFFFFFFE5];
	v12 =	vadd.f32 v12, v59;
	v23 =	vmul.f32 v23, v44;
	v58 =	vperm.xlane v30, v2  }
0x258: {  	v47 =	vld [tilespmem:s4+$0xFFFFFE70];
	v13 =	vsel vm0, v13, v17;
	v30 =	vperm.xlane v30, v3;
	v59 =	vperm.xlane v26, v2  }
0x259: {  	v60 =	vld [tilespmem:s4+$0xFFFFFE80];
	v17 =	vadd.f32 v24, v55;
	v46 =	vperm.xlane v29, v2;
	v26 =	vperm.xlane v26, v3  }
0x25a: {  	v24 =	vadd.f32 v25, v62;
	v25 =	vld [tilespmem:s4+$0xFFFFFEC0];
	v29 =	vperm.xlane v29, v3;
	v48 =	vperm.xlane v31, v2  }
0x25b: {  	v62 =	vld [tilespmem:s4+$0xFFFFBEE0];
	v31 =	vperm.xlane v31, v3;
	v22 =	vadd.f32 v22, v61;
	v16 =	vsel vm0, v19, v16  }
0x25c: {  	v55 =	vld [tilespmem:s4+$0xFFFFBE40];
	v12 =	vsel vm0, v27, v12;
	v52 =	vperm.xlane v28, v2;
	v28 =	vperm.xlane v28, v3  }
0x25d: {  	v19 =	vld [tilespmem:s0+$0xFFFFFFDC];
	v16 =	vsel vm1, v18, v16;
	v45 =	vmul.f32 v46, v45;
	v29 =	vmul.f32 v29, v47  }
0x25e: {  	v61 =	vld [tilespmem:s4+$0xFFFFBEA0];
	v15 =	vsel vm0, v15, v22;
	v22 =	vsel vm1, v11, v13;
	v11 =	vsel vm1, v17, v12  }
0x25f: {  	v18 =	vld [tilespmem:s4+$0xFFFFBF00];
	v31 =	vmul.f32 v31, v60;
	v12 =	vsel vm1, v24, v15;
	v13 =	vsel vm2, v20, v11  }
0x260: {  	v17 =	vld [tilespmem:s4+$0xFFFFFEF0];
	v11 =	vsel vm2, v14, v16;
	v20 =	vperm.xlane v32, v3;
	v24 =	vperm.xlane v33, v2  }
0x261: {  	v15 =	vld [tilespmem:s4+$0xFFFFBEF0];
	v10 =	vsel vm2, v10, v22;
	v33 =	vperm.xlane v33, v3;
	v40 =	vmul.f32 v40, v55  }
0x262: {  	v22 =	vld [tilespmem:s4+$0xFFFFFF00];
	v12 =	vsel vm2, v21, v12;
	v14 =	vperm.xlane v13, v9;
	v21 =	vperm.xlane v11, v9  }
0x263: {  	v32 =	vld [tilespmem:s0+$0xFFFFFF79];
	v27 =	vperm.xlane v10, v9;
	v16 =	vperm.xlane v12, v9  }
0x264: {  	v20 =	vmul.f32 v20, v63;
	v24 =	vmul.f32 v24, v57;
	v63 =	vld [tilespmem:s4+$0xFFFFFEE0]  }
0x265: {  	v29 =	vadd.f32 v29, v45;
	v25 =	vmul.f32 v33, v25;
	v60 =	vmul.f32 v50, v61;
	v61 =	vld [tilespmem:s4+$0xFFFFFE90]  }
0x266: {  	v57 =	vperm.xlane v19, v2;
	v19 =	vperm.xlane v19, v3;
	v50 =	vld [tilespmem:s4+$0xFFFFBE20]  }
0x267: {  	v44 =	vperm.xlane v29, v4;
	v18 =	vmul.f32 v59, v18;
	v59 =	vld [tilespmem:s4+$0xFFFFBE90]  }
0x268: {  	v17 =	vmul.f32 v30, v17;
	v30 =	vld [tilespmem:s0+$0xFFFFFF70];
	v14 =	vsel vm0, v14, v16;
	v24 =	vadd.f32 v25, v24  }
0x269: {  	v16 =	vld [tilespmem:s4+$0xFFFFFE40];
	v25 =	vmul.f32 v52, v62;
	v23 =	vadd.f32 v23, v60;
	v15 =	vmul.f32 v58, v15  }
0x26a: {  	v62 =	vld [tilespmem:s4+$0xFFFFBED0];
	v22 =	vmul.f32 v26, v22;
	v14 =	vsel vm1, v21, v14;
	v58 =	vmul.f32 v48, v49  }
0x26b: {  	v52 =	vld [tilespmem:s4+$0xFFFFFE20];
	v49 =	vperm.xlane v36, v2;
	v46 =	vperm.xlane v23, v4;
	v15 =	vadd.f32 v17, v15  }
0x26c: {  	v55 =	vld [tilespmem:s4+$0xFFFFFE50];
	v17 =	vperm.xlane v32, v2;
	v28 =	vmul.f32 v28, v63;
	v18 =	vadd.f32 v22, v18  }
0x26d: {  	v26 =	vld [tilespmem:s4+$0xFFFFBE30];
	v22 =	vperm.xlane v32, v3;
	v31 =	vadd.f32 v31, v58;
	v58 =	vmul.f32 v41, v61  }
0x26e: {  	v21 =	vld [tilespmem:s4+$0xFFFFBE60];
	v16 =	vmul.f32 v37, v16;
	v25 =	vadd.f32 v28, v25;
	v28 =	vmul.f32 v56, v59  }
0x26f: {  	v14 =	vsel vm2, v27, v14;
	v27 =	vld [tilespmem:s4+$0xFFFFFE60];
	v38 =	vmul.f32 v57, v62;
	v60 =	vperm.xlane v30, v2  }
0x270: {  	v17 =	vmul.f32 v17, v50;
	v22 =	vmul.f32 v22, v52  }
0x271: {  	v20 =	vadd.f32 v20, v43;
	v63 =	vld [tilespmem:s4+$0xFFFFFED0];
	v62 =	vmul.f32 v51, v55;
	v41 =	vperm.xlane v15, v4  }
0x272: {  	v53 =	vld [tilespmem:s4+$0xFFFFBE50];
	v29 =	vadd.f32 v29, v44;
	v43 =	vperm.xlane v18, v4;
	v45 =	vperm.xlane v31, v4  }
0x273: {  	v26 =	vmul.f32 v34, v26;
	v21 =	vmul.f32 v54, v21;
	v16 =	vadd.f32 v16, v40  }
0x274: {  	v27 =	vmul.f32 v39, v27;
	v28 =	vadd.f32 v58, v28;
	v17 =	vadd.f32 v22, v17  }
0x275: {  	v22 =	vperm.xlane v24, v4;
	v32 =	vadd.f32 v18, v43;
	v31 =	vadd.f32 v31, v45  }
0x276: {  	v59 =	vld [tilespmem:s4+$0xFFFFBE10];
	v26 =	vadd.f32 v35, v26;
	v19 =	vmul.f32 v19, v63;
	v63 =	vperm.xlane v20, v4  }
0x277: {  	v21 =	vadd.f32 v27, v21;
	v27 =	vperm.xlane v30, v3;
	v30 =	vmul.f32 v49, v53  }
0x278: {  	v61 =	vld [tilespmem:s4+$0xFFFFFE10];
	v22 =	vadd.f32 v24, v22;
	v24 =	vperm.xlane v25, v4;
	v18 =	vperm.xlane v16, v4  }
0x279: {  	v35 =	vadd.f32 v15, v41;
	v48 =	vperm.xlane v28, v4;
	v50 =	vperm.xlane v17, v4  }
0x27a: {  	v49 =	vadd.f32 v23, v46;
	v55 =	vperm.xlane v32, v5;
	v57 =	vperm.xlane v31, v5  }
0x27b: {  	v19 =	vadd.f32 v19, v38;
	v42 =	vmul.f32 v60, v59;
	v20 =	vadd.f32 v20, v63  }
0x27c: {  	v15 =	vperm.xlane v26, v4;
	v54 =	vperm.xlane v35, v5;
	v30 =	vadd.f32 v62, v30  }
0x27d: {  	v27 =	vmul.f32 v27, v61;
	v24 =	vadd.f32 v25, v24;
	v53 =	vadd.f32 v16, v18  }
0x27e: {  	v47 =	vperm.xlane v21, v4;
	v16 =	vadd.f32 v28, v48;
	v17 =	vadd.f32 v17, v50  }
0x27f: {  	v58 =	vperm.xlane v49, v5;
	v63 =	vadd.f32 v32, v55;
	v23 =	vperm.xlane v19, v4  }
0x280: {  	v52 =	vadd.f32 v26, v15;
	v25 =	vperm.xlane v20, v5;
	v26 =	vperm.xlane v22, v5  }
0x281: {  	v35 =	vadd.f32 v35, v54;
	v27 =	vadd.f32 v27, v42;
	v51 =	vperm.xlane v30, v4  }
0x282: {  	v15 =	vadd.f32 v21, v47;
	v21 =	vperm.xlane v29, v5;
	v59 =	vperm.xlane v24, v5  }
0x283: {  	v62 =	vperm.xlane v53, v5;
	v18 =	vadd.f32 v19, v23;
	v60 =	vperm.xlane v52, v5  }
0x284: {  	v61 =	vadd.f32 v20, v25;
	v22 =	vadd.f32 v22, v26;
	v26 =	vperm.xlane v16, v5  }
0x285: {  	v23 =	vadd.f32 v31, v57;
	v33 =	vsel vm0, v35, v63;
	v19 =	vadd.f32 v30, v51  }
0x286: {  	v56 =	vperm.xlane v27, v4;
	v21 =	vadd.f32 v29, v21;
	v30 =	vadd.f32 v49, v58  }
0x287: {  	v25 =	vperm.xlane v15, v5;
	v31 =	vadd.f32 v24, v59;
	v24 =	vadd.f32 v53, v62  }
0x288: {  	s30 =	simm.s32 $0x15C10;
	v28 =	vperm.xlane v18, v5;
	v32 =	vsel vm0, v61, v22;
	v20 =	vadd.f32 v27, v56  }
0x289: {  	s10 =	simm.s32 $0x11800;
	[tilespmem:s30+$0x410] =	vst v14;
	s4 =	simm.s32 $0x0;
	v22 =	vadd.f32 v52, v60;
	v27 =	vperm.xlane v17, v5;
	v29 =	vperm.xlane v19, v5  }
.LBB2_9:
0x28a: {  	v14 =	vld [tilespmem:s10+$0xFFFFBF10];
	v34 =	vperm.xlane v20, v5;
	v25 =	vadd.f32 v15, v25;
	v26 =	vadd.f32 v16, v26  }
0x28b: {  	v30 =	vsel vm1, v30, v32;
	v18 =	vadd.f32 v18, v28;
	v28 =	vsel vm1, v31, v33;
	v15 =	vld [tilespmem:s10+$0xFFFFFF10]  }
0x28c: {  	v27 =	vadd.f32 v17, v27;
	v29 =	vadd.f32 v19, v29;
	v19 =	vsel vm0, v21, v23;
	v16 =	vld [tilespmem:s10+$0xFFFFBF20]  }
0x28d: {  	v21 =	vsel vm1, v25, v19;
	v23 =	vsel vm2, v26, v30;
	v25 =	vsel vm2, v18, v28;
	v17 =	vld [tilespmem:s10+$0xFFFFFF20]  }
0x28e: {  	v26 =	vadd.f32 v20, v34;
	v20 =	vsel vm0, v22, v24;
	v22 =	vperm.xlane v23, v6;
	v18 =	vld [tilespmem:s10+$0xFFFFBF50]  }
0x28f: {  	s0 =	sadd.s32 $0x120, s0;
	v28 =	vsel vm2, v29, v21;
	v24 =	vperm.xlane v25, v6;
	v29 =	vperm.xlane v23, v7;
	v19 =	vld [tilespmem:s10+$0xFFFFFF50]  }
0x290: {  	v21 =	vsel vm1, v27, v20;
	v27 =	vperm.xlane v25, v7;
	v31 =	vperm.xlane v23, v8;
	v30 =	vld [tilespmem:s0+$0x0]  }
0x291: {  	v32 =	vperm.xlane v25, v8;
	v33 =	vperm.xlane v23, v9;
	v26 =	vsel vm2, v26, v21;
	v20 =	vld [tilespmem:s10+$0xFFFFBF30]  }
0x292: {  	v34 =	vsel vm0, v22, v24;
	v24 =	vperm.xlane v25, v9;
	v25 =	vperm.xlane v13, v6;
	v21 =	vld [tilespmem:s10+$0xFFFFFF30]  }
0x293: {  	v35 =	vperm.xlane v13, v7;
	v27 =	vsel vm0, v29, v27;
	v29 =	vperm.xlane v12, v6;
	v22 =	vld [tilespmem:s10+$0xFFFFBF40]  }
0x294: {  	v36 =	vperm.xlane v13, v8;
	v31 =	vsel vm0, v31, v32;
	v32 =	vperm.xlane v12, v7;
	v23 =	vld [tilespmem:s10+$0xFFFFFF40]  }
0x295: {  	v38 =	vperm.xlane v12, v8;
	v37 =	vperm.xlane v28, v6;
	v33 =	vsel vm0, v33, v24;
	v13 =	vld [tilespmem:s10+$0xFFFFBF60]  }
0x296: {  	v39 =	vperm.xlane v28, v7;
	v40 =	vperm.xlane v28, v8;
	v25 =	vsel vm0, v25, v29;
	v12 =	vld [tilespmem:s10+$0xFFFFFF60]  }
0x297: {  	v28 =	vperm.xlane v28, v9;
	v29 =	vperm.xlane v11, v6;
	v32 =	vsel vm0, v35, v32;
	v24 =	vld [tilespmem:s10+$0xFFFFBF90]  }
0x298: {  	v41 =	vperm.xlane v11, v7;
	v36 =	vsel vm0, v36, v38;
	v11 =	vperm.xlane v11, v8;
	v35 =	vld [tilespmem:s0+$0x9]  }
0x299: {  	v42 =	vperm.xlane v26, v6;
	v34 =	vsel vm1, v37, v34;
	v37 =	vperm.xlane v26, v7;
	v38 =	vld [tilespmem:s0+$0x24]  }
0x29a: {  	v27 =	vsel vm1, v39, v27;
	v39 =	vperm.xlane v26, v8;
	v26 =	vperm.xlane v26, v9;
	v43 =	vld [tilespmem:s0+$0x12]  }
0x29b: {  	v45 =	vperm.xlane v10, v7;
	v31 =	vsel vm1, v40, v31;
	v40 =	vperm.xlane v10, v6;
	v44 =	vld [tilespmem:s0+$0x1B]  }
0x29c: {  	v10 =	vperm.xlane v10, v8;
	v28 =	vsel vm1, v28, v33;
	v46 =	vperm.xlane v30, v2;
	v47 =	vld [tilespmem:s0+$0x2D]  }
0x29d: {  	v25 =	vsel vm1, v29, v25;
	v30 =	vperm.xlane v30, v3;
	v33 =	vperm.xlane v35, v2;
	v48 =	vld [tilespmem:s0+$0x48]  }
0x29e: {  	v32 =	vsel vm1, v41, v32;
	v29 =	vperm.xlane v35, v3;
	v35 =	vperm.xlane v38, v2;
	v49 =	vld [tilespmem:s0+$0x6C]  }
0x29f: {  	v11 =	vsel vm1, v11, v36;
	v38 =	vperm.xlane v38, v3;
	v41 =	vperm.xlane v43, v2;
	v50 =	vld [tilespmem:s0+$0x36]  }
0x2a0: {  	v34 =	vsel vm2, v42, v34;
	v36 =	vperm.xlane v43, v3;
	v43 =	vperm.xlane v44, v2;
	v51 =	vld [tilespmem:s0+$0x3F]  }
0x2a1: {  	v27 =	vsel vm2, v37, v27;
	v42 =	vperm.xlane v44, v3;
	v44 =	vperm.xlane v47, v2;
	v52 =	vld [tilespmem:s0+$0x51];
	[tilespmem:s30+$0xFFFFF800] =	vst v34  }
0x2a2: {  	v34 =	vperm.xlane v47, v3;
	v37 =	vperm.xlane v48, v2;
	v47 =	vld [tilespmem:s0+$0x75];
	[tilespmem:s30+$0xFFFFFC00] =	vst v27;
	v27 =	vsel vm2, v39, v31  }
0x2a3: {  	v26 =	vsel vm2, v26, v28;
	v31 =	vperm.xlane v48, v3;
	v39 =	vld [tilespmem:s0+$0x5A];
	v48 =	vperm.xlane v49, v2;
	[tilespmem:s30+$0x0] =	vst v27  }
0x2a4: {  	v25 =	vsel vm2, v40, v25;
	v49 =	vperm.xlane v49, v3;
	v27 =	vperm.xlane v50, v2;
	v28 =	vld [tilespmem:s0+$0x63];
	[tilespmem:s30+$0x400] =	vst v26  }
0x2a5: {  	v26 =	vperm.xlane v50, v3;
	v40 =	vperm.xlane v51, v2;
	v50 =	vld [tilespmem:s0+$0x7E];
	[tilespmem:s30+$0xFFFFF810] =	vst v25;
	v25 =	vsel vm2, v45, v32  }
0x2a6: {  	v10 =	vsel vm2, v10, v11;
	v32 =	vperm.xlane v51, v3;
	v45 =	vperm.xlane v52, v2;
	v51 =	vld [tilespmem:s0+$0x87];
	[tilespmem:s30+$0xFFFFFC10] =	vst v25  }
0x2a7: {  	v25 =	vperm.xlane v52, v3;
	v11 =	vld [tilespmem:s10+$0xFFFFFF90];
	v52 =	vperm.xlane v47, v2;
	[tilespmem:s30+$0x10] =	vst v10  }
0x2a8: {  	v47 =	vperm.xlane v47, v3;
	v10 =	vperm.xlane v39, v2;
	v53 =	vld [tilespmem:s10+$0xFFFFBFD0]  }
0x2a9: {  	v39 =	vperm.xlane v39, v3;
	v54 =	vperm.xlane v28, v2;
	v55 =	vld [tilespmem:s10+$0xFFFFFFD0]  }
0x2aa: {  	v28 =	vperm.xlane v28, v3;
	v56 =	vld [tilespmem:s10+$0xFFFFBF70];
	v57 =	vperm.xlane v50, v2  }
0x2ab: {  	v50 =	vperm.xlane v50, v3;
	v58 =	vld [tilespmem:s10+$0xFFFFFF70];
	v59 =	vperm.xlane v51, v2  }
0x2ac: {  	v14 =	vmul.f32 v46, v14;
	v51 =	vperm.xlane v51, v3;
	v46 =	vld [tilespmem:s10+$0xFFFFBF80]  }
0x2ad: {  	v15 =	vmul.f32 v30, v15;
	v16 =	vmul.f32 v33, v16;
	v30 =	vld [tilespmem:s10+$0xFFFFFF80]  }
0x2ae: {  	v17 =	vmul.f32 v29, v17;
	v18 =	vmul.f32 v35, v18;
	v29 =	vld [tilespmem:s10+$0xFFFFBFA0]  }
0x2af: {  	v19 =	vmul.f32 v38, v19;
	v33 =	vmul.f32 v41, v20;
	v20 =	vld [tilespmem:s10+$0xFFFFFFA0]  }
0x2b0: {  	v21 =	vmul.f32 v36, v21;
	v22 =	vmul.f32 v43, v22;
	v35 =	vld [tilespmem:s10+$0xFFFFBFE0]  }
0x2b1: {  	v23 =	vmul.f32 v42, v23;
	v13 =	vmul.f32 v44, v13;
	v36 =	vld [tilespmem:s10+$0xFFFFFFE0]  }
0x2b2: {  	v12 =	vmul.f32 v34, v12;
	v24 =	vmul.f32 v37, v24;
	v34 =	vld [tilespmem:s10+$0xFFFFBFB0]  }
0x2b3: {  	v11 =	vmul.f32 v31, v11;
	v37 =	vmul.f32 v48, v53;
	v31 =	vld [tilespmem:s10+$0xFFFFFFB0]  }
0x2b4: {  	v41 =	vmul.f32 v49, v55;
	v27 =	vmul.f32 v27, v56;
	v38 =	vld [tilespmem:s10+$0xFFFFBFC0]  }
0x2b5: {  	v26 =	vmul.f32 v26, v58;
	v40 =	vmul.f32 v40, v46;
	v42 =	vld [tilespmem:s10+$0xFFFFFFC0]  }
0x2b6: {  	v30 =	vmul.f32 v32, v30;
	v29 =	vmul.f32 v45, v29;
	v32 =	vld [tilespmem:s10+$0xFFFFBFF0]  }
0x2b7: {  	v25 =	vmul.f32 v25, v20;
	v35 =	vmul.f32 v52, v35;
	v43 =	vld [tilespmem:s10+$0xFFFFFFF0]  }
0x2b8: {  	v36 =	vmul.f32 v47, v36;
	v34 =	vmul.f32 v10, v34;
	v44 =	vld [tilespmem:s10+$0xFFFFC000]  }
0x2b9: {  	v31 =	vmul.f32 v39, v31;
	v38 =	vmul.f32 v54, v38;
	v39 =	vld [tilespmem:s10+$0x0]  }
0x2ba: {  	v46 =	vadd.f32 v17, v16;
	v45 =	vadd.f32 v15, v14;
	v10 =	vld [tilespmem:s0+$0xFFFFFFCA];
	v14 =	vmul.f32 v28, v42  }
0x2bb: {  	v33 =	vadd.f32 v21, v33;
	v28 =	vadd.f32 v19, v18;
	v20 =	vld [tilespmem:s0+$0xFFFFFFD3];
	v15 =	vmul.f32 v57, v32  }
0x2bc: {  	v12 =	vadd.f32 v12, v13;
	v32 =	vadd.f32 v23, v22;
	v21 =	vld [tilespmem:s0+$0xFFFFFFEE];
	v13 =	vmul.f32 v50, v43  }
0x2bd: {  	v11 =	vadd.f32 v11, v24;
	v37 =	vadd.f32 v41, v37;
	v18 =	vld [tilespmem:s0+$0xFFFFFFF7];
	v16 =	vmul.f32 v59, v44  }
0x2be: {  	v26 =	vadd.f32 v26, v27;
	v27 =	vadd.f32 v30, v40;
	v19 =	vld [tilespmem:s0+$0xFFFFFFA6];
	v17 =	vmul.f32 v51, v39  }
0x2bf: {  	v30 =	vperm.xlane v45, v4;
	v25 =	vadd.f32 v25, v29;
	v35 =	vadd.f32 v36, v35;
	v22 =	vld [tilespmem:s0+$0xFFFFFFAF]  }
0x2c0: {  	v29 =	vperm.xlane v46, v4;
	v34 =	vadd.f32 v31, v34;
	v36 =	vperm.xlane v28, v4;
	v24 =	vld [tilespmem:s0+$0xFFFFFFC1]  }
0x2c1: {  	v31 =	vperm.xlane v33, v4;
	v38 =	vadd.f32 v14, v38;
	v39 =	vperm.xlane v32, v4;
	v23 =	vld [tilespmem:s0+$0xFFFFFFE5]  }
0x2c2: {  	v41 =	vperm.xlane v11, v4;
	v40 =	vperm.xlane v12, v4;
	v13 =	vadd.f32 v13, v15;
	v14 =	vld [tilespmem:s0+$0xFFFFFF82]  }
0x2c3: {  	v42 =	vperm.xlane v26, v4;
	v43 =	vperm.xlane v37, v4;
	v44 =	vadd.f32 v17, v16;
	v15 =	vld [tilespmem:s0+$0xFFFFFF8B]  }
0x2c4: {  	s4 =	sadd.s32 $0x20, s4;
	v47 =	vperm.xlane v27, v4;
	v45 =	vadd.f32 v45, v30;
	v48 =	vperm.xlane v25, v4;
	v16 =	vld [tilespmem:s0+$0xFFFFFF9D]  }
0x2c5: {  	p0 =	slt.u32 s4, $0x3E0;
	v46 =	vadd.f32 v46, v29;
	v49 =	vperm.xlane v35, v4;
	v36 =	vadd.f32 v28, v36;
	v17 =	vld [tilespmem:s0+$0xFFFFFFB8]  }
0x2c6: {  	v33 =	vadd.f32 v33, v31;
	v32 =	vadd.f32 v32, v39;
	v39 =	vperm.xlane v34, v4;
	v28 =	vld [tilespmem:s10+$0xFFFFBEB0]  }
0x2c7: {  	v11 =	vadd.f32 v11, v41;
	v12 =	vadd.f32 v12, v40;
	v40 =	vperm.xlane v38, v4;
	v29 =	vld [tilespmem:s10+$0xFFFFFEB0]  }
0x2c8: {  	v41 =	vadd.f32 v26, v42;
	v37 =	vadd.f32 v37, v43;
	v26 =	vperm.xlane v13, v4;
	v30 =	vld [tilespmem:s10+$0xFFFFBEC0]  }
0x2c9: {  	v42 =	vadd.f32 v27, v47;
	v43 =	vadd.f32 v25, v48;
	v27 =	vperm.xlane v44, v4;
	v31 =	vld [tilespmem:s10+$0xFFFFFEC0]  }
0x2ca: {  	v47 =	vperm.xlane v45, v5;
	v35 =	vadd.f32 v35, v49;
	v48 =	vperm.xlane v46, v5;
	v25 =	vld [tilespmem:s0+$0xFFFFFFDC]  }
0x2cb: {  	v50 =	vperm.xlane v33, v5;
	v51 =	vperm.xlane v36, v5;
	v34 =	vadd.f32 v34, v39;
	v49 =	vld [tilespmem:s10+$0xFFFFBEF0]  }
0x2cc: {  	v53 =	vperm.xlane v12, v5;
	v38 =	vadd.f32 v38, v40;
	v52 =	vperm.xlane v32, v5;
	v39 =	vld [tilespmem:s10+$0xFFFFFEF0]  }
0x2cd: {  	v54 =	vperm.xlane v11, v5;
	v55 =	vperm.xlane v37, v5;
	v13 =	vadd.f32 v13, v26;
	v40 =	vld [tilespmem:s10+$0xFFFFBF00]  }
0x2ce: {  	v57 =	vperm.xlane v41, v5;
	v58 =	vperm.xlane v42, v5;
	v44 =	vadd.f32 v44, v27;
	v56 =	vld [tilespmem:s10+$0xFFFFFF00]  }
0x2cf: {  	v45 =	vadd.f32 v45, v47;
	v46 =	vadd.f32 v46, v48;
	v47 =	vperm.xlane v43, v5;
	v26 =	vld [tilespmem:s0+$0xFFFFFF79]  }
0x2d0: {  	v33 =	vadd.f32 v33, v50;
	v36 =	vadd.f32 v36, v51;
	v48 =	vperm.xlane v34, v5;
	v27 =	vld [tilespmem:s0+$0xFFFFFF94]  }
0x2d1: {  	v12 =	vadd.f32 v12, v53;
	v51 =	vperm.xlane v38, v5;
	v32 =	vadd.f32 v32, v52;
	v50 =	vld [tilespmem:s10+$0xFFFFBE70]  }
0x2d2: {  	v11 =	vadd.f32 v11, v54;
	v37 =	vadd.f32 v37, v55;
	v53 =	vperm.xlane v13, v5;
	v52 =	vld [tilespmem:s10+$0xFFFFFE70]  }
0x2d3: {  	v41 =	vadd.f32 v41, v57;
	v42 =	vadd.f32 v42, v58;
	v55 =	vperm.xlane v44, v5;
	v54 =	vld [tilespmem:s10+$0xFFFFBE80]  }
0x2d4: {  	v38 =	vadd.f32 v38, v51;
	v34 =	vadd.f32 v34, v48;
	v48 =	vperm.xlane v35, v5;
	v57 =	vld [tilespmem:s10+$0xFFFFFE80]  }
0x2d5: {  	v58 =	vperm.xlane v10, v2;
	v13 =	vadd.f32 v13, v53;
	v44 =	vadd.f32 v44, v55;
	v51 =	vld [tilespmem:s10+$0xFFFFBEA0]  }
0x2d6: {  	v32 =	vsel vm0, v33, v32;
	v33 =	vadd.f32 v43, v47;
	v35 =	vadd.f32 v35, v48;
	v53 =	vld [tilespmem:s10+$0xFFFFFEA0]  }
0x2d7: {  	v41 =	vsel vm0, v41, v42;
	v34 =	vsel vm0, v34, v38;
	v13 =	vsel vm0, v13, v44;
	v43 =	vld [tilespmem:s10+$0xFFFFBEE0]  }
0x2d8: {  	v42 =	vsel vm1, v46, v32;
	v33 =	vsel vm1, v33, v34;
	v34 =	vsel vm1, v35, v13;
	v38 =	vld [tilespmem:s10+$0xFFFFFEE0]  }
0x2d9: {  	v35 =	vsel vm1, v12, v41;
	v13 =	vsel vm2, v11, v33;
	v12 =	vsel vm2, v37, v34;
	v32 =	vld [tilespmem:s0+$0xFFFFFF70]  }
0x2da: {  	v11 =	vsel vm2, v36, v35;
	v34 =	vperm.xlane v13, v9;
	v35 =	vperm.xlane v12, v9;
	v33 =	vld [tilespmem:s10+$0xFFFFBE30]  }
0x2db: {  	v37 =	vperm.xlane v10, v3;
	v10 =	vsel vm2, v45, v42;
	v41 =	vperm.xlane v11, v9;
	v36 =	vld [tilespmem:s10+$0xFFFFFE30]  }
0x2dc: {  	v44 =	vperm.xlane v20, v2;
	v45 =	vperm.xlane v10, v9;
	v34 =	vsel vm0, v34, v35;
	v42 =	vld [tilespmem:s10+$0xFFFFBE40]  }
0x2dd: {  	v46 =	vperm.xlane v21, v2;
	v20 =	vperm.xlane v20, v3;
	v34 =	vsel vm1, v41, v34;
	v35 =	vld [tilespmem:s10+$0xFFFFFE40]  }
0x2de: {  	s30 =	sadd.s32 $0x20, s30;
	v47 =	vperm.xlane v18, v2;
	v21 =	vperm.xlane v21, v3;
	v34 =	vsel vm2, v45, v34;
	v41 =	vld [tilespmem:s10+$0xFFFFBE60]  }
0x2df: {  	v18 =	vperm.xlane v18, v3;
	v48 =	vperm.xlane v19, v2;
	v45 =	vld [tilespmem:s10+$0xFFFFFE60];
	[tilespmem:s30+$0x410] =	vst v34  }
0x2e0: {  	v19 =	vperm.xlane v19, v3;
	v34 =	vperm.xlane v22, v2;
	v55 =	vld [tilespmem:s10+$0xFFFFBE90]  }
0x2e1: {  	v60 =	vperm.xlane v24, v2;
	v22 =	vperm.xlane v22, v3;
	v59 =	vld [tilespmem:s10+$0xFFFFFE90]  }
0x2e2: {  	v24 =	vperm.xlane v24, v3;
	v62 =	vperm.xlane v23, v2;
	v61 =	vld [tilespmem:s10+$0xFFFFBED0]  }
0x2e3: {  	v23 =	vperm.xlane v23, v3;
	v28 =	vmul.f32 v58, v28;
	v58 =	vld [tilespmem:s10+$0xFFFFFED0]  }
0x2e4: {  	v30 =	vmul.f32 v44, v30;
	v29 =	vmul.f32 v37, v29;
	v63 =	vld [tilespmem:s10+$0xFFFFBE20]  }
0x2e5: {  	v20 =	vmul.f32 v20, v31;
	v31 =	vmul.f32 v46, v49;
	v37 =	vld [tilespmem:s10+$0xFFFFFE20]  }
0x2e6: {  	v28 =	vadd.f32 v29, v28;
	v21 =	vmul.f32 v21, v39;
	v29 =	vmul.f32 v47, v40;
	v44 =	vld [tilespmem:s10+$0xFFFFBE50]  }
0x2e7: {  	v20 =	vadd.f32 v20, v30;
	v39 =	vperm.xlane v14, v2;
	v18 =	vmul.f32 v18, v56;
	v40 =	vld [tilespmem:s10+$0xFFFFFE50]  }
0x2e8: {  	v46 =	vperm.xlane v15, v2;
	v14 =	vperm.xlane v14, v3;
	v21 =	vadd.f32 v21, v31;
	v30 =	vld [tilespmem:s10+$0xFFFFFE10]  }
0x2e9: {  	v15 =	vperm.xlane v15, v3;
	v47 =	vperm.xlane v16, v2;
	v18 =	vadd.f32 v18, v29;
	v31 =	vld [tilespmem:s10+$0xFFFFBE10]  }
0x2ea: {  	v16 =	vperm.xlane v16, v3;
	v29 =	vperm.xlane v17, v2  }
0x2eb: {  	v49 =	vperm.xlane v25, v2;
	v17 =	vperm.xlane v17, v3  }
0x2ec: {  	v25 =	vperm.xlane v25, v3;
	v48 =	vmul.f32 v48, v50  }
0x2ed: {  	v19 =	vmul.f32 v19, v52;
	v34 =	vmul.f32 v34, v54  }
0x2ee: {  	v50 =	vmul.f32 v60, v51;
	v22 =	vmul.f32 v22, v57  }
0x2ef: {  	v19 =	vadd.f32 v19, v48;
	v24 =	vmul.f32 v24, v53;
	v43 =	vmul.f32 v62, v43  }
0x2f0: {  	v48 =	vperm.xlane v26, v2;
	v23 =	vmul.f32 v23, v38;
	v22 =	vadd.f32 v22, v34  }
0x2f1: {  	v26 =	vperm.xlane v26, v3;
	v24 =	vadd.f32 v24, v50;
	v34 =	vperm.xlane v27, v2  }
0x2f2: {  	v33 =	vmul.f32 v39, v33;
	v23 =	vadd.f32 v23, v43;
	v27 =	vperm.xlane v27, v3  }
0x2f3: {  	v14 =	vmul.f32 v14, v36;
	v36 =	vmul.f32 v46, v42  }
0x2f4: {  	v15 =	vmul.f32 v15, v35;
	v35 =	vmul.f32 v47, v41  }
0x2f5: {  	v14 =	vadd.f32 v14, v33;
	v16 =	vmul.f32 v16, v45;
	v29 =	vmul.f32 v29, v55  }
0x2f6: {  	v15 =	vadd.f32 v15, v36;
	v17 =	vmul.f32 v17, v59;
	v33 =	vmul.f32 v49, v61  }
0x2f7: {  	v36 =	vperm.xlane v32, v2;
	v16 =	vadd.f32 v16, v35;
	v25 =	vmul.f32 v25, v58  }
0x2f8: {  	v32 =	vperm.xlane v32, v3;
	v17 =	vadd.f32 v17, v29;
	v35 =	vmul.f32 v48, v63  }
0x2f9: {  	v26 =	vmul.f32 v26, v37;
	v25 =	vadd.f32 v25, v33;
	v29 =	vmul.f32 v34, v44  }
0x2fa: {  	v33 =	vperm.xlane v28, v4;
	v27 =	vmul.f32 v27, v40  }
0x2fb: {  	v34 =	vperm.xlane v20, v4;
	v26 =	vadd.f32 v26, v35;
	v35 =	vperm.xlane v21, v4  }
0x2fc: {  	v31 =	vmul.f32 v36, v31;
	v27 =	vadd.f32 v27, v29;
	v29 =	vperm.xlane v18, v4  }
0x2fd: {  	v28 =	vadd.f32 v28, v33;
	v30 =	vmul.f32 v32, v30;
	v32 =	vperm.xlane v19, v4  }
0x2fe: {  	v33 =	vperm.xlane v22, v4;
	v20 =	vadd.f32 v20, v34;
	v36 =	vperm.xlane v24, v4  }
0x2ff: {  	v34 =	vperm.xlane v23, v4;
	v21 =	vadd.f32 v21, v35;
	v29 =	vadd.f32 v18, v29  }
0x300: {  	v30 =	vadd.f32 v30, v31;
	v18 =	vperm.xlane v14, v4;
	v31 =	vperm.xlane v15, v4  }
0x301: {  	v35 =	vperm.xlane v16, v4;
	v32 =	vadd.f32 v19, v32;
	v19 =	vperm.xlane v17, v4  }
0x302: {  	v22 =	vadd.f32 v22, v33;
	v33 =	vperm.xlane v25, v4;
	v24 =	vadd.f32 v24, v36  }
0x303: {  	v34 =	vadd.f32 v23, v34;
	v36 =	vperm.xlane v26, v4;
	v37 =	vperm.xlane v27, v4  }
0x304: {  	v23 =	vperm.xlane v28, v5;
	v38 =	vperm.xlane v20, v5;
	v14 =	vadd.f32 v14, v18  }
0x305: {  	v39 =	vadd.f32 v15, v31;
	v31 =	vperm.xlane v21, v5;
	v40 =	vperm.xlane v29, v5  }
0x306: {  	v41 =	vperm.xlane v30, v4;
	v15 =	vadd.f32 v16, v35;
	v16 =	vadd.f32 v17, v19  }
0x307: {  	v42 =	vperm.xlane v22, v5;
	v35 =	vperm.xlane v32, v5;
	v18 =	vadd.f32 v25, v33  }
0x308: {  	v17 =	vadd.f32 v26, v36;
	v33 =	vperm.xlane v24, v5;
	v36 =	vperm.xlane v34, v5  }
0x309: {  	v19 =	vadd.f32 v27, v37;
	v37 =	vadd.f32 v28, v23;
	v43 =	vperm.xlane v14, v5  }
0x30a: {  	v38 =	vadd.f32 v20, v38;
	v44 =	vperm.xlane v39, v5;
	v45 =	vadd.f32 v21, v31  }
.Ltmp3:
0x30b: {  	v25 =	vperm.xlane v15, v5;
	v26 =	vperm.xlane v16, v5;
	v40 =	vadd.f32 v29, v40;
	(pc) =	sbr.rel @p0 .LBB2_9-.Ltmp3, $4  }
0x30c: {  	v20 =	vadd.f32 v30, v41;
	v21 =	vadd.f32 v32, v35;
	v28 =	vperm.xlane v18, v5  }
0x30d: {  	v23 =	vadd.f32 v22, v42;
	v27 =	vperm.xlane v17, v5;
	v30 =	vadd.f32 v24, v33  }
0x30e: {  	v29 =	vperm.xlane v19, v5;
	v32 =	vsel vm0, v37, v38;
	v31 =	vadd.f32 v34, v36  }
0x30f: {  	s10 =	sadd.s32 $0x200, s10;
	v22 =	vadd.f32 v14, v43;
	v24 =	vadd.f32 v39, v44;
	v33 =	vsel vm0, v45, v40  }
0x310: {  	v14 =	vperm.xlane v20, v5;
	v15 =	vadd.f32 v15, v25;
	v16 =	vadd.f32 v16, v26  }
0x311: {  	v32 =	vsel vm1, v30, v32;
	v41 =	vperm.xlane v13, v6;
	v42 =	vperm.xlane v12, v6  }
0x312: {  	v18 =	vadd.f32 v18, v28;
	v43 =	vperm.xlane v13, v7;
	v44 =	vperm.xlane v12, v7  }
0x313: {  	v34 =	vsel vm1, v31, v33;
	v45 =	vperm.xlane v13, v8;
	v47 =	vperm.xlane v12, v8  }
0x314: {  	v17 =	vadd.f32 v17, v27;
	v50 =	vperm.xlane v11, v6;
	v51 =	vperm.xlane v11, v7  }
0x315: {  	v19 =	vadd.f32 v19, v29;
	v11 =	vperm.xlane v11, v8;
	v57 =	vperm.xlane v10, v6  }
0x316: {  	v21 =	vsel vm0, v21, v23;
	v59 =	vperm.xlane v10, v7;
	v10 =	vperm.xlane v10, v8  }
0x317: {  	v22 =	vsel vm0, v22, v24;
	v15 =	vsel vm1, v15, v21;
	v16 =	vsel vm2, v16, v32  }
0x318: {  	v18 =	vsel vm2, v18, v34;
	v14 =	vadd.f32 v20, v14;
	v17 =	vsel vm1, v17, v22  }
0x319: {  	v21 =	vsel vm0, v43, v44;
	v35 =	vperm.xlane v16, v6;
	v36 =	vperm.xlane v18, v6  }
0x31a: {  	v12 =	vsel vm0, v45, v47;
	v37 =	vperm.xlane v16, v7;
	v38 =	vperm.xlane v18, v7  }
0x31b: {  	v15 =	vsel vm2, v19, v15;
	v39 =	vperm.xlane v16, v8;
	v40 =	vperm.xlane v18, v8  }
0x31c: {  	v16 =	vperm.xlane v16, v9;
	v18 =	vperm.xlane v18, v9;
	v61 =	vsel vm1, v51, v21  }
0x31d: {  	v11 =	vsel vm1, v11, v12;
	v46 =	vperm.xlane v15, v6;
	v48 =	vperm.xlane v15, v7  }
0x31e: {  	v14 =	vsel vm2, v14, v17;
	v49 =	vperm.xlane v15, v8;
	v15 =	vperm.xlane v15, v9  }
0x31f: {  	v17 =	vsel vm0, v41, v42;
	v63 =	vsel vm2, v59, v61;
	v10 =	vsel vm2, v10, v11  }
0x320: {  	v20 =	vsel vm0, v35, v36;
	v23 =	vsel vm0, v37, v38;
	v19 =	vsel vm0, v39, v40  }
0x321: {  	v16 =	vsel vm0, v16, v18;
	v52 =	vperm.xlane v14, v6;
	v17 =	vsel vm1, v50, v17;
	[tilespmem:s30+$0xFFFFFC10] =	vst v63  }
0x322: {  	v54 =	vperm.xlane v14, v7;
	[tilespmem:s30+$0x10] =	vst v10;
	v53 =	vsel vm1, v46, v20;
	v62 =	vsel vm2, v57, v17  }
0x323: {  	v55 =	vperm.xlane v14, v8;
	v23 =	vsel vm1, v48, v23;
	v13 =	vsel vm2, v52, v53;
	[tilespmem:s30+$0xFFFFF810] =	vst v62  }
0x324: {  	v14 =	vperm.xlane v14, v9;
	v18 =	vsel vm1, v49, v19;
	v56 =	vsel vm2, v54, v23;
	[tilespmem:s30+$0xFFFFF800] =	vst v13  }
0x325: {  	s0 =	sshll.u32 s29, $0x7;
	v15 =	vsel vm1, v15, v16;
	v58 =	vsel vm2, v55, v18;
	[tilespmem:s30+$0xFFFFFC00] =	vst v56  }
0x326: {  	s0 =	sand.u32 $0x1FFFFF80, s0;
	v60 =	vsel vm2, v14, v15;
	[tilespmem:s30+$0x0] =	vst v58  }
0x327: {  	s2 =	simm.s32 $0x15410;
	s1 =	sadd.s32 s26, s0;
	[tilespmem:s30+$0x400] =	vst v60  }
0x328: {  	[hbm4b:s1+s3] =	stream.linear.scatter [tilespmem:s2], [sflag:$0x2], $0x400, $0x38;
	[tilespmem:$0x16410] =	vst v63  }
0x329: {  	_ =	swait.ge [sflag:s15], $0x400  }
0x32a: {  	[sflag:s15] =	ssyncset.done $0x0  }
0x32b: {  	s25 =	simm.s32 $0x15810;
	s24 =	sadd.s32 s8, s0;
	[sflag:s15] =	ssyncadd.s32 $0xFFFFFC00  }
0x32c: {  	[hbm4b:s24+s3] =	stream.linear.scatter [tilespmem:s25], [sflag:$0x2], $0x400, $0x38;
	[tilespmem:$0x16410] =	vst v63  }
0x32d: {  	_ =	swait.ge [sflag:s15], $0x400  }
0x32e: {  	[sflag:s15] =	ssyncset.done $0x0  }
0x32f: {  	s29 =	sadd.s32 s9, s0;
	s30 =	simm.s32 $0x15C10;
	[sflag:s15] =	ssyncadd.s32 $0xFFFFFC00  }
0x330: {  	[hbm4b:s29+s3] =	stream.linear.scatter [tilespmem:s30], [sflag:$0x2], $0x400, $0x38;
	[tilespmem:$0x16410] =	vst v63  }
0x331: {  	s28 =	sadd.s32 $0x1, s28;
	_ =	swait.ge [sflag:s15], $0x400  }
0x332: {  	p0 =	sne.s32 s28, $0x10;
	[sflag:s15] =	ssyncset.done $0x0  }
.Ltmp4:
0x333: {  	s0 =	sadd.s32 s16, s0;
	[sflag:s15] =	ssyncadd.s32 $0xFFFFFC00;
	(pc) =	sbr.rel @p0 .LBB2_2-.Ltmp4, $4  }
0x334: {  	[hbm4b:s0+s3] =	stream.linear.scatter [tilespmem:s6], [sflag:$0x2], $0x400, $0x38;
	[tilespmem:$0x16410] =	vst v63  }
0x335: {  	_ =	swait.ge [sflag:s15], $0x400  }
0x336: {  	[sflag:s15] =	ssyncset.done $0x0  }
0x337: {  	[sflag:s15] =	ssyncadd.s32 $0xFFFFFC00  }
0x338: {  	s1 =	rddreg [dreg:$0xa]  }
0x339: {  	s0 =	rddreg [dreg:$0x9];
	s1 =	sadd.s32 $0x1, s1  }
0x33a: {  	p0 =	sne.s32 s1, s0  }
.Ltmp5:
0x33b: {  	_ = 	snop;
	(pc) =	sbr.rel @p0 .LBB2_1-.Ltmp5, $1  }
0x33c: {  	_ =	sdelay $0x3  }
0x33d: {  	_ =	sfence.sel $0x180000  }
0x33e: {  	[bflag:$0x0] =	sbarrier.arrive $0xFFFF  }
0x33f: {  	_ =	strace $0x9000004A  }
0x340: {  	s0 =	stileid.u32;
	[bflag:$0x2] =	sbarrier.arrive $0xFFFF  }
0x341: {  	p0 =	sne.s32 s0, $0x0;
	s0 =	rddreg [dreg:$0x3]  }
0x342: {  	s0 =	sadd.s32 @!p0 $0x100000, s0  }
0x343: {  	[sflag:s0] =	ssyncadd.tile.s32 @!p0 $0x1;
	_ =	shalt  }
.Lfunc_end2:
_tile_overlayer_lowered:
.L_overlay_start_2:
0x344: {  	(tag) =	ssettag $0x2  }
0x345: {  	s0 =	rddreg [dreg:$0x0];
	s2 =	stileid.u32  }
0x346: {  	s1 =	rddreg [dreg:$0x1];
	p0 =	sne.s32 s2, $0x0  }
0x347: {  	s3 =	rddreg [dreg:$0x2];
	[bflag:$0x3] =	sbarrier.arrive $0xFFFF;
	s2 =	simm.s32 @!p0 $0x1C02  }
0x348: {  	[timem:s3], [sflag:s2] =	dma.local @!p0 [hbm:s0], s1  }
0x349: {  	s0 =	simm.s32 @!p0 $0x2  }
0x34a: {  	_ =	swait.ge @!p0 [sflag:s0], s1  }
0x34b: {  	s1 =	ssub.s32 @!p0 $0x0, s1;
	[sflag:s0] =	ssyncset.done @!p0 $0x0  }
0x34c: {  	[sflag:s0] =	ssyncadd.s32 @!p0 s1  }
0x34d: {  	[bflag:$0x3] =	sbarrier.arrive $0xFFFF  }
0x34e: {  	_ =	shalt  }

// kernel: kernel.7.cloned.1.call-start
scs
__scs_entry_jumppad:
0x0: {  	(pc) =	sbr.rel $0x88, $3  }
0x1: {  	(tag) =	ssettag $0x0;
	lr =	simm.s32 $0x1  }
0x2: {  	[smem:$0x3F9C] =	sst lr;
	_ =	strace $0xD0000000  }
0x3: {  	_ = 	snop  }
0x4: {  	_ = 	snop  }
0x5: {  	_ = 	snop  }
0x6: {  	_ = 	snop  }
0x7: {  	_ = 	snop  }
__scs_overlays_trampoline_lowered:
0x8: {  	[smem:$0x3FAB] =	sst s0  }
0x9: {  	[smem:$0x3FAC] =	sst s1  }
0xa: {  	[smem:$0x3FAD] =	sst s2  }
0xb: {  	[smem:$0x3FAE] =	sst s3  }
0xc: {  	[smem:$0x3FAF] =	sst s4  }
0xd: {  	[smem:$0x3FB0] =	sst s5  }
0xe: {  	[smem:$0x3FB1] =	sst s6  }
0xf: {  	[smem:$0x3FB2] =	sst s7  }
0x10: {  	[smem:$0x3FB3] =	sst s8  }
0x11: {  	[smem:$0x3FB4] =	sst s9;
	s0 =	simm.s32 @!p0 $0x0  }
0x12: {  	s1 =	sld [smem:$0x3F9A];
	s0 =	simm.s32 @p0 $0x1  }
0x13: {  	[smem:$0x3FB5] =	sst s0;
	s0 =	simm.s32 @!p1 $0x0  }
0x14: {  	s2 =	sld [smem:$0x3F99];
	s0 =	simm.s32 @p1 $0x1  }
0x15: {  	[smem:$0x3FB6] =	sst s0;
	s0 =	simm.s32 @!p2 $0x0  }
0x16: {  	s3 =	sld [smem:$0x3FDB];
	s0 =	simm.s32 @p2 $0x1  }
0x17: {  	s4 =	simm.s32 $0x1BF5;
	[smem:$0x3FB8] =	sst s0  }
0x18: {  	s0 =	sld [smem:$0x3F9B];
	_ =	swait.ge [sflag:s4], $0x0  }
0x19: {  	s7 =	sld [smem:$0x3F9C]  }
0x1a: {  	s8 =	sadd.s32 $0xFFFFE003, lr  }
0x1b: {  	s9 =	sadd.s32 $0xFFFFFEF7, lr;
	s5 =	simm.s32 $0xFFFFFFFF;
	p2 =	slt.u32 s8, $0xFFFFF086  }
0x1c: {  	p1 =	slt.u32 s9, $0xF7A;
	s5 =	simm.s32 @!p2 $0x0  }
0x1d: {  	s5 =	simm.s32 @p1 $0x1;
	p0 =	seq.s32 s7, s2  }
0x1e: {  	s7 =	smul.u32 @!p0 $0xF7A, s2;
	p2 =	seq.s32 @!p0 s5, $0x0  }
0x1f: {  	s9 =	smul.u32 $0xF7A, s1;
	s8 =	simm.s32 @!p0 $0x1BF5;
	p2 =	por !p2, p0  }
0x20: {  	[sflag:s8] =	ssyncset.s32 @!p0 $0xFFFFF086;
	s6 =	sadd.s32 @!p0 s3, s7;
	s7 =	simm.s32 @!p0 $0x108  }
0x21: {  	s3 =	sadd.s32 s3, s9;
	s6 =	sadd.s32 @!p0 $0x88, s6;
	s7 =	simm.s32 @p2 $0x1082  }
0x22: {  	[simem:s7], [sflag:s8] =	dma.local @!p0 [hbm:s6], $0xF7A  }
0x23: {  	s9 =	sor.u32 $0xD0000000, s2;
	s6 =	simm.s32 $0x108;
	_ =	swait.ge @!p0 [sflag:s8], $0x0  }
0x24: {  	s3 =	sadd.s32 $0x88, s3;
	s6 =	simm.s32 @!p1 $0x1082;
	[sflag:s4] =	ssyncset.s32 $0xFFFFF086  }
0x25: {  	[simem:s6], [sflag:s4] =	dma.local [hbm:s3], $0xF7A  }
0x26: {  	[smem:$0x3F9C] =	sst s1;
	(tag) =	ssettag s2;
	_ =	strace s9  }
0x27: {  	s1 =	sld [smem:$0x3FAC]  }
0x28: {  	s2 =	sld [smem:$0x3FAD]  }
0x29: {  	s4 =	sld [smem:$0x3FAF]  }
0x2a: {  	p0 =	seq.s32 s5, $0x0;
	s5 =	sld [smem:$0x3FB0]  }
0x2b: {  	s6 =	sld [smem:$0x3FB1]  }
0x2c: {  	s7 =	sld [smem:$0x3FB2]  }
0x2d: {  	s3 =	simm.s32 $0x108;
	s8 =	sld [smem:$0x3FB3]  }
0x2e: {  	s3 =	simm.s32 @!p0 $0x1082;
	s9 =	sld [smem:$0x3FB4]  }
0x2f: {  	lr =	sadd.s32 s0, s3;
	s0 =	sld [smem:$0x3FAB]  }
0x30: {  	s3 =	sld [smem:$0x3FAE]  }
0x31: {  	[smem:$0x3FB7] =	sst s10  }
0x32: {  	s10 =	sld [smem:$0x3FB5];
	_ =	sdelay $0x3  }
0x33: {  	p0 =	seq.s32 s10, $0x1;
	s10 =	sld [smem:$0x3FB7];
	_ =	sdelay $0x3  }
0x34: {  	[smem:$0x3FB7] =	sst s10  }
0x35: {  	s10 =	sld [smem:$0x3FB6];
	_ =	sdelay $0x3  }
0x36: {  	p1 =	seq.s32 s10, $0x1;
	s10 =	sld [smem:$0x3FB7];
	_ =	sdelay $0x3  }
0x37: {  	[smem:$0x3FB7] =	sst s10  }
0x38: {  	s10 =	sld [smem:$0x3FB8]  }
0x39: {  	_ = 	snop;
	(pc) =	sbr.ind lr, $3  }
0x3a: {  	_ = 	snop  }
0x3b: {  	_ = 	snop  }
0x3c: {  	p2 =	seq.s32 s10, $0x1;
	s10 =	sld [smem:$0x3FB7]  }
0x3d: {  	_ =	shalt  }
0x3e: {  	_ =	shalt  }
0x3f: {  	_ =	shalt  }
0x40: {  	_ =	shalt  }
0x41: {  	_ =	shalt  }
0x42: {  	_ =	shalt  }
0x43: {  	_ =	shalt  }
0x44: {  	_ =	shalt  }
0x45: {  	_ =	shalt  }
0x46: {  	_ =	shalt  }
0x47: {  	_ =	shalt  }
0x48: {  	_ =	shalt  }
0x49: {  	_ =	shalt  }
0x4a: {  	_ =	shalt  }
0x4b: {  	_ =	shalt  }
0x4c: {  	_ =	shalt  }
0x4d: {  	_ =	shalt  }
0x4e: {  	_ =	shalt  }
0x4f: {  	_ =	shalt  }
0x50: {  	_ =	shalt  }
0x51: {  	_ =	shalt  }
0x52: {  	_ =	shalt  }
0x53: {  	_ =	shalt  }
0x54: {  	_ =	shalt  }
0x55: {  	_ =	shalt  }
0x56: {  	_ =	shalt  }
0x57: {  	_ =	shalt  }
0x58: {  	_ =	shalt  }
0x59: {  	_ =	shalt  }
0x5a: {  	_ =	shalt  }
0x5b: {  	_ =	shalt  }
0x5c: {  	_ =	shalt  }
0x5d: {  	_ =	shalt  }
0x5e: {  	_ =	shalt  }
0x5f: {  	_ =	shalt  }
0x60: {  	_ =	shalt  }
0x61: {  	_ =	shalt  }
0x62: {  	_ =	shalt  }
0x63: {  	_ =	shalt  }
0x64: {  	_ =	shalt  }
0x65: {  	_ =	shalt  }
0x66: {  	_ =	shalt  }
0x67: {  	_ =	shalt  }
0x68: {  	_ =	shalt  }
0x69: {  	_ =	shalt  }
0x6a: {  	_ =	shalt  }
0x6b: {  	_ =	shalt  }
0x6c: {  	_ =	shalt  }
0x6d: {  	_ =	shalt  }
0x6e: {  	_ =	shalt  }
0x6f: {  	_ =	shalt  }
0x70: {  	_ =	shalt  }
0x71: {  	_ =	shalt  }
0x72: {  	_ =	shalt  }
0x73: {  	_ =	shalt  }
0x74: {  	_ =	shalt  }
0x75: {  	_ =	shalt  }
0x76: {  	_ =	shalt  }
0x77: {  	_ =	shalt  }
0x78: {  	_ =	shalt  }
0x79: {  	_ =	shalt  }
0x7a: {  	_ =	shalt  }
0x7b: {  	_ =	shalt  }
0x7c: {  	_ =	shalt  }
0x7d: {  	_ =	shalt  }
0x7e: {  	_ =	shalt  }
0x7f: {  	_ =	shalt  }
0x80: {  	_ =	shalt  }
0x81: {  	_ =	shalt  }
0x82: {  	_ =	shalt  }
0x83: {  	_ =	shalt  }
0x84: {  	_ =	shalt  }
0x85: {  	_ =	shalt  }
0x86: {  	_ =	shalt  }
0x87: {  	_ =	shalt  }
.Lfunc_end0:
.L_simem_size_0:
called_computation_lowered:
.L_overlay_start_0:
0x88: {  	s2 =	sld [smem:$0x3FD9]  }
0x89: {  	s3 =	sld [smem:$0x3FFE];
	_ =	sdelay $0x1  }
0x8a: {  	s1 =	srdreg.scid  }
0x8b: {  	s0 =	sand.u32 $0x1, s1  }
0x8c: {  	s14 =	sshll.u32 s0, $0xA;
	s2 =	sadd.s32 s3, s2  }
0x8d: {  	s2 =	sadd.s32 s2, s14  }
0x8e: {  	[smem:$0x3FC3] =	sst s2  }
0x8f: {  	_ = 	snop  }
0x90: {  	s2 =	sld [smem:$0x3FD0];
	_ =	sdelay $0x2  }
0x91: {  	s15 =	simm.s32 $0xA;
	s4 =	simm.s32 $0x10  }
0x92: {  	[smem:s4], [sflag:s15] =	dma.local [hbm:s2], $0x1  }
0x93: {  	_ =	swait.eq [sflag:s15], $0x1  }
0x94: {  	[sflag:s15] =	ssyncset.done $0x0  }
0x95: {  	[sflag:s15] =	ssyncadd.s32 $0xFFFFFFFF  }
0x96: {  	s16 =	sld [smem:$0x11];
	(tm) =	ssettm $0x1  }
0x97: {  	s17 =	sld [smem:$0x3FFB];
	_ =	sdelay $0x3  }
0x98: {  	_ =	strace s17  }
0x99: {  	s3 =	sld [smem:$0x3FFC];
	_ =	sdelay $0x3  }
0x9a: {  	_ =	strace s3  }
0x9b: {  	s3 =	sld [smem:$0x3FFD];
	_ =	sdelay $0x3  }
0x9c: {  	_ =	strace s3  }
0x9d: {  	_ =	strace $0x8FFFFFFF  }
0x9e: {  	s18 =	sld [smem:$0x3FDB];
	_ =	sdelay $0x1  }
0x9f: {  	s19 =	simm.s32 $_scs_section_size  }
0xa0: {  	s5 =	simm.s32 $_size__tile_overlayer_lowered;
	s6 =	simm.s32 $_tile_overlayer_lowered  }
0xa1: {  	s22 =	simm.s32 $0x1BFF;
	s21 =	sshll.u32 s6, $0x1;
	s3 =	sadd.s32 s19, s18  }
0xa2: {  	s7 =	simm.s32 $0x0;
	s20 =	sshll.u32 s5, $0x1;
	s5 =	sadd.s32 s21, s3  }
0xa3: {  	[timem:s7], [sflag:s22] =	dma.local [hbm:s5], s20  }
0xa4: {  	_ =	swait.ge [sflag:s22], s20  }
0xa5: {  	s4 =	ssub.s32 $0x0, s20;
	[sflag:s22] =	ssyncset.done $0x0  }
0xa6: {  	[sflag:s22] =	ssyncadd.s32 s4;
	_ =	sdelay $0x1  }
0xa7: {  	s23 =	simm.s32 $0x1B8B  }
0xa8: {  	_ =	swait.ge [sflag:s23], $0x1  }
0xa9: {  	[sflag:s23] =	ssyncset.done $0x0  }
0xaa: {  	s25 =	simm.s32 $0x1B8E;
	s24 =	sld [smem:$0x3FFE];
	[sflag:s23] =	ssyncadd.s32 $0xFFFFFFFF  }
0xab: {  	s26 =	simm.s32 $execute0_lowered;
	[smem:$0x3FD2] =	sst s25  }
0xac: {  	s5 =	sshll.u32 s26, $0x1;
	_ =	strace $0x80000046;
	[dreg:$0x1] =	wrdreg $0xFFFFFFFF  }
0xad: {  	s28 =	simm.s32 $_size_execute0_lowered;
	s3 =	sadd.s32 s3, s5;
	[dreg:$0x0] =	wrdreg $0x0  }
0xae: {  	s5 =	sshll.u32 s28, $0x1;
	[dreg:$0x2] =	wrdreg s3  }
0xaf: {  	[dreg:$0x3] =	wrdreg s5  }
0xb0: {  	[dreg:$0x4] =	wrdreg $0xC0  }
0xb1: {  	_ =	task [dreg:s7], $0x5FFFF  }
0xb2: {  	[dreg:$0x1] =	wrdreg $0xFFFFFFFF  }
0xb3: {  	[dreg:$0x0] =	wrdreg $0x60  }
0xb4: {  	[dreg:$0x2] =	wrdreg s16  }
0xb5: {  	[dreg:$0x3] =	wrdreg s24  }
0xb6: {  	[dreg:$0x4] =	wrdreg $0x9  }
0xb7: {  	_ =	task.clear_ibuf [dreg:s7], $0x5FFFF;
	_ =	strace $0x90000046  }
0xb8: {  	s29 =	simm.s32 $0x9;
	_ =	strace $0x80000048  }
0xb9: {  	_ =	swait.ge [sflag:s29], $0x1  }
0xba: {  	[sflag:s29] =	ssyncadd.s32 $0xFFFFFFFF  }
0xbb: {  	_ =	strace $0x90000048  }
0xbc: {  	_ =	sfence  }
0xbd: {  	s30 =	sld [smem:$0x0];
	_ =	sdelay $0x2  }
0xbe: {  	s31 =	sshll.u32 s1, $0xD;
	s1 =	sshrl.u32 s1, $0x2  }
0xbf: {  	s3 =	sand.u32 $0x4000, s31;
	s1 =	sadd.s32 s1, s30  }
0xc0: {  	s0 =	sor.u32 s3, s0;
	s1 =	sshll.u32 s1, $0x11  }
0xc1: {  	s0 =	sor.u32 s1, s0  }
0xc2: {  	s0 =	sadd.s32 $0x8F2B, s0  }
0xc3: {  	[sflag:s0] =	ssyncadd.remote.s32 $0x1  }
0xc4: {  	_ =	sfence.sel $0xFFFF  }
0xc5: {  	[dreg:$0x0] =	wrdreg $0xFFFFFFFF;
	(pc) =	sbr.abs _section_cstart, $3  }
0xc6: {  	[dreg:$0x1] =	wrdreg $0xFFFFFFFF  }
0xc7: {  	_ =	task.clear_ibuf [dreg:s7], $0x2FFFF;
	_ =	strace $0x9FFFFFFF  }
0xc8: {  	(tm) =	ssettm $0x7FFFFFFF  }
0xc9: {  	_ =	shalt  }
tec
execute0_lowered:
.L_overlay_start_1:
0x0: {  	(tag) =	ssettag $0x1  }
0x1: {  	v0 =	vimm.s32 $0x1A19;
	vm0 =	vcmask $0x300  }
0x2: {  	vm14 =	vcmask $0x704;
	v0 =	vsel vm0, $0x0, v0  }
0x3: {  	vm15 =	vcmask $0xB08;
	v0 =	vsel vm14, $0x888, v0  }
0x4: {  	s1 =	rddreg [dreg:$0x0];
	vm4 =	vcmask $0xF0C;
	v0 =	vsel vm15, $0x1110, v0  }
0x5: {  	s0 =	rddreg [dreg:$0x1];
	s2 =	simm.s32 $0x0;
	vm5 =	vcmask $0x1310;
	v0 =	vsel vm4, $0x1998, v0  }
0x6: {  	s4 =	srdreg.scid;
	vm6 =	vcmask $0x1714;
	s7 =	stileid.u32;
	s14 =	simm.s32 $0x88;
	v0 =	vsel vm5, $0x1, v0  }
0x7: {  	vm7 =	vcmask $0x1B18;
	s15 =	simm.s32 $0x2;
	s16 =	simm.s32 $0x910;
	s17 =	simm.s32 $0x1198;
	v0 =	vsel vm6, $0x889, v0  }
0x8: {  	vm8 =	vcmask $0x1F1C;
	s18 =	simm.s32 $0x1A20;
	s19 =	simm.s32 $0x2230;
	s20 =	simm.s32 $0x888;
	v0 =	vsel vm7, $0x1111, v0  }
0x9: {  	vm9 =	vcmask $0x2320;
	s21 =	simm.s32 $0x1110;
	s22 =	simm.s32 $0x1998;
	s23 =	simm.s32 $0xA230;
	v0 =	vsel vm8, $0x1999, v0  }
0xa: {  	vm10 =	vcmask $0x2724;
	s24 =	simm.s32 $0x1;
	s25 =	simm.s32 $0x0;
	[smem:$0x7FF] =	sst s2;
	v0 =	vsel vm9, $0x80, v0  }
0xb: {  	vm11 =	vcmask $0x2B28;
	s3 =	sadd.s32 $0xC2200, s0;
	s4 =	sand.u32 $0x1, s4;
	s5 =	sadd.s32 $0x142200, s0;
	v0 =	vsel vm10, $0x908, v0  }
.Ltmp0:
0xc: {  	vm12 =	vcmask $0x2F2C;
	s6 =	sadd.s32 $0x102200, s0;
	s10 =	sshll.u32 s7, $0x1;
	v0 =	vsel vm11, $0x1190, v0;
	(pc) =	sbr.rel .LBB2_1-.Ltmp0, $4  }
0xd: {  	vm13 =	vcmask $0x3330;
	s7 =	sadd.s32 $0x182200, s0;
	s11 =	sadd.s32 $0x1821EF, s0;
	s8 =	ssub.s32 $0x2, s4;
	v0 =	vsel vm12, $0x1A18, v0  }
0xe: {  	v1 =	vlaneseq.u32;
	s12 =	sadd.s32 $0x1421EF, s0;
	_ =	strace $0x80000047;
	vm14 =	vcmask $0x3734;
	s9 =	sshrl.u32 s8, $0x1;
	v0 =	vsel vm13, $0x81, v0  }
0xf: {  	v2 =	vshrl.u32 v1, $0x2;
	s4 =	sor.u32 s4, s10;
	s10 =	sadd.s32 $0x1021EF, s0;
	vm15 =	vcmask $0x3B38;
	s13 =	ssub.s32 s8, s9;
	v0 =	vsel vm14, $0x909, v0  }
0x10: {  	v1 =	vimm.f32 $0.0e+00;
	v2 =	vand.u32 $0x1, v2;
	s8 =	smul.u32 $0x10800, s4;
	s9 =	sadd.s32 $0x3FFEF, s1;
	s13 =	smax.u32 s13, $0x1;
	v0 =	vsel vm15, $0x1191, v0  }
.LBB2_25:
0x11: {  	s25 =	sadd.s32 $0x1, s25  }
0x12: {  	_ =	swait.ge [sflag:s24], $0x8000;
	p0 =	sne.s32 s25, s13  }
.Ltmp1:
0x13: {  	[sflag:s24] =	ssyncset.done $0x0;
	(pc) =	sbr.rel @!p0 .LBB2_26-.Ltmp1, $4  }
0x14: {  	[sflag:s24] =	ssyncadd.s32 $0xFFFF8000  }
0x15: {  	_ =	swait.ge [sflag:s24], $0x8000  }
0x16: {  	[sflag:s24] =	ssyncset.done $0x0  }
0x17: {  	[sflag:s24] =	ssyncadd.s32 $0xFFFF8000  }
.LBB2_1:
.Ltmp2:
0x18: {  	(pc) =	sbr.rel .LBB2_2-.Ltmp2, $2  }
0x19: {  	_ =	sdelay $0x2  }
0x1a: {  	s26 =	simm.s32 $0x0  }
.LBB2_24:
0x1b: {  	s26 =	sadd.s32 $0x1, s26  }
0x1c: {  	p0 =	sne.s32 s26, $0x11  }
.Ltmp3:
0x1d: {  	_ = 	snop;
	(pc) =	sbr.rel @!p0 .LBB2_25-.Ltmp3, $1  }
0x1e: {  	_ =	sdelay $0x3  }
.LBB2_2:
0x1f: {  	s28 =	sshll.u32 s26, $0xC  }
0x20: {  	s29 =	sadd.s32 s8, s28  }
0x21: {  	p1 =	sne.s32 s29, $0x0  }
.Ltmp4:
0x22: {  	p0 =	seq.s32 s26, $0x0;
	(pc) =	sbr.rel @!p1 .LBB2_3-.Ltmp4, $4  }
0x23: {  	s0 =	simm.s32 @!p0 $0x1  }
0x24: {  	_ =	swait.ge @!p0 [sflag:s0], $0x8000  }
0x25: {  	[sflag:s0] =	ssyncset.done @!p0 $0x0  }
0x26: {  	[sflag:s0] =	ssyncadd.s32 @!p0 $0xFFFF8000  }
0x27: {  	s0 =	sadd.s32 $0xFFFFF800, s29  }
0x28: {  	p1 =	sgt.u32 s0, $0x1FF7FF  }
.Ltmp5:
0x29: {  	_ = 	snop;
	(pc) =	sbr.rel @p1 .LBB2_8-.Ltmp5, $1  }
0x2a: {  	_ =	sdelay $0x3  }
0x2b: {  	s0 =	sadd.s32 $0xFFFFFF78, s29  }
0x2c: {  	s0 =	sshrl.u32 s0, $0x3  }
0x2d: {  	s4 =	sadd.s32 s1, s0  }
0x2e: {  	[tilespmem:s2], [sflag:$0x2] =	stream.linear.gather [hbm4b:s4+s2], $0x888, $0x38;
	[tilespmem:$0x12230] =	vst v63  }
0x2f: {  	_ =	swait.ge [sflag:s15], $0x888  }
0x30: {  	[sflag:s15] =	ssyncset.done $0x0  }
0x31: {  	s30 =	sadd.s32 s3, s0;
	[sflag:s15] =	ssyncadd.s32 $0xFFFFF778  }
0x32: {  	[tilespmem:s20], [sflag:$0x2] =	stream.linear.gather [hbm4b:s30+s2], $0x888, $0x38;
	[tilespmem:$0x12230] =	vst v63  }
0x33: {  	_ =	swait.ge [sflag:s15], $0x888  }
0x34: {  	[sflag:s15] =	ssyncset.done $0x0  }
0x35: {  	s31 =	sadd.s32 s5, s0;
	[sflag:s15] =	ssyncadd.s32 $0xFFFFF778  }
0x36: {  	[tilespmem:s21], [sflag:$0x2] =	stream.linear.gather [hbm4b:s31+s2], $0x888, $0x38;
	[tilespmem:$0x12230] =	vst v63  }
0x37: {  	_ =	swait.ge [sflag:s15], $0x888  }
0x38: {  	[sflag:s15] =	ssyncset.done $0x0  }
.Ltmp6:
0x39: {  	s0 =	sadd.s32 s6, s0;
	[sflag:s15] =	ssyncadd.s32 $0xFFFFF778;
	(pc) =	sbr.rel .LBB2_12-.Ltmp6, $4  }
0x3a: {  	[tilespmem:s22], [sflag:$0x2] =	stream.linear.gather [hbm4b:s0+s2], $0x888, $0x38;
	[tilespmem:$0x12230] =	vst v63  }
0x3b: {  	_ =	swait.ge [sflag:s15], $0x888  }
0x3c: {  	[sflag:s15] =	ssyncset.done $0x0  }
0x3d: {  	[sflag:s15] =	ssyncadd.s32 $0xFFFFF778  }
.LBB2_3:
0x3e: {  	s0 =	simm.s32 $0x1110  }
0x3f: {  	[tilespmem:s0+$0xFFFFEEF0] =	vst v1  }
0x40: {  	[tilespmem:s0+$0x888] =	vst v1  }
0x41: {  	s30 =	simm.s32 $0x0;
	[tilespmem:s0+$0x0] =	vst v1  }
.LBB2_4:
0x42: {  	s30 =	sadd.s32 $0x10, s30  }
0x43: {  	[tilespmem:s0+$0xFFFFF778] =	vst v1;
	s0 =	sadd.s32 $0x10, s0;
	p1 =	slt.u32 s30, $0x78  }
.Ltmp7:
0x44: {  	[tilespmem:s0+$0xFFFFEEF0] =	vst v1;
	(pc) =	sbr.rel @p1 .LBB2_4-.Ltmp7, $3  }
0x45: {  	_ =	sdelay $0x1  }
0x46: {  	[tilespmem:s0+$0x888] =	vst v1  }
0x47: {  	[tilespmem:s0+$0x0] =	vst v1  }
0x48: {  	[tilespmem:s0+$0xFFFFF778] =	vst v1  }
0x49: {  	[tilespmem:s14], [sflag:$0x2] =	stream.linear.gather [hbm4b:s1+s2], $0x800, $0x38;
	[tilespmem:$0x12230] =	vst v63  }
0x4a: {  	_ =	swait.ge [sflag:s15], $0x800  }
0x4b: {  	[sflag:s15] =	ssyncset.done $0x0  }
0x4c: {  	[sflag:s15] =	ssyncadd.s32 $0xFFFFF800  }
0x4d: {  	[tilespmem:s16], [sflag:$0x2] =	stream.linear.gather [hbm4b:s3+s2], $0x800, $0x38;
	[tilespmem:$0x12230] =	vst v63  }
0x4e: {  	_ =	swait.ge [sflag:s15], $0x800  }
0x4f: {  	[sflag:s15] =	ssyncset.done $0x0  }
0x50: {  	[sflag:s15] =	ssyncadd.s32 $0xFFFFF800  }
0x51: {  	[tilespmem:s17], [sflag:$0x2] =	stream.linear.gather [hbm4b:s5+s2], $0x800, $0x38;
	[tilespmem:$0x12230] =	vst v63  }
0x52: {  	_ =	swait.ge [sflag:s15], $0x800  }
0x53: {  	[sflag:s15] =	ssyncset.done $0x0  }
.Ltmp8:
0x54: {  	[sflag:s15] =	ssyncadd.s32 $0xFFFFF800;
	(pc) =	sbr.rel .LBB2_12-.Ltmp8, $4  }
0x55: {  	[tilespmem:s18], [sflag:$0x2] =	stream.linear.gather [hbm4b:s6+s2], $0x800, $0x38;
	[tilespmem:$0x12230] =	vst v63  }
0x56: {  	_ =	swait.ge [sflag:s15], $0x800  }
0x57: {  	[sflag:s15] =	ssyncset.done $0x0  }
0x58: {  	[sflag:s15] =	ssyncadd.s32 $0xFFFFF800  }
.LBB2_8:
0x59: {  	p1 =	sne.s32 s29, $0x200000  }
.Ltmp9:
0x5a: {  	_ = 	snop;
	(pc) =	sbr.rel @p1 .LBB2_12-.Ltmp9, $1  }
0x5b: {  	_ =	sdelay $0x3  }
0x5c: {  	s0 =	simm.s32 $0x1110  }
0x5d: {  	[tilespmem:s0+$0xFFFFEEF0] =	vst v1  }
0x5e: {  	[tilespmem:s0+$0x888] =	vst v1  }
0x5f: {  	s30 =	simm.s32 $0x0;
	[tilespmem:s0+$0x0] =	vst v1  }
.LBB2_10:
0x60: {  	s30 =	sadd.s32 $0x10, s30  }
0x61: {  	[tilespmem:s0+$0xFFFFF778] =	vst v1;
	s0 =	sadd.s32 $0x10, s0;
	p1 =	slt.u32 s30, $0x878  }
.Ltmp10:
0x62: {  	[tilespmem:s0+$0xFFFFEEF0] =	vst v1;
	(pc) =	sbr.rel @p1 .LBB2_10-.Ltmp10, $3  }
0x63: {  	_ =	sdelay $0x1  }
0x64: {  	[tilespmem:s0+$0x888] =	vst v1  }
0x65: {  	[tilespmem:s0+$0x0] =	vst v1  }
0x66: {  	[tilespmem:s0+$0xFFFFF778] =	vst v1  }
0x67: {  	[tilespmem:s2], [sflag:$0x2] =	stream.linear.gather [hbm4b:s9+s2], $0x88, $0x38;
	[tilespmem:$0x12230] =	vst v63  }
0x68: {  	_ =	swait.ge [sflag:s15], $0x88  }
0x69: {  	[sflag:s15] =	ssyncset.done $0x0  }
0x6a: {  	[sflag:s15] =	ssyncadd.s32 $0xFFFFFF78  }
0x6b: {  	[tilespmem:s20], [sflag:$0x2] =	stream.linear.gather [hbm4b:s10+s2], $0x88, $0x38;
	[tilespmem:$0x12230] =	vst v63  }
0x6c: {  	_ =	swait.ge [sflag:s15], $0x88  }
0x6d: {  	[sflag:s15] =	ssyncset.done $0x0  }
0x6e: {  	[sflag:s15] =	ssyncadd.s32 $0xFFFFFF78  }
0x6f: {  	[tilespmem:s21], [sflag:$0x2] =	stream.linear.gather [hbm4b:s11+s2], $0x88, $0x38;
	[tilespmem:$0x12230] =	vst v63  }
0x70: {  	_ =	swait.ge [sflag:s15], $0x88  }
0x71: {  	[sflag:s15] =	ssyncset.done $0x0  }
0x72: {  	[sflag:s15] =	ssyncadd.s32 $0xFFFFFF78  }
0x73: {  	[tilespmem:s22], [sflag:$0x2] =	stream.linear.gather [hbm4b:s12+s2], $0x88, $0x38;
	[tilespmem:$0x12230] =	vst v63  }
0x74: {  	_ =	swait.ge [sflag:s15], $0x88  }
0x75: {  	[sflag:s15] =	ssyncset.done $0x0  }
0x76: {  	[sflag:s15] =	ssyncadd.s32 $0xFFFFFF78  }
.LBB2_12:
0x77: {  	s4 =	simm.s32 $0x1  }
0x78: {  	s0 =	simm.s32 $0x0;
	v4 =	vadd.s32 s4, v0;
	s4 =	simm.s32 $0x2  }
0x79: {  	v3 =	vadd.s32 s0, v0;
	s0 =	simm.s32 $0x5;
	v5 =	vadd.s32 s4, v0  }
0x7a: {  	v3 =	vand.u32 $0x3FF8, v3;
	s4 =	simm.s32 $0x3;
	v8 =	vadd.s32 s0, v0  }
0x7b: {  	v3 =	vor.u32 v2, v3;
	v6 =	vadd.s32 s4, v0;
	s4 =	simm.s32 $0x4  }
0x7c: {  	v7 =	vadd.s32 s4, v0;
	s4 =	simm.s32 $0x8  }
0x7d: {  	s0 =	simm.s32 $0x6;
	v9 =	vadd.s32 s4, v0;
	v10 =	vld.idx.msk [tilespmem:v4+s2+$0x0], $0xffff  }
0x7e: {  	v11 =	vadd.s32 s0, v0;
	s4 =	simm.s32 $0x7;
	v4 =	vand.u32 $0x3FF8, v9;
	v14 =	vld.idx.msk [tilespmem:v5+s2+$0x0], $0xffff  }
0x7f: {  	v12 =	vadd.s32 s4, v0;
	s4 =	simm.s32 $0x9;
	v15 =	vor.u32 v2, v4;
	v4 =	vld.idx.msk [tilespmem:v8+s2+$0x0], $0xffff  }
0x80: {  	v17 =	vadd.s32 s4, v0;
	v3 =	vld.idx.msk [tilespmem:v3+s2+$0x0], $0xffff  }
0x81: {  	s0 =	simm.s32 $0xA;
	v16 =	vld.idx.msk [tilespmem:v6+s2+$0x0], $0xffff  }
0x82: {  	s31 =	simm.s32 $0x2270;
	v13 =	vadd.s32 s0, v0;
	s4 =	simm.s32 $0xB;
	v5 =	vld.idx.msk [tilespmem:v7+s2+$0x0], $0xffff  }
0x83: {  	s0 =	simm.s32 $0xC;
	v6 =	vld.idx.msk [tilespmem:v11+s2+$0x0], $0xffff;
	v9 =	vadd.s32 s4, v0;
	[tilespmem:s31+$0xFFFFFFD0] =	vst v10  }
0x84: {  	s4 =	simm.s32 $0xD;
	v8 =	vld.idx.msk [tilespmem:v12+s2+$0x0], $0xffff;
	v12 =	vadd.s32 s0, v0;
	[tilespmem:s31+$0xFFFFFFE0] =	vst v14  }
0x85: {  	s30 =	simm.s32 $0x10;
	v10 =	vadd.s32 s4, v0;
	s4 =	simm.s32 $0xE;
	v7 =	vld.idx.msk [tilespmem:v17+s2+$0x0], $0xffff;
	[tilespmem:s31+$0xFFFFFFC0] =	vst v3  }
0x86: {  	s0 =	simm.s32 $0x18;
	v14 =	vadd.s32 s30, v0;
	v11 =	vadd.s32 s4, v0;
	s4 =	simm.s32 $0xF;
	v3 =	vld.idx.msk [tilespmem:v15+s2+$0x0], $0xffff;
	[tilespmem:s31+$0xFFFFFFF0] =	vst v16  }
.LBB2_13:
0x87: {  	p1 =	slt.u32 s0, $0x7F8;
	v14 =	vand.u32 $0x3FF8, v14;
	v15 =	vld.idx.msk [tilespmem:v13+s2+$0x0], $0xffff;
	v16 =	vadd.s32 s4, v0;
	[tilespmem:s31+$0x0] =	vst v5  }
0x88: {  	s4 =	sadd.s32 $0x1, s30;
	v14 =	vor.u32 v2, v14;
	v17 =	vld.idx.msk [tilespmem:v9+s2+$0x0], $0xffff;
	[tilespmem:s31+$0x10] =	vst v4  }
0x89: {  	v18 =	vadd.s32 s4, v0;
	s4 =	sadd.s32 $0x2, s30;
	v5 =	vld.idx.msk [tilespmem:v12+s2+$0x0], $0xffff;
	[tilespmem:s31+$0x20] =	vst v6  }
.Ltmp11:
0x8a: {  	v13 =	vadd.s32 s4, v0;
	s4 =	sadd.s32 $0x3, s30;
	v4 =	vld.idx.msk [tilespmem:v10+s2+$0x0], $0xffff;
	[tilespmem:s31+$0x30] =	vst v8;
	s31 =	sadd.s32 $0x80, s31;
	(pc) =	sbr.rel @p1 .LBB2_13-.Ltmp11, $4  }
0x8b: {  	v9 =	vadd.s32 s4, v0;
	s4 =	sadd.s32 $0x4, s30;
	[tilespmem:s31+$0xFFFFFFC0] =	vst v3;
	v6 =	vld.idx.msk [tilespmem:v11+s2+$0x0], $0xffff  }
0x8c: {  	v12 =	vadd.s32 s4, v0;
	s4 =	sadd.s32 $0x5, s30;
	[tilespmem:s31+$0xFFFFFFD0] =	vst v7;
	v8 =	vld.idx.msk [tilespmem:v16+s2+$0x0], $0xffff  }
0x8d: {  	v10 =	vadd.s32 s4, v0;
	s4 =	sadd.s32 $0x6, s30;
	v3 =	vld.idx.msk [tilespmem:v14+s2+$0x0], $0xffff;
	[tilespmem:s31+$0xFFFFFFE0] =	vst v15  }
0x8e: {  	v14 =	vadd.s32 s0, v0;
	v11 =	vadd.s32 s4, v0;
	s4 =	sadd.s32 $0x7, s30;
	s30 =	smov.u32 s0;
	s0 =	sadd.s32 $0x8, s0;
	v7 =	vld.idx.msk [tilespmem:v18+s2+$0x0], $0xffff;
	[tilespmem:s31+$0xFFFFFFF0] =	vst v17  }
0x8f: {  	_ =	sdelay $0x2  }
0x90: {  	[tilespmem:s31+$0x0] =	vst v5  }
0x91: {  	v48 =	vand.u32 $0x3FF8, v14;
	v13 =	vld.idx.msk [tilespmem:v13+s2+$0x0], $0xffff;
	v49 =	vadd.s32 s4, v0;
	[tilespmem:s31+$0x10] =	vst v4  }
0x92: {  	s0 =	sadd.s32 $0x1, s30;
	v51 =	vld.idx.msk [tilespmem:v9+s2+$0x0], $0xffff;
	v50 =	vor.u32 v2, v48;
	[tilespmem:s31+$0x20] =	vst v6  }
0x93: {  	v53 =	vld.idx.msk [tilespmem:v12+s2+$0x0], $0xffff;
	s4 =	sadd.s32 $0x80, s31;
	v52 =	vadd.s32 s0, v0;
	s0 =	sadd.s32 $0x2, s30;
	[tilespmem:s31+$0x30] =	vst v8  }
0x94: {  	v10 =	vld.idx.msk [tilespmem:v10+s2+$0x0], $0xffff;
	v54 =	vadd.s32 s0, v0;
	s31 =	sadd.s32 $0x3, s30;
	[tilespmem:s4+$0xFFFFFFC0] =	vst v3  }
0x95: {  	v11 =	vld.idx.msk [tilespmem:v11+s2+$0x0], $0xffff;
	v3 =	vadd.s32 s31, v0;
	s31 =	sadd.s32 $0x4, s30;
	[tilespmem:s4+$0xFFFFFFD0] =	vst v7  }
0x96: {  	v55 =	vadd.s32 s31, v0;
	s31 =	sadd.s32 $0x5, s30;
	v56 =	vld.idx.msk [tilespmem:v49+s2+$0x0], $0xffff;
	[tilespmem:s4+$0xFFFFFFE0] =	vst v13  }
0x97: {  	v57 =	vadd.s32 s31, v0;
	s31 =	sadd.s32 $0x6, s30;
	[tilespmem:s4+$0xFFFFFFF0] =	vst v51;
	v4 =	vld.idx.msk [tilespmem:v50+s2+$0x0], $0xffff  }
0x98: {  	[tilespmem:s4+$0x0] =	vst v53;
	v58 =	vld.idx.msk [tilespmem:v52+s2+$0x0], $0xffff;
	v59 =	vadd.s32 s31, v0;
	s31 =	sadd.s32 $0x7, s30  }
0x99: {  	[tilespmem:s4+$0x10] =	vst v10;
	v8 =	vld.idx.msk [tilespmem:v54+s2+$0x0], $0xffff;
	v60 =	vadd.s32 s31, v0  }
0x9a: {  	[tilespmem:s4+$0x20] =	vst v11;
	v3 =	vld.idx.msk [tilespmem:v3+s2+$0x0], $0xffff  }
0x9b: {  	v7 =	vld.idx.msk [tilespmem:v55+s2+$0x0], $0xffff;
	[tilespmem:s4+$0x30] =	vst v56;
	s4 =	sadd.s32 $0x80, s4  }
0x9c: {  	v61 =	vld.idx.msk [tilespmem:v57+s2+$0x0], $0xffff;
	[tilespmem:s4+$0xFFFFFFC0] =	vst v4  }
0x9d: {  	v62 =	vld.idx.msk [tilespmem:v59+s2+$0x0], $0xffff;
	[tilespmem:s4+$0xFFFFFFD0] =	vst v58  }
0x9e: {  	s0 =	sor.u32 $0x800, s28;
	v63 =	vld.idx.msk [tilespmem:v60+s2+$0x0], $0xffff;
	[tilespmem:s4+$0xFFFFFFE0] =	vst v8  }
0x9f: {  	p1 =	sgt.u32 s0, $0x107FF;
	[tilespmem:s4+$0xFFFFFFF0] =	vst v3  }
.Ltmp12:
0xa0: {  	[tilespmem:s4+$0x0] =	vst v7;
	(pc) =	sbr.rel @p1 .LBB2_24-.Ltmp12, $4  }
0xa1: {  	[tilespmem:s4+$0x10] =	vst v61  }
0xa2: {  	s30 =	sshll.u32 s29, $0x1;
	[tilespmem:s4+$0x20] =	vst v62  }
0xa3: {  	s31 =	sadd.s32 s7, s30;
	[tilespmem:s4+$0x30] =	vst v63  }
0xa4: {  	[hbm4b:s31+s2] =	stream.linear.scatter [tilespmem:s19], [sflag:$0x1], $0x8000, $0x38;
	[tilespmem:$0x12230] =	vst v63  }
0xa5: {  	s28 =	sadd.s32 s8, s0  }
0xa6: {  	p1 =	sgt.u32 s28, $0x1FF800  }
.Ltmp13:
0xa7: {  	_ = 	snop;
	(pc) =	sbr.rel @p1 .LBB2_17-.Ltmp13, $4  }
0xa8: {  	s4 =	simm.s32 @!p0 $0x1  }
0xa9: {  	_ =	swait.ge @!p0 [sflag:s4], $0x8000  }
0xaa: {  	[sflag:s4] =	ssyncset.done @!p0 $0x0  }
0xab: {  	[sflag:s4] =	ssyncadd.s32 @!p0 $0xFFFF8000  }
0xac: {  	s0 =	sadd.s32 $0xFFFFFF78, s28  }
0xad: {  	s0 =	sshrl.u32 s0, $0x3  }
0xae: {  	s4 =	sadd.s32 s1, s0  }
0xaf: {  	[tilespmem:s2], [sflag:$0x2] =	stream.linear.gather [hbm4b:s4+s2], $0x888, $0x38;
	[tilespmem:$0x12230] =	vst v63  }
0xb0: {  	_ =	swait.ge [sflag:s15], $0x888  }
0xb1: {  	[sflag:s15] =	ssyncset.done $0x0  }
0xb2: {  	s30 =	sadd.s32 s3, s0;
	[sflag:s15] =	ssyncadd.s32 $0xFFFFF778  }
0xb3: {  	[tilespmem:s20], [sflag:$0x2] =	stream.linear.gather [hbm4b:s30+s2], $0x888, $0x38;
	[tilespmem:$0x12230] =	vst v63  }
0xb4: {  	_ =	swait.ge [sflag:s15], $0x888  }
0xb5: {  	[sflag:s15] =	ssyncset.done $0x0  }
0xb6: {  	s31 =	sadd.s32 s5, s0;
	[sflag:s15] =	ssyncadd.s32 $0xFFFFF778  }
0xb7: {  	[tilespmem:s21], [sflag:$0x2] =	stream.linear.gather [hbm4b:s31+s2], $0x888, $0x38;
	[tilespmem:$0x12230] =	vst v63  }
0xb8: {  	_ =	swait.ge [sflag:s15], $0x888  }
0xb9: {  	[sflag:s15] =	ssyncset.done $0x0  }
.Ltmp14:
0xba: {  	s0 =	sadd.s32 s6, s0;
	[sflag:s15] =	ssyncadd.s32 $0xFFFFF778;
	(pc) =	sbr.rel .LBB2_21-.Ltmp14, $4  }
0xbb: {  	[tilespmem:s22], [sflag:$0x2] =	stream.linear.gather [hbm4b:s0+s2], $0x888, $0x38;
	[tilespmem:$0x12230] =	vst v63  }
0xbc: {  	_ =	swait.ge [sflag:s15], $0x888  }
0xbd: {  	[sflag:s15] =	ssyncset.done $0x0  }
0xbe: {  	[sflag:s15] =	ssyncadd.s32 $0xFFFFF778  }
.LBB2_17:
0xbf: {  	p0 =	sne.s32 s28, $0x200000  }
.Ltmp15:
0xc0: {  	_ = 	snop;
	(pc) =	sbr.rel @p0 .LBB2_21-.Ltmp15, $1  }
0xc1: {  	_ =	sdelay $0x3  }
0xc2: {  	s0 =	simm.s32 $0x1110  }
0xc3: {  	[tilespmem:s0+$0xFFFFEEF0] =	vst v1  }
0xc4: {  	[tilespmem:s0+$0x888] =	vst v1  }
0xc5: {  	s29 =	simm.s32 $0x0;
	[tilespmem:s0+$0x0] =	vst v1  }
.LBB2_19:
0xc6: {  	s29 =	sadd.s32 $0x10, s29  }
0xc7: {  	[tilespmem:s0+$0xFFFFF778] =	vst v1;
	s0 =	sadd.s32 $0x10, s0;
	p0 =	slt.u32 s29, $0x878  }
.Ltmp16:
0xc8: {  	[tilespmem:s0+$0xFFFFEEF0] =	vst v1;
	(pc) =	sbr.rel @p0 .LBB2_19-.Ltmp16, $3  }
0xc9: {  	_ =	sdelay $0x1  }
0xca: {  	[tilespmem:s0+$0x888] =	vst v1  }
0xcb: {  	[tilespmem:s0+$0x0] =	vst v1  }
0xcc: {  	[tilespmem:s0+$0xFFFFF778] =	vst v1  }
0xcd: {  	[tilespmem:s2], [sflag:$0x2] =	stream.linear.gather [hbm4b:s9+s2], $0x88, $0x38;
	[tilespmem:$0x12230] =	vst v63  }
0xce: {  	_ =	swait.ge [sflag:s15], $0x88  }
0xcf: {  	[sflag:s15] =	ssyncset.done $0x0  }
0xd0: {  	[sflag:s15] =	ssyncadd.s32 $0xFFFFFF78  }
0xd1: {  	[tilespmem:s20], [sflag:$0x2] =	stream.linear.gather [hbm4b:s10+s2], $0x88, $0x38;
	[tilespmem:$0x12230] =	vst v63  }
0xd2: {  	_ =	swait.ge [sflag:s15], $0x88  }
0xd3: {  	[sflag:s15] =	ssyncset.done $0x0  }
0xd4: {  	[sflag:s15] =	ssyncadd.s32 $0xFFFFFF78  }
0xd5: {  	[tilespmem:s21], [sflag:$0x2] =	stream.linear.gather [hbm4b:s11+s2], $0x88, $0x38;
	[tilespmem:$0x12230] =	vst v63  }
0xd6: {  	_ =	swait.ge [sflag:s15], $0x88  }
0xd7: {  	[sflag:s15] =	ssyncset.done $0x0  }
0xd8: {  	[sflag:s15] =	ssyncadd.s32 $0xFFFFFF78  }
0xd9: {  	[tilespmem:s22], [sflag:$0x2] =	stream.linear.gather [hbm4b:s12+s2], $0x88, $0x38;
	[tilespmem:$0x12230] =	vst v63  }
0xda: {  	_ =	swait.ge [sflag:s15], $0x88  }
0xdb: {  	[sflag:s15] =	ssyncset.done $0x0  }
0xdc: {  	[sflag:s15] =	ssyncadd.s32 $0xFFFFFF78  }
.LBB2_21:
0xdd: {  	s31 =	simm.s32 $0x1  }
0xde: {  	s4 =	simm.s32 $0x2;
	v4 =	vadd.s32 s31, v0  }
0xdf: {  	s0 =	simm.s32 $0x0;
	v5 =	vadd.s32 s4, v0;
	s31 =	simm.s32 $0x3  }
0xe0: {  	v3 =	vadd.s32 s0, v0;
	s4 =	simm.s32 $0x4;
	v6 =	vadd.s32 s31, v0  }
0xe1: {  	v3 =	vand.u32 $0x3FF8, v3;
	v7 =	vadd.s32 s4, v0  }
0xe2: {  	s31 =	simm.s32 $0x5;
	v3 =	vor.u32 v2, v3  }
0xe3: {  	s4 =	simm.s32 $0x8;
	v8 =	vadd.s32 s31, v0;
	s31 =	simm.s32 $0x6;
	v10 =	vld.idx.msk [tilespmem:v4+s2+$0x0], $0xffff  }
0xe4: {  	v9 =	vadd.s32 s4, v0;
	s4 =	simm.s32 $0x7;
	v11 =	vadd.s32 s31, v0;
	v14 =	vld.idx.msk [tilespmem:v5+s2+$0x0], $0xffff  }
0xe5: {  	v12 =	vadd.s32 s4, v0;
	s31 =	simm.s32 $0x9;
	v16 =	vld.idx.msk [tilespmem:v6+s2+$0x0], $0xffff  }
0xe6: {  	v17 =	vadd.s32 s31, v0;
	v4 =	vand.u32 $0x3FF8, v9;
	v5 =	vld.idx.msk [tilespmem:v7+s2+$0x0], $0xffff  }
0xe7: {  	s4 =	simm.s32 $0xA;
	v15 =	vor.u32 v2, v4;
	v3 =	vld.idx.msk [tilespmem:v3+s2+$0x0], $0xffff  }
0xe8: {  	s30 =	simm.s32 $0xA2A0;
	s31 =	simm.s32 $0xB;
	v13 =	vadd.s32 s4, v0;
	v4 =	vld.idx.msk [tilespmem:v8+s2+$0x0], $0xffff  }
0xe9: {  	s4 =	simm.s32 $0xC;
	v9 =	vadd.s32 s31, v0;
	v6 =	vld.idx.msk [tilespmem:v11+s2+$0x0], $0xffff;
	[tilespmem:s30+$0xFFFFFFA0] =	vst v10  }
0xea: {  	s31 =	simm.s32 $0xD;
	v8 =	vld.idx.msk [tilespmem:v12+s2+$0x0], $0xffff;
	v12 =	vadd.s32 s4, v0;
	[tilespmem:s30+$0xFFFFFFB0] =	vst v14  }
0xeb: {  	s29 =	simm.s32 $0x10;
	v7 =	vld.idx.msk [tilespmem:v17+s2+$0x0], $0xffff;
	v10 =	vadd.s32 s31, v0;
	s31 =	simm.s32 $0xE;
	[tilespmem:s30+$0xFFFFFFC0] =	vst v16  }
0xec: {  	s0 =	simm.s32 $0x18;
	s4 =	simm.s32 $0xF;
	v14 =	vadd.s32 s29, v0;
	v11 =	vadd.s32 s31, v0;
	[tilespmem:s30+$0xFFFFFF90] =	vst v3;
	v3 =	vld.idx.msk [tilespmem:v15+s2+$0x0], $0xffff  }
.LBB2_22:
0xed: {  	p0 =	slt.u32 s0, $0x7F8;
	v14 =	vand.u32 $0x3FF8, v14;
	v15 =	vld.idx.msk [tilespmem:v13+s2+$0x0], $0xffff;
	v16 =	vadd.s32 s4, v0;
	[tilespmem:s30+$0xFFFFFFD0] =	vst v5  }
0xee: {  	s4 =	sadd.s32 $0x1, s29;
	v14 =	vor.u32 v2, v14;
	v17 =	vld.idx.msk [tilespmem:v9+s2+$0x0], $0xffff;
	[tilespmem:s30+$0xFFFFFFE0] =	vst v4  }
0xef: {  	v18 =	vadd.s32 s4, v0;
	s4 =	sadd.s32 $0x2, s29;
	v5 =	vld.idx.msk [tilespmem:v12+s2+$0x0], $0xffff;
	[tilespmem:s30+$0xFFFFFFF0] =	vst v6  }
.Ltmp17:
0xf0: {  	v13 =	vadd.s32 s4, v0;
	s4 =	sadd.s32 $0x3, s29;
	v4 =	vld.idx.msk [tilespmem:v10+s2+$0x0], $0xffff;
	[tilespmem:s30+$0x0] =	vst v8;
	s30 =	sadd.s32 $0x80, s30;
	(pc) =	sbr.rel @p0 .LBB2_22-.Ltmp17, $4  }
0xf1: {  	v9 =	vadd.s32 s4, v0;
	s4 =	sadd.s32 $0x4, s29;
	[tilespmem:s30+$0xFFFFFF90] =	vst v3;
	v6 =	vld.idx.msk [tilespmem:v11+s2+$0x0], $0xffff  }
0xf2: {  	v12 =	vadd.s32 s4, v0;
	s4 =	sadd.s32 $0x5, s29;
	[tilespmem:s30+$0xFFFFFFA0] =	vst v7;
	v8 =	vld.idx.msk [tilespmem:v16+s2+$0x0], $0xffff  }
0xf3: {  	v10 =	vadd.s32 s4, v0;
	s4 =	sadd.s32 $0x6, s29;
	v3 =	vld.idx.msk [tilespmem:v14+s2+$0x0], $0xffff;
	[tilespmem:s30+$0xFFFFFFB0] =	vst v15  }
0xf4: {  	v14 =	vadd.s32 s0, v0;
	v11 =	vadd.s32 s4, v0;
	s4 =	sadd.s32 $0x7, s29;
	s29 =	smov.u32 s0;
	s0 =	sadd.s32 $0x8, s0;
	v7 =	vld.idx.msk [tilespmem:v18+s2+$0x0], $0xffff;
	[tilespmem:s30+$0xFFFFFFC0] =	vst v17  }
0xf5: {  	_ =	sdelay $0x2  }
0xf6: {  	[tilespmem:s30+$0xFFFFFFD0] =	vst v5  }
0xf7: {  	v48 =	vand.u32 $0x3FF8, v14;
	v13 =	vld.idx.msk [tilespmem:v13+s2+$0x0], $0xffff;
	v49 =	vadd.s32 s4, v0;
	[tilespmem:s30+$0xFFFFFFE0] =	vst v4  }
0xf8: {  	s0 =	sadd.s32 $0x1, s29;
	v51 =	vld.idx.msk [tilespmem:v9+s2+$0x0], $0xffff;
	v50 =	vor.u32 v2, v48;
	[tilespmem:s30+$0xFFFFFFF0] =	vst v6  }
0xf9: {  	s31 =	sadd.s32 $0x2, s29;
	v53 =	vld.idx.msk [tilespmem:v12+s2+$0x0], $0xffff;
	s4 =	sadd.s32 $0x80, s30;
	v52 =	vadd.s32 s0, v0;
	[tilespmem:s30+$0x0] =	vst v8  }
0xfa: {  	v10 =	vld.idx.msk [tilespmem:v10+s2+$0x0], $0xffff;
	v54 =	vadd.s32 s31, v0;
	s31 =	sadd.s32 $0x3, s29;
	[tilespmem:s4+$0xFFFFFF90] =	vst v3  }
0xfb: {  	v11 =	vld.idx.msk [tilespmem:v11+s2+$0x0], $0xffff;
	s30 =	sadd.s32 $0x4, s29;
	v3 =	vadd.s32 s31, v0;
	[tilespmem:s4+$0xFFFFFFA0] =	vst v7  }
0xfc: {  	v55 =	vadd.s32 s30, v0;
	s31 =	sadd.s32 $0x5, s29;
	v56 =	vld.idx.msk [tilespmem:v49+s2+$0x0], $0xffff;
	[tilespmem:s4+$0xFFFFFFB0] =	vst v13  }
0xfd: {  	s30 =	sadd.s32 $0x6, s29;
	v57 =	vadd.s32 s31, v0;
	[tilespmem:s4+$0xFFFFFFC0] =	vst v51;
	v4 =	vld.idx.msk [tilespmem:v50+s2+$0x0], $0xffff  }
0xfe: {  	v59 =	vadd.s32 s30, v0;
	s31 =	sadd.s32 $0x7, s29;
	[tilespmem:s4+$0xFFFFFFD0] =	vst v53;
	v58 =	vld.idx.msk [tilespmem:v52+s2+$0x0], $0xffff  }
0xff: {  	v60 =	vadd.s32 s31, v0;
	[tilespmem:s4+$0xFFFFFFE0] =	vst v10;
	v8 =	vld.idx.msk [tilespmem:v54+s2+$0x0], $0xffff  }
0x100: {  	[tilespmem:s4+$0xFFFFFFF0] =	vst v11;
	v3 =	vld.idx.msk [tilespmem:v3+s2+$0x0], $0xffff  }
0x101: {  	s29 =	sadd.s32 $0x80, s4;
	v7 =	vld.idx.msk [tilespmem:v55+s2+$0x0], $0xffff;
	[tilespmem:s4+$0x0] =	vst v56  }
0x102: {  	v61 =	vld.idx.msk [tilespmem:v57+s2+$0x0], $0xffff;
	[tilespmem:s29+$0xFFFFFF90] =	vst v4  }
0x103: {  	v62 =	vld.idx.msk [tilespmem:v59+s2+$0x0], $0xffff;
	[tilespmem:s29+$0xFFFFFFA0] =	vst v58  }
0x104: {  	v63 =	vld.idx.msk [tilespmem:v60+s2+$0x0], $0xffff;
	[tilespmem:s29+$0xFFFFFFB0] =	vst v8  }
0x105: {  	[tilespmem:s29+$0xFFFFFFC0] =	vst v3  }
.Ltmp18:
0x106: {  	[tilespmem:s29+$0xFFFFFFD0] =	vst v7;
	(pc) =	sbr.rel .LBB2_24-.Ltmp18, $4  }
0x107: {  	s30 =	sshll.u32 s28, $0x1;
	[tilespmem:s29+$0xFFFFFFE0] =	vst v61  }
0x108: {  	s4 =	sand.u32 $0x1FFFF000, s30;
	[tilespmem:s29+$0xFFFFFFF0] =	vst v62  }
0x109: {  	s31 =	sadd.s32 s7, s4;
	[tilespmem:s29+$0x0] =	vst v63  }
0x10a: {  	[hbm4b:s31+s2] =	stream.linear.scatter [tilespmem:s23], [sflag:$0x1], $0x8000, $0x38;
	[tilespmem:$0x12230] =	vst v63  }
.LBB2_26:
0x10b: {  	_ =	sfence.sel $0x180000  }
0x10c: {  	[bflag:$0x0] =	sbarrier.arrive $0xFFFF  }
0x10d: {  	_ =	strace $0x90000047  }
0x10e: {  	s0 =	stileid.u32;
	[bflag:$0x2] =	sbarrier.arrive $0xFFFF  }
0x10f: {  	p0 =	sne.s32 s0, $0x0;
	s0 =	rddreg [dreg:$0x2]  }
0x110: {  	s0 =	sadd.s32 @!p0 $0x100000, s0  }
0x111: {  	[sflag:s0] =	ssyncadd.tile.s32 @!p0 $0x1;
	_ =	shalt  }
.Lfunc_end2:
_tile_overlayer_lowered:
.L_overlay_start_2:
0x112: {  	(tag) =	ssettag $0x2  }
0x113: {  	s0 =	rddreg [dreg:$0x0];
	s2 =	stileid.u32  }
0x114: {  	s1 =	rddreg [dreg:$0x1];
	p0 =	sne.s32 s2, $0x0  }
0x115: {  	s3 =	rddreg [dreg:$0x2];
	[bflag:$0x3] =	sbarrier.arrive $0xFFFF;
	s2 =	simm.s32 @!p0 $0x1C02  }
0x116: {  	[timem:s3], [sflag:s2] =	dma.local @!p0 [hbm:s0], s1  }
0x117: {  	s0 =	simm.s32 @!p0 $0x2  }
0x118: {  	_ =	swait.ge @!p0 [sflag:s0], s1  }
0x119: {  	s1 =	ssub.s32 @!p0 $0x0, s1;
	[sflag:s0] =	ssyncset.done @!p0 $0x0  }
0x11a: {  	[sflag:s0] =	ssyncadd.s32 @!p0 s1  }
0x11b: {  	[bflag:$0x3] =	sbarrier.arrive $0xFFFF  }
0x11c: {  	_ =	shalt  }

</sc_bundles>
